<compile_context>
chip_gen: v7x
topology: tpu7x:2x2x1
jax: 0.10.2.dev20260603
libtpu: 0.0.44.dev20260713+nightly
codegen_flags: <defaults>
</compile_context>

<pallas_src>
import jax
import jax.numpy as jnp
from jax import lax
from jax.experimental import pallas as pl
from jax.experimental.pallas import tpu as pltpu
from jax.experimental.pallas import tpu_sc as plsc

N = 10000
E = 160000
D = 128
N_PAD = 10240
E_PAD = 163840
NC, NS = 2, 16
NW = NC * NS
CH = 128
NCHUNK = E_PAD // (NW * CH)
CH_S = 128
NCHUNK_S = E_PAD // (NW * CH_S)
ROWS_PER_TILE = N_PAD // NS
TRASH = N

_f32 = jnp.float32



def _proj_body(ih_ref, h_ref, lh_ref, w1_ref, b1_ref, w2_ref, b2_ref,
               w3_ref, b3_ref, p1_ref, p2_ref, p3_ref):
    s = jnp.concatenate([ih_ref[...], h_ref[...], lh_ref[...]], axis=-1)
    p1_ref[...] = jnp.dot(s, w1_ref[...], preferred_element_type=_f32) + b1_ref[...]
    p2_ref[...] = jnp.dot(s, w2_ref[...], preferred_element_type=_f32) + b2_ref[...]
    p3_ref[...] = jnp.dot(s, w3_ref[...], preferred_element_type=_f32) + b3_ref[...]


def _node_proj(ih, h, lh, W_m1, b_m1, W_m2, b_m2, W_o1, b_o1):
    blk = 400
    grid = (N // blk,)
    full = lambda shape: pl.BlockSpec(shape, lambda i: (0, 0))
    rowb = pl.BlockSpec((blk, D), lambda i: (i, 0))

    return pl.pallas_call(
        _proj_body,
        grid=grid,
        in_specs=[
            rowb, rowb, rowb,
            full((3 * D, D)), full((1, D)),
            full((3 * D, D)), full((1, D)),
            full((3 * D, D)), full((1, D)),
        ],
        out_specs=[rowb, rowb, rowb],
        out_shape=[jax.ShapeDtypeStruct((N, D), _f32)] * 3,
    )(ih, h, lh, W_m1, b_m1.reshape(1, D), W_m2, b_m2.reshape(1, D),
      W_o1, b_o1.reshape(1, D))



_NB = 2


def _gather_pipeline(p1_hbm, p2_hbm, srcg_hbm, dstg_hbm, pre_hbm,
                     sidx, didx, bufA, bufB, semG, semS, ebase, nchunk):
    pltpu.sync_copy(srcg_hbm.at[pl.ds(ebase, nchunk * CH)],
                    sidx.at[pl.ds(0, nchunk * CH)])
    pltpu.sync_copy(dstg_hbm.at[pl.ds(ebase, nchunk * CH)],
                    didx.at[pl.ds(0, nchunk * CH)])

    def issue(kk, b):
        pltpu.async_copy(p1_hbm.at[sidx.at[pl.ds(kk * CH, CH)]], bufA[b], semG[b])
        pltpu.async_copy(p2_hbm.at[didx.at[pl.ds(kk * CH, CH)]], bufB[b], semG[b])

    for b in range(_NB - 1):
        issue(b, b)

    @pl.loop(0, nchunk, step=_NB)
    def _group(k):
        for b in range(_NB):
            kk = k + b
            o = (b + _NB - 1) % _NB

            @pl.when(kk + _NB - 1 < nchunk)
            def _():
                @pl.when(kk >= 1)
                def _():
                    pltpu.make_async_copy(
                        bufA[o], pre_hbm.at[pl.ds(ebase, CH)], semS[o]).wait()
                issue(kk + _NB - 1, o)

            pltpu.make_async_copy(p1_hbm.at[sidx.at[pl.ds(kk * CH, CH)]],
                                  bufA[b], semG[b]).wait()
            pltpu.make_async_copy(p2_hbm.at[didx.at[pl.ds(kk * CH, CH)]],
                                  bufB[b], semG[b]).wait()

            @pl.loop(0, CH, unroll=4)
            def _row(r):
                for j in range(D // 16):
                    sl = (r, pl.ds(j * 16, 16))
                    bufA[b][sl] = bufA[b][sl] + bufB[b][sl]

            pltpu.async_copy(bufA[b], pre_hbm.at[pl.ds(ebase + kk * CH, CH)],
                             semS[b])

    for b in range(_NB):
        pltpu.make_async_copy(bufA[b], pre_hbm.at[pl.ds(ebase, CH)],
                              semS[b]).wait()


PAIR_CHUNKS = 2 * NCHUNK
K0 = 48
K1 = PAIR_CHUNKS - K0


def _gather_body(p1_hbm, p2_hbm, srcg_hbm, dstg_hbm, pre_hbm,
                 sidx, didx, *bufs_and_sems):
    bufA = bufs_and_sems[0:_NB]
    bufB = bufs_and_sems[_NB:2 * _NB]
    semG = bufs_and_sems[2 * _NB:3 * _NB]
    semS = bufs_and_sems[3 * _NB:4 * _NB]
    c = lax.axis_index("c")
    s = lax.axis_index("s")
    pair_base = s * PAIR_CHUNKS * CH

    @pl.when(c == 0)
    def _():
        _gather_pipeline(p1_hbm, p2_hbm, srcg_hbm, dstg_hbm, pre_hbm,
                         sidx, didx, bufA, bufB, semG, semS,
                         pair_base, K0)

    @pl.when(c == 1)
    def _():
        _gather_pipeline(p1_hbm, p2_hbm, srcg_hbm, dstg_hbm, pre_hbm,
                         sidx, didx, bufA, bufB, semG, semS,
                         pair_base + K0 * CH, K1)


def _edge_gather(P1, P2, srcg, dstg):
    mesh = plsc.VectorSubcoreMesh(core_axis_name="c", subcore_axis_name="s")
    run = pl.kernel(
        _gather_body,
        out_type=jax.ShapeDtypeStruct((E_PAD, D), _f32),
        mesh=mesh,
        scratch_types=[
            pltpu.VMEM((max(K0, K1) * CH,), jnp.int32),
            pltpu.VMEM((max(K0, K1) * CH,), jnp.int32),
        ]
        + [pltpu.VMEM((CH, D), _f32)] * (2 * _NB)
        + [pltpu.SemaphoreType.DMA] * (2 * _NB),
    )
    return run(P1, P2, srcg, dstg)



def _mlp_body(a_ref, w1_ref, b1_ref, w2_ref, b2_ref, msg_ref):
    h = jnp.maximum(a_ref[...], 0.0).astype(jnp.bfloat16)
    h = jnp.maximum(jnp.dot(h, w1_ref[...], preferred_element_type=_f32)
                    + b1_ref[...], 0.0).astype(jnp.bfloat16)
    msg_ref[...] = jnp.dot(h, w2_ref[...], preferred_element_type=_f32) + b2_ref[...]


def _edge_mlp(pre, W_mlp1, b_mlp1, W_mlp2, b_mlp2):
    blk = 2048
    grid = (E_PAD // blk,)
    full = lambda shape: pl.BlockSpec(shape, lambda i: (0, 0))
    return pl.pallas_call(
        _mlp_body,
        grid=grid,
        in_specs=[
            pl.BlockSpec((blk, D), lambda i: (i, 0)),
            full((D, D)), full((1, D)),
            full((D, D)), full((1, D)),
        ],
        out_specs=pl.BlockSpec((blk, D), lambda i: (i, 0)),
        out_shape=jax.ShapeDtypeStruct((E_PAD, D), _f32),
    )(pre, W_mlp1.astype(jnp.bfloat16), b_mlp1.reshape(1, D),
      W_mlp2.astype(jnp.bfloat16), b_mlp2.reshape(1, D))



def _scatter_body(msg_hbm, dstg_hbm, zeros_hbm, out_hbm,
                  didx, bufM0, bufM1, acc, semL0, semL1):
    c = lax.axis_index("c")
    s = lax.axis_index("s")
    wid = c * NS + s
    rbase = s * ROWS_PER_TILE
    pltpu.sync_copy(zeros_hbm, acc.at[pl.ds(rbase, ROWS_PER_TILE)])
    pltpu.sync_copy(dstg_hbm.at[wid], didx)
    plsc.subcore_barrier()
    ebase = wid * NCHUNK_S * CH_S
    bufM = (bufM0, bufM1)
    semL = (semL0, semL1)

    def issue(kk, b):
        pltpu.async_copy(msg_hbm.at[pl.ds(ebase + kk * CH_S, CH_S)], bufM[b],
                         semL[b])

    issue(0, 0)

    @pl.loop(0, NCHUNK_S, step=2)
    def _pair(k):
        for b in (0, 1):
            kk = k + b
            o = 1 - b

            @pl.when(kk + 1 < NCHUNK_S)
            def _():
                issue(kk + 1, o)

            pltpu.make_async_copy(msg_hbm.at[pl.ds(ebase, CH_S)], bufM[b],
                                  semL[b]).wait()
            pltpu.sync_copy(bufM[b], acc.at[didx.at[kk]], add=True)

    plsc.subcore_barrier()
    pltpu.sync_copy(acc.at[pl.ds(rbase, ROWS_PER_TILE)],
                    out_hbm.at[c, pl.ds(rbase, ROWS_PER_TILE)])


def _edge_scatter(msg, dstg, zrows):
    mesh = plsc.VectorSubcoreMesh(core_axis_name="c", subcore_axis_name="s")
    run = pl.kernel(
        _scatter_body,
        out_type=jax.ShapeDtypeStruct((NC, N_PAD, D), _f32),
        mesh=mesh,
        scratch_types=[
            pltpu.VMEM((NCHUNK_S, CH_S), jnp.int32),
            pltpu.VMEM((CH_S, D), _f32),
            pltpu.VMEM((CH_S, D), _f32),
            pltpu.VMEM_SHARED((N_PAD, D), _f32),
            pltpu.SemaphoreType.DMA,
            pltpu.SemaphoreType.DMA,
        ],
    )
    return run(msg, dstg, zrows)



def _out_body(o3_ref, s0_ref, s1_ref, w_ref, b_ref, out_ref):
    agg = s0_ref[...] + s1_ref[...]
    out_ref[...] = jnp.maximum(
        o3_ref[...] + jnp.dot(agg, w_ref[...], preferred_element_type=_f32)
        + b_ref[...], 0.0)


def _combine(O3, partials, W_o2, b_o2):
    blk = 400
    grid = (N // blk,)
    full = lambda shape: pl.BlockSpec(shape, lambda i: (0, 0))
    return pl.pallas_call(
        _out_body,
        grid=grid,
        in_specs=[
            pl.BlockSpec((blk, D), lambda i: (i, 0)),
            pl.BlockSpec((None, blk, D), lambda i: (0, i, 0)),
            pl.BlockSpec((None, blk, D), lambda i: (1, i, 0)),
            full((D, D)), full((1, D)),
        ],
        out_specs=pl.BlockSpec((blk, D), lambda i: (i, 0)),
        out_shape=jax.ShapeDtypeStruct((N, D), _f32),
    )(O3, partials, partials, W_o2, b_o2.reshape(1, D))



@jax.jit
def kernel(input_hidden, hidden, last_hidden, batch_assignment, edge_index,
           W_m1, b_m1, W_m2, b_m2, W_mlp1, b_mlp1, W_mlp2, b_mlp2,
           W_o1, b_o1, W_o2, b_o2):
    del batch_assignment
    src = edge_index[0].astype(jnp.int32)
    dst = edge_index[1].astype(jnp.int32)
    src_flat = jnp.zeros((E_PAD,), jnp.int32).at[:E].set(src)
    dstg_flat = jnp.zeros((E_PAD,), jnp.int32).at[:E].set(dst)
    dsts_flat = jnp.full((E_PAD,), TRASH, jnp.int32).at[:E].set(dst)
    srcg = src_flat
    dstg = dstg_flat
    dstg_s = dsts_flat.reshape(NW, NCHUNK_S, CH_S)

    zrows = jnp.zeros((ROWS_PER_TILE, D), _f32)

    P1, P2, O3 = _node_proj(input_hidden, hidden, last_hidden,
                            W_m1, b_m1, W_m2, b_m2, W_o1, b_o1)
    pre = _edge_gather(P1, P2, srcg, dstg)
    msg = _edge_mlp(pre, W_mlp1, b_mlp1, W_mlp2, b_mlp2)
    partials = _edge_scatter(msg, dstg_s, zrows)
    return _combine(O3, partials, W_o2, b_o2)

# --- scband reference (transcript-rebuilt; emitter-appended) ---
"""Pipeline reference for scband-processor-4913442586877 (READ-ONLY COPY).

The authoritative reference and input builder live on the scoring server;
editing this copy changes nothing except your own understanding.
"""

import jax, jax.numpy as jnp
import numpy as np

N = 10000
E = 160000
D = 128
IN = 3 * D


def _lin(k, fi, fo):
    kw, kb = jax.random.split(k)
    w = jax.random.normal(kw, (fi, fo), jnp.float32) / np.sqrt(fi)
    b = jax.random.normal(kb, (fo,), jnp.float32) * 0.01
    return w, b


def setup_inputs(seed: int = 0):
    key = jax.random.key(seed)
    ks = jax.random.split(key, 12)
    inp = {}
    inp["input_hidden"] = jax.random.normal(ks[0], (N, D), jnp.float32)
    inp["hidden"] = jax.random.normal(ks[1], (N, D), jnp.float32)
    inp["last_hidden"] = jax.random.normal(ks[2], (N, D), jnp.float32)
    inp["batch_assignment"] = jnp.sort(jax.random.randint(ks[3], (N,), 0, 64))
    inp["edge_index"] = jax.random.randint(ks[4], (2, E), 0, N)
    inp["W_m1"], inp["b_m1"] = _lin(ks[5], IN, D)
    inp["W_m2"], inp["b_m2"] = _lin(ks[6], IN, D)
    inp["W_mlp1"], inp["b_mlp1"] = _lin(ks[7], D, D)
    inp["W_mlp2"], inp["b_mlp2"] = _lin(ks[8], D, D)
    inp["W_o1"], inp["b_o1"] = _lin(ks[9], IN, D)
    inp["W_o2"], inp["b_o2"] = _lin(ks[10], D, D)
    return inp


def reference(input_hidden, hidden, last_hidden, batch_assignment, edge_index,
              W_m1, b_m1, W_m2, b_m2, W_mlp1, b_mlp1, W_mlp2, b_mlp2,
              W_o1, b_o1, W_o2, b_o2):
    # Processor.forward with PROCESSOR_USE_LAST_HIDDEN=True, additive hint mode,
    # no randomness, LayerNorm disabled; core = PGN(in=384, out=128, aggr='add').
    stacked = jnp.concatenate([input_hidden, hidden, last_hidden], axis=-1)  # [N, 3D]
    src = edge_index[0]
    dst = edge_index[1]
    # PGN.message: x_j = source nodes, x_i = target nodes (source_to_target flow)
    x_j = stacked[src]
    x_i = stacked[dst]
    msg = (x_j @ W_m1 + b_m1) + (x_i @ W_m2 + b_m2)
    # msg_mlp = Sequential(ReLU, Linear, ReLU, Linear)
    msg = jax.nn.relu(msg)
    msg = msg @ W_mlp1 + b_mlp1
    msg = jax.nn.relu(msg)
    msg = msg @ W_mlp2 + b_mlp2
    # aggregate ('add') at target nodes
    agg = jax.ops.segment_sum(msg, dst, num_segments=stacked.shape[0])
    # PGN output combination + activation
    out = (stacked @ W_o1 + b_o1) + (agg @ W_o2 + b_o2)
    out = jax.nn.relu(out)
    return out

if __name__ == "__main__":
    import jax
    _d = setup_inputs()
    print(jax.jit(kernel)(*tuple(_d.values())))

</pallas_src>

<mosaic_0001>
#map = affine_map<(d0, d1) -> (0, 0)>
#map1 = affine_map<(d0, d1) -> (0)>
module attributes {stable_mosaic.version = 14 : i64} {
  func.func @_gather_body(%arg0: i32, %arg1: i32, %arg2: memref<10000x128xf32, #tpu.memory_space<hbm>>, %arg3: memref<10000x128xf32, #tpu.memory_space<hbm>>, %arg4: memref<163840xi32, #tpu.memory_space<hbm>>, %arg5: memref<163840xi32, #tpu.memory_space<hbm>>, %arg6: memref<163840x128xf32, #tpu.memory_space<hbm>>, %arg7: memref<6144xi32, #tpu.memory_space<vmem>>, %arg8: memref<6144xi32, #tpu.memory_space<vmem>>, %arg9: memref<128x128xf32, #tpu.memory_space<vmem>>, %arg10: memref<128x128xf32, #tpu.memory_space<vmem>>, %arg11: memref<128x128xf32, #tpu.memory_space<vmem>>, %arg12: memref<128x128xf32, #tpu.memory_space<vmem>>, %arg13: memref<!tpu.dma_semaphore, #tpu.memory_space<semaphore_mem>>, %arg14: memref<!tpu.dma_semaphore, #tpu.memory_space<semaphore_mem>>, %arg15: memref<!tpu.dma_semaphore, #tpu.memory_space<semaphore_mem>>, %arg16: memref<!tpu.dma_semaphore, #tpu.memory_space<semaphore_mem>>) attributes {dimension_semantics = [#tpu.dimension_semantics<core_parallel>, #tpu.dimension_semantics<subcore_parallel>], iteration_bounds = array<i64: 2, 16>, scalar_prefetch = 0 : i64, scratch_operands = 10 : i64, tpu.core_type = #tpu.core_type<sc_vector_subcore>, window_params = [{transform_indices = #map}, {transform_indices = #map}, {transform_indices = #map1}, {transform_indices = #map1}, {transform_indices = #map}]} {
    %mul3A = arith.constant 80 : i32
    %mul3A_0 = arith.muli %arg1, %mul3A : i32
    %mul3A_1 = arith.constant 128 : i32
    %mul3A_2 = arith.muli %mul3A_0, %mul3A_1 : i32
    %eq3A = arith.constant 0 : i32
    %eq3A_3 = arith.cmpi eq, %arg0, %eq3A : i32
    %convert_element_type3A = arith.extui %eq3A_3 : i1 to i32
    %cond3A = arith.constant 0 : i32
    %cond3A_4 = arith.cmpi ne, %convert_element_type3A, %cond3A : i32
    scf.if %cond3A_4 {
      "tpu.region"() ({
        %run_scoped3A = tpu.sem_alloc : memref<!tpu.dma_semaphore, #tpu.memory_space<semaphore_mem>>
        %dma_start3A_30 = arith.constant 0 : i32
        %dma_start3A_31 = tpu.memref_slice %arg7[%dma_start3A_30] : memref<6144xi32, #tpu.memory_space<vmem>> -> memref<6144xi32, #tpu.memory_space<vmem>>
        %dma_start3A_32 = tpu.memref_slice %arg4[%mul3A_2] : memref<163840xi32, #tpu.memory_space<hbm>> -> memref<6144xi32, #tpu.memory_space<hbm>>
        %dma_start3A_33 = arith.constant 0 : i32
        %dma_start3A_34 = tpu.memref_slice %arg7[%dma_start3A_33] : memref<6144xi32, #tpu.memory_space<vmem>> -> memref<6144xi32, #tpu.memory_space<vmem>>
        %dma_start3A_35 = tpu.memref_slice %arg4[%mul3A_2] : memref<163840xi32, #tpu.memory_space<hbm>> -> memref<6144xi32, #tpu.memory_space<hbm>>
        tpu.enqueue_dma source(%dma_start3A_35 : memref<6144xi32, #tpu.memory_space<hbm>>) target(%dma_start3A_34 : memref<6144xi32, #tpu.memory_space<vmem>>) target_semaphore(%run_scoped3A : memref<!tpu.dma_semaphore, #tpu.memory_space<semaphore_mem>>)
        %dma_wait3A_36 = arith.constant 0 : i32
        %dma_wait3A_37 = tpu.memref_slice %arg7[%dma_wait3A_36] : memref<6144xi32, #tpu.memory_space<vmem>> -> memref<6144xi32, #tpu.memory_space<vmem>>
        %dma_wait3A_38 = tpu.memref_slice %arg4[%mul3A_2] : memref<163840xi32, #tpu.memory_space<hbm>> -> memref<6144xi32, #tpu.memory_space<hbm>>
        %dma_wait3A_39 = arith.constant 0 : i32
        %dma_wait3A_40 = tpu.memref_slice %arg7[%dma_wait3A_39] : memref<6144xi32, #tpu.memory_space<vmem>> -> memref<6144xi32, #tpu.memory_space<vmem>>
        %dma_wait3A_41 = tpu.memref_slice %arg4[%mul3A_2] : memref<163840xi32, #tpu.memory_space<hbm>> -> memref<6144xi32, #tpu.memory_space<hbm>>
        tpu.wait_dma2 semaphore(%run_scoped3A : memref<!tpu.dma_semaphore, #tpu.memory_space<semaphore_mem>>) src(%dma_wait3A_41 : memref<6144xi32, #tpu.memory_space<hbm>>) dst(%dma_wait3A_40 : memref<6144xi32, #tpu.memory_space<vmem>>)
        tpu.yield
      }) : () -> ()
      "tpu.region"() ({
        %run_scoped3A = tpu.sem_alloc : memref<!tpu.dma_semaphore, #tpu.memory_space<semaphore_mem>>
        %dma_start3A_30 = arith.constant 0 : i32
        %dma_start3A_31 = tpu.memref_slice %arg8[%dma_start3A_30] : memref<6144xi32, #tpu.memory_space<vmem>> -> memref<6144xi32, #tpu.memory_space<vmem>>
        %dma_start3A_32 = tpu.memref_slice %arg5[%mul3A_2] : memref<163840xi32, #tpu.memory_space<hbm>> -> memref<6144xi32, #tpu.memory_space<hbm>>
        %dma_start3A_33 = arith.constant 0 : i32
        %dma_start3A_34 = tpu.memref_slice %arg8[%dma_start3A_33] : memref<6144xi32, #tpu.memory_space<vmem>> -> memref<6144xi32, #tpu.memory_space<vmem>>
        %dma_start3A_35 = tpu.memref_slice %arg5[%mul3A_2] : memref<163840xi32, #tpu.memory_space<hbm>> -> memref<6144xi32, #tpu.memory_space<hbm>>
        tpu.enqueue_dma source(%dma_start3A_35 : memref<6144xi32, #tpu.memory_space<hbm>>) target(%dma_start3A_34 : memref<6144xi32, #tpu.memory_space<vmem>>) target_semaphore(%run_scoped3A : memref<!tpu.dma_semaphore, #tpu.memory_space<semaphore_mem>>)
        %dma_wait3A_36 = arith.constant 0 : i32
        %dma_wait3A_37 = tpu.memref_slice %arg8[%dma_wait3A_36] : memref<6144xi32, #tpu.memory_space<vmem>> -> memref<6144xi32, #tpu.memory_space<vmem>>
        %dma_wait3A_38 = tpu.memref_slice %arg5[%mul3A_2] : memref<163840xi32, #tpu.memory_space<hbm>> -> memref<6144xi32, #tpu.memory_space<hbm>>
        %dma_wait3A_39 = arith.constant 0 : i32
        %dma_wait3A_40 = tpu.memref_slice %arg8[%dma_wait3A_39] : memref<6144xi32, #tpu.memory_space<vmem>> -> memref<6144xi32, #tpu.memory_space<vmem>>
        %dma_wait3A_41 = tpu.memref_slice %arg5[%mul3A_2] : memref<163840xi32, #tpu.memory_space<hbm>> -> memref<6144xi32, #tpu.memory_space<hbm>>
        tpu.wait_dma2 semaphore(%run_scoped3A : memref<!tpu.dma_semaphore, #tpu.memory_space<semaphore_mem>>) src(%dma_wait3A_41 : memref<6144xi32, #tpu.memory_space<hbm>>) dst(%dma_wait3A_40 : memref<6144xi32, #tpu.memory_space<vmem>>)
        tpu.yield
      }) : () -> ()
      %dma_start3A = arith.constant 0 : i32
      %dma_start3A_10 = tpu.memref_slice %arg7[%dma_start3A] : memref<6144xi32, #tpu.memory_space<vmem>> -> memref<128xi32, #tpu.memory_space<vmem>>
      %dma_start3A_11 = arith.constant 0 : i32
      %dma_start3A_12 = arith.constant 0 : i32
      %dma_start3A_13 = tpu.memref_slice %arg2[%dma_start3A_11, %dma_start3A_12] : memref<10000x128xf32, #tpu.memory_space<hbm>> -> memref<10000x128xf32, #tpu.memory_space<hbm>>
      tpu.enqueue_indirect_dma source(%dma_start3A_13 : memref<10000x128xf32, #tpu.memory_space<hbm>>) target(%arg9 : memref<128x128xf32, #tpu.memory_space<vmem>>) offsets(%dma_start3A_10 : memref<128xi32, #tpu.memory_space<vmem>>) semaphore(%arg13 : memref<!tpu.dma_semaphore, #tpu.memory_space<semaphore_mem>>)
      %dma_start3A_14 = arith.constant 0 : i32
      %dma_start3A_15 = tpu.memref_slice %arg8[%dma_start3A_14] : memref<6144xi32, #tpu.memory_space<vmem>> -> memref<128xi32, #tpu.memory_space<vmem>>
      %dma_start3A_16 = arith.constant 0 : i32
      %dma_start3A_17 = arith.constant 0 : i32
      %dma_start3A_18 = tpu.memref_slice %arg3[%dma_start3A_16, %dma_start3A_17] : memref<10000x128xf32, #tpu.memory_space<hbm>> -> memref<10000x128xf32, #tpu.memory_space<hbm>>
      tpu.enqueue_indirect_dma source(%dma_start3A_18 : memref<10000x128xf32, #tpu.memory_space<hbm>>) target(%arg11 : memref<128x128xf32, #tpu.memory_space<vmem>>) offsets(%dma_start3A_15 : memref<128xi32, #tpu.memory_space<vmem>>) semaphore(%arg13 : memref<!tpu.dma_semaphore, #tpu.memory_space<semaphore_mem>>)
      %scan3A = arith.constant 0 : i32
      %scan3A_19 = arith.constant 24 : i32
      %scan3A_20 = arith.addi %scan3A, %scan3A_19 : i32
      %scan3A_21 = arith.constant 1 : i32
      scf.for %scan3A_30 = %scan3A to %scan3A_20 step %scan3A_21  : i32 {
        %mul3A_31 = arith.constant 2 : i32
        %mul3A_32 = arith.muli %scan3A_30, %mul3A_31 : i32
        %add3A = arith.constant 0 : i32
        %add3A_33 = arith.addi %add3A, %mul3A_32 : i32
        %add3A_34 = arith.constant 0 : i32
        %add3A_35 = arith.addi %add3A_33, %add3A_34 : i32
        %add3A_36 = arith.constant 2 : i32
        %add3A_37 = arith.addi %add3A_35, %add3A_36 : i32
        %sub3A = arith.constant 1 : i32
        %sub3A_38 = arith.subi %add3A_37, %sub3A : i32
        %lt3A = arith.constant 48 : i32
        %lt3A_39 = arith.cmpi slt, %sub3A_38, %lt3A : i32
        %convert_element_type3A_40 = arith.extui %lt3A_39 : i1 to i32
        %cond3A_41 = arith.constant 0 : i32
        %cond3A_42 = arith.cmpi ne, %convert_element_type3A_40, %cond3A_41 : i32
        scf.if %cond3A_42 {
          %ge3A = arith.constant 1 : i32
          %ge3A_102 = arith.cmpi sge, %add3A_35, %ge3A : i32
          %convert_element_type3A_103 = arith.extui %ge3A_102 : i1 to i32
          %cond3A_104 = arith.constant 0 : i32
          %cond3A_105 = arith.cmpi ne, %convert_element_type3A_103, %cond3A_104 : i32
          scf.if %cond3A_105 {
            %dma_wait3A_122 = arith.constant 0 : i32
            %dma_wait3A_123 = tpu.memref_slice %arg6[%mul3A_2, %dma_wait3A_122] : memref<163840x128xf32, #tpu.memory_space<hbm>> -> memref<128x128xf32, #tpu.memory_space<hbm>>
            %dma_wait3A_124 = arith.constant 0 : i32
            %dma_wait3A_125 = tpu.memref_slice %arg6[%mul3A_2, %dma_wait3A_124] : memref<163840x128xf32, #tpu.memory_space<hbm>> -> memref<128x128xf32, #tpu.memory_space<hbm>>
            tpu.wait_dma2 semaphore(%arg16 : memref<!tpu.dma_semaphore, #tpu.memory_space<semaphore_mem>>) src(%arg10 : memref<128x128xf32, #tpu.memory_space<vmem>>) dst(%dma_wait3A_125 : memref<128x128xf32, #tpu.memory_space<hbm>>)
          } else {
          }
          %add3A_106 = arith.constant 2 : i32
          %add3A_107 = arith.addi %add3A_35, %add3A_106 : i32
          %sub3A_108 = arith.constant 1 : i32
          %sub3A_109 = arith.subi %add3A_107, %sub3A_108 : i32
          %mul3A_110 = arith.constant 128 : i32
          %mul3A_111 = arith.muli %sub3A_109, %mul3A_110 : i32
          %dma_start3A_112 = tpu.memref_slice %arg7[%mul3A_111] : memref<6144xi32, #tpu.memory_space<vmem>> -> memref<128xi32, #tpu.memory_space<vmem>>
          %dma_start3A_113 = arith.constant 0 : i32
          %dma_start3A_114 = arith.constant 0 : i32
          %dma_start3A_115 = tpu.memref_slice %arg2[%dma_start3A_113, %dma_start3A_114] : memref<10000x128xf32, #tpu.memory_space<hbm>> -> memref<10000x128xf32, #tpu.memory_space<hbm>>
          tpu.enqueue_indirect_dma source(%dma_start3A_115 : memref<10000x128xf32, #tpu.memory_space<hbm>>) target(%arg10 : memref<128x128xf32, #tpu.memory_space<vmem>>) offsets(%dma_start3A_112 : memref<128xi32, #tpu.memory_space<vmem>>) semaphore(%arg14 : memref<!tpu.dma_semaphore, #tpu.memory_space<semaphore_mem>>)
          %mul3A_116 = arith.constant 128 : i32
          %mul3A_117 = arith.muli %sub3A_109, %mul3A_116 : i32
          %dma_start3A_118 = tpu.memref_slice %arg8[%mul3A_117] : memref<6144xi32, #tpu.memory_space<vmem>> -> memref<128xi32, #tpu.memory_space<vmem>>
          %dma_start3A_119 = arith.constant 0 : i32
          %dma_start3A_120 = arith.constant 0 : i32
          %dma_start3A_121 = tpu.memref_slice %arg3[%dma_start3A_119, %dma_start3A_120] : memref<10000x128xf32, #tpu.memory_space<hbm>> -> memref<10000x128xf32, #tpu.memory_space<hbm>>
          tpu.enqueue_indirect_dma source(%dma_start3A_121 : memref<10000x128xf32, #tpu.memory_space<hbm>>) target(%arg12 : memref<128x128xf32, #tpu.memory_space<vmem>>) offsets(%dma_start3A_118 : memref<128xi32, #tpu.memory_space<vmem>>) semaphore(%arg14 : memref<!tpu.dma_semaphore, #tpu.memory_space<semaphore_mem>>)
        } else {
        }
        %mul3A_43 = arith.constant 128 : i32
        %mul3A_44 = arith.muli %add3A_35, %mul3A_43 : i32
        %dma_wait3A_45 = tpu.memref_slice %arg7[%mul3A_44] : memref<6144xi32, #tpu.memory_space<vmem>> -> memref<128xi32, #tpu.memory_space<vmem>>
        %dma_wait3A_46 = arith.constant 0 : i32
        %dma_wait3A_47 = arith.constant 0 : i32
        %dma_wait3A_48 = tpu.memref_slice %arg2[%dma_wait3A_46, %dma_wait3A_47] : memref<10000x128xf32, #tpu.memory_space<hbm>> -> memref<10000x128xf32, #tpu.memory_space<hbm>>
        tpu.wait_indirect_dma semaphore(%arg13 : memref<!tpu.dma_semaphore, #tpu.memory_space<semaphore_mem>>) src(%dma_wait3A_48 : memref<10000x128xf32, #tpu.memory_space<hbm>>) dst(%arg9 : memref<128x128xf32, #tpu.memory_space<vmem>>)
        %mul3A_49 = arith.constant 128 : i32
        %mul3A_50 = arith.muli %add3A_35, %mul3A_49 : i32
        %dma_wait3A_51 = tpu.memref_slice %arg8[%mul3A_50] : memref<6144xi32, #tpu.memory_space<vmem>> -> memref<128xi32, #tpu.memory_space<vmem>>
        %dma_wait3A_52 = arith.constant 0 : i32
        %dma_wait3A_53 = arith.constant 0 : i32
        %dma_wait3A_54 = tpu.memref_slice %arg3[%dma_wait3A_52, %dma_wait3A_53] : memref<10000x128xf32, #tpu.memory_space<hbm>> -> memref<10000x128xf32, #tpu.memory_space<hbm>>
        tpu.wait_indirect_dma semaphore(%arg13 : memref<!tpu.dma_semaphore, #tpu.memory_space<semaphore_mem>>) src(%dma_wait3A_54 : memref<10000x128xf32, #tpu.memory_space<hbm>>) dst(%arg11 : memref<128x128xf32, #tpu.memory_space<vmem>>)
        %scan3A_55 = arith.constant 0 : i32
        %scan3A_56 = arith.constant 128 : i32
        %scan3A_57 = arith.addi %scan3A_55, %scan3A_56 : i32
        %scan3A_58 = arith.constant 4 : i32
        scf.for %scan3A_102 = %scan3A_55 to %scan3A_57 step %scan3A_58  : i32 {
          %mul3A_103 = arith.constant 1 : i32
          %mul3A_104 = arith.muli %scan3A_102, %mul3A_103 : i32
          %add3A_105 = arith.constant 0 : i32
          %add3A_106 = arith.addi %add3A_105, %mul3A_104 : i32
          %get3A = arith.index_cast %add3A_106 : i32 to index
          %get3A_107 = arith.constant 0 : index
          %get3A_108 = tpu.vector_load %arg9[%get3A, %get3A_107] {strides = array<i32>} : memref<128x128xf32, #tpu.memory_space<vmem>>, vector<1x16xf32>,
          %get3A_109 = vector.shape_cast %get3A_108 : vector<1x16xf32> to vector<16xf32>
          %get3A_110 = arith.index_cast %add3A_106 : i32 to index
          %get3A_111 = arith.constant 0 : index
          %get3A_112 = tpu.vector_load %arg11[%get3A_110, %get3A_111] {strides = array<i32>} : memref<128x128xf32, #tpu.memory_space<vmem>>, vector<1x16xf32>,
          %get3A_113 = vector.shape_cast %get3A_112 : vector<1x16xf32> to vector<16xf32>
          %add3A_114 = arith.addf %get3A_109, %get3A_113 : vector<16xf32>
          %swap3A = arith.index_cast %add3A_106 : i32 to index
          %swap3A_115 = arith.constant 0 : index
          %swap3A_116 = tpu.vector_load %arg9[%swap3A, %swap3A_115] {strides = array<i32>} : memref<128x128xf32, #tpu.memory_space<vmem>>, vector<1x16xf32>,
          %swap3A_117 = vector.shape_cast %swap3A_116 : vector<1x16xf32> to vector<16xf32>
          %swap3A_118 = vector.shape_cast %add3A_114 : vector<16xf32> to vector<1x16xf32>
          tpu.vector_store %arg9[%swap3A, %swap3A_115], %swap3A_118 {strides = array<i32>} : memref<128x128xf32, #tpu.memory_space<vmem>>, vector<1x16xf32>,
          %get3A_119 = arith.index_cast %add3A_106 : i32 to index
          %get3A_120 = arith.constant 16 : index
          %get3A_121 = tpu.vector_load %arg9[%get3A_119, %get3A_120] {strides = array<i32>} : memref<128x128xf32, #tpu.memory_space<vmem>>, vector<1x16xf32>,
          %get3A_122 = vector.shape_cast %get3A_121 : vector<1x16xf32> to vector<16xf32>
          %get3A_123 = arith.index_cast %add3A_106 : i32 to index
          %get3A_124 = arith.constant 16 : index
          %get3A_125 = tpu.vector_load %arg11[%get3A_123, %get3A_124] {strides = array<i32>} : memref<128x128xf32, #tpu.memory_space<vmem>>, vector<1x16xf32>,
          %get3A_126 = vector.shape_cast %get3A_125 : vector<1x16xf32> to vector<16xf32>
          %add3A_127 = arith.addf %get3A_122, %get3A_126 : vector<16xf32>
          %swap3A_128 = arith.index_cast %add3A_106 : i32 to index
          %swap3A_129 = arith.constant 16 : index
          %swap3A_130 = tpu.vector_load %arg9[%swap3A_128, %swap3A_129] {strides = array<i32>} : memref<128x128xf32, #tpu.memory_space<vmem>>, vector<1x16xf32>,
          %swap3A_131 = vector.shape_cast %swap3A_130 : vector<1x16xf32> to vector<16xf32>
          %swap3A_132 = vector.shape_cast %add3A_127 : vector<16xf32> to vector<1x16xf32>
          tpu.vector_store %arg9[%swap3A_128, %swap3A_129], %swap3A_132 {strides = array<i32>} : memref<128x128xf32, #tpu.memory_space<vmem>>, vector<1x16xf32>,
          %get3A_133 = arith.index_cast %add3A_106 : i32 to index
          %get3A_134 = arith.constant 32 : index
          %get3A_135 = tpu.vector_load %arg9[%get3A_133, %get3A_134] {strides = array<i32>} : memref<128x128xf32, #tpu.memory_space<vmem>>, vector<1x16xf32>,
          %get3A_136 = vector.shape_cast %get3A_135 : vector<1x16xf32> to vector<16xf32>
          %get3A_137 = arith.index_cast %add3A_106 : i32 to index
          %get3A_138 = arith.constant 32 : index
          %get3A_139 = tpu.vector_load %arg11[%get3A_137, %get3A_138] {strides = array<i32>} : memref<128x128xf32, #tpu.memory_space<vmem>>, vector<1x16xf32>,
          %get3A_140 = vector.shape_cast %get3A_139 : vector<1x16xf32> to vector<16xf32>
          %add3A_141 = arith.addf %get3A_136, %get3A_140 : vector<16xf32>
          %swap3A_142 = arith.index_cast %add3A_106 : i32 to index
          %swap3A_143 = arith.constant 32 : index
          %swap3A_144 = tpu.vector_load %arg9[%swap3A_142, %swap3A_143] {strides = array<i32>} : memref<128x128xf32, #tpu.memory_space<vmem>>, vector<1x16xf32>,
          %swap3A_145 = vector.shape_cast %swap3A_144 : vector<1x16xf32> to vector<16xf32>
          %swap3A_146 = vector.shape_cast %add3A_141 : vector<16xf32> to vector<1x16xf32>
          tpu.vector_store %arg9[%swap3A_142, %swap3A_143], %swap3A_146 {strides = array<i32>} : memref<128x128xf32, #tpu.memory_space<vmem>>, vector<1x16xf32>,
          %get3A_147 = arith.index_cast %add3A_106 : i32 to index
          %get3A_148 = arith.constant 48 : index
          %get3A_149 = tpu.vector_load %arg9[%get3A_147, %get3A_148] {strides = array<i32>} : memref<128x128xf32, #tpu.memory_space<vmem>>, vector<1x16xf32>,
          %get3A_150 = vector.shape_cast %get3A_149 : vector<1x16xf32> to vector<16xf32>
          %get3A_151 = arith.index_cast %add3A_106 : i32 to index
          %get3A_152 = arith.constant 48 : index
          %get3A_153 = tpu.vector_load %arg11[%get3A_151, %get3A_152] {strides = array<i32>} : memref<128x128xf32, #tpu.memory_space<vmem>>, vector<1x16xf32>,
          %get3A_154 = vector.shape_cast %get3A_153 : vector<1x16xf32> to vector<16xf32>
          %add3A_155 = arith.addf %get3A_150, %get3A_154 : vector<16xf32>
          %swap3A_156 = arith.index_cast %add3A_106 : i32 to index
          %swap3A_157 = arith.constant 48 : index
          %swap3A_158 = tpu.vector_load %arg9[%swap3A_156, %swap3A_157] {strides = array<i32>} : memref<128x128xf32, #tpu.memory_space<vmem>>, vector<1x16xf32>,
          %swap3A_159 = vector.shape_cast %swap3A_158 : vector<1x16xf32> to vector<16xf32>
          %swap3A_160 = vector.shape_cast %add3A_155 : vector<16xf32> to vector<1x16xf32>
          tpu.vector_store %arg9[%swap3A_156, %swap3A_157], %swap3A_160 {strides = array<i32>} : memref<128x128xf32, #tpu.memory_space<vmem>>, vector<1x16xf32>,
          %get3A_161 = arith.index_cast %add3A_106 : i32 to index
          %get3A_162 = arith.constant 64 : index
          %get3A_163 = tpu.vector_load %arg9[%get3A_161, %get3A_162] {strides = array<i32>} : memref<128x128xf32, #tpu.memory_space<vmem>>, vector<1x16xf32>,
          %get3A_164 = vector.shape_cast %get3A_163 : vector<1x16xf32> to vector<16xf32>
          %get3A_165 = arith.index_cast %add3A_106 : i32 to index
          %get3A_166 = arith.constant 64 : index
          %get3A_167 = tpu.vector_load %arg11[%get3A_165, %get3A_166] {strides = array<i32>} : memref<128x128xf32, #tpu.memory_space<vmem>>, vector<1x16xf32>,
          %get3A_168 = vector.shape_cast %get3A_167 : vector<1x16xf32> to vector<16xf32>
          %add3A_169 = arith.addf %get3A_164, %get3A_168 : vector<16xf32>
          %swap3A_170 = arith.index_cast %add3A_106 : i32 to index
          %swap3A_171 = arith.constant 64 : index
          %swap3A_172 = tpu.vector_load %arg9[%swap3A_170, %swap3A_171] {strides = array<i32>} : memref<128x128xf32, #tpu.memory_space<vmem>>, vector<1x16xf32>,
          %swap3A_173 = vector.shape_cast %swap3A_172 : vector<1x16xf32> to vector<16xf32>
          %swap3A_174 = vector.shape_cast %add3A_169 : vector<16xf32> to vector<1x16xf32>
          tpu.vector_store %arg9[%swap3A_170, %swap3A_171], %swap3A_174 {strides = array<i32>} : memref<128x128xf32, #tpu.memory_space<vmem>>, vector<1x16xf32>,
          %get3A_175 = arith.index_cast %add3A_106 : i32 to index
          %get3A_176 = arith.constant 80 : index
          %get3A_177 = tpu.vector_load %arg9[%get3A_175, %get3A_176] {strides = array<i32>} : memref<128x128xf32, #tpu.memory_space<vmem>>, vector<1x16xf32>,
          %get3A_178 = vector.shape_cast %get3A_177 : vector<1x16xf32> to vector<16xf32>
          %get3A_179 = arith.index_cast %add3A_106 : i32 to index
          %get3A_180 = arith.constant 80 : index
          %get3A_181 = tpu.vector_load %arg11[%get3A_179, %get3A_180] {strides = array<i32>} : memref<128x128xf32, #tpu.memory_space<vmem>>, vector<1x16xf32>,
          %get3A_182 = vector.shape_cast %get3A_181 : vector<1x16xf32> to vector<16xf32>
          %add3A_183 = arith.addf %get3A_178, %get3A_182 : vector<16xf32>
          %swap3A_184 = arith.index_cast %add3A_106 : i32 to index
          %swap3A_185 = arith.constant 80 : index
          %swap3A_186 = tpu.vector_load %arg9[%swap3A_184, %swap3A_185] {strides = array<i32>} : memref<128x128xf32, #tpu.memory_space<vmem>>, vector<1x16xf32>,
          %swap3A_187 = vector.shape_cast %swap3A_186 : vector<1x16xf32> to vector<16xf32>
          %swap3A_188 = vector.shape_cast %add3A_183 : vector<16xf32> to vector<1x16xf32>
          tpu.vector_store %arg9[%swap3A_184, %swap3A_185], %swap3A_188 {strides = array<i32>} : memref<128x128xf32, #tpu.memory_space<vmem>>, vector<1x16xf32>,
          %get3A_189 = arith.index_cast %add3A_106 : i32 to index
          %get3A_190 = arith.constant 96 : index
          %get3A_191 = tpu.vector_load %arg9[%get3A_189, %get3A_190] {strides = array<i32>} : memref<128x128xf32, #tpu.memory_space<vmem>>, vector<1x16xf32>,
          %get3A_192 = vector.shape_cast %get3A_191 : vector<1x16xf32> to vector<16xf32>
          %get3A_193 = arith.index_cast %add3A_106 : i32 to index
          %get3A_194 = arith.constant 96 : index
          %get3A_195 = tpu.vector_load %arg11[%get3A_193, %get3A_194] {strides = array<i32>} : memref<128x128xf32, #tpu.memory_space<vmem>>, vector<1x16xf32>,
          %get3A_196 = vector.shape_cast %get3A_195 : vector<1x16xf32> to vector<16xf32>
          %add3A_197 = arith.addf %get3A_192, %get3A_196 : vector<16xf32>
          %swap3A_198 = arith.index_cast %add3A_106 : i32 to index
          %swap3A_199 = arith.constant 96 : index
          %swap3A_200 = tpu.vector_load %arg9[%swap3A_198, %swap3A_199] {strides = array<i32>} : memref<128x128xf32, #tpu.memory_space<vmem>>, vector<1x16xf32>,
          %swap3A_201 = vector.shape_cast %swap3A_200 : vector<1x16xf32> to vector<16xf32>
          %swap3A_202 = vector.shape_cast %add3A_197 : vector<16xf32> to vector<1x16xf32>
          tpu.vector_store %arg9[%swap3A_198, %swap3A_199], %swap3A_202 {strides = array<i32>} : memref<128x128xf32, #tpu.memory_space<vmem>>, vector<1x16xf32>,
          %get3A_203 = arith.index_cast %add3A_106 : i32 to index
          %get3A_204 = arith.constant 112 : index
          %get3A_205 = tpu.vector_load %arg9[%get3A_203, %get3A_204] {strides = array<i32>} : memref<128x128xf32, #tpu.memory_space<vmem>>, vector<1x16xf32>,
          %get3A_206 = vector.shape_cast %get3A_205 : vector<1x16xf32> to vector<16xf32>
          %get3A_207 = arith.index_cast %add3A_106 : i32 to index
          %get3A_208 = arith.constant 112 : index
          %get3A_209 = tpu.vector_load %arg11[%get3A_207, %get3A_208] {strides = array<i32>} : memref<128x128xf32, #tpu.memory_space<vmem>>, vector<1x16xf32>,
          %get3A_210 = vector.shape_cast %get3A_209 : vector<1x16xf32> to vector<16xf32>
          %add3A_211 = arith.addf %get3A_206, %get3A_210 : vector<16xf32>
          %swap3A_212 = arith.index_cast %add3A_106 : i32 to index
          %swap3A_213 = arith.constant 112 : index
          %swap3A_214 = tpu.vector_load %arg9[%swap3A_212, %swap3A_213] {strides = array<i32>} : memref<128x128xf32, #tpu.memory_space<vmem>>, vector<1x16xf32>,
          %swap3A_215 = vector.shape_cast %swap3A_214 : vector<1x16xf32> to vector<16xf32>
          %swap3A_216 = vector.shape_cast %add3A_211 : vector<16xf32> to vector<1x16xf32>
          tpu.vector_store %arg9[%swap3A_212, %swap3A_213], %swap3A_216 {strides = array<i32>} : memref<128x128xf32, #tpu.memory_space<vmem>>, vector<1x16xf32>,
          %scan3A_217 = arith.constant 1 : i32
          %scan3A_218 = arith.addi %scan3A_102, %scan3A_217 : i32
          %mul3A_219 = arith.constant 1 : i32
          %mul3A_220 = arith.muli %scan3A_218, %mul3A_219 : i32
          %add3A_221 = arith.constant 0 : i32
          %add3A_222 = arith.addi %add3A_221, %mul3A_220 : i32
          %get3A_223 = arith.index_cast %add3A_222 : i32 to index
          %get3A_224 = arith.constant 0 : index
          %get3A_225 = tpu.vector_load %arg9[%get3A_223, %get3A_224] {strides = array<i32>} : memref<128x128xf32, #tpu.memory_space<vmem>>, vector<1x16xf32>,
          %get3A_226 = vector.shape_cast %get3A_225 : vector<1x16xf32> to vector<16xf32>
          %get3A_227 = arith.index_cast %add3A_222 : i32 to index
          %get3A_228 = arith.constant 0 : index
          %get3A_229 = tpu.vector_load %arg11[%get3A_227, %get3A_228] {strides = array<i32>} : memref<128x128xf32, #tpu.memory_space<vmem>>, vector<1x16xf32>,
          %get3A_230 = vector.shape_cast %get3A_229 : vector<1x16xf32> to vector<16xf32>
          %add3A_231 = arith.addf %get3A_226, %get3A_230 : vector<16xf32>
          %swap3A_232 = arith.index_cast %add3A_222 : i32 to index
          %swap3A_233 = arith.constant 0 : index
          %swap3A_234 = tpu.vector_load %arg9[%swap3A_232, %swap3A_233] {strides = array<i32>} : memref<128x128xf32, #tpu.memory_space<vmem>>, vector<1x16xf32>,
          %swap3A_235 = vector.shape_cast %swap3A_234 : vector<1x16xf32> to vector<16xf32>
          %swap3A_236 = vector.shape_cast %add3A_231 : vector<16xf32> to vector<1x16xf32>
          tpu.vector_store %arg9[%swap3A_232, %swap3A_233], %swap3A_236 {strides = array<i32>} : memref<128x128xf32, #tpu.memory_space<vmem>>, vector<1x16xf32>,
          %get3A_237 = arith.index_cast %add3A_222 : i32 to index
          %get3A_238 = arith.constant 16 : index
          %get3A_239 = tpu.vector_load %arg9[%get3A_237, %get3A_238] {strides = array<i32>} : memref<128x128xf32, #tpu.memory_space<vmem>>, vector<1x16xf32>,
          %get3A_240 = vector.shape_cast %get3A_239 : vector<1x16xf32> to vector<16xf32>
          %get3A_241 = arith.index_cast %add3A_222 : i32 to index
          %get3A_242 = arith.constant 16 : index
          %get3A_243 = tpu.vector_load %arg11[%get3A_241, %get3A_242] {strides = array<i32>} : memref<128x128xf32, #tpu.memory_space<vmem>>, vector<1x16xf32>,
          %get3A_244 = vector.shape_cast %get3A_243 : vector<1x16xf32> to vector<16xf32>
          %add3A_245 = arith.addf %get3A_240, %get3A_244 : vector<16xf32>
          %swap3A_246 = arith.index_cast %add3A_222 : i32 to index
          %swap3A_247 = arith.constant 16 : index
          %swap3A_248 = tpu.vector_load %arg9[%swap3A_246, %swap3A_247] {strides = array<i32>} : memref<128x128xf32, #tpu.memory_space<vmem>>, vector<1x16xf32>,
          %swap3A_249 = vector.shape_cast %swap3A_248 : vector<1x16xf32> to vector<16xf32>
          %swap3A_250 = vector.shape_cast %add3A_245 : vector<16xf32> to vector<1x16xf32>
          tpu.vector_store %arg9[%swap3A_246, %swap3A_247], %swap3A_250 {strides = array<i32>} : memref<128x128xf32, #tpu.memory_space<vmem>>, vector<1x16xf32>,
          %get3A_251 = arith.index_cast %add3A_222 : i32 to index
          %get3A_252 = arith.constant 32 : index
          %get3A_253 = tpu.vector_load %arg9[%get3A_251, %get3A_252] {strides = array<i32>} : memref<128x128xf32, #tpu.memory_space<vmem>>, vector<1x16xf32>,
          %get3A_254 = vector.shape_cast %get3A_253 : vector<1x16xf32> to vector<16xf32>
          %get3A_255 = arith.index_cast %add3A_222 : i32 to index
          %get3A_256 = arith.constant 32 : index
          %get3A_257 = tpu.vector_load %arg11[%get3A_255, %get3A_256] {strides = array<i32>} : memref<128x128xf32, #tpu.memory_space<vmem>>, vector<1x16xf32>,
          %get3A_258 = vector.shape_cast %get3A_257 : vector<1x16xf32> to vector<16xf32>
          %add3A_259 = arith.addf %get3A_254, %get3A_258 : vector<16xf32>
          %swap3A_260 = arith.index_cast %add3A_222 : i32 to index
          %swap3A_261 = arith.constant 32 : index
          %swap3A_262 = tpu.vector_load %arg9[%swap3A_260, %swap3A_261] {strides = array<i32>} : memref<128x128xf32, #tpu.memory_space<vmem>>, vector<1x16xf32>,
          %swap3A_263 = vector.shape_cast %swap3A_262 : vector<1x16xf32> to vector<16xf32>
          %swap3A_264 = vector.shape_cast %add3A_259 : vector<16xf32> to vector<1x16xf32>
          tpu.vector_store %arg9[%swap3A_260, %swap3A_261], %swap3A_264 {strides = array<i32>} : memref<128x128xf32, #tpu.memory_space<vmem>>, vector<1x16xf32>,
          %get3A_265 = arith.index_cast %add3A_222 : i32 to index
          %get3A_266 = arith.constant 48 : index
          %get3A_267 = tpu.vector_load %arg9[%get3A_265, %get3A_266] {strides = array<i32>} : memref<128x128xf32, #tpu.memory_space<vmem>>, vector<1x16xf32>,
          %get3A_268 = vector.shape_cast %get3A_267 : vector<1x16xf32> to vector<16xf32>
          %get3A_269 = arith.index_cast %add3A_222 : i32 to index
          %get3A_270 = arith.constant 48 : index
          %get3A_271 = tpu.vector_load %arg11[%get3A_269, %get3A_270] {strides = array<i32>} : memref<128x128xf32, #tpu.memory_space<vmem>>, vector<1x16xf32>,
          %get3A_272 = vector.shape_cast %get3A_271 : vector<1x16xf32> to vector<16xf32>
          %add3A_273 = arith.addf %get3A_268, %get3A_272 : vector<16xf32>
          %swap3A_274 = arith.index_cast %add3A_222 : i32 to index
          %swap3A_275 = arith.constant 48 : index
          %swap3A_276 = tpu.vector_load %arg9[%swap3A_274, %swap3A_275] {strides = array<i32>} : memref<128x128xf32, #tpu.memory_space<vmem>>, vector<1x16xf32>,
          %swap3A_277 = vector.shape_cast %swap3A_276 : vector<1x16xf32> to vector<16xf32>
          %swap3A_278 = vector.shape_cast %add3A_273 : vector<16xf32> to vector<1x16xf32>
          tpu.vector_store %arg9[%swap3A_274, %swap3A_275], %swap3A_278 {strides = array<i32>} : memref<128x128xf32, #tpu.memory_space<vmem>>, vector<1x16xf32>,
          %get3A_279 = arith.index_cast %add3A_222 : i32 to index
          %get3A_280 = arith.constant 64 : index
          %get3A_281 = tpu.vector_load %arg9[%get3A_279, %get3A_280] {strides = array<i32>} : memref<128x128xf32, #tpu.memory_space<vmem>>, vector<1x16xf32>,
          %get3A_282 = vector.shape_cast %get3A_281 : vector<1x16xf32> to vector<16xf32>
          %get3A_283 = arith.index_cast %add3A_222 : i32 to index
          %get3A_284 = arith.constant 64 : index
          %get3A_285 = tpu.vector_load %arg11[%get3A_283, %get3A_284] {strides = array<i32>} : memref<128x128xf32, #tpu.memory_space<vmem>>, vector<1x16xf32>,
          %get3A_286 = vector.shape_cast %get3A_285 : vector<1x16xf32> to vector<16xf32>
          %add3A_287 = arith.addf %get3A_282, %get3A_286 : vector<16xf32>
          %swap3A_288 = arith.index_cast %add3A_222 : i32 to index
          %swap3A_289 = arith.constant 64 : index
          %swap3A_290 = tpu.vector_load %arg9[%swap3A_288, %swap3A_289] {strides = array<i32>} : memref<128x128xf32, #tpu.memory_space<vmem>>, vector<1x16xf32>,
          %swap3A_291 = vector.shape_cast %swap3A_290 : vector<1x16xf32> to vector<16xf32>
          %swap3A_292 = vector.shape_cast %add3A_287 : vector<16xf32> to vector<1x16xf32>
          tpu.vector_store %arg9[%swap3A_288, %swap3A_289], %swap3A_292 {strides = array<i32>} : memref<128x128xf32, #tpu.memory_space<vmem>>, vector<1x16xf32>,
          %get3A_293 = arith.index_cast %add3A_222 : i32 to index
          %get3A_294 = arith.constant 80 : index
          %get3A_295 = tpu.vector_load %arg9[%get3A_293, %get3A_294] {strides = array<i32>} : memref<128x128xf32, #tpu.memory_space<vmem>>, vector<1x16xf32>,
          %get3A_296 = vector.shape_cast %get3A_295 : vector<1x16xf32> to vector<16xf32>
          %get3A_297 = arith.index_cast %add3A_222 : i32 to index
          %get3A_298 = arith.constant 80 : index
          %get3A_299 = tpu.vector_load %arg11[%get3A_297, %get3A_298] {strides = array<i32>} : memref<128x128xf32, #tpu.memory_space<vmem>>, vector<1x16xf32>,
          %get3A_300 = vector.shape_cast %get3A_299 : vector<1x16xf32> to vector<16xf32>
          %add3A_301 = arith.addf %get3A_296, %get3A_300 : vector<16xf32>
          %swap3A_302 = arith.index_cast %add3A_222 : i32 to index
          %swap3A_303 = arith.constant 80 : index
          %swap3A_304 = tpu.vector_load %arg9[%swap3A_302, %swap3A_303] {strides = array<i32>} : memref<128x128xf32, #tpu.memory_space<vmem>>, vector<1x16xf32>,
          %swap3A_305 = vector.shape_cast %swap3A_304 : vector<1x16xf32> to vector<16xf32>
          %swap3A_306 = vector.shape_cast %add3A_301 : vector<16xf32> to vector<1x16xf32>
          tpu.vector_store %arg9[%swap3A_302, %swap3A_303], %swap3A_306 {strides = array<i32>} : memref<128x128xf32, #tpu.memory_space<vmem>>, vector<1x16xf32>,
          %get3A_307 = arith.index_cast %add3A_222 : i32 to index
          %get3A_308 = arith.constant 96 : index
          %get3A_309 = tpu.vector_load %arg9[%get3A_307, %get3A_308] {strides = array<i32>} : memref<128x128xf32, #tpu.memory_space<vmem>>, vector<1x16xf32>,
          %get3A_310 = vector.shape_cast %get3A_309 : vector<1x16xf32> to vector<16xf32>
          %get3A_311 = arith.index_cast %add3A_222 : i32 to index
          %get3A_312 = arith.constant 96 : index
          %get3A_313 = tpu.vector_load %arg11[%get3A_311, %get3A_312] {strides = array<i32>} : memref<128x128xf32, #tpu.memory_space<vmem>>, vector<1x16xf32>,
          %get3A_314 = vector.shape_cast %get3A_313 : vector<1x16xf32> to vector<16xf32>
          %add3A_315 = arith.addf %get3A_310, %get3A_314 : vector<16xf32>
          %swap3A_316 = arith.index_cast %add3A_222 : i32 to index
          %swap3A_317 = arith.constant 96 : index
          %swap3A_318 = tpu.vector_load %arg9[%swap3A_316, %swap3A_317] {strides = array<i32>} : memref<128x128xf32, #tpu.memory_space<vmem>>, vector<1x16xf32>,
          %swap3A_319 = vector.shape_cast %swap3A_318 : vector<1x16xf32> to vector<16xf32>
          %swap3A_320 = vector.shape_cast %add3A_315 : vector<16xf32> to vector<1x16xf32>
          tpu.vector_store %arg9[%swap3A_316, %swap3A_317], %swap3A_320 {strides = array<i32>} : memref<128x128xf32, #tpu.memory_space<vmem>>, vector<1x16xf32>,
          %get3A_321 = arith.index_cast %add3A_222 : i32 to index
          %get3A_322 = arith.constant 112 : index
          %get3A_323 = tpu.vector_load %arg9[%get3A_321, %get3A_322] {strides = array<i32>} : memref<128x128xf32, #tpu.memory_space<vmem>>, vector<1x16xf32>,
          %get3A_324 = vector.shape_cast %get3A_323 : vector<1x16xf32> to vector<16xf32>
          %get3A_325 = arith.index_cast %add3A_222 : i32 to index
          %get3A_326 = arith.constant 112 : index
          %get3A_327 = tpu.vector_load %arg11[%get3A_325, %get3A_326] {strides = array<i32>} : memref<128x128xf32, #tpu.memory_space<vmem>>, vector<1x16xf32>,
          %get3A_328 = vector.shape_cast %get3A_327 : vector<1x16xf32> to vector<16xf32>
          %add3A_329 = arith.addf %get3A_324, %get3A_328 : vector<16xf32>
          %swap3A_330 = arith.index_cast %add3A_222 : i32 to index
          %swap3A_331 = arith.constant 112 : index
          %swap3A_332 = tpu.vector_load %arg9[%swap3A_330, %swap3A_331] {strides = array<i32>} : memref<128x128xf32, #tpu.memory_space<vmem>>, vector<1x16xf32>,
          %swap3A_333 = vector.shape_cast %swap3A_332 : vector<1x16xf32> to vector<16xf32>
          %swap3A_334 = vector.shape_cast %add3A_329 : vector<16xf32> to vector<1x16xf32>
          tpu.vector_store %arg9[%swap3A_330, %swap3A_331], %swap3A_334 {strides = array<i32>} : memref<128x128xf32, #tpu.memory_space<vmem>>, vector<1x16xf32>,
          %scan3A_335 = arith.constant 2 : i32
          %scan3A_336 = arith.addi %scan3A_102, %scan3A_335 : i32
          %mul3A_337 = arith.constant 1 : i32
          %mul3A_338 = arith.muli %scan3A_336, %mul3A_337 : i32
          %add3A_339 = arith.constant 0 : i32
          %add3A_340 = arith.addi %add3A_339, %mul3A_338 : i32
          %get3A_341 = arith.index_cast %add3A_340 : i32 to index
          %get3A_342 = arith.constant 0 : index
          %get3A_343 = tpu.vector_load %arg9[%get3A_341, %get3A_342] {strides = array<i32>} : memref<128x128xf32, #tpu.memory_space<vmem>>, vector<1x16xf32>,
          %get3A_344 = vector.shape_cast %get3A_343 : vector<1x16xf32> to vector<16xf32>
          %get3A_345 = arith.index_cast %add3A_340 : i32 to index
          %get3A_346 = arith.constant 0 : index
          %get3A_347 = tpu.vector_load %arg11[%get3A_345, %get3A_346] {strides = array<i32>} : memref<128x128xf32, #tpu.memory_space<vmem>>, vector<1x16xf32>,
          %get3A_348 = vector.shape_cast %get3A_347 : vector<1x16xf32> to vector<16xf32>
          %add3A_349 = arith.addf %get3A_344, %get3A_348 : vector<16xf32>
          %swap3A_350 = arith.index_cast %add3A_340 : i32 to index
          %swap3A_351 = arith.constant 0 : index
          %swap3A_352 = tpu.vector_load %arg9[%swap3A_350, %swap3A_351] {strides = array<i32>} : memref<128x128xf32, #tpu.memory_space<vmem>>, vector<1x16xf32>,
          %swap3A_353 = vector.shape_cast %swap3A_352 : vector<1x16xf32> to vector<16xf32>
          %swap3A_354 = vector.shape_cast %add3A_349 : vector<16xf32> to vector<1x16xf32>
          tpu.vector_store %arg9[%swap3A_350, %swap3A_351], %swap3A_354 {strides = array<i32>} : memref<128x128xf32, #tpu.memory_space<vmem>>, vector<1x16xf32>,
          %get3A_355 = arith.index_cast %add3A_340 : i32 to index
          %get3A_356 = arith.constant 16 : index
          %get3A_357 = tpu.vector_load %arg9[%get3A_355, %get3A_356] {strides = array<i32>} : memref<128x128xf32, #tpu.memory_space<vmem>>, vector<1x16xf32>,
          %get3A_358 = vector.shape_cast %get3A_357 : vector<1x16xf32> to vector<16xf32>
          %get3A_359 = arith.index_cast %add3A_340 : i32 to index
          %get3A_360 = arith.constant 16 : index
          %get3A_361 = tpu.vector_load %arg11[%get3A_359, %get3A_360] {strides = array<i32>} : memref<128x128xf32, #tpu.memory_space<vmem>>, vector<1x16xf32>,
          %get3A_362 = vector.shape_cast %get3A_361 : vector<1x16xf32> to vector<16xf32>
          %add3A_363 = arith.addf %get3A_358, %get3A_362 : vector<16xf32>
          %swap3A_364 = arith.index_cast %add3A_340 : i32 to index
          %swap3A_365 = arith.constant 16 : index
          %swap3A_366 = tpu.vector_load %arg9[%swap3A_364, %swap3A_365] {strides = array<i32>} : memref<128x128xf32, #tpu.memory_space<vmem>>, vector<1x16xf32>,
          %swap3A_367 = vector.shape_cast %swap3A_366 : vector<1x16xf32> to vector<16xf32>
          %swap3A_368 = vector.shape_cast %add3A_363 : vector<16xf32> to vector<1x16xf32>
          tpu.vector_store %arg9[%swap3A_364, %swap3A_365], %swap3A_368 {strides = array<i32>} : memref<128x128xf32, #tpu.memory_space<vmem>>, vector<1x16xf32>,
          %get3A_369 = arith.index_cast %add3A_340 : i32 to index
          %get3A_370 = arith.constant 32 : index
          %get3A_371 = tpu.vector_load %arg9[%get3A_369, %get3A_370] {strides = array<i32>} : memref<128x128xf32, #tpu.memory_space<vmem>>, vector<1x16xf32>,
          %get3A_372 = vector.shape_cast %get3A_371 : vector<1x16xf32> to vector<16xf32>
          %get3A_373 = arith.index_cast %add3A_340 : i32 to index
          %get3A_374 = arith.constant 32 : index
          %get3A_375 = tpu.vector_load %arg11[%get3A_373, %get3A_374] {strides = array<i32>} : memref<128x128xf32, #tpu.memory_space<vmem>>, vector<1x16xf32>,
          %get3A_376 = vector.shape_cast %get3A_375 : vector<1x16xf32> to vector<16xf32>
          %add3A_377 = arith.addf %get3A_372, %get3A_376 : vector<16xf32>
          %swap3A_378 = arith.index_cast %add3A_340 : i32 to index
          %swap3A_379 = arith.constant 32 : index
          %swap3A_380 = tpu.vector_load %arg9[%swap3A_378, %swap3A_379] {strides = array<i32>} : memref<128x128xf32, #tpu.memory_space<vmem>>, vector<1x16xf32>,
          %swap3A_381 = vector.shape_cast %swap3A_380 : vector<1x16xf32> to vector<16xf32>
          %swap3A_382 = vector.shape_cast %add3A_377 : vector<16xf32> to vector<1x16xf32>
          tpu.vector_store %arg9[%swap3A_378, %swap3A_379], %swap3A_382 {strides = array<i32>} : memref<128x128xf32, #tpu.memory_space<vmem>>, vector<1x16xf32>,
          %get3A_383 = arith.index_cast %add3A_340 : i32 to index
          %get3A_384 = arith.constant 48 : index
          %get3A_385 = tpu.vector_load %arg9[%get3A_383, %get3A_384] {strides = array<i32>} : memref<128x128xf32, #tpu.memory_space<vmem>>, vector<1x16xf32>,
          %get3A_386 = vector.shape_cast %get3A_385 : vector<1x16xf32> to vector<16xf32>
          %get3A_387 = arith.index_cast %add3A_340 : i32 to index
          %get3A_388 = arith.constant 48 : index
          %get3A_389 = tpu.vector_load %arg11[%get3A_387, %get3A_388] {strides = array<i32>} : memref<128x128xf32, #tpu.memory_space<vmem>>, vector<1x16xf32>,
          %get3A_390 = vector.shape_cast %get3A_389 : vector<1x16xf32> to vector<16xf32>
          %add3A_391 = arith.addf %get3A_386, %get3A_390 : vector<16xf32>
          %swap3A_392 = arith.index_cast %add3A_340 : i32 to index
          %swap3A_393 = arith.constant 48 : index
          %swap3A_394 = tpu.vector_load %arg9[%swap3A_392, %swap3A_393] {strides = array<i32>} : memref<128x128xf32, #tpu.memory_space<vmem>>, vector<1x16xf32>,
          %swap3A_395 = vector.shape_cast %swap3A_394 : vector<1x16xf32> to vector<16xf32>
          %swap3A_396 = vector.shape_cast %add3A_391 : vector<16xf32> to vector<1x16xf32>
          tpu.vector_store %arg9[%swap3A_392, %swap3A_393], %swap3A_396 {strides = array<i32>} : memref<128x128xf32, #tpu.memory_space<vmem>>, vector<1x16xf32>,
          %get3A_397 = arith.index_cast %add3A_340 : i32 to index
          %get3A_398 = arith.constant 64 : index
          %get3A_399 = tpu.vector_load %arg9[%get3A_397, %get3A_398] {strides = array<i32>} : memref<128x128xf32, #tpu.memory_space<vmem>>, vector<1x16xf32>,
          %get3A_400 = vector.shape_cast %get3A_399 : vector<1x16xf32> to vector<16xf32>
          %get3A_401 = arith.index_cast %add3A_340 : i32 to index
          %get3A_402 = arith.constant 64 : index
          %get3A_403 = tpu.vector_load %arg11[%get3A_401, %get3A_402] {strides = array<i32>} : memref<128x128xf32, #tpu.memory_space<vmem>>, vector<1x16xf32>,
          %get3A_404 = vector.shape_cast %get3A_403 : vector<1x16xf32> to vector<16xf32>
          %add3A_405 = arith.addf %get3A_400, %get3A_404 : vector<16xf32>
          %swap3A_406 = arith.index_cast %add3A_340 : i32 to index
          %swap3A_407 = arith.constant 64 : index
          %swap3A_408 = tpu.vector_load %arg9[%swap3A_406, %swap3A_407] {strides = array<i32>} : memref<128x128xf32, #tpu.memory_space<vmem>>, vector<1x16xf32>,
          %swap3A_409 = vector.shape_cast %swap3A_408 : vector<1x16xf32> to vector<16xf32>
          %swap3A_410 = vector.shape_cast %add3A_405 : vector<16xf32> to vector<1x16xf32>
          tpu.vector_store %arg9[%swap3A_406, %swap3A_407], %swap3A_410 {strides = array<i32>} : memref<128x128xf32, #tpu.memory_space<vmem>>, vector<1x16xf32>,
          %get3A_411 = arith.index_cast %add3A_340 : i32 to index
          %get3A_412 = arith.constant 80 : index
          %get3A_413 = tpu.vector_load %arg9[%get3A_411, %get3A_412] {strides = array<i32>} : memref<128x128xf32, #tpu.memory_space<vmem>>, vector<1x16xf32>,
          %get3A_414 = vector.shape_cast %get3A_413 : vector<1x16xf32> to vector<16xf32>
          %get3A_415 = arith.index_cast %add3A_340 : i32 to index
          %get3A_416 = arith.constant 80 : index
          %get3A_417 = tpu.vector_load %arg11[%get3A_415, %get3A_416] {strides = array<i32>} : memref<128x128xf32, #tpu.memory_space<vmem>>, vector<1x16xf32>,
          %get3A_418 = vector.shape_cast %get3A_417 : vector<1x16xf32> to vector<16xf32>
          %add3A_419 = arith.addf %get3A_414, %get3A_418 : vector<16xf32>
          %swap3A_420 = arith.index_cast %add3A_340 : i32 to index
          %swap3A_421 = arith.constant 80 : index
          %swap3A_422 = tpu.vector_load %arg9[%swap3A_420, %swap3A_421] {strides = array<i32>} : memref<128x128xf32, #tpu.memory_space<vmem>>, vector<1x16xf32>,
          %swap3A_423 = vector.shape_cast %swap3A_422 : vector<1x16xf32> to vector<16xf32>
          %swap3A_424 = vector.shape_cast %add3A_419 : vector<16xf32> to vector<1x16xf32>
          tpu.vector_store %arg9[%swap3A_420, %swap3A_421], %swap3A_424 {strides = array<i32>} : memref<128x128xf32, #tpu.memory_space<vmem>>, vector<1x16xf32>,
          %get3A_425 = arith.index_cast %add3A_340 : i32 to index
          %get3A_426 = arith.constant 96 : index
          %get3A_427 = tpu.vector_load %arg9[%get3A_425, %get3A_426] {strides = array<i32>} : memref<128x128xf32, #tpu.memory_space<vmem>>, vector<1x16xf32>,
          %get3A_428 = vector.shape_cast %get3A_427 : vector<1x16xf32> to vector<16xf32>
          %get3A_429 = arith.index_cast %add3A_340 : i32 to index
          %get3A_430 = arith.constant 96 : index
          %get3A_431 = tpu.vector_load %arg11[%get3A_429, %get3A_430] {strides = array<i32>} : memref<128x128xf32, #tpu.memory_space<vmem>>, vector<1x16xf32>,
          %get3A_432 = vector.shape_cast %get3A_431 : vector<1x16xf32> to vector<16xf32>
          %add3A_433 = arith.addf %get3A_428, %get3A_432 : vector<16xf32>
          %swap3A_434 = arith.index_cast %add3A_340 : i32 to index
          %swap3A_435 = arith.constant 96 : index
          %swap3A_436 = tpu.vector_load %arg9[%swap3A_434, %swap3A_435] {strides = array<i32>} : memref<128x128xf32, #tpu.memory_space<vmem>>, vector<1x16xf32>,
          %swap3A_437 = vector.shape_cast %swap3A_436 : vector<1x16xf32> to vector<16xf32>
          %swap3A_438 = vector.shape_cast %add3A_433 : vector<16xf32> to vector<1x16xf32>
          tpu.vector_store %arg9[%swap3A_434, %swap3A_435], %swap3A_438 {strides = array<i32>} : memref<128x128xf32, #tpu.memory_space<vmem>>, vector<1x16xf32>,
          %get3A_439 = arith.index_cast %add3A_340 : i32 to index
          %get3A_440 = arith.constant 112 : index
          %get3A_441 = tpu.vector_load %arg9[%get3A_439, %get3A_440] {strides = array<i32>} : memref<128x128xf32, #tpu.memory_space<vmem>>, vector<1x16xf32>,
          %get3A_442 = vector.shape_cast %get3A_441 : vector<1x16xf32> to vector<16xf32>
          %get3A_443 = arith.index_cast %add3A_340 : i32 to index
          %get3A_444 = arith.constant 112 : index
          %get3A_445 = tpu.vector_load %arg11[%get3A_443, %get3A_444] {strides = array<i32>} : memref<128x128xf32, #tpu.memory_space<vmem>>, vector<1x16xf32>,
          %get3A_446 = vector.shape_cast %get3A_445 : vector<1x16xf32> to vector<16xf32>
          %add3A_447 = arith.addf %get3A_442, %get3A_446 : vector<16xf32>
          %swap3A_448 = arith.index_cast %add3A_340 : i32 to index
          %swap3A_449 = arith.constant 112 : index
          %swap3A_450 = tpu.vector_load %arg9[%swap3A_448, %swap3A_449] {strides = array<i32>} : memref<128x128xf32, #tpu.memory_space<vmem>>, vector<1x16xf32>,
          %swap3A_451 = vector.shape_cast %swap3A_450 : vector<1x16xf32> to vector<16xf32>
          %swap3A_452 = vector.shape_cast %add3A_447 : vector<16xf32> to vector<1x16xf32>
          tpu.vector_store %arg9[%swap3A_448, %swap3A_449], %swap3A_452 {strides = array<i32>} : memref<128x128xf32, #tpu.memory_space<vmem>>, vector<1x16xf32>,
          %scan3A_453 = arith.constant 3 : i32
          %scan3A_454 = arith.addi %scan3A_102, %scan3A_453 : i32
          %mul3A_455 = arith.constant 1 : i32
          %mul3A_456 = arith.muli %scan3A_454, %mul3A_455 : i32
          %add3A_457 = arith.constant 0 : i32
          %add3A_458 = arith.addi %add3A_457, %mul3A_456 : i32
          %get3A_459 = arith.index_cast %add3A_458 : i32 to index
          %get3A_460 = arith.constant 0 : index
          %get3A_461 = tpu.vector_load %arg9[%get3A_459, %get3A_460] {strides = array<i32>} : memref<128x128xf32, #tpu.memory_space<vmem>>, vector<1x16xf32>,
          %get3A_462 = vector.shape_cast %get3A_461 : vector<1x16xf32> to vector<16xf32>
          %get3A_463 = arith.index_cast %add3A_458 : i32 to index
          %get3A_464 = arith.constant 0 : index
          %get3A_465 = tpu.vector_load %arg11[%get3A_463, %get3A_464] {strides = array<i32>} : memref<128x128xf32, #tpu.memory_space<vmem>>, vector<1x16xf32>,
          %get3A_466 = vector.shape_cast %get3A_465 : vector<1x16xf32> to vector<16xf32>
          %add3A_467 = arith.addf %get3A_462, %get3A_466 : vector<16xf32>
          %swap3A_468 = arith.index_cast %add3A_458 : i32 to index
          %swap3A_469 = arith.constant 0 : index
          %swap3A_470 = tpu.vector_load %arg9[%swap3A_468, %swap3A_469] {strides = array<i32>} : memref<128x128xf32, #tpu.memory_space<vmem>>, vector<1x16xf32>,
          %swap3A_471 = vector.shape_cast %swap3A_470 : vector<1x16xf32> to vector<16xf32>
          %swap3A_472 = vector.shape_cast %add3A_467 : vector<16xf32> to vector<1x16xf32>
          tpu.vector_store %arg9[%swap3A_468, %swap3A_469], %swap3A_472 {strides = array<i32>} : memref<128x128xf32, #tpu.memory_space<vmem>>, vector<1x16xf32>,
          %get3A_473 = arith.index_cast %add3A_458 : i32 to index
          %get3A_474 = arith.constant 16 : index
          %get3A_475 = tpu.vector_load %arg9[%get3A_473, %get3A_474] {strides = array<i32>} : memref<128x128xf32, #tpu.memory_space<vmem>>, vector<1x16xf32>,
          %get3A_476 = vector.shape_cast %get3A_475 : vector<1x16xf32> to vector<16xf32>
          %get3A_477 = arith.index_cast %add3A_458 : i32 to index
          %get3A_478 = arith.constant 16 : index
          %get3A_479 = tpu.vector_load %arg11[%get3A_477, %get3A_478] {strides = array<i32>} : memref<128x128xf32, #tpu.memory_space<vmem>>, vector<1x16xf32>,
          %get3A_480 = vector.shape_cast %get3A_479 : vector<1x16xf32> to vector<16xf32>
          %add3A_481 = arith.addf %get3A_476, %get3A_480 : vector<16xf32>
          %swap3A_482 = arith.index_cast %add3A_458 : i32 to index
          %swap3A_483 = arith.constant 16 : index
          %swap3A_484 = tpu.vector_load %arg9[%swap3A_482, %swap3A_483] {strides = array<i32>} : memref<128x128xf32, #tpu.memory_space<vmem>>, vector<1x16xf32>,
          %swap3A_485 = vector.shape_cast %swap3A_484 : vector<1x16xf32> to vector<16xf32>
          %swap3A_486 = vector.shape_cast %add3A_481 : vector<16xf32> to vector<1x16xf32>
          tpu.vector_store %arg9[%swap3A_482, %swap3A_483], %swap3A_486 {strides = array<i32>} : memref<128x128xf32, #tpu.memory_space<vmem>>, vector<1x16xf32>,
          %get3A_487 = arith.index_cast %add3A_458 : i32 to index
          %get3A_488 = arith.constant 32 : index
          %get3A_489 = tpu.vector_load %arg9[%get3A_487, %get3A_488] {strides = array<i32>} : memref<128x128xf32, #tpu.memory_space<vmem>>, vector<1x16xf32>,
          %get3A_490 = vector.shape_cast %get3A_489 : vector<1x16xf32> to vector<16xf32>
          %get3A_491 = arith.index_cast %add3A_458 : i32 to index
          %get3A_492 = arith.constant 32 : index
          %get3A_493 = tpu.vector_load %arg11[%get3A_491, %get3A_492] {strides = array<i32>} : memref<128x128xf32, #tpu.memory_space<vmem>>, vector<1x16xf32>,
          %get3A_494 = vector.shape_cast %get3A_493 : vector<1x16xf32> to vector<16xf32>
          %add3A_495 = arith.addf %get3A_490, %get3A_494 : vector<16xf32>
          %swap3A_496 = arith.index_cast %add3A_458 : i32 to index
          %swap3A_497 = arith.constant 32 : index
          %swap3A_498 = tpu.vector_load %arg9[%swap3A_496, %swap3A_497] {strides = array<i32>} : memref<128x128xf32, #tpu.memory_space<vmem>>, vector<1x16xf32>,
          %swap3A_499 = vector.shape_cast %swap3A_498 : vector<1x16xf32> to vector<16xf32>
          %swap3A_500 = vector.shape_cast %add3A_495 : vector<16xf32> to vector<1x16xf32>
          tpu.vector_store %arg9[%swap3A_496, %swap3A_497], %swap3A_500 {strides = array<i32>} : memref<128x128xf32, #tpu.memory_space<vmem>>, vector<1x16xf32>,
          %get3A_501 = arith.index_cast %add3A_458 : i32 to index
          %get3A_502 = arith.constant 48 : index
          %get3A_503 = tpu.vector_load %arg9[%get3A_501, %get3A_502] {strides = array<i32>} : memref<128x128xf32, #tpu.memory_space<vmem>>, vector<1x16xf32>,
          %get3A_504 = vector.shape_cast %get3A_503 : vector<1x16xf32> to vector<16xf32>
          %get3A_505 = arith.index_cast %add3A_458 : i32 to index
          %get3A_506 = arith.constant 48 : index
          %get3A_507 = tpu.vector_load %arg11[%get3A_505, %get3A_506] {strides = array<i32>} : memref<128x128xf32, #tpu.memory_space<vmem>>, vector<1x16xf32>,
          %get3A_508 = vector.shape_cast %get3A_507 : vector<1x16xf32> to vector<16xf32>
          %add3A_509 = arith.addf %get3A_504, %get3A_508 : vector<16xf32>
          %swap3A_510 = arith.index_cast %add3A_458 : i32 to index
          %swap3A_511 = arith.constant 48 : index
          %swap3A_512 = tpu.vector_load %arg9[%swap3A_510, %swap3A_511] {strides = array<i32>} : memref<128x128xf32, #tpu.memory_space<vmem>>, vector<1x16xf32>,
          %swap3A_513 = vector.shape_cast %swap3A_512 : vector<1x16xf32> to vector<16xf32>
          %swap3A_514 = vector.shape_cast %add3A_509 : vector<16xf32> to vector<1x16xf32>
          tpu.vector_store %arg9[%swap3A_510, %swap3A_511], %swap3A_514 {strides = array<i32>} : memref<128x128xf32, #tpu.memory_space<vmem>>, vector<1x16xf32>,
          %get3A_515 = arith.index_cast %add3A_458 : i32 to index
          %get3A_516 = arith.constant 64 : index
          %get3A_517 = tpu.vector_load %arg9[%get3A_515, %get3A_516] {strides = array<i32>} : memref<128x128xf32, #tpu.memory_space<vmem>>, vector<1x16xf32>,
          %get3A_518 = vector.shape_cast %get3A_517 : vector<1x16xf32> to vector<16xf32>
          %get3A_519 = arith.index_cast %add3A_458 : i32 to index
          %get3A_520 = arith.constant 64 : index
          %get3A_521 = tpu.vector_load %arg11[%get3A_519, %get3A_520] {strides = array<i32>} : memref<128x128xf32, #tpu.memory_space<vmem>>, vector<1x16xf32>,
          %get3A_522 = vector.shape_cast %get3A_521 : vector<1x16xf32> to vector<16xf32>
          %add3A_523 = arith.addf %get3A_518, %get3A_522 : vector<16xf32>
          %swap3A_524 = arith.index_cast %add3A_458 : i32 to index
          %swap3A_525 = arith.constant 64 : index
          %swap3A_526 = tpu.vector_load %arg9[%swap3A_524, %swap3A_525] {strides = array<i32>} : memref<128x128xf32, #tpu.memory_space<vmem>>, vector<1x16xf32>,
          %swap3A_527 = vector.shape_cast %swap3A_526 : vector<1x16xf32> to vector<16xf32>
          %swap3A_528 = vector.shape_cast %add3A_523 : vector<16xf32> to vector<1x16xf32>
          tpu.vector_store %arg9[%swap3A_524, %swap3A_525], %swap3A_528 {strides = array<i32>} : memref<128x128xf32, #tpu.memory_space<vmem>>, vector<1x16xf32>,
          %get3A_529 = arith.index_cast %add3A_458 : i32 to index
          %get3A_530 = arith.constant 80 : index
          %get3A_531 = tpu.vector_load %arg9[%get3A_529, %get3A_530] {strides = array<i32>} : memref<128x128xf32, #tpu.memory_space<vmem>>, vector<1x16xf32>,
          %get3A_532 = vector.shape_cast %get3A_531 : vector<1x16xf32> to vector<16xf32>
          %get3A_533 = arith.index_cast %add3A_458 : i32 to index
          %get3A_534 = arith.constant 80 : index
          %get3A_535 = tpu.vector_load %arg11[%get3A_533, %get3A_534] {strides = array<i32>} : memref<128x128xf32, #tpu.memory_space<vmem>>, vector<1x16xf32>,
          %get3A_536 = vector.shape_cast %get3A_535 : vector<1x16xf32> to vector<16xf32>
          %add3A_537 = arith.addf %get3A_532, %get3A_536 : vector<16xf32>
          %swap3A_538 = arith.index_cast %add3A_458 : i32 to index
          %swap3A_539 = arith.constant 80 : index
          %swap3A_540 = tpu.vector_load %arg9[%swap3A_538, %swap3A_539] {strides = array<i32>} : memref<128x128xf32, #tpu.memory_space<vmem>>, vector<1x16xf32>,
          %swap3A_541 = vector.shape_cast %swap3A_540 : vector<1x16xf32> to vector<16xf32>
          %swap3A_542 = vector.shape_cast %add3A_537 : vector<16xf32> to vector<1x16xf32>
          tpu.vector_store %arg9[%swap3A_538, %swap3A_539], %swap3A_542 {strides = array<i32>} : memref<128x128xf32, #tpu.memory_space<vmem>>, vector<1x16xf32>,
          %get3A_543 = arith.index_cast %add3A_458 : i32 to index
          %get3A_544 = arith.constant 96 : index
          %get3A_545 = tpu.vector_load %arg9[%get3A_543, %get3A_544] {strides = array<i32>} : memref<128x128xf32, #tpu.memory_space<vmem>>, vector<1x16xf32>,
          %get3A_546 = vector.shape_cast %get3A_545 : vector<1x16xf32> to vector<16xf32>
          %get3A_547 = arith.index_cast %add3A_458 : i32 to index
          %get3A_548 = arith.constant 96 : index
          %get3A_549 = tpu.vector_load %arg11[%get3A_547, %get3A_548] {strides = array<i32>} : memref<128x128xf32, #tpu.memory_space<vmem>>, vector<1x16xf32>,
          %get3A_550 = vector.shape_cast %get3A_549 : vector<1x16xf32> to vector<16xf32>
          %add3A_551 = arith.addf %get3A_546, %get3A_550 : vector<16xf32>
          %swap3A_552 = arith.index_cast %add3A_458 : i32 to index
          %swap3A_553 = arith.constant 96 : index
          %swap3A_554 = tpu.vector_load %arg9[%swap3A_552, %swap3A_553] {strides = array<i32>} : memref<128x128xf32, #tpu.memory_space<vmem>>, vector<1x16xf32>,
          %swap3A_555 = vector.shape_cast %swap3A_554 : vector<1x16xf32> to vector<16xf32>
          %swap3A_556 = vector.shape_cast %add3A_551 : vector<16xf32> to vector<1x16xf32>
          tpu.vector_store %arg9[%swap3A_552, %swap3A_553], %swap3A_556 {strides = array<i32>} : memref<128x128xf32, #tpu.memory_space<vmem>>, vector<1x16xf32>,
          %get3A_557 = arith.index_cast %add3A_458 : i32 to index
          %get3A_558 = arith.constant 112 : index
          %get3A_559 = tpu.vector_load %arg9[%get3A_557, %get3A_558] {strides = array<i32>} : memref<128x128xf32, #tpu.memory_space<vmem>>, vector<1x16xf32>,
          %get3A_560 = vector.shape_cast %get3A_559 : vector<1x16xf32> to vector<16xf32>
          %get3A_561 = arith.index_cast %add3A_458 : i32 to index
          %get3A_562 = arith.constant 112 : index
          %get3A_563 = tpu.vector_load %arg11[%get3A_561, %get3A_562] {strides = array<i32>} : memref<128x128xf32, #tpu.memory_space<vmem>>, vector<1x16xf32>,
          %get3A_564 = vector.shape_cast %get3A_563 : vector<1x16xf32> to vector<16xf32>
          %add3A_565 = arith.addf %get3A_560, %get3A_564 : vector<16xf32>
          %swap3A_566 = arith.index_cast %add3A_458 : i32 to index
          %swap3A_567 = arith.constant 112 : index
          %swap3A_568 = tpu.vector_load %arg9[%swap3A_566, %swap3A_567] {strides = array<i32>} : memref<128x128xf32, #tpu.memory_space<vmem>>, vector<1x16xf32>,
          %swap3A_569 = vector.shape_cast %swap3A_568 : vector<1x16xf32> to vector<16xf32>
          %swap3A_570 = vector.shape_cast %add3A_565 : vector<16xf32> to vector<1x16xf32>
          tpu.vector_store %arg9[%swap3A_566, %swap3A_567], %swap3A_570 {strides = array<i32>} : memref<128x128xf32, #tpu.memory_space<vmem>>, vector<1x16xf32>,
        }
        %scan3A_59 = arith.constant 128 : i32
        %mul3A_60 = arith.constant 128 : i32
        %mul3A_61 = arith.muli %add3A_35, %mul3A_60 : i32
        %add3A_62 = arith.addi %mul3A_2, %mul3A_61 : i32
        %dma_start3A_63 = arith.constant 0 : i32
        %dma_start3A_64 = tpu.memref_slice %arg6[%add3A_62, %dma_start3A_63] : memref<163840x128xf32, #tpu.memory_space<hbm>> -> memref<128x128xf32, #tpu.memory_space<hbm>>
        %dma_start3A_65 = arith.constant 0 : i32
        %dma_start3A_66 = tpu.memref_slice %arg6[%add3A_62, %dma_start3A_65] : memref<163840x128xf32, #tpu.memory_space<hbm>> -> memref<128x128xf32, #tpu.memory_space<hbm>>
        tpu.enqueue_dma source(%arg9 : memref<128x128xf32, #tpu.memory_space<vmem>>) target(%dma_start3A_66 : memref<128x128xf32, #tpu.memory_space<hbm>>) target_semaphore(%arg15 : memref<!tpu.dma_semaphore, #tpu.memory_space<semaphore_mem>>)
        %add3A_67 = arith.constant 1 : i32
        %add3A_68 = arith.addi %add3A_33, %add3A_67 : i32
        %add3A_69 = arith.constant 2 : i32
        %add3A_70 = arith.addi %add3A_68, %add3A_69 : i32
        %sub3A_71 = arith.constant 1 : i32
        %sub3A_72 = arith.subi %add3A_70, %sub3A_71 : i32
        %lt3A_73 = arith.constant 48 : i32
        %lt3A_74 = arith.cmpi slt, %sub3A_72, %lt3A_73 : i32
        %convert_element_type3A_75 = arith.extui %lt3A_74 : i1 to i32
        %cond3A_76 = arith.constant 0 : i32
        %cond3A_77 = arith.cmpi ne, %convert_element_type3A_75, %cond3A_76 : i32
        scf.if %cond3A_77 {
          %ge3A = arith.constant 1 : i32
          %ge3A_102 = arith.cmpi sge, %add3A_68, %ge3A : i32
          %convert_element_type3A_103 = arith.extui %ge3A_102 : i1 to i32
          %cond3A_104 = arith.constant 0 : i32
          %cond3A_105 = arith.cmpi ne, %convert_element_type3A_103, %cond3A_104 : i32
          scf.if %cond3A_105 {
            %dma_wait3A_122 = arith.constant 0 : i32
            %dma_wait3A_123 = tpu.memref_slice %arg6[%mul3A_2, %dma_wait3A_122] : memref<163840x128xf32, #tpu.memory_space<hbm>> -> memref<128x128xf32, #tpu.memory_space<hbm>>
            %dma_wait3A_124 = arith.constant 0 : i32
            %dma_wait3A_125 = tpu.memref_slice %arg6[%mul3A_2, %dma_wait3A_124] : memref<163840x128xf32, #tpu.memory_space<hbm>> -> memref<128x128xf32, #tpu.memory_space<hbm>>
            tpu.wait_dma2 semaphore(%arg15 : memref<!tpu.dma_semaphore, #tpu.memory_space<semaphore_mem>>) src(%arg9 : memref<128x128xf32, #tpu.memory_space<vmem>>) dst(%dma_wait3A_125 : memref<128x128xf32, #tpu.memory_space<hbm>>)
          } else {
          }
          %add3A_106 = arith.constant 2 : i32
          %add3A_107 = arith.addi %add3A_68, %add3A_106 : i32
          %sub3A_108 = arith.constant 1 : i32
          %sub3A_109 = arith.subi %add3A_107, %sub3A_108 : i32
          %mul3A_110 = arith.constant 128 : i32
          %mul3A_111 = arith.muli %sub3A_109, %mul3A_110 : i32
          %dma_start3A_112 = tpu.memref_slice %arg7[%mul3A_111] : memref<6144xi32, #tpu.memory_space<vmem>> -> memref<128xi32, #tpu.memory_space<vmem>>
          %dma_start3A_113 = arith.constant 0 : i32
          %dma_start3A_114 = arith.constant 0 : i32
          %dma_start3A_115 = tpu.memref_slice %arg2[%dma_start3A_113, %dma_start3A_114] : memref<10000x128xf32, #tpu.memory_space<hbm>> -> memref<10000x128xf32, #tpu.memory_space<hbm>>
          tpu.enqueue_indirect_dma source(%dma_start3A_115 : memref<10000x128xf32, #tpu.memory_space<hbm>>) target(%arg9 : memref<128x128xf32, #tpu.memory_space<vmem>>) offsets(%dma_start3A_112 : memref<128xi32, #tpu.memory_space<vmem>>) semaphore(%arg13 : memref<!tpu.dma_semaphore, #tpu.memory_space<semaphore_mem>>)
          %mul3A_116 = arith.constant 128 : i32
          %mul3A_117 = arith.muli %sub3A_109, %mul3A_116 : i32
          %dma_start3A_118 = tpu.memref_slice %arg8[%mul3A_117] : memref<6144xi32, #tpu.memory_space<vmem>> -> memref<128xi32, #tpu.memory_space<vmem>>
          %dma_start3A_119 = arith.constant 0 : i32
          %dma_start3A_120 = arith.constant 0 : i32
          %dma_start3A_121 = tpu.memref_slice %arg3[%dma_start3A_119, %dma_start3A_120] : memref<10000x128xf32, #tpu.memory_space<hbm>> -> memref<10000x128xf32, #tpu.memory_space<hbm>>
          tpu.enqueue_indirect_dma source(%dma_start3A_121 : memref<10000x128xf32, #tpu.memory_space<hbm>>) target(%arg11 : memref<128x128xf32, #tpu.memory_space<vmem>>) offsets(%dma_start3A_118 : memref<128xi32, #tpu.memory_space<vmem>>) semaphore(%arg13 : memref<!tpu.dma_semaphore, #tpu.memory_space<semaphore_mem>>)
        } else {
        }
        %mul3A_78 = arith.constant 128 : i32
        %mul3A_79 = arith.muli %add3A_68, %mul3A_78 : i32
        %dma_wait3A_80 = tpu.memref_slice %arg7[%mul3A_79] : memref<6144xi32, #tpu.memory_space<vmem>> -> memref<128xi32, #tpu.memory_space<vmem>>
        %dma_wait3A_81 = arith.constant 0 : i32
        %dma_wait3A_82 = arith.constant 0 : i32
        %dma_wait3A_83 = tpu.memref_slice %arg2[%dma_wait3A_81, %dma_wait3A_82] : memref<10000x128xf32, #tpu.memory_space<hbm>> -> memref<10000x128xf32, #tpu.memory_space<hbm>>
        tpu.wait_indirect_dma semaphore(%arg14 : memref<!tpu.dma_semaphore, #tpu.memory_space<semaphore_mem>>) src(%dma_wait3A_83 : memref<10000x128xf32, #tpu.memory_space<hbm>>) dst(%arg10 : memref<128x128xf32, #tpu.memory_space<vmem>>)
        %mul3A_84 = arith.constant 128 : i32
        %mul3A_85 = arith.muli %add3A_68, %mul3A_84 : i32
        %dma_wait3A_86 = tpu.memref_slice %arg8[%mul3A_85] : memref<6144xi32, #tpu.memory_space<vmem>> -> memref<128xi32, #tpu.memory_space<vmem>>
        %dma_wait3A_87 = arith.constant 0 : i32
        %dma_wait3A_88 = arith.constant 0 : i32
        %dma_wait3A_89 = tpu.memref_slice %arg3[%dma_wait3A_87, %dma_wait3A_88] : memref<10000x128xf32, #tpu.memory_space<hbm>> -> memref<10000x128xf32, #tpu.memory_space<hbm>>
        tpu.wait_indirect_dma semaphore(%arg14 : memref<!tpu.dma_semaphore, #tpu.memory_space<semaphore_mem>>) src(%dma_wait3A_89 : memref<10000x128xf32, #tpu.memory_space<hbm>>) dst(%arg12 : memref<128x128xf32, #tpu.memory_space<vmem>>)
        %scan3A_90 = arith.constant 0 : i32
        %scan3A_91 = arith.constant 128 : i32
        %scan3A_92 = arith.addi %scan3A_90, %scan3A_91 : i32
        %scan3A_93 = arith.constant 4 : i32
        scf.for %scan3A_102 = %scan3A_90 to %scan3A_92 step %scan3A_93  : i32 {
          %mul3A_103 = arith.constant 1 : i32
          %mul3A_104 = arith.muli %scan3A_102, %mul3A_103 : i32
          %add3A_105 = arith.constant 0 : i32
          %add3A_106 = arith.addi %add3A_105, %mul3A_104 : i32
          %get3A = arith.index_cast %add3A_106 : i32 to index
          %get3A_107 = arith.constant 0 : index
          %get3A_108 = tpu.vector_load %arg10[%get3A, %get3A_107] {strides = array<i32>} : memref<128x128xf32, #tpu.memory_space<vmem>>, vector<1x16xf32>,
          %get3A_109 = vector.shape_cast %get3A_108 : vector<1x16xf32> to vector<16xf32>
          %get3A_110 = arith.index_cast %add3A_106 : i32 to index
          %get3A_111 = arith.constant 0 : index
          %get3A_112 = tpu.vector_load %arg12[%get3A_110, %get3A_111] {strides = array<i32>} : memref<128x128xf32, #tpu.memory_space<vmem>>, vector<1x16xf32>,
          %get3A_113 = vector.shape_cast %get3A_112 : vector<1x16xf32> to vector<16xf32>
          %add3A_114 = arith.addf %get3A_109, %get3A_113 : vector<16xf32>
          %swap3A = arith.index_cast %add3A_106 : i32 to index
          %swap3A_115 = arith.constant 0 : index
          %swap3A_116 = tpu.vector_load %arg10[%swap3A, %swap3A_115] {strides = array<i32>} : memref<128x128xf32, #tpu.memory_space<vmem>>, vector<1x16xf32>,
          %swap3A_117 = vector.shape_cast %swap3A_116 : vector<1x16xf32> to vector<16xf32>
          %swap3A_118 = vector.shape_cast %add3A_114 : vector<16xf32> to vector<1x16xf32>
          tpu.vector_store %arg10[%swap3A, %swap3A_115], %swap3A_118 {strides = array<i32>} : memref<128x128xf32, #tpu.memory_space<vmem>>, vector<1x16xf32>,
          %get3A_119 = arith.index_cast %add3A_106 : i32 to index
          %get3A_120 = arith.constant 16 : index
          %get3A_121 = tpu.vector_load %arg10[%get3A_119, %get3A_120] {strides = array<i32>} : memref<128x128xf32, #tpu.memory_space<vmem>>, vector<1x16xf32>,
          %get3A_122 = vector.shape_cast %get3A_121 : vector<1x16xf32> to vector<16xf32>
          %get3A_123 = arith.index_cast %add3A_106 : i32 to index
          %get3A_124 = arith.constant 16 : index
          %get3A_125 = tpu.vector_load %arg12[%get3A_123, %get3A_124] {strides = array<i32>} : memref<128x128xf32, #tpu.memory_space<vmem>>, vector<1x16xf32>,
          %get3A_126 = vector.shape_cast %get3A_125 : vector<1x16xf32> to vector<16xf32>
          %add3A_127 = arith.addf %get3A_122, %get3A_126 : vector<16xf32>
          %swap3A_128 = arith.index_cast %add3A_106 : i32 to index
          %swap3A_129 = arith.constant 16 : index
          %swap3A_130 = tpu.vector_load %arg10[%swap3A_128, %swap3A_129] {strides = array<i32>} : memref<128x128xf32, #tpu.memory_space<vmem>>, vector<1x16xf32>,
          %swap3A_131 = vector.shape_cast %swap3A_130 : vector<1x16xf32> to vector<16xf32>
          %swap3A_132 = vector.shape_cast %add3A_127 : vector<16xf32> to vector<1x16xf32>
          tpu.vector_store %arg10[%swap3A_128, %swap3A_129], %swap3A_132 {strides = array<i32>} : memref<128x128xf32, #tpu.memory_space<vmem>>, vector<1x16xf32>,
          %get3A_133 = arith.index_cast %add3A_106 : i32 to index
          %get3A_134 = arith.constant 32 : index
          %get3A_135 = tpu.vector_load %arg10[%get3A_133, %get3A_134] {strides = array<i32>} : memref<128x128xf32, #tpu.memory_space<vmem>>, vector<1x16xf32>,
          %get3A_136 = vector.shape_cast %get3A_135 : vector<1x16xf32> to vector<16xf32>
          %get3A_137 = arith.index_cast %add3A_106 : i32 to index
          %get3A_138 = arith.constant 32 : index
          %get3A_139 = tpu.vector_load %arg12[%get3A_137, %get3A_138] {strides = array<i32>} : memref<128x128xf32, #tpu.memory_space<vmem>>, vector<1x16xf32>,
          %get3A_140 = vector.shape_cast %get3A_139 : vector<1x16xf32> to vector<16xf32>
          %add3A_141 = arith.addf %get3A_136, %get3A_140 : vector<16xf32>
          %swap3A_142 = arith.index_cast %add3A_106 : i32 to index
          %swap3A_143 = arith.constant 32 : index
          %swap3A_144 = tpu.vector_load %arg10[%swap3A_142, %swap3A_143] {strides = array<i32>} : memref<128x128xf32, #tpu.memory_space<vmem>>, vector<1x16xf32>,
          %swap3A_145 = vector.shape_cast %swap3A_144 : vector<1x16xf32> to vector<16xf32>
          %swap3A_146 = vector.shape_cast %add3A_141 : vector<16xf32> to vector<1x16xf32>
          tpu.vector_store %arg10[%swap3A_142, %swap3A_143], %swap3A_146 {strides = array<i32>} : memref<128x128xf32, #tpu.memory_space<vmem>>, vector<1x16xf32>,
          %get3A_147 = arith.index_cast %add3A_106 : i32 to index
          %get3A_148 = arith.constant 48 : index
          %get3A_149 = tpu.vector_load %arg10[%get3A_147, %get3A_148] {strides = array<i32>} : memref<128x128xf32, #tpu.memory_space<vmem>>, vector<1x16xf32>,
          %get3A_150 = vector.shape_cast %get3A_149 : vector<1x16xf32> to vector<16xf32>
          %get3A_151 = arith.index_cast %add3A_106 : i32 to index
          %get3A_152 = arith.constant 48 : index
          %get3A_153 = tpu.vector_load %arg12[%get3A_151, %get3A_152] {strides = array<i32>} : memref<128x128xf32, #tpu.memory_space<vmem>>, vector<1x16xf32>,
          %get3A_154 = vector.shape_cast %get3A_153 : vector<1x16xf32> to vector<16xf32>
          %add3A_155 = arith.addf %get3A_150, %get3A_154 : vector<16xf32>
          %swap3A_156 = arith.index_cast %add3A_106 : i32 to index
          %swap3A_157 = arith.constant 48 : index
          %swap3A_158 = tpu.vector_load %arg10[%swap3A_156, %swap3A_157] {strides = array<i32>} : memref<128x128xf32, #tpu.memory_space<vmem>>, vector<1x16xf32>,
          %swap3A_159 = vector.shape_cast %swap3A_158 : vector<1x16xf32> to vector<16xf32>
          %swap3A_160 = vector.shape_cast %add3A_155 : vector<16xf32> to vector<1x16xf32>
          tpu.vector_store %arg10[%swap3A_156, %swap3A_157], %swap3A_160 {strides = array<i32>} : memref<128x128xf32, #tpu.memory_space<vmem>>, vector<1x16xf32>,
          %get3A_161 = arith.index_cast %add3A_106 : i32 to index
          %get3A_162 = arith.constant 64 : index
          %get3A_163 = tpu.vector_load %arg10[%get3A_161, %get3A_162] {strides = array<i32>} : memref<128x128xf32, #tpu.memory_space<vmem>>, vector<1x16xf32>,
          %get3A_164 = vector.shape_cast %get3A_163 : vector<1x16xf32> to vector<16xf32>
          %get3A_165 = arith.index_cast %add3A_106 : i32 to index
          %get3A_166 = arith.constant 64 : index
          %get3A_167 = tpu.vector_load %arg12[%get3A_165, %get3A_166] {strides = array<i32>} : memref<128x128xf32, #tpu.memory_space<vmem>>, vector<1x16xf32>,
          %get3A_168 = vector.shape_cast %get3A_167 : vector<1x16xf32> to vector<16xf32>
          %add3A_169 = arith.addf %get3A_164, %get3A_168 : vector<16xf32>
          %swap3A_170 = arith.index_cast %add3A_106 : i32 to index
          %swap3A_171 = arith.constant 64 : index
          %swap3A_172 = tpu.vector_load %arg10[%swap3A_170, %swap3A_171] {strides = array<i32>} : memref<128x128xf32, #tpu.memory_space<vmem>>, vector<1x16xf32>,
          %swap3A_173 = vector.shape_cast %swap3A_172 : vector<1x16xf32> to vector<16xf32>
          %swap3A_174 = vector.shape_cast %add3A_169 : vector<16xf32> to vector<1x16xf32>
          tpu.vector_store %arg10[%swap3A_170, %swap3A_171], %swap3A_174 {strides = array<i32>} : memref<128x128xf32, #tpu.memory_space<vmem>>, vector<1x16xf32>,
          %get3A_175 = arith.index_cast %add3A_106 : i32 to index
          %get3A_176 = arith.constant 80 : index
          %get3A_177 = tpu.vector_load %arg10[%get3A_175, %get3A_176] {strides = array<i32>} : memref<128x128xf32, #tpu.memory_space<vmem>>, vector<1x16xf32>,
          %get3A_178 = vector.shape_cast %get3A_177 : vector<1x16xf32> to vector<16xf32>
          %get3A_179 = arith.index_cast %add3A_106 : i32 to index
          %get3A_180 = arith.constant 80 : index
          %get3A_181 = tpu.vector_load %arg12[%get3A_179, %get3A_180] {strides = array<i32>} : memref<128x128xf32, #tpu.memory_space<vmem>>, vector<1x16xf32>,
          %get3A_182 = vector.shape_cast %get3A_181 : vector<1x16xf32> to vector<16xf32>
          %add3A_183 = arith.addf %get3A_178, %get3A_182 : vector<16xf32>
          %swap3A_184 = arith.index_cast %add3A_106 : i32 to index
          %swap3A_185 = arith.constant 80 : index
          %swap3A_186 = tpu.vector_load %arg10[%swap3A_184, %swap3A_185] {strides = array<i32>} : memref<128x128xf32, #tpu.memory_space<vmem>>, vector<1x16xf32>,
          %swap3A_187 = vector.shape_cast %swap3A_186 : vector<1x16xf32> to vector<16xf32>
          %swap3A_188 = vector.shape_cast %add3A_183 : vector<16xf32> to vector<1x16xf32>
          tpu.vector_store %arg10[%swap3A_184, %swap3A_185], %swap3A_188 {strides = array<i32>} : memref<128x128xf32, #tpu.memory_space<vmem>>, vector<1x16xf32>,
          %get3A_189 = arith.index_cast %add3A_106 : i32 to index
          %get3A_190 = arith.constant 96 : index
          %get3A_191 = tpu.vector_load %arg10[%get3A_189, %get3A_190] {strides = array<i32>} : memref<128x128xf32, #tpu.memory_space<vmem>>, vector<1x16xf32>,
          %get3A_192 = vector.shape_cast %get3A_191 : vector<1x16xf32> to vector<16xf32>
          %get3A_193 = arith.index_cast %add3A_106 : i32 to index
          %get3A_194 = arith.constant 96 : index
          %get3A_195 = tpu.vector_load %arg12[%get3A_193, %get3A_194] {strides = array<i32>} : memref<128x128xf32, #tpu.memory_space<vmem>>, vector<1x16xf32>,
          %get3A_196 = vector.shape_cast %get3A_195 : vector<1x16xf32> to vector<16xf32>
          %add3A_197 = arith.addf %get3A_192, %get3A_196 : vector<16xf32>
          %swap3A_198 = arith.index_cast %add3A_106 : i32 to index
          %swap3A_199 = arith.constant 96 : index
          %swap3A_200 = tpu.vector_load %arg10[%swap3A_198, %swap3A_199] {strides = array<i32>} : memref<128x128xf32, #tpu.memory_space<vmem>>, vector<1x16xf32>,
          %swap3A_201 = vector.shape_cast %swap3A_200 : vector<1x16xf32> to vector<16xf32>
          %swap3A_202 = vector.shape_cast %add3A_197 : vector<16xf32> to vector<1x16xf32>
          tpu.vector_store %arg10[%swap3A_198, %swap3A_199], %swap3A_202 {strides = array<i32>} : memref<128x128xf32, #tpu.memory_space<vmem>>, vector<1x16xf32>,
          %get3A_203 = arith.index_cast %add3A_106 : i32 to index
          %get3A_204 = arith.constant 112 : index
          %get3A_205 = tpu.vector_load %arg10[%get3A_203, %get3A_204] {strides = array<i32>} : memref<128x128xf32, #tpu.memory_space<vmem>>, vector<1x16xf32>,
          %get3A_206 = vector.shape_cast %get3A_205 : vector<1x16xf32> to vector<16xf32>
          %get3A_207 = arith.index_cast %add3A_106 : i32 to index
          %get3A_208 = arith.constant 112 : index
          %get3A_209 = tpu.vector_load %arg12[%get3A_207, %get3A_208] {strides = array<i32>} : memref<128x128xf32, #tpu.memory_space<vmem>>, vector<1x16xf32>,
          %get3A_210 = vector.shape_cast %get3A_209 : vector<1x16xf32> to vector<16xf32>
          %add3A_211 = arith.addf %get3A_206, %get3A_210 : vector<16xf32>
          %swap3A_212 = arith.index_cast %add3A_106 : i32 to index
          %swap3A_213 = arith.constant 112 : index
          %swap3A_214 = tpu.vector_load %arg10[%swap3A_212, %swap3A_213] {strides = array<i32>} : memref<128x128xf32, #tpu.memory_space<vmem>>, vector<1x16xf32>,
          %swap3A_215 = vector.shape_cast %swap3A_214 : vector<1x16xf32> to vector<16xf32>
          %swap3A_216 = vector.shape_cast %add3A_211 : vector<16xf32> to vector<1x16xf32>
          tpu.vector_store %arg10[%swap3A_212, %swap3A_213], %swap3A_216 {strides = array<i32>} : memref<128x128xf32, #tpu.memory_space<vmem>>, vector<1x16xf32>,
          %scan3A_217 = arith.constant 1 : i32
          %scan3A_218 = arith.addi %scan3A_102, %scan3A_217 : i32
          %mul3A_219 = arith.constant 1 : i32
          %mul3A_220 = arith.muli %scan3A_218, %mul3A_219 : i32
          %add3A_221 = arith.constant 0 : i32
          %add3A_222 = arith.addi %add3A_221, %mul3A_220 : i32
          %get3A_223 = arith.index_cast %add3A_222 : i32 to index
          %get3A_224 = arith.constant 0 : index
          %get3A_225 = tpu.vector_load %arg10[%get3A_223, %get3A_224] {strides = array<i32>} : memref<128x128xf32, #tpu.memory_space<vmem>>, vector<1x16xf32>,
          %get3A_226 = vector.shape_cast %get3A_225 : vector<1x16xf32> to vector<16xf32>
          %get3A_227 = arith.index_cast %add3A_222 : i32 to index
          %get3A_228 = arith.constant 0 : index
          %get3A_229 = tpu.vector_load %arg12[%get3A_227, %get3A_228] {strides = array<i32>} : memref<128x128xf32, #tpu.memory_space<vmem>>, vector<1x16xf32>,
          %get3A_230 = vector.shape_cast %get3A_229 : vector<1x16xf32> to vector<16xf32>
          %add3A_231 = arith.addf %get3A_226, %get3A_230 : vector<16xf32>
          %swap3A_232 = arith.index_cast %add3A_222 : i32 to index
          %swap3A_233 = arith.constant 0 : index
          %swap3A_234 = tpu.vector_load %arg10[%swap3A_232, %swap3A_233] {strides = array<i32>} : memref<128x128xf32, #tpu.memory_space<vmem>>, vector<1x16xf32>,
          %swap3A_235 = vector.shape_cast %swap3A_234 : vector<1x16xf32> to vector<16xf32>
          %swap3A_236 = vector.shape_cast %add3A_231 : vector<16xf32> to vector<1x16xf32>
          tpu.vector_store %arg10[%swap3A_232, %swap3A_233], %swap3A_236 {strides = array<i32>} : memref<128x128xf32, #tpu.memory_space<vmem>>, vector<1x16xf32>,
          %get3A_237 = arith.index_cast %add3A_222 : i32 to index
          %get3A_238 = arith.constant 16 : index
          %get3A_239 = tpu.vector_load %arg10[%get3A_237, %get3A_238] {strides = array<i32>} : memref<128x128xf32, #tpu.memory_space<vmem>>, vector<1x16xf32>,
          %get3A_240 = vector.shape_cast %get3A_239 : vector<1x16xf32> to vector<16xf32>
          %get3A_241 = arith.index_cast %add3A_222 : i32 to index
          %get3A_242 = arith.constant 16 : index
          %get3A_243 = tpu.vector_load %arg12[%get3A_241, %get3A_242] {strides = array<i32>} : memref<128x128xf32, #tpu.memory_space<vmem>>, vector<1x16xf32>,
          %get3A_244 = vector.shape_cast %get3A_243 : vector<1x16xf32> to vector<16xf32>
          %add3A_245 = arith.addf %get3A_240, %get3A_244 : vector<16xf32>
          %swap3A_246 = arith.index_cast %add3A_222 : i32 to index
          %swap3A_247 = arith.constant 16 : index
          %swap3A_248 = tpu.vector_load %arg10[%swap3A_246, %swap3A_247] {strides = array<i32>} : memref<128x128xf32, #tpu.memory_space<vmem>>, vector<1x16xf32>,
          %swap3A_249 = vector.shape_cast %swap3A_248 : vector<1x16xf32> to vector<16xf32>
          %swap3A_250 = vector.shape_cast %add3A_245 : vector<16xf32> to vector<1x16xf32>
          tpu.vector_store %arg10[%swap3A_246, %swap3A_247], %swap3A_250 {strides = array<i32>} : memref<128x128xf32, #tpu.memory_space<vmem>>, vector<1x16xf32>,
          %get3A_251 = arith.index_cast %add3A_222 : i32 to index
          %get3A_252 = arith.constant 32 : index
          %get3A_253 = tpu.vector_load %arg10[%get3A_251, %get3A_252] {strides = array<i32>} : memref<128x128xf32, #tpu.memory_space<vmem>>, vector<1x16xf32>,
          %get3A_254 = vector.shape_cast %get3A_253 : vector<1x16xf32> to vector<16xf32>
          %get3A_255 = arith.index_cast %add3A_222 : i32 to index
          %get3A_256 = arith.constant 32 : index
          %get3A_257 = tpu.vector_load %arg12[%get3A_255, %get3A_256] {strides = array<i32>} : memref<128x128xf32, #tpu.memory_space<vmem>>, vector<1x16xf32>,
          %get3A_258 = vector.shape_cast %get3A_257 : vector<1x16xf32> to vector<16xf32>
          %add3A_259 = arith.addf %get3A_254, %get3A_258 : vector<16xf32>
          %swap3A_260 = arith.index_cast %add3A_222 : i32 to index
          %swap3A_261 = arith.constant 32 : index
          %swap3A_262 = tpu.vector_load %arg10[%swap3A_260, %swap3A_261] {strides = array<i32>} : memref<128x128xf32, #tpu.memory_space<vmem>>, vector<1x16xf32>,
          %swap3A_263 = vector.shape_cast %swap3A_262 : vector<1x16xf32> to vector<16xf32>
          %swap3A_264 = vector.shape_cast %add3A_259 : vector<16xf32> to vector<1x16xf32>
          tpu.vector_store %arg10[%swap3A_260, %swap3A_261], %swap3A_264 {strides = array<i32>} : memref<128x128xf32, #tpu.memory_space<vmem>>, vector<1x16xf32>,
          %get3A_265 = arith.index_cast %add3A_222 : i32 to index
          %get3A_266 = arith.constant 48 : index
          %get3A_267 = tpu.vector_load %arg10[%get3A_265, %get3A_266] {strides = array<i32>} : memref<128x128xf32, #tpu.memory_space<vmem>>, vector<1x16xf32>,
          %get3A_268 = vector.shape_cast %get3A_267 : vector<1x16xf32> to vector<16xf32>
          %get3A_269 = arith.index_cast %add3A_222 : i32 to index
          %get3A_270 = arith.constant 48 : index
          %get3A_271 = tpu.vector_load %arg12[%get3A_269, %get3A_270] {strides = array<i32>} : memref<128x128xf32, #tpu.memory_space<vmem>>, vector<1x16xf32>,
          %get3A_272 = vector.shape_cast %get3A_271 : vector<1x16xf32> to vector<16xf32>
          %add3A_273 = arith.addf %get3A_268, %get3A_272 : vector<16xf32>
          %swap3A_274 = arith.index_cast %add3A_222 : i32 to index
          %swap3A_275 = arith.constant 48 : index
          %swap3A_276 = tpu.vector_load %arg10[%swap3A_274, %swap3A_275] {strides = array<i32>} : memref<128x128xf32, #tpu.memory_space<vmem>>, vector<1x16xf32>,
          %swap3A_277 = vector.shape_cast %swap3A_276 : vector<1x16xf32> to vector<16xf32>
          %swap3A_278 = vector.shape_cast %add3A_273 : vector<16xf32> to vector<1x16xf32>
          tpu.vector_store %arg10[%swap3A_274, %swap3A_275], %swap3A_278 {strides = array<i32>} : memref<128x128xf32, #tpu.memory_space<vmem>>, vector<1x16xf32>,
          %get3A_279 = arith.index_cast %add3A_222 : i32 to index
          %get3A_280 = arith.constant 64 : index
          %get3A_281 = tpu.vector_load %arg10[%get3A_279, %get3A_280] {strides = array<i32>} : memref<128x128xf32, #tpu.memory_space<vmem>>, vector<1x16xf32>,
          %get3A_282 = vector.shape_cast %get3A_281 : vector<1x16xf32> to vector<16xf32>
          %get3A_283 = arith.index_cast %add3A_222 : i32 to index
          %get3A_284 = arith.constant 64 : index
          %get3A_285 = tpu.vector_load %arg12[%get3A_283, %get3A_284] {strides = array<i32>} : memref<128x128xf32, #tpu.memory_space<vmem>>, vector<1x16xf32>,
          %get3A_286 = vector.shape_cast %get3A_285 : vector<1x16xf32> to vector<16xf32>
          %add3A_287 = arith.addf %get3A_282, %get3A_286 : vector<16xf32>
          %swap3A_288 = arith.index_cast %add3A_222 : i32 to index
          %swap3A_289 = arith.constant 64 : index
          %swap3A_290 = tpu.vector_load %arg10[%swap3A_288, %swap3A_289] {strides = array<i32>} : memref<128x128xf32, #tpu.memory_space<vmem>>, vector<1x16xf32>,
          %swap3A_291 = vector.shape_cast %swap3A_290 : vector<1x16xf32> to vector<16xf32>
          %swap3A_292 = vector.shape_cast %add3A_287 : vector<16xf32> to vector<1x16xf32>
          tpu.vector_store %arg10[%swap3A_288, %swap3A_289], %swap3A_292 {strides = array<i32>} : memref<128x128xf32, #tpu.memory_space<vmem>>, vector<1x16xf32>,
          %get3A_293 = arith.index_cast %add3A_222 : i32 to index
          %get3A_294 = arith.constant 80 : index
          %get3A_295 = tpu.vector_load %arg10[%get3A_293, %get3A_294] {strides = array<i32>} : memref<128x128xf32, #tpu.memory_space<vmem>>, vector<1x16xf32>,
          %get3A_296 = vector.shape_cast %get3A_295 : vector<1x16xf32> to vector<16xf32>
          %get3A_297 = arith.index_cast %add3A_222 : i32 to index
          %get3A_298 = arith.constant 80 : index
          %get3A_299 = tpu.vector_load %arg12[%get3A_297, %get3A_298] {strides = array<i32>} : memref<128x128xf32, #tpu.memory_space<vmem>>, vector<1x16xf32>,
          %get3A_300 = vector.shape_cast %get3A_299 : vector<1x16xf32> to vector<16xf32>
          %add3A_301 = arith.addf %get3A_296, %get3A_300 : vector<16xf32>
          %swap3A_302 = arith.index_cast %add3A_222 : i32 to index
          %swap3A_303 = arith.constant 80 : index
          %swap3A_304 = tpu.vector_load %arg10[%swap3A_302, %swap3A_303] {strides = array<i32>} : memref<128x128xf32, #tpu.memory_space<vmem>>, vector<1x16xf32>,
          %swap3A_305 = vector.shape_cast %swap3A_304 : vector<1x16xf32> to vector<16xf32>
          %swap3A_306 = vector.shape_cast %add3A_301 : vector<16xf32> to vector<1x16xf32>
          tpu.vector_store %arg10[%swap3A_302, %swap3A_303], %swap3A_306 {strides = array<i32>} : memref<128x128xf32, #tpu.memory_space<vmem>>, vector<1x16xf32>,
          %get3A_307 = arith.index_cast %add3A_222 : i32 to index
          %get3A_308 = arith.constant 96 : index
          %get3A_309 = tpu.vector_load %arg10[%get3A_307, %get3A_308] {strides = array<i32>} : memref<128x128xf32, #tpu.memory_space<vmem>>, vector<1x16xf32>,
          %get3A_310 = vector.shape_cast %get3A_309 : vector<1x16xf32> to vector<16xf32>
          %get3A_311 = arith.index_cast %add3A_222 : i32 to index
          %get3A_312 = arith.constant 96 : index
          %get3A_313 = tpu.vector_load %arg12[%get3A_311, %get3A_312] {strides = array<i32>} : memref<128x128xf32, #tpu.memory_space<vmem>>, vector<1x16xf32>,
          %get3A_314 = vector.shape_cast %get3A_313 : vector<1x16xf32> to vector<16xf32>
          %add3A_315 = arith.addf %get3A_310, %get3A_314 : vector<16xf32>
          %swap3A_316 = arith.index_cast %add3A_222 : i32 to index
          %swap3A_317 = arith.constant 96 : index
          %swap3A_318 = tpu.vector_load %arg10[%swap3A_316, %swap3A_317] {strides = array<i32>} : memref<128x128xf32, #tpu.memory_space<vmem>>, vector<1x16xf32>,
          %swap3A_319 = vector.shape_cast %swap3A_318 : vector<1x16xf32> to vector<16xf32>
          %swap3A_320 = vector.shape_cast %add3A_315 : vector<16xf32> to vector<1x16xf32>
          tpu.vector_store %arg10[%swap3A_316, %swap3A_317], %swap3A_320 {strides = array<i32>} : memref<128x128xf32, #tpu.memory_space<vmem>>, vector<1x16xf32>,
          %get3A_321 = arith.index_cast %add3A_222 : i32 to index
          %get3A_322 = arith.constant 112 : index
          %get3A_323 = tpu.vector_load %arg10[%get3A_321, %get3A_322] {strides = array<i32>} : memref<128x128xf32, #tpu.memory_space<vmem>>, vector<1x16xf32>,
          %get3A_324 = vector.shape_cast %get3A_323 : vector<1x16xf32> to vector<16xf32>
          %get3A_325 = arith.index_cast %add3A_222 : i32 to index
          %get3A_326 = arith.constant 112 : index
          %get3A_327 = tpu.vector_load %arg12[%get3A_325, %get3A_326] {strides = array<i32>} : memref<128x128xf32, #tpu.memory_space<vmem>>, vector<1x16xf32>,
          %get3A_328 = vector.shape_cast %get3A_327 : vector<1x16xf32> to vector<16xf32>
          %add3A_329 = arith.addf %get3A_324, %get3A_328 : vector<16xf32>
          %swap3A_330 = arith.index_cast %add3A_222 : i32 to index
          %swap3A_331 = arith.constant 112 : index
          %swap3A_332 = tpu.vector_load %arg10[%swap3A_330, %swap3A_331] {strides = array<i32>} : memref<128x128xf32, #tpu.memory_space<vmem>>, vector<1x16xf32>,
          %swap3A_333 = vector.shape_cast %swap3A_332 : vector<1x16xf32> to vector<16xf32>
          %swap3A_334 = vector.shape_cast %add3A_329 : vector<16xf32> to vector<1x16xf32>
          tpu.vector_store %arg10[%swap3A_330, %swap3A_331], %swap3A_334 {strides = array<i32>} : memref<128x128xf32, #tpu.memory_space<vmem>>, vector<1x16xf32>,
          %scan3A_335 = arith.constant 2 : i32
          %scan3A_336 = arith.addi %scan3A_102, %scan3A_335 : i32
          %mul3A_337 = arith.constant 1 : i32
          %mul3A_338 = arith.muli %scan3A_336, %mul3A_337 : i32
          %add3A_339 = arith.constant 0 : i32
          %add3A_340 = arith.addi %add3A_339, %mul3A_338 : i32
          %get3A_341 = arith.index_cast %add3A_340 : i32 to index
          %get3A_342 = arith.constant 0 : index
          %get3A_343 = tpu.vector_load %arg10[%get3A_341, %get3A_342] {strides = array<i32>} : memref<128x128xf32, #tpu.memory_space<vmem>>, vector<1x16xf32>,
          %get3A_344 = vector.shape_cast %get3A_343 : vector<1x16xf32> to vector<16xf32>
          %get3A_345 = arith.index_cast %add3A_340 : i32 to index
          %get3A_346 = arith.constant 0 : index
          %get3A_347 = tpu.vector_load %arg12[%get3A_345, %get3A_346] {strides = array<i32>} : memref<128x128xf32, #tpu.memory_space<vmem>>, vector<1x16xf32>,
          %get3A_348 = vector.shape_cast %get3A_347 : vector<1x16xf32> to vector<16xf32>
          %add3A_349 = arith.addf %get3A_344, %get3A_348 : vector<16xf32>
          %swap3A_350 = arith.index_cast %add3A_340 : i32 to index
          %swap3A_351 = arith.constant 0 : index
          %swap3A_352 = tpu.vector_load %arg10[%swap3A_350, %swap3A_351] {strides = array<i32>} : memref<128x128xf32, #tpu.memory_space<vmem>>, vector<1x16xf32>,
          %swap3A_353 = vector.shape_cast %swap3A_352 : vector<1x16xf32> to vector<16xf32>
          %swap3A_354 = vector.shape_cast %add3A_349 : vector<16xf32> to vector<1x16xf32>
          tpu.vector_store %arg10[%swap3A_350, %swap3A_351], %swap3A_354 {strides = array<i32>} : memref<128x128xf32, #tpu.memory_space<vmem>>, vector<1x16xf32>,
          %get3A_355 = arith.index_cast %add3A_340 : i32 to index
          %get3A_356 = arith.constant 16 : index
          %get3A_357 = tpu.vector_load %arg10[%get3A_355, %get3A_356] {strides = array<i32>} : memref<128x128xf32, #tpu.memory_space<vmem>>, vector<1x16xf32>,
          %get3A_358 = vector.shape_cast %get3A_357 : vector<1x16xf32> to vector<16xf32>
          %get3A_359 = arith.index_cast %add3A_340 : i32 to index
          %get3A_360 = arith.constant 16 : index
          %get3A_361 = tpu.vector_load %arg12[%get3A_359, %get3A_360] {strides = array<i32>} : memref<128x128xf32, #tpu.memory_space<vmem>>, vector<1x16xf32>,
          %get3A_362 = vector.shape_cast %get3A_361 : vector<1x16xf32> to vector<16xf32>
          %add3A_363 = arith.addf %get3A_358, %get3A_362 : vector<16xf32>
          %swap3A_364 = arith.index_cast %add3A_340 : i32 to index
          %swap3A_365 = arith.constant 16 : index
          %swap3A_366 = tpu.vector_load %arg10[%swap3A_364, %swap3A_365] {strides = array<i32>} : memref<128x128xf32, #tpu.memory_space<vmem>>, vector<1x16xf32>,
          %swap3A_367 = vector.shape_cast %swap3A_366 : vector<1x16xf32> to vector<16xf32>
          %swap3A_368 = vector.shape_cast %add3A_363 : vector<16xf32> to vector<1x16xf32>
          tpu.vector_store %arg10[%swap3A_364, %swap3A_365], %swap3A_368 {strides = array<i32>} : memref<128x128xf32, #tpu.memory_space<vmem>>, vector<1x16xf32>,
          %get3A_369 = arith.index_cast %add3A_340 : i32 to index
          %get3A_370 = arith.constant 32 : index
          %get3A_371 = tpu.vector_load %arg10[%get3A_369, %get3A_370] {strides = array<i32>} : memref<128x128xf32, #tpu.memory_space<vmem>>, vector<1x16xf32>,
          %get3A_372 = vector.shape_cast %get3A_371 : vector<1x16xf32> to vector<16xf32>
          %get3A_373 = arith.index_cast %add3A_340 : i32 to index
          %get3A_374 = arith.constant 32 : index
          %get3A_375 = tpu.vector_load %arg12[%get3A_373, %get3A_374] {strides = array<i32>} : memref<128x128xf32, #tpu.memory_space<vmem>>, vector<1x16xf32>,
          %get3A_376 = vector.shape_cast %get3A_375 : vector<1x16xf32> to vector<16xf32>
          %add3A_377 = arith.addf %get3A_372, %get3A_376 : vector<16xf32>
          %swap3A_378 = arith.index_cast %add3A_340 : i32 to index
          %swap3A_379 = arith.constant 32 : index
          %swap3A_380 = tpu.vector_load %arg10[%swap3A_378, %swap3A_379] {strides = array<i32>} : memref<128x128xf32, #tpu.memory_space<vmem>>, vector<1x16xf32>,
          %swap3A_381 = vector.shape_cast %swap3A_380 : vector<1x16xf32> to vector<16xf32>
          %swap3A_382 = vector.shape_cast %add3A_377 : vector<16xf32> to vector<1x16xf32>
          tpu.vector_store %arg10[%swap3A_378, %swap3A_379], %swap3A_382 {strides = array<i32>} : memref<128x128xf32, #tpu.memory_space<vmem>>, vector<1x16xf32>,
          %get3A_383 = arith.index_cast %add3A_340 : i32 to index
          %get3A_384 = arith.constant 48 : index
          %get3A_385 = tpu.vector_load %arg10[%get3A_383, %get3A_384] {strides = array<i32>} : memref<128x128xf32, #tpu.memory_space<vmem>>, vector<1x16xf32>,
          %get3A_386 = vector.shape_cast %get3A_385 : vector<1x16xf32> to vector<16xf32>
          %get3A_387 = arith.index_cast %add3A_340 : i32 to index
          %get3A_388 = arith.constant 48 : index
          %get3A_389 = tpu.vector_load %arg12[%get3A_387, %get3A_388] {strides = array<i32>} : memref<128x128xf32, #tpu.memory_space<vmem>>, vector<1x16xf32>,
          %get3A_390 = vector.shape_cast %get3A_389 : vector<1x16xf32> to vector<16xf32>
          %add3A_391 = arith.addf %get3A_386, %get3A_390 : vector<16xf32>
          %swap3A_392 = arith.index_cast %add3A_340 : i32 to index
          %swap3A_393 = arith.constant 48 : index
          %swap3A_394 = tpu.vector_load %arg10[%swap3A_392, %swap3A_393] {strides = array<i32>} : memref<128x128xf32, #tpu.memory_space<vmem>>, vector<1x16xf32>,
          %swap3A_395 = vector.shape_cast %swap3A_394 : vector<1x16xf32> to vector<16xf32>
          %swap3A_396 = vector.shape_cast %add3A_391 : vector<16xf32> to vector<1x16xf32>
          tpu.vector_store %arg10[%swap3A_392, %swap3A_393], %swap3A_396 {strides = array<i32>} : memref<128x128xf32, #tpu.memory_space<vmem>>, vector<1x16xf32>,
          %get3A_397 = arith.index_cast %add3A_340 : i32 to index
          %get3A_398 = arith.constant 64 : index
          %get3A_399 = tpu.vector_load %arg10[%get3A_397, %get3A_398] {strides = array<i32>} : memref<128x128xf32, #tpu.memory_space<vmem>>, vector<1x16xf32>,
          %get3A_400 = vector.shape_cast %get3A_399 : vector<1x16xf32> to vector<16xf32>
          %get3A_401 = arith.index_cast %add3A_340 : i32 to index
          %get3A_402 = arith.constant 64 : index
          %get3A_403 = tpu.vector_load %arg12[%get3A_401, %get3A_402] {strides = array<i32>} : memref<128x128xf32, #tpu.memory_space<vmem>>, vector<1x16xf32>,
          %get3A_404 = vector.shape_cast %get3A_403 : vector<1x16xf32> to vector<16xf32>
          %add3A_405 = arith.addf %get3A_400, %get3A_404 : vector<16xf32>
          %swap3A_406 = arith.index_cast %add3A_340 : i32 to index
          %swap3A_407 = arith.constant 64 : index
          %swap3A_408 = tpu.vector_load %arg10[%swap3A_406, %swap3A_407] {strides = array<i32>} : memref<128x128xf32, #tpu.memory_space<vmem>>, vector<1x16xf32>,
          %swap3A_409 = vector.shape_cast %swap3A_408 : vector<1x16xf32> to vector<16xf32>
          %swap3A_410 = vector.shape_cast %add3A_405 : vector<16xf32> to vector<1x16xf32>
          tpu.vector_store %arg10[%swap3A_406, %swap3A_407], %swap3A_410 {strides = array<i32>} : memref<128x128xf32, #tpu.memory_space<vmem>>, vector<1x16xf32>,
          %get3A_411 = arith.index_cast %add3A_340 : i32 to index
          %get3A_412 = arith.constant 80 : index
          %get3A_413 = tpu.vector_load %arg10[%get3A_411, %get3A_412] {strides = array<i32>} : memref<128x128xf32, #tpu.memory_space<vmem>>, vector<1x16xf32>,
          %get3A_414 = vector.shape_cast %get3A_413 : vector<1x16xf32> to vector<16xf32>
          %get3A_415 = arith.index_cast %add3A_340 : i32 to index
          %get3A_416 = arith.constant 80 : index
          %get3A_417 = tpu.vector_load %arg12[%get3A_415, %get3A_416] {strides = array<i32>} : memref<128x128xf32, #tpu.memory_space<vmem>>, vector<1x16xf32>,
          %get3A_418 = vector.shape_cast %get3A_417 : vector<1x16xf32> to vector<16xf32>
          %add3A_419 = arith.addf %get3A_414, %get3A_418 : vector<16xf32>
          %swap3A_420 = arith.index_cast %add3A_340 : i32 to index
          %swap3A_421 = arith.constant 80 : index
          %swap3A_422 = tpu.vector_load %arg10[%swap3A_420, %swap3A_421] {strides = array<i32>} : memref<128x128xf32, #tpu.memory_space<vmem>>, vector<1x16xf32>,
          %swap3A_423 = vector.shape_cast %swap3A_422 : vector<1x16xf32> to vector<16xf32>
          %swap3A_424 = vector.shape_cast %add3A_419 : vector<16xf32> to vector<1x16xf32>
          tpu.vector_store %arg10[%swap3A_420, %swap3A_421], %swap3A_424 {strides = array<i32>} : memref<128x128xf32, #tpu.memory_space<vmem>>, vector<1x16xf32>,
          %get3A_425 = arith.index_cast %add3A_340 : i32 to index
          %get3A_426 = arith.constant 96 : index
          %get3A_427 = tpu.vector_load %arg10[%get3A_425, %get3A_426] {strides = array<i32>} : memref<128x128xf32, #tpu.memory_space<vmem>>, vector<1x16xf32>,
          %get3A_428 = vector.shape_cast %get3A_427 : vector<1x16xf32> to vector<16xf32>
          %get3A_429 = arith.index_cast %add3A_340 : i32 to index
          %get3A_430 = arith.constant 96 : index
          %get3A_431 = tpu.vector_load %arg12[%get3A_429, %get3A_430] {strides = array<i32>} : memref<128x128xf32, #tpu.memory_space<vmem>>, vector<1x16xf32>,
          %get3A_432 = vector.shape_cast %get3A_431 : vector<1x16xf32> to vector<16xf32>
          %add3A_433 = arith.addf %get3A_428, %get3A_432 : vector<16xf32>
          %swap3A_434 = arith.index_cast %add3A_340 : i32 to index
          %swap3A_435 = arith.constant 96 : index
          %swap3A_436 = tpu.vector_load %arg10[%swap3A_434, %swap3A_435] {strides = array<i32>} : memref<128x128xf32, #tpu.memory_space<vmem>>, vector<1x16xf32>,
          %swap3A_437 = vector.shape_cast %swap3A_436 : vector<1x16xf32> to vector<16xf32>
          %swap3A_438 = vector.shape_cast %add3A_433 : vector<16xf32> to vector<1x16xf32>
          tpu.vector_store %arg10[%swap3A_434, %swap3A_435], %swap3A_438 {strides = array<i32>} : memref<128x128xf32, #tpu.memory_space<vmem>>, vector<1x16xf32>,
          %get3A_439 = arith.index_cast %add3A_340 : i32 to index
          %get3A_440 = arith.constant 112 : index
          %get3A_441 = tpu.vector_load %arg10[%get3A_439, %get3A_440] {strides = array<i32>} : memref<128x128xf32, #tpu.memory_space<vmem>>, vector<1x16xf32>,
          %get3A_442 = vector.shape_cast %get3A_441 : vector<1x16xf32> to vector<16xf32>
          %get3A_443 = arith.index_cast %add3A_340 : i32 to index
          %get3A_444 = arith.constant 112 : index
          %get3A_445 = tpu.vector_load %arg12[%get3A_443, %get3A_444] {strides = array<i32>} : memref<128x128xf32, #tpu.memory_space<vmem>>, vector<1x16xf32>,
          %get3A_446 = vector.shape_cast %get3A_445 : vector<1x16xf32> to vector<16xf32>
          %add3A_447 = arith.addf %get3A_442, %get3A_446 : vector<16xf32>
          %swap3A_448 = arith.index_cast %add3A_340 : i32 to index
          %swap3A_449 = arith.constant 112 : index
          %swap3A_450 = tpu.vector_load %arg10[%swap3A_448, %swap3A_449] {strides = array<i32>} : memref<128x128xf32, #tpu.memory_space<vmem>>, vector<1x16xf32>,
          %swap3A_451 = vector.shape_cast %swap3A_450 : vector<1x16xf32> to vector<16xf32>
          %swap3A_452 = vector.shape_cast %add3A_447 : vector<16xf32> to vector<1x16xf32>
          tpu.vector_store %arg10[%swap3A_448, %swap3A_449], %swap3A_452 {strides = array<i32>} : memref<128x128xf32, #tpu.memory_space<vmem>>, vector<1x16xf32>,
          %scan3A_453 = arith.constant 3 : i32
          %scan3A_454 = arith.addi %scan3A_102, %scan3A_453 : i32
          %mul3A_455 = arith.constant 1 : i32
          %mul3A_456 = arith.muli %scan3A_454, %mul3A_455 : i32
          %add3A_457 = arith.constant 0 : i32
          %add3A_458 = arith.addi %add3A_457, %mul3A_456 : i32
          %get3A_459 = arith.index_cast %add3A_458 : i32 to index
          %get3A_460 = arith.constant 0 : index
          %get3A_461 = tpu.vector_load %arg10[%get3A_459, %get3A_460] {strides = array<i32>} : memref<128x128xf32, #tpu.memory_space<vmem>>, vector<1x16xf32>,
          %get3A_462 = vector.shape_cast %get3A_461 : vector<1x16xf32> to vector<16xf32>
          %get3A_463 = arith.index_cast %add3A_458 : i32 to index
          %get3A_464 = arith.constant 0 : index
          %get3A_465 = tpu.vector_load %arg12[%get3A_463, %get3A_464] {strides = array<i32>} : memref<128x128xf32, #tpu.memory_space<vmem>>, vector<1x16xf32>,
          %get3A_466 = vector.shape_cast %get3A_465 : vector<1x16xf32> to vector<16xf32>
          %add3A_467 = arith.addf %get3A_462, %get3A_466 : vector<16xf32>
          %swap3A_468 = arith.index_cast %add3A_458 : i32 to index
          %swap3A_469 = arith.constant 0 : index
          %swap3A_470 = tpu.vector_load %arg10[%swap3A_468, %swap3A_469] {strides = array<i32>} : memref<128x128xf32, #tpu.memory_space<vmem>>, vector<1x16xf32>,
          %swap3A_471 = vector.shape_cast %swap3A_470 : vector<1x16xf32> to vector<16xf32>
          %swap3A_472 = vector.shape_cast %add3A_467 : vector<16xf32> to vector<1x16xf32>
          tpu.vector_store %arg10[%swap3A_468, %swap3A_469], %swap3A_472 {strides = array<i32>} : memref<128x128xf32, #tpu.memory_space<vmem>>, vector<1x16xf32>,
          %get3A_473 = arith.index_cast %add3A_458 : i32 to index
          %get3A_474 = arith.constant 16 : index
          %get3A_475 = tpu.vector_load %arg10[%get3A_473, %get3A_474] {strides = array<i32>} : memref<128x128xf32, #tpu.memory_space<vmem>>, vector<1x16xf32>,
          %get3A_476 = vector.shape_cast %get3A_475 : vector<1x16xf32> to vector<16xf32>
          %get3A_477 = arith.index_cast %add3A_458 : i32 to index
          %get3A_478 = arith.constant 16 : index
          %get3A_479 = tpu.vector_load %arg12[%get3A_477, %get3A_478] {strides = array<i32>} : memref<128x128xf32, #tpu.memory_space<vmem>>, vector<1x16xf32>,
          %get3A_480 = vector.shape_cast %get3A_479 : vector<1x16xf32> to vector<16xf32>
          %add3A_481 = arith.addf %get3A_476, %get3A_480 : vector<16xf32>
          %swap3A_482 = arith.index_cast %add3A_458 : i32 to index
          %swap3A_483 = arith.constant 16 : index
          %swap3A_484 = tpu.vector_load %arg10[%swap3A_482, %swap3A_483] {strides = array<i32>} : memref<128x128xf32, #tpu.memory_space<vmem>>, vector<1x16xf32>,
          %swap3A_485 = vector.shape_cast %swap3A_484 : vector<1x16xf32> to vector<16xf32>
          %swap3A_486 = vector.shape_cast %add3A_481 : vector<16xf32> to vector<1x16xf32>
          tpu.vector_store %arg10[%swap3A_482, %swap3A_483], %swap3A_486 {strides = array<i32>} : memref<128x128xf32, #tpu.memory_space<vmem>>, vector<1x16xf32>,
          %get3A_487 = arith.index_cast %add3A_458 : i32 to index
          %get3A_488 = arith.constant 32 : index
          %get3A_489 = tpu.vector_load %arg10[%get3A_487, %get3A_488] {strides = array<i32>} : memref<128x128xf32, #tpu.memory_space<vmem>>, vector<1x16xf32>,
          %get3A_490 = vector.shape_cast %get3A_489 : vector<1x16xf32> to vector<16xf32>
          %get3A_491 = arith.index_cast %add3A_458 : i32 to index
          %get3A_492 = arith.constant 32 : index
          %get3A_493 = tpu.vector_load %arg12[%get3A_491, %get3A_492] {strides = array<i32>} : memref<128x128xf32, #tpu.memory_space<vmem>>, vector<1x16xf32>,
          %get3A_494 = vector.shape_cast %get3A_493 : vector<1x16xf32> to vector<16xf32>
          %add3A_495 = arith.addf %get3A_490, %get3A_494 : vector<16xf32>
          %swap3A_496 = arith.index_cast %add3A_458 : i32 to index
          %swap3A_497 = arith.constant 32 : index
          %swap3A_498 = tpu.vector_load %arg10[%swap3A_496, %swap3A_497] {strides = array<i32>} : memref<128x128xf32, #tpu.memory_space<vmem>>, vector<1x16xf32>,
          %swap3A_499 = vector.shape_cast %swap3A_498 : vector<1x16xf32> to vector<16xf32>
          %swap3A_500 = vector.shape_cast %add3A_495 : vector<16xf32> to vector<1x16xf32>
          tpu.vector_store %arg10[%swap3A_496, %swap3A_497], %swap3A_500 {strides = array<i32>} : memref<128x128xf32, #tpu.memory_space<vmem>>, vector<1x16xf32>,
          %get3A_501 = arith.index_cast %add3A_458 : i32 to index
          %get3A_502 = arith.constant 48 : index
          %get3A_503 = tpu.vector_load %arg10[%get3A_501, %get3A_502] {strides = array<i32>} : memref<128x128xf32, #tpu.memory_space<vmem>>, vector<1x16xf32>,
          %get3A_504 = vector.shape_cast %get3A_503 : vector<1x16xf32> to vector<16xf32>
          %get3A_505 = arith.index_cast %add3A_458 : i32 to index
          %get3A_506 = arith.constant 48 : index
          %get3A_507 = tpu.vector_load %arg12[%get3A_505, %get3A_506] {strides = array<i32>} : memref<128x128xf32, #tpu.memory_space<vmem>>, vector<1x16xf32>,
          %get3A_508 = vector.shape_cast %get3A_507 : vector<1x16xf32> to vector<16xf32>
          %add3A_509 = arith.addf %get3A_504, %get3A_508 : vector<16xf32>
          %swap3A_510 = arith.index_cast %add3A_458 : i32 to index
          %swap3A_511 = arith.constant 48 : index
          %swap3A_512 = tpu.vector_load %arg10[%swap3A_510, %swap3A_511] {strides = array<i32>} : memref<128x128xf32, #tpu.memory_space<vmem>>, vector<1x16xf32>,
          %swap3A_513 = vector.shape_cast %swap3A_512 : vector<1x16xf32> to vector<16xf32>
          %swap3A_514 = vector.shape_cast %add3A_509 : vector<16xf32> to vector<1x16xf32>
          tpu.vector_store %arg10[%swap3A_510, %swap3A_511], %swap3A_514 {strides = array<i32>} : memref<128x128xf32, #tpu.memory_space<vmem>>, vector<1x16xf32>,
          %get3A_515 = arith.index_cast %add3A_458 : i32 to index
          %get3A_516 = arith.constant 64 : index
          %get3A_517 = tpu.vector_load %arg10[%get3A_515, %get3A_516] {strides = array<i32>} : memref<128x128xf32, #tpu.memory_space<vmem>>, vector<1x16xf32>,
          %get3A_518 = vector.shape_cast %get3A_517 : vector<1x16xf32> to vector<16xf32>
          %get3A_519 = arith.index_cast %add3A_458 : i32 to index
          %get3A_520 = arith.constant 64 : index
          %get3A_521 = tpu.vector_load %arg12[%get3A_519, %get3A_520] {strides = array<i32>} : memref<128x128xf32, #tpu.memory_space<vmem>>, vector<1x16xf32>,
          %get3A_522 = vector.shape_cast %get3A_521 : vector<1x16xf32> to vector<16xf32>
          %add3A_523 = arith.addf %get3A_518, %get3A_522 : vector<16xf32>
          %swap3A_524 = arith.index_cast %add3A_458 : i32 to index
          %swap3A_525 = arith.constant 64 : index
          %swap3A_526 = tpu.vector_load %arg10[%swap3A_524, %swap3A_525] {strides = array<i32>} : memref<128x128xf32, #tpu.memory_space<vmem>>, vector<1x16xf32>,
          %swap3A_527 = vector.shape_cast %swap3A_526 : vector<1x16xf32> to vector<16xf32>
          %swap3A_528 = vector.shape_cast %add3A_523 : vector<16xf32> to vector<1x16xf32>
          tpu.vector_store %arg10[%swap3A_524, %swap3A_525], %swap3A_528 {strides = array<i32>} : memref<128x128xf32, #tpu.memory_space<vmem>>, vector<1x16xf32>,
          %get3A_529 = arith.index_cast %add3A_458 : i32 to index
          %get3A_530 = arith.constant 80 : index
          %get3A_531 = tpu.vector_load %arg10[%get3A_529, %get3A_530] {strides = array<i32>} : memref<128x128xf32, #tpu.memory_space<vmem>>, vector<1x16xf32>,
          %get3A_532 = vector.shape_cast %get3A_531 : vector<1x16xf32> to vector<16xf32>
          %get3A_533 = arith.index_cast %add3A_458 : i32 to index
          %get3A_534 = arith.constant 80 : index
          %get3A_535 = tpu.vector_load %arg12[%get3A_533, %get3A_534] {strides = array<i32>} : memref<128x128xf32, #tpu.memory_space<vmem>>, vector<1x16xf32>,
          %get3A_536 = vector.shape_cast %get3A_535 : vector<1x16xf32> to vector<16xf32>
          %add3A_537 = arith.addf %get3A_532, %get3A_536 : vector<16xf32>
          %swap3A_538 = arith.index_cast %add3A_458 : i32 to index
          %swap3A_539 = arith.constant 80 : index
          %swap3A_540 = tpu.vector_load %arg10[%swap3A_538, %swap3A_539] {strides = array<i32>} : memref<128x128xf32, #tpu.memory_space<vmem>>, vector<1x16xf32>,
          %swap3A_541 = vector.shape_cast %swap3A_540 : vector<1x16xf32> to vector<16xf32>
          %swap3A_542 = vector.shape_cast %add3A_537 : vector<16xf32> to vector<1x16xf32>
          tpu.vector_store %arg10[%swap3A_538, %swap3A_539], %swap3A_542 {strides = array<i32>} : memref<128x128xf32, #tpu.memory_space<vmem>>, vector<1x16xf32>,
          %get3A_543 = arith.index_cast %add3A_458 : i32 to index
          %get3A_544 = arith.constant 96 : index
          %get3A_545 = tpu.vector_load %arg10[%get3A_543, %get3A_544] {strides = array<i32>} : memref<128x128xf32, #tpu.memory_space<vmem>>, vector<1x16xf32>,
          %get3A_546 = vector.shape_cast %get3A_545 : vector<1x16xf32> to vector<16xf32>
          %get3A_547 = arith.index_cast %add3A_458 : i32 to index
          %get3A_548 = arith.constant 96 : index
          %get3A_549 = tpu.vector_load %arg12[%get3A_547, %get3A_548] {strides = array<i32>} : memref<128x128xf32, #tpu.memory_space<vmem>>, vector<1x16xf32>,
          %get3A_550 = vector.shape_cast %get3A_549 : vector<1x16xf32> to vector<16xf32>
          %add3A_551 = arith.addf %get3A_546, %get3A_550 : vector<16xf32>
          %swap3A_552 = arith.index_cast %add3A_458 : i32 to index
          %swap3A_553 = arith.constant 96 : index
          %swap3A_554 = tpu.vector_load %arg10[%swap3A_552, %swap3A_553] {strides = array<i32>} : memref<128x128xf32, #tpu.memory_space<vmem>>, vector<1x16xf32>,
          %swap3A_555 = vector.shape_cast %swap3A_554 : vector<1x16xf32> to vector<16xf32>
          %swap3A_556 = vector.shape_cast %add3A_551 : vector<16xf32> to vector<1x16xf32>
          tpu.vector_store %arg10[%swap3A_552, %swap3A_553], %swap3A_556 {strides = array<i32>} : memref<128x128xf32, #tpu.memory_space<vmem>>, vector<1x16xf32>,
          %get3A_557 = arith.index_cast %add3A_458 : i32 to index
          %get3A_558 = arith.constant 112 : index
          %get3A_559 = tpu.vector_load %arg10[%get3A_557, %get3A_558] {strides = array<i32>} : memref<128x128xf32, #tpu.memory_space<vmem>>, vector<1x16xf32>,
          %get3A_560 = vector.shape_cast %get3A_559 : vector<1x16xf32> to vector<16xf32>
          %get3A_561 = arith.index_cast %add3A_458 : i32 to index
          %get3A_562 = arith.constant 112 : index
          %get3A_563 = tpu.vector_load %arg12[%get3A_561, %get3A_562] {strides = array<i32>} : memref<128x128xf32, #tpu.memory_space<vmem>>, vector<1x16xf32>,
          %get3A_564 = vector.shape_cast %get3A_563 : vector<1x16xf32> to vector<16xf32>
          %add3A_565 = arith.addf %get3A_560, %get3A_564 : vector<16xf32>
          %swap3A_566 = arith.index_cast %add3A_458 : i32 to index
          %swap3A_567 = arith.constant 112 : index
          %swap3A_568 = tpu.vector_load %arg10[%swap3A_566, %swap3A_567] {strides = array<i32>} : memref<128x128xf32, #tpu.memory_space<vmem>>, vector<1x16xf32>,
          %swap3A_569 = vector.shape_cast %swap3A_568 : vector<1x16xf32> to vector<16xf32>
          %swap3A_570 = vector.shape_cast %add3A_565 : vector<16xf32> to vector<1x16xf32>
          tpu.vector_store %arg10[%swap3A_566, %swap3A_567], %swap3A_570 {strides = array<i32>} : memref<128x128xf32, #tpu.memory_space<vmem>>, vector<1x16xf32>,
        }
        %scan3A_94 = arith.constant 128 : i32
        %mul3A_95 = arith.constant 128 : i32
        %mul3A_96 = arith.muli %add3A_68, %mul3A_95 : i32
        %add3A_97 = arith.addi %mul3A_2, %mul3A_96 : i32
        %dma_start3A_98 = arith.constant 0 : i32
        %dma_start3A_99 = tpu.memref_slice %arg6[%add3A_97, %dma_start3A_98] : memref<163840x128xf32, #tpu.memory_space<hbm>> -> memref<128x128xf32, #tpu.memory_space<hbm>>
        %dma_start3A_100 = arith.constant 0 : i32
        %dma_start3A_101 = tpu.memref_slice %arg6[%add3A_97, %dma_start3A_100] : memref<163840x128xf32, #tpu.memory_space<hbm>> -> memref<128x128xf32, #tpu.memory_space<hbm>>
        tpu.enqueue_dma source(%arg10 : memref<128x128xf32, #tpu.memory_space<vmem>>) target(%dma_start3A_101 : memref<128x128xf32, #tpu.memory_space<hbm>>) target_semaphore(%arg16 : memref<!tpu.dma_semaphore, #tpu.memory_space<semaphore_mem>>)
      }
      %scan3A_22 = arith.constant 24 : i32
      %dma_wait3A = arith.constant 0 : i32
      %dma_wait3A_23 = tpu.memref_slice %arg6[%mul3A_2, %dma_wait3A] : memref<163840x128xf32, #tpu.memory_space<hbm>> -> memref<128x128xf32, #tpu.memory_space<hbm>>
      %dma_wait3A_24 = arith.constant 0 : i32
      %dma_wait3A_25 = tpu.memref_slice %arg6[%mul3A_2, %dma_wait3A_24] : memref<163840x128xf32, #tpu.memory_space<hbm>> -> memref<128x128xf32, #tpu.memory_space<hbm>>
      tpu.wait_dma2 semaphore(%arg15 : memref<!tpu.dma_semaphore, #tpu.memory_space<semaphore_mem>>) src(%arg9 : memref<128x128xf32, #tpu.memory_space<vmem>>) dst(%dma_wait3A_25 : memref<128x128xf32, #tpu.memory_space<hbm>>)
      %dma_wait3A_26 = arith.constant 0 : i32
      %dma_wait3A_27 = tpu.memref_slice %arg6[%mul3A_2, %dma_wait3A_26] : memref<163840x128xf32, #tpu.memory_space<hbm>> -> memref<128x128xf32, #tpu.memory_space<hbm>>
      %dma_wait3A_28 = arith.constant 0 : i32
      %dma_wait3A_29 = tpu.memref_slice %arg6[%mul3A_2, %dma_wait3A_28] : memref<163840x128xf32, #tpu.memory_space<hbm>> -> memref<128x128xf32, #tpu.memory_space<hbm>>
      tpu.wait_dma2 semaphore(%arg16 : memref<!tpu.dma_semaphore, #tpu.memory_space<semaphore_mem>>) src(%arg10 : memref<128x128xf32, #tpu.memory_space<vmem>>) dst(%dma_wait3A_29 : memref<128x128xf32, #tpu.memory_space<hbm>>)
    } else {
    }
    %eq3A_5 = arith.constant 1 : i32
    %eq3A_6 = arith.cmpi eq, %arg0, %eq3A_5 : i32
    %convert_element_type3A_7 = arith.extui %eq3A_6 : i1 to i32
    %cond3A_8 = arith.constant 0 : i32
    %cond3A_9 = arith.cmpi ne, %convert_element_type3A_7, %cond3A_8 : i32
    scf.if %cond3A_9 {
      %add3A = arith.constant 6144 : i32
      %add3A_10 = arith.addi %mul3A_2, %add3A : i32
      "tpu.region"() ({
        %run_scoped3A = tpu.sem_alloc : memref<!tpu.dma_semaphore, #tpu.memory_space<semaphore_mem>>
        %dma_start3A_31 = arith.constant 0 : i32
        %dma_start3A_32 = tpu.memref_slice %arg7[%dma_start3A_31] : memref<6144xi32, #tpu.memory_space<vmem>> -> memref<4096xi32, #tpu.memory_space<vmem>>
        %dma_start3A_33 = tpu.memref_slice %arg4[%add3A_10] : memref<163840xi32, #tpu.memory_space<hbm>> -> memref<4096xi32, #tpu.memory_space<hbm>>
        %dma_start3A_34 = arith.constant 0 : i32
        %dma_start3A_35 = tpu.memref_slice %arg7[%dma_start3A_34] : memref<6144xi32, #tpu.memory_space<vmem>> -> memref<4096xi32, #tpu.memory_space<vmem>>
        %dma_start3A_36 = tpu.memref_slice %arg4[%add3A_10] : memref<163840xi32, #tpu.memory_space<hbm>> -> memref<4096xi32, #tpu.memory_space<hbm>>
        tpu.enqueue_dma source(%dma_start3A_36 : memref<4096xi32, #tpu.memory_space<hbm>>) target(%dma_start3A_35 : memref<4096xi32, #tpu.memory_space<vmem>>) target_semaphore(%run_scoped3A : memref<!tpu.dma_semaphore, #tpu.memory_space<semaphore_mem>>)
        %dma_wait3A_37 = arith.constant 0 : i32
        %dma_wait3A_38 = tpu.memref_slice %arg7[%dma_wait3A_37] : memref<6144xi32, #tpu.memory_space<vmem>> -> memref<4096xi32, #tpu.memory_space<vmem>>
        %dma_wait3A_39 = tpu.memref_slice %arg4[%add3A_10] : memref<163840xi32, #tpu.memory_space<hbm>> -> memref<4096xi32, #tpu.memory_space<hbm>>
        %dma_wait3A_40 = arith.constant 0 : i32
        %dma_wait3A_41 = tpu.memref_slice %arg7[%dma_wait3A_40] : memref<6144xi32, #tpu.memory_space<vmem>> -> memref<4096xi32, #tpu.memory_space<vmem>>
        %dma_wait3A_42 = tpu.memref_slice %arg4[%add3A_10] : memref<163840xi32, #tpu.memory_space<hbm>> -> memref<4096xi32, #tpu.memory_space<hbm>>
        tpu.wait_dma2 semaphore(%run_scoped3A : memref<!tpu.dma_semaphore, #tpu.memory_space<semaphore_mem>>) src(%dma_wait3A_42 : memref<4096xi32, #tpu.memory_space<hbm>>) dst(%dma_wait3A_41 : memref<4096xi32, #tpu.memory_space<vmem>>)
        tpu.yield
      }) : () -> ()
      "tpu.region"() ({
        %run_scoped3A = tpu.sem_alloc : memref<!tpu.dma_semaphore, #tpu.memory_space<semaphore_mem>>
        %dma_start3A_31 = arith.constant 0 : i32
        %dma_start3A_32 = tpu.memref_slice %arg8[%dma_start3A_31] : memref<6144xi32, #tpu.memory_space<vmem>> -> memref<4096xi32, #tpu.memory_space<vmem>>
        %dma_start3A_33 = tpu.memref_slice %arg5[%add3A_10] : memref<163840xi32, #tpu.memory_space<hbm>> -> memref<4096xi32, #tpu.memory_space<hbm>>
        %dma_start3A_34 = arith.constant 0 : i32
        %dma_start3A_35 = tpu.memref_slice %arg8[%dma_start3A_34] : memref<6144xi32, #tpu.memory_space<vmem>> -> memref<4096xi32, #tpu.memory_space<vmem>>
        %dma_start3A_36 = tpu.memref_slice %arg5[%add3A_10] : memref<163840xi32, #tpu.memory_space<hbm>> -> memref<4096xi32, #tpu.memory_space<hbm>>
        tpu.enqueue_dma source(%dma_start3A_36 : memref<4096xi32, #tpu.memory_space<hbm>>) target(%dma_start3A_35 : memref<4096xi32, #tpu.memory_space<vmem>>) target_semaphore(%run_scoped3A : memref<!tpu.dma_semaphore, #tpu.memory_space<semaphore_mem>>)
        %dma_wait3A_37 = arith.constant 0 : i32
        %dma_wait3A_38 = tpu.memref_slice %arg8[%dma_wait3A_37] : memref<6144xi32, #tpu.memory_space<vmem>> -> memref<4096xi32, #tpu.memory_space<vmem>>
        %dma_wait3A_39 = tpu.memref_slice %arg5[%add3A_10] : memref<163840xi32, #tpu.memory_space<hbm>> -> memref<4096xi32, #tpu.memory_space<hbm>>
        %dma_wait3A_40 = arith.constant 0 : i32
        %dma_wait3A_41 = tpu.memref_slice %arg8[%dma_wait3A_40] : memref<6144xi32, #tpu.memory_space<vmem>> -> memref<4096xi32, #tpu.memory_space<vmem>>
        %dma_wait3A_42 = tpu.memref_slice %arg5[%add3A_10] : memref<163840xi32, #tpu.memory_space<hbm>> -> memref<4096xi32, #tpu.memory_space<hbm>>
        tpu.wait_dma2 semaphore(%run_scoped3A : memref<!tpu.dma_semaphore, #tpu.memory_space<semaphore_mem>>) src(%dma_wait3A_42 : memref<4096xi32, #tpu.memory_space<hbm>>) dst(%dma_wait3A_41 : memref<4096xi32, #tpu.memory_space<vmem>>)
        tpu.yield
      }) : () -> ()
      %dma_start3A = arith.constant 0 : i32
      %dma_start3A_11 = tpu.memref_slice %arg7[%dma_start3A] : memref<6144xi32, #tpu.memory_space<vmem>> -> memref<128xi32, #tpu.memory_space<vmem>>
      %dma_start3A_12 = arith.constant 0 : i32
      %dma_start3A_13 = arith.constant 0 : i32
      %dma_start3A_14 = tpu.memref_slice %arg2[%dma_start3A_12, %dma_start3A_13] : memref<10000x128xf32, #tpu.memory_space<hbm>> -> memref<10000x128xf32, #tpu.memory_space<hbm>>
      tpu.enqueue_indirect_dma source(%dma_start3A_14 : memref<10000x128xf32, #tpu.memory_space<hbm>>) target(%arg9 : memref<128x128xf32, #tpu.memory_space<vmem>>) offsets(%dma_start3A_11 : memref<128xi32, #tpu.memory_space<vmem>>) semaphore(%arg13 : memref<!tpu.dma_semaphore, #tpu.memory_space<semaphore_mem>>)
      %dma_start3A_15 = arith.constant 0 : i32
      %dma_start3A_16 = tpu.memref_slice %arg8[%dma_start3A_15] : memref<6144xi32, #tpu.memory_space<vmem>> -> memref<128xi32, #tpu.memory_space<vmem>>
      %dma_start3A_17 = arith.constant 0 : i32
      %dma_start3A_18 = arith.constant 0 : i32
      %dma_start3A_19 = tpu.memref_slice %arg3[%dma_start3A_17, %dma_start3A_18] : memref<10000x128xf32, #tpu.memory_space<hbm>> -> memref<10000x128xf32, #tpu.memory_space<hbm>>
      tpu.enqueue_indirect_dma source(%dma_start3A_19 : memref<10000x128xf32, #tpu.memory_space<hbm>>) target(%arg11 : memref<128x128xf32, #tpu.memory_space<vmem>>) offsets(%dma_start3A_16 : memref<128xi32, #tpu.memory_space<vmem>>) semaphore(%arg13 : memref<!tpu.dma_semaphore, #tpu.memory_space<semaphore_mem>>)
      %scan3A = arith.constant 0 : i32
      %scan3A_20 = arith.constant 16 : i32
      %scan3A_21 = arith.addi %scan3A, %scan3A_20 : i32
      %scan3A_22 = arith.constant 1 : i32
      scf.for %scan3A_31 = %scan3A to %scan3A_21 step %scan3A_22  : i32 {
        %mul3A_32 = arith.constant 2 : i32
        %mul3A_33 = arith.muli %scan3A_31, %mul3A_32 : i32
        %add3A_34 = arith.constant 0 : i32
        %add3A_35 = arith.addi %add3A_34, %mul3A_33 : i32
        %add3A_36 = arith.constant 0 : i32
        %add3A_37 = arith.addi %add3A_35, %add3A_36 : i32
        %add3A_38 = arith.constant 2 : i32
        %add3A_39 = arith.addi %add3A_37, %add3A_38 : i32
        %sub3A = arith.constant 1 : i32
        %sub3A_40 = arith.subi %add3A_39, %sub3A : i32
        %lt3A = arith.constant 32 : i32
        %lt3A_41 = arith.cmpi slt, %sub3A_40, %lt3A : i32
        %convert_element_type3A_42 = arith.extui %lt3A_41 : i1 to i32
        %cond3A_43 = arith.constant 0 : i32
        %cond3A_44 = arith.cmpi ne, %convert_element_type3A_42, %cond3A_43 : i32
        scf.if %cond3A_44 {
          %ge3A = arith.constant 1 : i32
          %ge3A_104 = arith.cmpi sge, %add3A_37, %ge3A : i32
          %convert_element_type3A_105 = arith.extui %ge3A_104 : i1 to i32
          %cond3A_106 = arith.constant 0 : i32
          %cond3A_107 = arith.cmpi ne, %convert_element_type3A_105, %cond3A_106 : i32
          scf.if %cond3A_107 {
            %dma_wait3A_124 = arith.constant 0 : i32
            %dma_wait3A_125 = tpu.memref_slice %arg6[%add3A_10, %dma_wait3A_124] : memref<163840x128xf32, #tpu.memory_space<hbm>> -> memref<128x128xf32, #tpu.memory_space<hbm>>
            %dma_wait3A_126 = arith.constant 0 : i32
            %dma_wait3A_127 = tpu.memref_slice %arg6[%add3A_10, %dma_wait3A_126] : memref<163840x128xf32, #tpu.memory_space<hbm>> -> memref<128x128xf32, #tpu.memory_space<hbm>>
            tpu.wait_dma2 semaphore(%arg16 : memref<!tpu.dma_semaphore, #tpu.memory_space<semaphore_mem>>) src(%arg10 : memref<128x128xf32, #tpu.memory_space<vmem>>) dst(%dma_wait3A_127 : memref<128x128xf32, #tpu.memory_space<hbm>>)
          } else {
          }
          %add3A_108 = arith.constant 2 : i32
          %add3A_109 = arith.addi %add3A_37, %add3A_108 : i32
          %sub3A_110 = arith.constant 1 : i32
          %sub3A_111 = arith.subi %add3A_109, %sub3A_110 : i32
          %mul3A_112 = arith.constant 128 : i32
          %mul3A_113 = arith.muli %sub3A_111, %mul3A_112 : i32
          %dma_start3A_114 = tpu.memref_slice %arg7[%mul3A_113] : memref<6144xi32, #tpu.memory_space<vmem>> -> memref<128xi32, #tpu.memory_space<vmem>>
          %dma_start3A_115 = arith.constant 0 : i32
          %dma_start3A_116 = arith.constant 0 : i32
          %dma_start3A_117 = tpu.memref_slice %arg2[%dma_start3A_115, %dma_start3A_116] : memref<10000x128xf32, #tpu.memory_space<hbm>> -> memref<10000x128xf32, #tpu.memory_space<hbm>>
          tpu.enqueue_indirect_dma source(%dma_start3A_117 : memref<10000x128xf32, #tpu.memory_space<hbm>>) target(%arg10 : memref<128x128xf32, #tpu.memory_space<vmem>>) offsets(%dma_start3A_114 : memref<128xi32, #tpu.memory_space<vmem>>) semaphore(%arg14 : memref<!tpu.dma_semaphore, #tpu.memory_space<semaphore_mem>>)
          %mul3A_118 = arith.constant 128 : i32
          %mul3A_119 = arith.muli %sub3A_111, %mul3A_118 : i32
          %dma_start3A_120 = tpu.memref_slice %arg8[%mul3A_119] : memref<6144xi32, #tpu.memory_space<vmem>> -> memref<128xi32, #tpu.memory_space<vmem>>
          %dma_start3A_121 = arith.constant 0 : i32
          %dma_start3A_122 = arith.constant 0 : i32
          %dma_start3A_123 = tpu.memref_slice %arg3[%dma_start3A_121, %dma_start3A_122] : memref<10000x128xf32, #tpu.memory_space<hbm>> -> memref<10000x128xf32, #tpu.memory_space<hbm>>
          tpu.enqueue_indirect_dma source(%dma_start3A_123 : memref<10000x128xf32, #tpu.memory_space<hbm>>) target(%arg12 : memref<128x128xf32, #tpu.memory_space<vmem>>) offsets(%dma_start3A_120 : memref<128xi32, #tpu.memory_space<vmem>>) semaphore(%arg14 : memref<!tpu.dma_semaphore, #tpu.memory_space<semaphore_mem>>)
        } else {
        }
        %mul3A_45 = arith.constant 128 : i32
        %mul3A_46 = arith.muli %add3A_37, %mul3A_45 : i32
        %dma_wait3A_47 = tpu.memref_slice %arg7[%mul3A_46] : memref<6144xi32, #tpu.memory_space<vmem>> -> memref<128xi32, #tpu.memory_space<vmem>>
        %dma_wait3A_48 = arith.constant 0 : i32
        %dma_wait3A_49 = arith.constant 0 : i32
        %dma_wait3A_50 = tpu.memref_slice %arg2[%dma_wait3A_48, %dma_wait3A_49] : memref<10000x128xf32, #tpu.memory_space<hbm>> -> memref<10000x128xf32, #tpu.memory_space<hbm>>
        tpu.wait_indirect_dma semaphore(%arg13 : memref<!tpu.dma_semaphore, #tpu.memory_space<semaphore_mem>>) src(%dma_wait3A_50 : memref<10000x128xf32, #tpu.memory_space<hbm>>) dst(%arg9 : memref<128x128xf32, #tpu.memory_space<vmem>>)
        %mul3A_51 = arith.constant 128 : i32
        %mul3A_52 = arith.muli %add3A_37, %mul3A_51 : i32
        %dma_wait3A_53 = tpu.memref_slice %arg8[%mul3A_52] : memref<6144xi32, #tpu.memory_space<vmem>> -> memref<128xi32, #tpu.memory_space<vmem>>
        %dma_wait3A_54 = arith.constant 0 : i32
        %dma_wait3A_55 = arith.constant 0 : i32
        %dma_wait3A_56 = tpu.memref_slice %arg3[%dma_wait3A_54, %dma_wait3A_55] : memref<10000x128xf32, #tpu.memory_space<hbm>> -> memref<10000x128xf32, #tpu.memory_space<hbm>>
        tpu.wait_indirect_dma semaphore(%arg13 : memref<!tpu.dma_semaphore, #tpu.memory_space<semaphore_mem>>) src(%dma_wait3A_56 : memref<10000x128xf32, #tpu.memory_space<hbm>>) dst(%arg11 : memref<128x128xf32, #tpu.memory_space<vmem>>)
        %scan3A_57 = arith.constant 0 : i32
        %scan3A_58 = arith.constant 128 : i32
        %scan3A_59 = arith.addi %scan3A_57, %scan3A_58 : i32
        %scan3A_60 = arith.constant 4 : i32
        scf.for %scan3A_104 = %scan3A_57 to %scan3A_59 step %scan3A_60  : i32 {
          %mul3A_105 = arith.constant 1 : i32
          %mul3A_106 = arith.muli %scan3A_104, %mul3A_105 : i32
          %add3A_107 = arith.constant 0 : i32
          %add3A_108 = arith.addi %add3A_107, %mul3A_106 : i32
          %get3A = arith.index_cast %add3A_108 : i32 to index
          %get3A_109 = arith.constant 0 : index
          %get3A_110 = tpu.vector_load %arg9[%get3A, %get3A_109] {strides = array<i32>} : memref<128x128xf32, #tpu.memory_space<vmem>>, vector<1x16xf32>,
          %get3A_111 = vector.shape_cast %get3A_110 : vector<1x16xf32> to vector<16xf32>
          %get3A_112 = arith.index_cast %add3A_108 : i32 to index
          %get3A_113 = arith.constant 0 : index
          %get3A_114 = tpu.vector_load %arg11[%get3A_112, %get3A_113] {strides = array<i32>} : memref<128x128xf32, #tpu.memory_space<vmem>>, vector<1x16xf32>,
          %get3A_115 = vector.shape_cast %get3A_114 : vector<1x16xf32> to vector<16xf32>
          %add3A_116 = arith.addf %get3A_111, %get3A_115 : vector<16xf32>
          %swap3A = arith.index_cast %add3A_108 : i32 to index
          %swap3A_117 = arith.constant 0 : index
          %swap3A_118 = tpu.vector_load %arg9[%swap3A, %swap3A_117] {strides = array<i32>} : memref<128x128xf32, #tpu.memory_space<vmem>>, vector<1x16xf32>,
          %swap3A_119 = vector.shape_cast %swap3A_118 : vector<1x16xf32> to vector<16xf32>
          %swap3A_120 = vector.shape_cast %add3A_116 : vector<16xf32> to vector<1x16xf32>
          tpu.vector_store %arg9[%swap3A, %swap3A_117], %swap3A_120 {strides = array<i32>} : memref<128x128xf32, #tpu.memory_space<vmem>>, vector<1x16xf32>,
          %get3A_121 = arith.index_cast %add3A_108 : i32 to index
          %get3A_122 = arith.constant 16 : index
          %get3A_123 = tpu.vector_load %arg9[%get3A_121, %get3A_122] {strides = array<i32>} : memref<128x128xf32, #tpu.memory_space<vmem>>, vector<1x16xf32>,
          %get3A_124 = vector.shape_cast %get3A_123 : vector<1x16xf32> to vector<16xf32>
          %get3A_125 = arith.index_cast %add3A_108 : i32 to index
          %get3A_126 = arith.constant 16 : index
          %get3A_127 = tpu.vector_load %arg11[%get3A_125, %get3A_126] {strides = array<i32>} : memref<128x128xf32, #tpu.memory_space<vmem>>, vector<1x16xf32>,
          %get3A_128 = vector.shape_cast %get3A_127 : vector<1x16xf32> to vector<16xf32>
          %add3A_129 = arith.addf %get3A_124, %get3A_128 : vector<16xf32>
          %swap3A_130 = arith.index_cast %add3A_108 : i32 to index
          %swap3A_131 = arith.constant 16 : index
          %swap3A_132 = tpu.vector_load %arg9[%swap3A_130, %swap3A_131] {strides = array<i32>} : memref<128x128xf32, #tpu.memory_space<vmem>>, vector<1x16xf32>,
          %swap3A_133 = vector.shape_cast %swap3A_132 : vector<1x16xf32> to vector<16xf32>
          %swap3A_134 = vector.shape_cast %add3A_129 : vector<16xf32> to vector<1x16xf32>
          tpu.vector_store %arg9[%swap3A_130, %swap3A_131], %swap3A_134 {strides = array<i32>} : memref<128x128xf32, #tpu.memory_space<vmem>>, vector<1x16xf32>,
          %get3A_135 = arith.index_cast %add3A_108 : i32 to index
          %get3A_136 = arith.constant 32 : index
          %get3A_137 = tpu.vector_load %arg9[%get3A_135, %get3A_136] {strides = array<i32>} : memref<128x128xf32, #tpu.memory_space<vmem>>, vector<1x16xf32>,
          %get3A_138 = vector.shape_cast %get3A_137 : vector<1x16xf32> to vector<16xf32>
          %get3A_139 = arith.index_cast %add3A_108 : i32 to index
          %get3A_140 = arith.constant 32 : index
          %get3A_141 = tpu.vector_load %arg11[%get3A_139, %get3A_140] {strides = array<i32>} : memref<128x128xf32, #tpu.memory_space<vmem>>, vector<1x16xf32>,
          %get3A_142 = vector.shape_cast %get3A_141 : vector<1x16xf32> to vector<16xf32>
          %add3A_143 = arith.addf %get3A_138, %get3A_142 : vector<16xf32>
          %swap3A_144 = arith.index_cast %add3A_108 : i32 to index
          %swap3A_145 = arith.constant 32 : index
          %swap3A_146 = tpu.vector_load %arg9[%swap3A_144, %swap3A_145] {strides = array<i32>} : memref<128x128xf32, #tpu.memory_space<vmem>>, vector<1x16xf32>,
          %swap3A_147 = vector.shape_cast %swap3A_146 : vector<1x16xf32> to vector<16xf32>
          %swap3A_148 = vector.shape_cast %add3A_143 : vector<16xf32> to vector<1x16xf32>
          tpu.vector_store %arg9[%swap3A_144, %swap3A_145], %swap3A_148 {strides = array<i32>} : memref<128x128xf32, #tpu.memory_space<vmem>>, vector<1x16xf32>,
          %get3A_149 = arith.index_cast %add3A_108 : i32 to index
          %get3A_150 = arith.constant 48 : index
          %get3A_151 = tpu.vector_load %arg9[%get3A_149, %get3A_150] {strides = array<i32>} : memref<128x128xf32, #tpu.memory_space<vmem>>, vector<1x16xf32>,
          %get3A_152 = vector.shape_cast %get3A_151 : vector<1x16xf32> to vector<16xf32>
          %get3A_153 = arith.index_cast %add3A_108 : i32 to index
          %get3A_154 = arith.constant 48 : index
          %get3A_155 = tpu.vector_load %arg11[%get3A_153, %get3A_154] {strides = array<i32>} : memref<128x128xf32, #tpu.memory_space<vmem>>, vector<1x16xf32>,
          %get3A_156 = vector.shape_cast %get3A_155 : vector<1x16xf32> to vector<16xf32>
          %add3A_157 = arith.addf %get3A_152, %get3A_156 : vector<16xf32>
          %swap3A_158 = arith.index_cast %add3A_108 : i32 to index
          %swap3A_159 = arith.constant 48 : index
          %swap3A_160 = tpu.vector_load %arg9[%swap3A_158, %swap3A_159] {strides = array<i32>} : memref<128x128xf32, #tpu.memory_space<vmem>>, vector<1x16xf32>,
          %swap3A_161 = vector.shape_cast %swap3A_160 : vector<1x16xf32> to vector<16xf32>
          %swap3A_162 = vector.shape_cast %add3A_157 : vector<16xf32> to vector<1x16xf32>
          tpu.vector_store %arg9[%swap3A_158, %swap3A_159], %swap3A_162 {strides = array<i32>} : memref<128x128xf32, #tpu.memory_space<vmem>>, vector<1x16xf32>,
          %get3A_163 = arith.index_cast %add3A_108 : i32 to index
          %get3A_164 = arith.constant 64 : index
          %get3A_165 = tpu.vector_load %arg9[%get3A_163, %get3A_164] {strides = array<i32>} : memref<128x128xf32, #tpu.memory_space<vmem>>, vector<1x16xf32>,
          %get3A_166 = vector.shape_cast %get3A_165 : vector<1x16xf32> to vector<16xf32>
          %get3A_167 = arith.index_cast %add3A_108 : i32 to index
          %get3A_168 = arith.constant 64 : index
          %get3A_169 = tpu.vector_load %arg11[%get3A_167, %get3A_168] {strides = array<i32>} : memref<128x128xf32, #tpu.memory_space<vmem>>, vector<1x16xf32>,
          %get3A_170 = vector.shape_cast %get3A_169 : vector<1x16xf32> to vector<16xf32>
          %add3A_171 = arith.addf %get3A_166, %get3A_170 : vector<16xf32>
          %swap3A_172 = arith.index_cast %add3A_108 : i32 to index
          %swap3A_173 = arith.constant 64 : index
          %swap3A_174 = tpu.vector_load %arg9[%swap3A_172, %swap3A_173] {strides = array<i32>} : memref<128x128xf32, #tpu.memory_space<vmem>>, vector<1x16xf32>,
          %swap3A_175 = vector.shape_cast %swap3A_174 : vector<1x16xf32> to vector<16xf32>
          %swap3A_176 = vector.shape_cast %add3A_171 : vector<16xf32> to vector<1x16xf32>
          tpu.vector_store %arg9[%swap3A_172, %swap3A_173], %swap3A_176 {strides = array<i32>} : memref<128x128xf32, #tpu.memory_space<vmem>>, vector<1x16xf32>,
          %get3A_177 = arith.index_cast %add3A_108 : i32 to index
          %get3A_178 = arith.constant 80 : index
          %get3A_179 = tpu.vector_load %arg9[%get3A_177, %get3A_178] {strides = array<i32>} : memref<128x128xf32, #tpu.memory_space<vmem>>, vector<1x16xf32>,
          %get3A_180 = vector.shape_cast %get3A_179 : vector<1x16xf32> to vector<16xf32>
          %get3A_181 = arith.index_cast %add3A_108 : i32 to index
          %get3A_182 = arith.constant 80 : index
          %get3A_183 = tpu.vector_load %arg11[%get3A_181, %get3A_182] {strides = array<i32>} : memref<128x128xf32, #tpu.memory_space<vmem>>, vector<1x16xf32>,
          %get3A_184 = vector.shape_cast %get3A_183 : vector<1x16xf32> to vector<16xf32>
          %add3A_185 = arith.addf %get3A_180, %get3A_184 : vector<16xf32>
          %swap3A_186 = arith.index_cast %add3A_108 : i32 to index
          %swap3A_187 = arith.constant 80 : index
          %swap3A_188 = tpu.vector_load %arg9[%swap3A_186, %swap3A_187] {strides = array<i32>} : memref<128x128xf32, #tpu.memory_space<vmem>>, vector<1x16xf32>,
          %swap3A_189 = vector.shape_cast %swap3A_188 : vector<1x16xf32> to vector<16xf32>
          %swap3A_190 = vector.shape_cast %add3A_185 : vector<16xf32> to vector<1x16xf32>
          tpu.vector_store %arg9[%swap3A_186, %swap3A_187], %swap3A_190 {strides = array<i32>} : memref<128x128xf32, #tpu.memory_space<vmem>>, vector<1x16xf32>,
          %get3A_191 = arith.index_cast %add3A_108 : i32 to index
          %get3A_192 = arith.constant 96 : index
          %get3A_193 = tpu.vector_load %arg9[%get3A_191, %get3A_192] {strides = array<i32>} : memref<128x128xf32, #tpu.memory_space<vmem>>, vector<1x16xf32>,
          %get3A_194 = vector.shape_cast %get3A_193 : vector<1x16xf32> to vector<16xf32>
          %get3A_195 = arith.index_cast %add3A_108 : i32 to index
          %get3A_196 = arith.constant 96 : index
          %get3A_197 = tpu.vector_load %arg11[%get3A_195, %get3A_196] {strides = array<i32>} : memref<128x128xf32, #tpu.memory_space<vmem>>, vector<1x16xf32>,
          %get3A_198 = vector.shape_cast %get3A_197 : vector<1x16xf32> to vector<16xf32>
          %add3A_199 = arith.addf %get3A_194, %get3A_198 : vector<16xf32>
          %swap3A_200 = arith.index_cast %add3A_108 : i32 to index
          %swap3A_201 = arith.constant 96 : index
          %swap3A_202 = tpu.vector_load %arg9[%swap3A_200, %swap3A_201] {strides = array<i32>} : memref<128x128xf32, #tpu.memory_space<vmem>>, vector<1x16xf32>,
          %swap3A_203 = vector.shape_cast %swap3A_202 : vector<1x16xf32> to vector<16xf32>
          %swap3A_204 = vector.shape_cast %add3A_199 : vector<16xf32> to vector<1x16xf32>
          tpu.vector_store %arg9[%swap3A_200, %swap3A_201], %swap3A_204 {strides = array<i32>} : memref<128x128xf32, #tpu.memory_space<vmem>>, vector<1x16xf32>,
          %get3A_205 = arith.index_cast %add3A_108 : i32 to index
          %get3A_206 = arith.constant 112 : index
          %get3A_207 = tpu.vector_load %arg9[%get3A_205, %get3A_206] {strides = array<i32>} : memref<128x128xf32, #tpu.memory_space<vmem>>, vector<1x16xf32>,
          %get3A_208 = vector.shape_cast %get3A_207 : vector<1x16xf32> to vector<16xf32>
          %get3A_209 = arith.index_cast %add3A_108 : i32 to index
          %get3A_210 = arith.constant 112 : index
          %get3A_211 = tpu.vector_load %arg11[%get3A_209, %get3A_210] {strides = array<i32>} : memref<128x128xf32, #tpu.memory_space<vmem>>, vector<1x16xf32>,
          %get3A_212 = vector.shape_cast %get3A_211 : vector<1x16xf32> to vector<16xf32>
          %add3A_213 = arith.addf %get3A_208, %get3A_212 : vector<16xf32>
          %swap3A_214 = arith.index_cast %add3A_108 : i32 to index
          %swap3A_215 = arith.constant 112 : index
          %swap3A_216 = tpu.vector_load %arg9[%swap3A_214, %swap3A_215] {strides = array<i32>} : memref<128x128xf32, #tpu.memory_space<vmem>>, vector<1x16xf32>,
          %swap3A_217 = vector.shape_cast %swap3A_216 : vector<1x16xf32> to vector<16xf32>
          %swap3A_218 = vector.shape_cast %add3A_213 : vector<16xf32> to vector<1x16xf32>
          tpu.vector_store %arg9[%swap3A_214, %swap3A_215], %swap3A_218 {strides = array<i32>} : memref<128x128xf32, #tpu.memory_space<vmem>>, vector<1x16xf32>,
          %scan3A_219 = arith.constant 1 : i32
          %scan3A_220 = arith.addi %scan3A_104, %scan3A_219 : i32
          %mul3A_221 = arith.constant 1 : i32
          %mul3A_222 = arith.muli %scan3A_220, %mul3A_221 : i32
          %add3A_223 = arith.constant 0 : i32
          %add3A_224 = arith.addi %add3A_223, %mul3A_222 : i32
          %get3A_225 = arith.index_cast %add3A_224 : i32 to index
          %get3A_226 = arith.constant 0 : index
          %get3A_227 = tpu.vector_load %arg9[%get3A_225, %get3A_226] {strides = array<i32>} : memref<128x128xf32, #tpu.memory_space<vmem>>, vector<1x16xf32>,
          %get3A_228 = vector.shape_cast %get3A_227 : vector<1x16xf32> to vector<16xf32>
          %get3A_229 = arith.index_cast %add3A_224 : i32 to index
          %get3A_230 = arith.constant 0 : index
          %get3A_231 = tpu.vector_load %arg11[%get3A_229, %get3A_230] {strides = array<i32>} : memref<128x128xf32, #tpu.memory_space<vmem>>, vector<1x16xf32>,
          %get3A_232 = vector.shape_cast %get3A_231 : vector<1x16xf32> to vector<16xf32>
          %add3A_233 = arith.addf %get3A_228, %get3A_232 : vector<16xf32>
          %swap3A_234 = arith.index_cast %add3A_224 : i32 to index
          %swap3A_235 = arith.constant 0 : index
          %swap3A_236 = tpu.vector_load %arg9[%swap3A_234, %swap3A_235] {strides = array<i32>} : memref<128x128xf32, #tpu.memory_space<vmem>>, vector<1x16xf32>,
          %swap3A_237 = vector.shape_cast %swap3A_236 : vector<1x16xf32> to vector<16xf32>
          %swap3A_238 = vector.shape_cast %add3A_233 : vector<16xf32> to vector<1x16xf32>
          tpu.vector_store %arg9[%swap3A_234, %swap3A_235], %swap3A_238 {strides = array<i32>} : memref<128x128xf32, #tpu.memory_space<vmem>>, vector<1x16xf32>,
          %get3A_239 = arith.index_cast %add3A_224 : i32 to index
          %get3A_240 = arith.constant 16 : index
          %get3A_241 = tpu.vector_load %arg9[%get3A_239, %get3A_240] {strides = array<i32>} : memref<128x128xf32, #tpu.memory_space<vmem>>, vector<1x16xf32>,
          %get3A_242 = vector.shape_cast %get3A_241 : vector<1x16xf32> to vector<16xf32>
          %get3A_243 = arith.index_cast %add3A_224 : i32 to index
          %get3A_244 = arith.constant 16 : index
          %get3A_245 = tpu.vector_load %arg11[%get3A_243, %get3A_244] {strides = array<i32>} : memref<128x128xf32, #tpu.memory_space<vmem>>, vector<1x16xf32>,
          %get3A_246 = vector.shape_cast %get3A_245 : vector<1x16xf32> to vector<16xf32>
          %add3A_247 = arith.addf %get3A_242, %get3A_246 : vector<16xf32>
          %swap3A_248 = arith.index_cast %add3A_224 : i32 to index
          %swap3A_249 = arith.constant 16 : index
          %swap3A_250 = tpu.vector_load %arg9[%swap3A_248, %swap3A_249] {strides = array<i32>} : memref<128x128xf32, #tpu.memory_space<vmem>>, vector<1x16xf32>,
          %swap3A_251 = vector.shape_cast %swap3A_250 : vector<1x16xf32> to vector<16xf32>
          %swap3A_252 = vector.shape_cast %add3A_247 : vector<16xf32> to vector<1x16xf32>
          tpu.vector_store %arg9[%swap3A_248, %swap3A_249], %swap3A_252 {strides = array<i32>} : memref<128x128xf32, #tpu.memory_space<vmem>>, vector<1x16xf32>,
          %get3A_253 = arith.index_cast %add3A_224 : i32 to index
          %get3A_254 = arith.constant 32 : index
          %get3A_255 = tpu.vector_load %arg9[%get3A_253, %get3A_254] {strides = array<i32>} : memref<128x128xf32, #tpu.memory_space<vmem>>, vector<1x16xf32>,
          %get3A_256 = vector.shape_cast %get3A_255 : vector<1x16xf32> to vector<16xf32>
          %get3A_257 = arith.index_cast %add3A_224 : i32 to index
          %get3A_258 = arith.constant 32 : index
          %get3A_259 = tpu.vector_load %arg11[%get3A_257, %get3A_258] {strides = array<i32>} : memref<128x128xf32, #tpu.memory_space<vmem>>, vector<1x16xf32>,
          %get3A_260 = vector.shape_cast %get3A_259 : vector<1x16xf32> to vector<16xf32>
          %add3A_261 = arith.addf %get3A_256, %get3A_260 : vector<16xf32>
          %swap3A_262 = arith.index_cast %add3A_224 : i32 to index
          %swap3A_263 = arith.constant 32 : index
          %swap3A_264 = tpu.vector_load %arg9[%swap3A_262, %swap3A_263] {strides = array<i32>} : memref<128x128xf32, #tpu.memory_space<vmem>>, vector<1x16xf32>,
          %swap3A_265 = vector.shape_cast %swap3A_264 : vector<1x16xf32> to vector<16xf32>
          %swap3A_266 = vector.shape_cast %add3A_261 : vector<16xf32> to vector<1x16xf32>
          tpu.vector_store %arg9[%swap3A_262, %swap3A_263], %swap3A_266 {strides = array<i32>} : memref<128x128xf32, #tpu.memory_space<vmem>>, vector<1x16xf32>,
          %get3A_267 = arith.index_cast %add3A_224 : i32 to index
          %get3A_268 = arith.constant 48 : index
          %get3A_269 = tpu.vector_load %arg9[%get3A_267, %get3A_268] {strides = array<i32>} : memref<128x128xf32, #tpu.memory_space<vmem>>, vector<1x16xf32>,
          %get3A_270 = vector.shape_cast %get3A_269 : vector<1x16xf32> to vector<16xf32>
          %get3A_271 = arith.index_cast %add3A_224 : i32 to index
          %get3A_272 = arith.constant 48 : index
          %get3A_273 = tpu.vector_load %arg11[%get3A_271, %get3A_272] {strides = array<i32>} : memref<128x128xf32, #tpu.memory_space<vmem>>, vector<1x16xf32>,
          %get3A_274 = vector.shape_cast %get3A_273 : vector<1x16xf32> to vector<16xf32>
          %add3A_275 = arith.addf %get3A_270, %get3A_274 : vector<16xf32>
          %swap3A_276 = arith.index_cast %add3A_224 : i32 to index
          %swap3A_277 = arith.constant 48 : index
          %swap3A_278 = tpu.vector_load %arg9[%swap3A_276, %swap3A_277] {strides = array<i32>} : memref<128x128xf32, #tpu.memory_space<vmem>>, vector<1x16xf32>,
          %swap3A_279 = vector.shape_cast %swap3A_278 : vector<1x16xf32> to vector<16xf32>
          %swap3A_280 = vector.shape_cast %add3A_275 : vector<16xf32> to vector<1x16xf32>
          tpu.vector_store %arg9[%swap3A_276, %swap3A_277], %swap3A_280 {strides = array<i32>} : memref<128x128xf32, #tpu.memory_space<vmem>>, vector<1x16xf32>,
          %get3A_281 = arith.index_cast %add3A_224 : i32 to index
          %get3A_282 = arith.constant 64 : index
          %get3A_283 = tpu.vector_load %arg9[%get3A_281, %get3A_282] {strides = array<i32>} : memref<128x128xf32, #tpu.memory_space<vmem>>, vector<1x16xf32>,
          %get3A_284 = vector.shape_cast %get3A_283 : vector<1x16xf32> to vector<16xf32>
          %get3A_285 = arith.index_cast %add3A_224 : i32 to index
          %get3A_286 = arith.constant 64 : index
          %get3A_287 = tpu.vector_load %arg11[%get3A_285, %get3A_286] {strides = array<i32>} : memref<128x128xf32, #tpu.memory_space<vmem>>, vector<1x16xf32>,
          %get3A_288 = vector.shape_cast %get3A_287 : vector<1x16xf32> to vector<16xf32>
          %add3A_289 = arith.addf %get3A_284, %get3A_288 : vector<16xf32>
          %swap3A_290 = arith.index_cast %add3A_224 : i32 to index
          %swap3A_291 = arith.constant 64 : index
          %swap3A_292 = tpu.vector_load %arg9[%swap3A_290, %swap3A_291] {strides = array<i32>} : memref<128x128xf32, #tpu.memory_space<vmem>>, vector<1x16xf32>,
          %swap3A_293 = vector.shape_cast %swap3A_292 : vector<1x16xf32> to vector<16xf32>
          %swap3A_294 = vector.shape_cast %add3A_289 : vector<16xf32> to vector<1x16xf32>
          tpu.vector_store %arg9[%swap3A_290, %swap3A_291], %swap3A_294 {strides = array<i32>} : memref<128x128xf32, #tpu.memory_space<vmem>>, vector<1x16xf32>,
          %get3A_295 = arith.index_cast %add3A_224 : i32 to index
          %get3A_296 = arith.constant 80 : index
          %get3A_297 = tpu.vector_load %arg9[%get3A_295, %get3A_296] {strides = array<i32>} : memref<128x128xf32, #tpu.memory_space<vmem>>, vector<1x16xf32>,
          %get3A_298 = vector.shape_cast %get3A_297 : vector<1x16xf32> to vector<16xf32>
          %get3A_299 = arith.index_cast %add3A_224 : i32 to index
          %get3A_300 = arith.constant 80 : index
          %get3A_301 = tpu.vector_load %arg11[%get3A_299, %get3A_300] {strides = array<i32>} : memref<128x128xf32, #tpu.memory_space<vmem>>, vector<1x16xf32>,
          %get3A_302 = vector.shape_cast %get3A_301 : vector<1x16xf32> to vector<16xf32>
          %add3A_303 = arith.addf %get3A_298, %get3A_302 : vector<16xf32>
          %swap3A_304 = arith.index_cast %add3A_224 : i32 to index
          %swap3A_305 = arith.constant 80 : index
          %swap3A_306 = tpu.vector_load %arg9[%swap3A_304, %swap3A_305] {strides = array<i32>} : memref<128x128xf32, #tpu.memory_space<vmem>>, vector<1x16xf32>,
          %swap3A_307 = vector.shape_cast %swap3A_306 : vector<1x16xf32> to vector<16xf32>
          %swap3A_308 = vector.shape_cast %add3A_303 : vector<16xf32> to vector<1x16xf32>
          tpu.vector_store %arg9[%swap3A_304, %swap3A_305], %swap3A_308 {strides = array<i32>} : memref<128x128xf32, #tpu.memory_space<vmem>>, vector<1x16xf32>,
          %get3A_309 = arith.index_cast %add3A_224 : i32 to index
          %get3A_310 = arith.constant 96 : index
          %get3A_311 = tpu.vector_load %arg9[%get3A_309, %get3A_310] {strides = array<i32>} : memref<128x128xf32, #tpu.memory_space<vmem>>, vector<1x16xf32>,
          %get3A_312 = vector.shape_cast %get3A_311 : vector<1x16xf32> to vector<16xf32>
          %get3A_313 = arith.index_cast %add3A_224 : i32 to index
          %get3A_314 = arith.constant 96 : index
          %get3A_315 = tpu.vector_load %arg11[%get3A_313, %get3A_314] {strides = array<i32>} : memref<128x128xf32, #tpu.memory_space<vmem>>, vector<1x16xf32>,
          %get3A_316 = vector.shape_cast %get3A_315 : vector<1x16xf32> to vector<16xf32>
          %add3A_317 = arith.addf %get3A_312, %get3A_316 : vector<16xf32>
          %swap3A_318 = arith.index_cast %add3A_224 : i32 to index
          %swap3A_319 = arith.constant 96 : index
          %swap3A_320 = tpu.vector_load %arg9[%swap3A_318, %swap3A_319] {strides = array<i32>} : memref<128x128xf32, #tpu.memory_space<vmem>>, vector<1x16xf32>,
          %swap3A_321 = vector.shape_cast %swap3A_320 : vector<1x16xf32> to vector<16xf32>
          %swap3A_322 = vector.shape_cast %add3A_317 : vector<16xf32> to vector<1x16xf32>
          tpu.vector_store %arg9[%swap3A_318, %swap3A_319], %swap3A_322 {strides = array<i32>} : memref<128x128xf32, #tpu.memory_space<vmem>>, vector<1x16xf32>,
          %get3A_323 = arith.index_cast %add3A_224 : i32 to index
          %get3A_324 = arith.constant 112 : index
          %get3A_325 = tpu.vector_load %arg9[%get3A_323, %get3A_324] {strides = array<i32>} : memref<128x128xf32, #tpu.memory_space<vmem>>, vector<1x16xf32>,
          %get3A_326 = vector.shape_cast %get3A_325 : vector<1x16xf32> to vector<16xf32>
          %get3A_327 = arith.index_cast %add3A_224 : i32 to index
          %get3A_328 = arith.constant 112 : index
          %get3A_329 = tpu.vector_load %arg11[%get3A_327, %get3A_328] {strides = array<i32>} : memref<128x128xf32, #tpu.memory_space<vmem>>, vector<1x16xf32>,
          %get3A_330 = vector.shape_cast %get3A_329 : vector<1x16xf32> to vector<16xf32>
          %add3A_331 = arith.addf %get3A_326, %get3A_330 : vector<16xf32>
          %swap3A_332 = arith.index_cast %add3A_224 : i32 to index
          %swap3A_333 = arith.constant 112 : index
          %swap3A_334 = tpu.vector_load %arg9[%swap3A_332, %swap3A_333] {strides = array<i32>} : memref<128x128xf32, #tpu.memory_space<vmem>>, vector<1x16xf32>,
          %swap3A_335 = vector.shape_cast %swap3A_334 : vector<1x16xf32> to vector<16xf32>
          %swap3A_336 = vector.shape_cast %add3A_331 : vector<16xf32> to vector<1x16xf32>
          tpu.vector_store %arg9[%swap3A_332, %swap3A_333], %swap3A_336 {strides = array<i32>} : memref<128x128xf32, #tpu.memory_space<vmem>>, vector<1x16xf32>,
          %scan3A_337 = arith.constant 2 : i32
          %scan3A_338 = arith.addi %scan3A_104, %scan3A_337 : i32
          %mul3A_339 = arith.constant 1 : i32
          %mul3A_340 = arith.muli %scan3A_338, %mul3A_339 : i32
          %add3A_341 = arith.constant 0 : i32
          %add3A_342 = arith.addi %add3A_341, %mul3A_340 : i32
          %get3A_343 = arith.index_cast %add3A_342 : i32 to index
          %get3A_344 = arith.constant 0 : index
          %get3A_345 = tpu.vector_load %arg9[%get3A_343, %get3A_344] {strides = array<i32>} : memref<128x128xf32, #tpu.memory_space<vmem>>, vector<1x16xf32>,
          %get3A_346 = vector.shape_cast %get3A_345 : vector<1x16xf32> to vector<16xf32>
          %get3A_347 = arith.index_cast %add3A_342 : i32 to index
          %get3A_348 = arith.constant 0 : index
          %get3A_349 = tpu.vector_load %arg11[%get3A_347, %get3A_348] {strides = array<i32>} : memref<128x128xf32, #tpu.memory_space<vmem>>, vector<1x16xf32>,
          %get3A_350 = vector.shape_cast %get3A_349 : vector<1x16xf32> to vector<16xf32>
          %add3A_351 = arith.addf %get3A_346, %get3A_350 : vector<16xf32>
          %swap3A_352 = arith.index_cast %add3A_342 : i32 to index
          %swap3A_353 = arith.constant 0 : index
          %swap3A_354 = tpu.vector_load %arg9[%swap3A_352, %swap3A_353] {strides = array<i32>} : memref<128x128xf32, #tpu.memory_space<vmem>>, vector<1x16xf32>,
          %swap3A_355 = vector.shape_cast %swap3A_354 : vector<1x16xf32> to vector<16xf32>
          %swap3A_356 = vector.shape_cast %add3A_351 : vector<16xf32> to vector<1x16xf32>
          tpu.vector_store %arg9[%swap3A_352, %swap3A_353], %swap3A_356 {strides = array<i32>} : memref<128x128xf32, #tpu.memory_space<vmem>>, vector<1x16xf32>,
          %get3A_357 = arith.index_cast %add3A_342 : i32 to index
          %get3A_358 = arith.constant 16 : index
          %get3A_359 = tpu.vector_load %arg9[%get3A_357, %get3A_358] {strides = array<i32>} : memref<128x128xf32, #tpu.memory_space<vmem>>, vector<1x16xf32>,
          %get3A_360 = vector.shape_cast %get3A_359 : vector<1x16xf32> to vector<16xf32>
          %get3A_361 = arith.index_cast %add3A_342 : i32 to index
          %get3A_362 = arith.constant 16 : index
          %get3A_363 = tpu.vector_load %arg11[%get3A_361, %get3A_362] {strides = array<i32>} : memref<128x128xf32, #tpu.memory_space<vmem>>, vector<1x16xf32>,
          %get3A_364 = vector.shape_cast %get3A_363 : vector<1x16xf32> to vector<16xf32>
          %add3A_365 = arith.addf %get3A_360, %get3A_364 : vector<16xf32>
          %swap3A_366 = arith.index_cast %add3A_342 : i32 to index
          %swap3A_367 = arith.constant 16 : index
          %swap3A_368 = tpu.vector_load %arg9[%swap3A_366, %swap3A_367] {strides = array<i32>} : memref<128x128xf32, #tpu.memory_space<vmem>>, vector<1x16xf32>,
          %swap3A_369 = vector.shape_cast %swap3A_368 : vector<1x16xf32> to vector<16xf32>
          %swap3A_370 = vector.shape_cast %add3A_365 : vector<16xf32> to vector<1x16xf32>
          tpu.vector_store %arg9[%swap3A_366, %swap3A_367], %swap3A_370 {strides = array<i32>} : memref<128x128xf32, #tpu.memory_space<vmem>>, vector<1x16xf32>,
          %get3A_371 = arith.index_cast %add3A_342 : i32 to index
          %get3A_372 = arith.constant 32 : index
          %get3A_373 = tpu.vector_load %arg9[%get3A_371, %get3A_372] {strides = array<i32>} : memref<128x128xf32, #tpu.memory_space<vmem>>, vector<1x16xf32>,
          %get3A_374 = vector.shape_cast %get3A_373 : vector<1x16xf32> to vector<16xf32>
          %get3A_375 = arith.index_cast %add3A_342 : i32 to index
          %get3A_376 = arith.constant 32 : index
          %get3A_377 = tpu.vector_load %arg11[%get3A_375, %get3A_376] {strides = array<i32>} : memref<128x128xf32, #tpu.memory_space<vmem>>, vector<1x16xf32>,
          %get3A_378 = vector.shape_cast %get3A_377 : vector<1x16xf32> to vector<16xf32>
          %add3A_379 = arith.addf %get3A_374, %get3A_378 : vector<16xf32>
          %swap3A_380 = arith.index_cast %add3A_342 : i32 to index
          %swap3A_381 = arith.constant 32 : index
          %swap3A_382 = tpu.vector_load %arg9[%swap3A_380, %swap3A_381] {strides = array<i32>} : memref<128x128xf32, #tpu.memory_space<vmem>>, vector<1x16xf32>,
          %swap3A_383 = vector.shape_cast %swap3A_382 : vector<1x16xf32> to vector<16xf32>
          %swap3A_384 = vector.shape_cast %add3A_379 : vector<16xf32> to vector<1x16xf32>
          tpu.vector_store %arg9[%swap3A_380, %swap3A_381], %swap3A_384 {strides = array<i32>} : memref<128x128xf32, #tpu.memory_space<vmem>>, vector<1x16xf32>,
          %get3A_385 = arith.index_cast %add3A_342 : i32 to index
          %get3A_386 = arith.constant 48 : index
          %get3A_387 = tpu.vector_load %arg9[%get3A_385, %get3A_386] {strides = array<i32>} : memref<128x128xf32, #tpu.memory_space<vmem>>, vector<1x16xf32>,
          %get3A_388 = vector.shape_cast %get3A_387 : vector<1x16xf32> to vector<16xf32>
          %get3A_389 = arith.index_cast %add3A_342 : i32 to index
          %get3A_390 = arith.constant 48 : index
          %get3A_391 = tpu.vector_load %arg11[%get3A_389, %get3A_390] {strides = array<i32>} : memref<128x128xf32, #tpu.memory_space<vmem>>, vector<1x16xf32>,
          %get3A_392 = vector.shape_cast %get3A_391 : vector<1x16xf32> to vector<16xf32>
          %add3A_393 = arith.addf %get3A_388, %get3A_392 : vector<16xf32>
          %swap3A_394 = arith.index_cast %add3A_342 : i32 to index
          %swap3A_395 = arith.constant 48 : index
          %swap3A_396 = tpu.vector_load %arg9[%swap3A_394, %swap3A_395] {strides = array<i32>} : memref<128x128xf32, #tpu.memory_space<vmem>>, vector<1x16xf32>,
          %swap3A_397 = vector.shape_cast %swap3A_396 : vector<1x16xf32> to vector<16xf32>
          %swap3A_398 = vector.shape_cast %add3A_393 : vector<16xf32> to vector<1x16xf32>
          tpu.vector_store %arg9[%swap3A_394, %swap3A_395], %swap3A_398 {strides = array<i32>} : memref<128x128xf32, #tpu.memory_space<vmem>>, vector<1x16xf32>,
          %get3A_399 = arith.index_cast %add3A_342 : i32 to index
          %get3A_400 = arith.constant 64 : index
          %get3A_401 = tpu.vector_load %arg9[%get3A_399, %get3A_400] {strides = array<i32>} : memref<128x128xf32, #tpu.memory_space<vmem>>, vector<1x16xf32>,
          %get3A_402 = vector.shape_cast %get3A_401 : vector<1x16xf32> to vector<16xf32>
          %get3A_403 = arith.index_cast %add3A_342 : i32 to index
          %get3A_404 = arith.constant 64 : index
          %get3A_405 = tpu.vector_load %arg11[%get3A_403, %get3A_404] {strides = array<i32>} : memref<128x128xf32, #tpu.memory_space<vmem>>, vector<1x16xf32>,
          %get3A_406 = vector.shape_cast %get3A_405 : vector<1x16xf32> to vector<16xf32>
          %add3A_407 = arith.addf %get3A_402, %get3A_406 : vector<16xf32>
          %swap3A_408 = arith.index_cast %add3A_342 : i32 to index
          %swap3A_409 = arith.constant 64 : index
          %swap3A_410 = tpu.vector_load %arg9[%swap3A_408, %swap3A_409] {strides = array<i32>} : memref<128x128xf32, #tpu.memory_space<vmem>>, vector<1x16xf32>,
          %swap3A_411 = vector.shape_cast %swap3A_410 : vector<1x16xf32> to vector<16xf32>
          %swap3A_412 = vector.shape_cast %add3A_407 : vector<16xf32> to vector<1x16xf32>
          tpu.vector_store %arg9[%swap3A_408, %swap3A_409], %swap3A_412 {strides = array<i32>} : memref<128x128xf32, #tpu.memory_space<vmem>>, vector<1x16xf32>,
          %get3A_413 = arith.index_cast %add3A_342 : i32 to index
          %get3A_414 = arith.constant 80 : index
          %get3A_415 = tpu.vector_load %arg9[%get3A_413, %get3A_414] {strides = array<i32>} : memref<128x128xf32, #tpu.memory_space<vmem>>, vector<1x16xf32>,
          %get3A_416 = vector.shape_cast %get3A_415 : vector<1x16xf32> to vector<16xf32>
          %get3A_417 = arith.index_cast %add3A_342 : i32 to index
          %get3A_418 = arith.constant 80 : index
          %get3A_419 = tpu.vector_load %arg11[%get3A_417, %get3A_418] {strides = array<i32>} : memref<128x128xf32, #tpu.memory_space<vmem>>, vector<1x16xf32>,
          %get3A_420 = vector.shape_cast %get3A_419 : vector<1x16xf32> to vector<16xf32>
          %add3A_421 = arith.addf %get3A_416, %get3A_420 : vector<16xf32>
          %swap3A_422 = arith.index_cast %add3A_342 : i32 to index
          %swap3A_423 = arith.constant 80 : index
          %swap3A_424 = tpu.vector_load %arg9[%swap3A_422, %swap3A_423] {strides = array<i32>} : memref<128x128xf32, #tpu.memory_space<vmem>>, vector<1x16xf32>,
          %swap3A_425 = vector.shape_cast %swap3A_424 : vector<1x16xf32> to vector<16xf32>
          %swap3A_426 = vector.shape_cast %add3A_421 : vector<16xf32> to vector<1x16xf32>
          tpu.vector_store %arg9[%swap3A_422, %swap3A_423], %swap3A_426 {strides = array<i32>} : memref<128x128xf32, #tpu.memory_space<vmem>>, vector<1x16xf32>,
          %get3A_427 = arith.index_cast %add3A_342 : i32 to index
          %get3A_428 = arith.constant 96 : index
          %get3A_429 = tpu.vector_load %arg9[%get3A_427, %get3A_428] {strides = array<i32>} : memref<128x128xf32, #tpu.memory_space<vmem>>, vector<1x16xf32>,
          %get3A_430 = vector.shape_cast %get3A_429 : vector<1x16xf32> to vector<16xf32>
          %get3A_431 = arith.index_cast %add3A_342 : i32 to index
          %get3A_432 = arith.constant 96 : index
          %get3A_433 = tpu.vector_load %arg11[%get3A_431, %get3A_432] {strides = array<i32>} : memref<128x128xf32, #tpu.memory_space<vmem>>, vector<1x16xf32>,
          %get3A_434 = vector.shape_cast %get3A_433 : vector<1x16xf32> to vector<16xf32>
          %add3A_435 = arith.addf %get3A_430, %get3A_434 : vector<16xf32>
          %swap3A_436 = arith.index_cast %add3A_342 : i32 to index
          %swap3A_437 = arith.constant 96 : index
          %swap3A_438 = tpu.vector_load %arg9[%swap3A_436, %swap3A_437] {strides = array<i32>} : memref<128x128xf32, #tpu.memory_space<vmem>>, vector<1x16xf32>,
          %swap3A_439 = vector.shape_cast %swap3A_438 : vector<1x16xf32> to vector<16xf32>
          %swap3A_440 = vector.shape_cast %add3A_435 : vector<16xf32> to vector<1x16xf32>
          tpu.vector_store %arg9[%swap3A_436, %swap3A_437], %swap3A_440 {strides = array<i32>} : memref<128x128xf32, #tpu.memory_space<vmem>>, vector<1x16xf32>,
          %get3A_441 = arith.index_cast %add3A_342 : i32 to index
          %get3A_442 = arith.constant 112 : index
          %get3A_443 = tpu.vector_load %arg9[%get3A_441, %get3A_442] {strides = array<i32>} : memref<128x128xf32, #tpu.memory_space<vmem>>, vector<1x16xf32>,
          %get3A_444 = vector.shape_cast %get3A_443 : vector<1x16xf32> to vector<16xf32>
          %get3A_445 = arith.index_cast %add3A_342 : i32 to index
          %get3A_446 = arith.constant 112 : index
          %get3A_447 = tpu.vector_load %arg11[%get3A_445, %get3A_446] {strides = array<i32>} : memref<128x128xf32, #tpu.memory_space<vmem>>, vector<1x16xf32>,
          %get3A_448 = vector.shape_cast %get3A_447 : vector<1x16xf32> to vector<16xf32>
          %add3A_449 = arith.addf %get3A_444, %get3A_448 : vector<16xf32>
          %swap3A_450 = arith.index_cast %add3A_342 : i32 to index
          %swap3A_451 = arith.constant 112 : index
          %swap3A_452 = tpu.vector_load %arg9[%swap3A_450, %swap3A_451] {strides = array<i32>} : memref<128x128xf32, #tpu.memory_space<vmem>>, vector<1x16xf32>,
          %swap3A_453 = vector.shape_cast %swap3A_452 : vector<1x16xf32> to vector<16xf32>
          %swap3A_454 = vector.shape_cast %add3A_449 : vector<16xf32> to vector<1x16xf32>
          tpu.vector_store %arg9[%swap3A_450, %swap3A_451], %swap3A_454 {strides = array<i32>} : memref<128x128xf32, #tpu.memory_space<vmem>>, vector<1x16xf32>,
          %scan3A_455 = arith.constant 3 : i32
          %scan3A_456 = arith.addi %scan3A_104, %scan3A_455 : i32
          %mul3A_457 = arith.constant 1 : i32
          %mul3A_458 = arith.muli %scan3A_456, %mul3A_457 : i32
          %add3A_459 = arith.constant 0 : i32
          %add3A_460 = arith.addi %add3A_459, %mul3A_458 : i32
          %get3A_461 = arith.index_cast %add3A_460 : i32 to index
          %get3A_462 = arith.constant 0 : index
          %get3A_463 = tpu.vector_load %arg9[%get3A_461, %get3A_462] {strides = array<i32>} : memref<128x128xf32, #tpu.memory_space<vmem>>, vector<1x16xf32>,
          %get3A_464 = vector.shape_cast %get3A_463 : vector<1x16xf32> to vector<16xf32>
          %get3A_465 = arith.index_cast %add3A_460 : i32 to index
          %get3A_466 = arith.constant 0 : index
          %get3A_467 = tpu.vector_load %arg11[%get3A_465, %get3A_466] {strides = array<i32>} : memref<128x128xf32, #tpu.memory_space<vmem>>, vector<1x16xf32>,
          %get3A_468 = vector.shape_cast %get3A_467 : vector<1x16xf32> to vector<16xf32>
          %add3A_469 = arith.addf %get3A_464, %get3A_468 : vector<16xf32>
          %swap3A_470 = arith.index_cast %add3A_460 : i32 to index
          %swap3A_471 = arith.constant 0 : index
          %swap3A_472 = tpu.vector_load %arg9[%swap3A_470, %swap3A_471] {strides = array<i32>} : memref<128x128xf32, #tpu.memory_space<vmem>>, vector<1x16xf32>,
          %swap3A_473 = vector.shape_cast %swap3A_472 : vector<1x16xf32> to vector<16xf32>
          %swap3A_474 = vector.shape_cast %add3A_469 : vector<16xf32> to vector<1x16xf32>
          tpu.vector_store %arg9[%swap3A_470, %swap3A_471], %swap3A_474 {strides = array<i32>} : memref<128x128xf32, #tpu.memory_space<vmem>>, vector<1x16xf32>,
          %get3A_475 = arith.index_cast %add3A_460 : i32 to index
          %get3A_476 = arith.constant 16 : index
          %get3A_477 = tpu.vector_load %arg9[%get3A_475, %get3A_476] {strides = array<i32>} : memref<128x128xf32, #tpu.memory_space<vmem>>, vector<1x16xf32>,
          %get3A_478 = vector.shape_cast %get3A_477 : vector<1x16xf32> to vector<16xf32>
          %get3A_479 = arith.index_cast %add3A_460 : i32 to index
          %get3A_480 = arith.constant 16 : index
          %get3A_481 = tpu.vector_load %arg11[%get3A_479, %get3A_480] {strides = array<i32>} : memref<128x128xf32, #tpu.memory_space<vmem>>, vector<1x16xf32>,
          %get3A_482 = vector.shape_cast %get3A_481 : vector<1x16xf32> to vector<16xf32>
          %add3A_483 = arith.addf %get3A_478, %get3A_482 : vector<16xf32>
          %swap3A_484 = arith.index_cast %add3A_460 : i32 to index
          %swap3A_485 = arith.constant 16 : index
          %swap3A_486 = tpu.vector_load %arg9[%swap3A_484, %swap3A_485] {strides = array<i32>} : memref<128x128xf32, #tpu.memory_space<vmem>>, vector<1x16xf32>,
          %swap3A_487 = vector.shape_cast %swap3A_486 : vector<1x16xf32> to vector<16xf32>
          %swap3A_488 = vector.shape_cast %add3A_483 : vector<16xf32> to vector<1x16xf32>
          tpu.vector_store %arg9[%swap3A_484, %swap3A_485], %swap3A_488 {strides = array<i32>} : memref<128x128xf32, #tpu.memory_space<vmem>>, vector<1x16xf32>,
          %get3A_489 = arith.index_cast %add3A_460 : i32 to index
          %get3A_490 = arith.constant 32 : index
          %get3A_491 = tpu.vector_load %arg9[%get3A_489, %get3A_490] {strides = array<i32>} : memref<128x128xf32, #tpu.memory_space<vmem>>, vector<1x16xf32>,
          %get3A_492 = vector.shape_cast %get3A_491 : vector<1x16xf32> to vector<16xf32>
          %get3A_493 = arith.index_cast %add3A_460 : i32 to index
          %get3A_494 = arith.constant 32 : index
          %get3A_495 = tpu.vector_load %arg11[%get3A_493, %get3A_494] {strides = array<i32>} : memref<128x128xf32, #tpu.memory_space<vmem>>, vector<1x16xf32>,
          %get3A_496 = vector.shape_cast %get3A_495 : vector<1x16xf32> to vector<16xf32>
          %add3A_497 = arith.addf %get3A_492, %get3A_496 : vector<16xf32>
          %swap3A_498 = arith.index_cast %add3A_460 : i32 to index
          %swap3A_499 = arith.constant 32 : index
          %swap3A_500 = tpu.vector_load %arg9[%swap3A_498, %swap3A_499] {strides = array<i32>} : memref<128x128xf32, #tpu.memory_space<vmem>>, vector<1x16xf32>,
          %swap3A_501 = vector.shape_cast %swap3A_500 : vector<1x16xf32> to vector<16xf32>
          %swap3A_502 = vector.shape_cast %add3A_497 : vector<16xf32> to vector<1x16xf32>
          tpu.vector_store %arg9[%swap3A_498, %swap3A_499], %swap3A_502 {strides = array<i32>} : memref<128x128xf32, #tpu.memory_space<vmem>>, vector<1x16xf32>,
          %get3A_503 = arith.index_cast %add3A_460 : i32 to index
          %get3A_504 = arith.constant 48 : index
          %get3A_505 = tpu.vector_load %arg9[%get3A_503, %get3A_504] {strides = array<i32>} : memref<128x128xf32, #tpu.memory_space<vmem>>, vector<1x16xf32>,
          %get3A_506 = vector.shape_cast %get3A_505 : vector<1x16xf32> to vector<16xf32>
          %get3A_507 = arith.index_cast %add3A_460 : i32 to index
          %get3A_508 = arith.constant 48 : index
          %get3A_509 = tpu.vector_load %arg11[%get3A_507, %get3A_508] {strides = array<i32>} : memref<128x128xf32, #tpu.memory_space<vmem>>, vector<1x16xf32>,
          %get3A_510 = vector.shape_cast %get3A_509 : vector<1x16xf32> to vector<16xf32>
          %add3A_511 = arith.addf %get3A_506, %get3A_510 : vector<16xf32>
          %swap3A_512 = arith.index_cast %add3A_460 : i32 to index
          %swap3A_513 = arith.constant 48 : index
          %swap3A_514 = tpu.vector_load %arg9[%swap3A_512, %swap3A_513] {strides = array<i32>} : memref<128x128xf32, #tpu.memory_space<vmem>>, vector<1x16xf32>,
          %swap3A_515 = vector.shape_cast %swap3A_514 : vector<1x16xf32> to vector<16xf32>
          %swap3A_516 = vector.shape_cast %add3A_511 : vector<16xf32> to vector<1x16xf32>
          tpu.vector_store %arg9[%swap3A_512, %swap3A_513], %swap3A_516 {strides = array<i32>} : memref<128x128xf32, #tpu.memory_space<vmem>>, vector<1x16xf32>,
          %get3A_517 = arith.index_cast %add3A_460 : i32 to index
          %get3A_518 = arith.constant 64 : index
          %get3A_519 = tpu.vector_load %arg9[%get3A_517, %get3A_518] {strides = array<i32>} : memref<128x128xf32, #tpu.memory_space<vmem>>, vector<1x16xf32>,
          %get3A_520 = vector.shape_cast %get3A_519 : vector<1x16xf32> to vector<16xf32>
          %get3A_521 = arith.index_cast %add3A_460 : i32 to index
          %get3A_522 = arith.constant 64 : index
          %get3A_523 = tpu.vector_load %arg11[%get3A_521, %get3A_522] {strides = array<i32>} : memref<128x128xf32, #tpu.memory_space<vmem>>, vector<1x16xf32>,
          %get3A_524 = vector.shape_cast %get3A_523 : vector<1x16xf32> to vector<16xf32>
          %add3A_525 = arith.addf %get3A_520, %get3A_524 : vector<16xf32>
          %swap3A_526 = arith.index_cast %add3A_460 : i32 to index
          %swap3A_527 = arith.constant 64 : index
          %swap3A_528 = tpu.vector_load %arg9[%swap3A_526, %swap3A_527] {strides = array<i32>} : memref<128x128xf32, #tpu.memory_space<vmem>>, vector<1x16xf32>,
          %swap3A_529 = vector.shape_cast %swap3A_528 : vector<1x16xf32> to vector<16xf32>
          %swap3A_530 = vector.shape_cast %add3A_525 : vector<16xf32> to vector<1x16xf32>
          tpu.vector_store %arg9[%swap3A_526, %swap3A_527], %swap3A_530 {strides = array<i32>} : memref<128x128xf32, #tpu.memory_space<vmem>>, vector<1x16xf32>,
          %get3A_531 = arith.index_cast %add3A_460 : i32 to index
          %get3A_532 = arith.constant 80 : index
          %get3A_533 = tpu.vector_load %arg9[%get3A_531, %get3A_532] {strides = array<i32>} : memref<128x128xf32, #tpu.memory_space<vmem>>, vector<1x16xf32>,
          %get3A_534 = vector.shape_cast %get3A_533 : vector<1x16xf32> to vector<16xf32>
          %get3A_535 = arith.index_cast %add3A_460 : i32 to index
          %get3A_536 = arith.constant 80 : index
          %get3A_537 = tpu.vector_load %arg11[%get3A_535, %get3A_536] {strides = array<i32>} : memref<128x128xf32, #tpu.memory_space<vmem>>, vector<1x16xf32>,
          %get3A_538 = vector.shape_cast %get3A_537 : vector<1x16xf32> to vector<16xf32>
          %add3A_539 = arith.addf %get3A_534, %get3A_538 : vector<16xf32>
          %swap3A_540 = arith.index_cast %add3A_460 : i32 to index
          %swap3A_541 = arith.constant 80 : index
          %swap3A_542 = tpu.vector_load %arg9[%swap3A_540, %swap3A_541] {strides = array<i32>} : memref<128x128xf32, #tpu.memory_space<vmem>>, vector<1x16xf32>,
          %swap3A_543 = vector.shape_cast %swap3A_542 : vector<1x16xf32> to vector<16xf32>
          %swap3A_544 = vector.shape_cast %add3A_539 : vector<16xf32> to vector<1x16xf32>
          tpu.vector_store %arg9[%swap3A_540, %swap3A_541], %swap3A_544 {strides = array<i32>} : memref<128x128xf32, #tpu.memory_space<vmem>>, vector<1x16xf32>,
          %get3A_545 = arith.index_cast %add3A_460 : i32 to index
          %get3A_546 = arith.constant 96 : index
          %get3A_547 = tpu.vector_load %arg9[%get3A_545, %get3A_546] {strides = array<i32>} : memref<128x128xf32, #tpu.memory_space<vmem>>, vector<1x16xf32>,
          %get3A_548 = vector.shape_cast %get3A_547 : vector<1x16xf32> to vector<16xf32>
          %get3A_549 = arith.index_cast %add3A_460 : i32 to index
          %get3A_550 = arith.constant 96 : index
          %get3A_551 = tpu.vector_load %arg11[%get3A_549, %get3A_550] {strides = array<i32>} : memref<128x128xf32, #tpu.memory_space<vmem>>, vector<1x16xf32>,
          %get3A_552 = vector.shape_cast %get3A_551 : vector<1x16xf32> to vector<16xf32>
          %add3A_553 = arith.addf %get3A_548, %get3A_552 : vector<16xf32>
          %swap3A_554 = arith.index_cast %add3A_460 : i32 to index
          %swap3A_555 = arith.constant 96 : index
          %swap3A_556 = tpu.vector_load %arg9[%swap3A_554, %swap3A_555] {strides = array<i32>} : memref<128x128xf32, #tpu.memory_space<vmem>>, vector<1x16xf32>,
          %swap3A_557 = vector.shape_cast %swap3A_556 : vector<1x16xf32> to vector<16xf32>
          %swap3A_558 = vector.shape_cast %add3A_553 : vector<16xf32> to vector<1x16xf32>
          tpu.vector_store %arg9[%swap3A_554, %swap3A_555], %swap3A_558 {strides = array<i32>} : memref<128x128xf32, #tpu.memory_space<vmem>>, vector<1x16xf32>,
          %get3A_559 = arith.index_cast %add3A_460 : i32 to index
          %get3A_560 = arith.constant 112 : index
          %get3A_561 = tpu.vector_load %arg9[%get3A_559, %get3A_560] {strides = array<i32>} : memref<128x128xf32, #tpu.memory_space<vmem>>, vector<1x16xf32>,
          %get3A_562 = vector.shape_cast %get3A_561 : vector<1x16xf32> to vector<16xf32>
          %get3A_563 = arith.index_cast %add3A_460 : i32 to index
          %get3A_564 = arith.constant 112 : index
          %get3A_565 = tpu.vector_load %arg11[%get3A_563, %get3A_564] {strides = array<i32>} : memref<128x128xf32, #tpu.memory_space<vmem>>, vector<1x16xf32>,
          %get3A_566 = vector.shape_cast %get3A_565 : vector<1x16xf32> to vector<16xf32>
          %add3A_567 = arith.addf %get3A_562, %get3A_566 : vector<16xf32>
          %swap3A_568 = arith.index_cast %add3A_460 : i32 to index
          %swap3A_569 = arith.constant 112 : index
          %swap3A_570 = tpu.vector_load %arg9[%swap3A_568, %swap3A_569] {strides = array<i32>} : memref<128x128xf32, #tpu.memory_space<vmem>>, vector<1x16xf32>,
          %swap3A_571 = vector.shape_cast %swap3A_570 : vector<1x16xf32> to vector<16xf32>
          %swap3A_572 = vector.shape_cast %add3A_567 : vector<16xf32> to vector<1x16xf32>
          tpu.vector_store %arg9[%swap3A_568, %swap3A_569], %swap3A_572 {strides = array<i32>} : memref<128x128xf32, #tpu.memory_space<vmem>>, vector<1x16xf32>,
        }
        %scan3A_61 = arith.constant 128 : i32
        %mul3A_62 = arith.constant 128 : i32
        %mul3A_63 = arith.muli %add3A_37, %mul3A_62 : i32
        %add3A_64 = arith.addi %add3A_10, %mul3A_63 : i32
        %dma_start3A_65 = arith.constant 0 : i32
        %dma_start3A_66 = tpu.memref_slice %arg6[%add3A_64, %dma_start3A_65] : memref<163840x128xf32, #tpu.memory_space<hbm>> -> memref<128x128xf32, #tpu.memory_space<hbm>>
        %dma_start3A_67 = arith.constant 0 : i32
        %dma_start3A_68 = tpu.memref_slice %arg6[%add3A_64, %dma_start3A_67] : memref<163840x128xf32, #tpu.memory_space<hbm>> -> memref<128x128xf32, #tpu.memory_space<hbm>>
        tpu.enqueue_dma source(%arg9 : memref<128x128xf32, #tpu.memory_space<vmem>>) target(%dma_start3A_68 : memref<128x128xf32, #tpu.memory_space<hbm>>) target_semaphore(%arg15 : memref<!tpu.dma_semaphore, #tpu.memory_space<semaphore_mem>>)
        %add3A_69 = arith.constant 1 : i32
        %add3A_70 = arith.addi %add3A_35, %add3A_69 : i32
        %add3A_71 = arith.constant 2 : i32
        %add3A_72 = arith.addi %add3A_70, %add3A_71 : i32
        %sub3A_73 = arith.constant 1 : i32
        %sub3A_74 = arith.subi %add3A_72, %sub3A_73 : i32
        %lt3A_75 = arith.constant 32 : i32
        %lt3A_76 = arith.cmpi slt, %sub3A_74, %lt3A_75 : i32
        %convert_element_type3A_77 = arith.extui %lt3A_76 : i1 to i32
        %cond3A_78 = arith.constant 0 : i32
        %cond3A_79 = arith.cmpi ne, %convert_element_type3A_77, %cond3A_78 : i32
        scf.if %cond3A_79 {
          %ge3A = arith.constant 1 : i32
          %ge3A_104 = arith.cmpi sge, %add3A_70, %ge3A : i32
          %convert_element_type3A_105 = arith.extui %ge3A_104 : i1 to i32
          %cond3A_106 = arith.constant 0 : i32
          %cond3A_107 = arith.cmpi ne, %convert_element_type3A_105, %cond3A_106 : i32
          scf.if %cond3A_107 {
            %dma_wait3A_124 = arith.constant 0 : i32
            %dma_wait3A_125 = tpu.memref_slice %arg6[%add3A_10, %dma_wait3A_124] : memref<163840x128xf32, #tpu.memory_space<hbm>> -> memref<128x128xf32, #tpu.memory_space<hbm>>
            %dma_wait3A_126 = arith.constant 0 : i32
            %dma_wait3A_127 = tpu.memref_slice %arg6[%add3A_10, %dma_wait3A_126] : memref<163840x128xf32, #tpu.memory_space<hbm>> -> memref<128x128xf32, #tpu.memory_space<hbm>>
            tpu.wait_dma2 semaphore(%arg15 : memref<!tpu.dma_semaphore, #tpu.memory_space<semaphore_mem>>) src(%arg9 : memref<128x128xf32, #tpu.memory_space<vmem>>) dst(%dma_wait3A_127 : memref<128x128xf32, #tpu.memory_space<hbm>>)
          } else {
          }
          %add3A_108 = arith.constant 2 : i32
          %add3A_109 = arith.addi %add3A_70, %add3A_108 : i32
          %sub3A_110 = arith.constant 1 : i32
          %sub3A_111 = arith.subi %add3A_109, %sub3A_110 : i32
          %mul3A_112 = arith.constant 128 : i32
          %mul3A_113 = arith.muli %sub3A_111, %mul3A_112 : i32
          %dma_start3A_114 = tpu.memref_slice %arg7[%mul3A_113] : memref<6144xi32, #tpu.memory_space<vmem>> -> memref<128xi32, #tpu.memory_space<vmem>>
          %dma_start3A_115 = arith.constant 0 : i32
          %dma_start3A_116 = arith.constant 0 : i32
          %dma_start3A_117 = tpu.memref_slice %arg2[%dma_start3A_115, %dma_start3A_116] : memref<10000x128xf32, #tpu.memory_space<hbm>> -> memref<10000x128xf32, #tpu.memory_space<hbm>>
          tpu.enqueue_indirect_dma source(%dma_start3A_117 : memref<10000x128xf32, #tpu.memory_space<hbm>>) target(%arg9 : memref<128x128xf32, #tpu.memory_space<vmem>>) offsets(%dma_start3A_114 : memref<128xi32, #tpu.memory_space<vmem>>) semaphore(%arg13 : memref<!tpu.dma_semaphore, #tpu.memory_space<semaphore_mem>>)
          %mul3A_118 = arith.constant 128 : i32
          %mul3A_119 = arith.muli %sub3A_111, %mul3A_118 : i32
          %dma_start3A_120 = tpu.memref_slice %arg8[%mul3A_119] : memref<6144xi32, #tpu.memory_space<vmem>> -> memref<128xi32, #tpu.memory_space<vmem>>
          %dma_start3A_121 = arith.constant 0 : i32
          %dma_start3A_122 = arith.constant 0 : i32
          %dma_start3A_123 = tpu.memref_slice %arg3[%dma_start3A_121, %dma_start3A_122] : memref<10000x128xf32, #tpu.memory_space<hbm>> -> memref<10000x128xf32, #tpu.memory_space<hbm>>
          tpu.enqueue_indirect_dma source(%dma_start3A_123 : memref<10000x128xf32, #tpu.memory_space<hbm>>) target(%arg11 : memref<128x128xf32, #tpu.memory_space<vmem>>) offsets(%dma_start3A_120 : memref<128xi32, #tpu.memory_space<vmem>>) semaphore(%arg13 : memref<!tpu.dma_semaphore, #tpu.memory_space<semaphore_mem>>)
        } else {
        }
        %mul3A_80 = arith.constant 128 : i32
        %mul3A_81 = arith.muli %add3A_70, %mul3A_80 : i32
        %dma_wait3A_82 = tpu.memref_slice %arg7[%mul3A_81] : memref<6144xi32, #tpu.memory_space<vmem>> -> memref<128xi32, #tpu.memory_space<vmem>>
        %dma_wait3A_83 = arith.constant 0 : i32
        %dma_wait3A_84 = arith.constant 0 : i32
        %dma_wait3A_85 = tpu.memref_slice %arg2[%dma_wait3A_83, %dma_wait3A_84] : memref<10000x128xf32, #tpu.memory_space<hbm>> -> memref<10000x128xf32, #tpu.memory_space<hbm>>
        tpu.wait_indirect_dma semaphore(%arg14 : memref<!tpu.dma_semaphore, #tpu.memory_space<semaphore_mem>>) src(%dma_wait3A_85 : memref<10000x128xf32, #tpu.memory_space<hbm>>) dst(%arg10 : memref<128x128xf32, #tpu.memory_space<vmem>>)
        %mul3A_86 = arith.constant 128 : i32
        %mul3A_87 = arith.muli %add3A_70, %mul3A_86 : i32
        %dma_wait3A_88 = tpu.memref_slice %arg8[%mul3A_87] : memref<6144xi32, #tpu.memory_space<vmem>> -> memref<128xi32, #tpu.memory_space<vmem>>
        %dma_wait3A_89 = arith.constant 0 : i32
        %dma_wait3A_90 = arith.constant 0 : i32
        %dma_wait3A_91 = tpu.memref_slice %arg3[%dma_wait3A_89, %dma_wait3A_90] : memref<10000x128xf32, #tpu.memory_space<hbm>> -> memref<10000x128xf32, #tpu.memory_space<hbm>>
        tpu.wait_indirect_dma semaphore(%arg14 : memref<!tpu.dma_semaphore, #tpu.memory_space<semaphore_mem>>) src(%dma_wait3A_91 : memref<10000x128xf32, #tpu.memory_space<hbm>>) dst(%arg12 : memref<128x128xf32, #tpu.memory_space<vmem>>)
        %scan3A_92 = arith.constant 0 : i32
        %scan3A_93 = arith.constant 128 : i32
        %scan3A_94 = arith.addi %scan3A_92, %scan3A_93 : i32
        %scan3A_95 = arith.constant 4 : i32
        scf.for %scan3A_104 = %scan3A_92 to %scan3A_94 step %scan3A_95  : i32 {
          %mul3A_105 = arith.constant 1 : i32
          %mul3A_106 = arith.muli %scan3A_104, %mul3A_105 : i32
          %add3A_107 = arith.constant 0 : i32
          %add3A_108 = arith.addi %add3A_107, %mul3A_106 : i32
          %get3A = arith.index_cast %add3A_108 : i32 to index
          %get3A_109 = arith.constant 0 : index
          %get3A_110 = tpu.vector_load %arg10[%get3A, %get3A_109] {strides = array<i32>} : memref<128x128xf32, #tpu.memory_space<vmem>>, vector<1x16xf32>,
          %get3A_111 = vector.shape_cast %get3A_110 : vector<1x16xf32> to vector<16xf32>
          %get3A_112 = arith.index_cast %add3A_108 : i32 to index
          %get3A_113 = arith.constant 0 : index
          %get3A_114 = tpu.vector_load %arg12[%get3A_112, %get3A_113] {strides = array<i32>} : memref<128x128xf32, #tpu.memory_space<vmem>>, vector<1x16xf32>,
          %get3A_115 = vector.shape_cast %get3A_114 : vector<1x16xf32> to vector<16xf32>
          %add3A_116 = arith.addf %get3A_111, %get3A_115 : vector<16xf32>
          %swap3A = arith.index_cast %add3A_108 : i32 to index
          %swap3A_117 = arith.constant 0 : index
          %swap3A_118 = tpu.vector_load %arg10[%swap3A, %swap3A_117] {strides = array<i32>} : memref<128x128xf32, #tpu.memory_space<vmem>>, vector<1x16xf32>,
          %swap3A_119 = vector.shape_cast %swap3A_118 : vector<1x16xf32> to vector<16xf32>
          %swap3A_120 = vector.shape_cast %add3A_116 : vector<16xf32> to vector<1x16xf32>
          tpu.vector_store %arg10[%swap3A, %swap3A_117], %swap3A_120 {strides = array<i32>} : memref<128x128xf32, #tpu.memory_space<vmem>>, vector<1x16xf32>,
          %get3A_121 = arith.index_cast %add3A_108 : i32 to index
          %get3A_122 = arith.constant 16 : index
          %get3A_123 = tpu.vector_load %arg10[%get3A_121, %get3A_122] {strides = array<i32>} : memref<128x128xf32, #tpu.memory_space<vmem>>, vector<1x16xf32>,
          %get3A_124 = vector.shape_cast %get3A_123 : vector<1x16xf32> to vector<16xf32>
          %get3A_125 = arith.index_cast %add3A_108 : i32 to index
          %get3A_126 = arith.constant 16 : index
          %get3A_127 = tpu.vector_load %arg12[%get3A_125, %get3A_126] {strides = array<i32>} : memref<128x128xf32, #tpu.memory_space<vmem>>, vector<1x16xf32>,
          %get3A_128 = vector.shape_cast %get3A_127 : vector<1x16xf32> to vector<16xf32>
          %add3A_129 = arith.addf %get3A_124, %get3A_128 : vector<16xf32>
          %swap3A_130 = arith.index_cast %add3A_108 : i32 to index
          %swap3A_131 = arith.constant 16 : index
          %swap3A_132 = tpu.vector_load %arg10[%swap3A_130, %swap3A_131] {strides = array<i32>} : memref<128x128xf32, #tpu.memory_space<vmem>>, vector<1x16xf32>,
          %swap3A_133 = vector.shape_cast %swap3A_132 : vector<1x16xf32> to vector<16xf32>
          %swap3A_134 = vector.shape_cast %add3A_129 : vector<16xf32> to vector<1x16xf32>
          tpu.vector_store %arg10[%swap3A_130, %swap3A_131], %swap3A_134 {strides = array<i32>} : memref<128x128xf32, #tpu.memory_space<vmem>>, vector<1x16xf32>,
          %get3A_135 = arith.index_cast %add3A_108 : i32 to index
          %get3A_136 = arith.constant 32 : index
          %get3A_137 = tpu.vector_load %arg10[%get3A_135, %get3A_136] {strides = array<i32>} : memref<128x128xf32, #tpu.memory_space<vmem>>, vector<1x16xf32>,
          %get3A_138 = vector.shape_cast %get3A_137 : vector<1x16xf32> to vector<16xf32>
          %get3A_139 = arith.index_cast %add3A_108 : i32 to index
          %get3A_140 = arith.constant 32 : index
          %get3A_141 = tpu.vector_load %arg12[%get3A_139, %get3A_140] {strides = array<i32>} : memref<128x128xf32, #tpu.memory_space<vmem>>, vector<1x16xf32>,
          %get3A_142 = vector.shape_cast %get3A_141 : vector<1x16xf32> to vector<16xf32>
          %add3A_143 = arith.addf %get3A_138, %get3A_142 : vector<16xf32>
          %swap3A_144 = arith.index_cast %add3A_108 : i32 to index
          %swap3A_145 = arith.constant 32 : index
          %swap3A_146 = tpu.vector_load %arg10[%swap3A_144, %swap3A_145] {strides = array<i32>} : memref<128x128xf32, #tpu.memory_space<vmem>>, vector<1x16xf32>,
          %swap3A_147 = vector.shape_cast %swap3A_146 : vector<1x16xf32> to vector<16xf32>
          %swap3A_148 = vector.shape_cast %add3A_143 : vector<16xf32> to vector<1x16xf32>
          tpu.vector_store %arg10[%swap3A_144, %swap3A_145], %swap3A_148 {strides = array<i32>} : memref<128x128xf32, #tpu.memory_space<vmem>>, vector<1x16xf32>,
          %get3A_149 = arith.index_cast %add3A_108 : i32 to index
          %get3A_150 = arith.constant 48 : index
          %get3A_151 = tpu.vector_load %arg10[%get3A_149, %get3A_150] {strides = array<i32>} : memref<128x128xf32, #tpu.memory_space<vmem>>, vector<1x16xf32>,
          %get3A_152 = vector.shape_cast %get3A_151 : vector<1x16xf32> to vector<16xf32>
          %get3A_153 = arith.index_cast %add3A_108 : i32 to index
          %get3A_154 = arith.constant 48 : index
          %get3A_155 = tpu.vector_load %arg12[%get3A_153, %get3A_154] {strides = array<i32>} : memref<128x128xf32, #tpu.memory_space<vmem>>, vector<1x16xf32>,
          %get3A_156 = vector.shape_cast %get3A_155 : vector<1x16xf32> to vector<16xf32>
          %add3A_157 = arith.addf %get3A_152, %get3A_156 : vector<16xf32>
          %swap3A_158 = arith.index_cast %add3A_108 : i32 to index
          %swap3A_159 = arith.constant 48 : index
          %swap3A_160 = tpu.vector_load %arg10[%swap3A_158, %swap3A_159] {strides = array<i32>} : memref<128x128xf32, #tpu.memory_space<vmem>>, vector<1x16xf32>,
          %swap3A_161 = vector.shape_cast %swap3A_160 : vector<1x16xf32> to vector<16xf32>
          %swap3A_162 = vector.shape_cast %add3A_157 : vector<16xf32> to vector<1x16xf32>
          tpu.vector_store %arg10[%swap3A_158, %swap3A_159], %swap3A_162 {strides = array<i32>} : memref<128x128xf32, #tpu.memory_space<vmem>>, vector<1x16xf32>,
          %get3A_163 = arith.index_cast %add3A_108 : i32 to index
          %get3A_164 = arith.constant 64 : index
          %get3A_165 = tpu.vector_load %arg10[%get3A_163, %get3A_164] {strides = array<i32>} : memref<128x128xf32, #tpu.memory_space<vmem>>, vector<1x16xf32>,
          %get3A_166 = vector.shape_cast %get3A_165 : vector<1x16xf32> to vector<16xf32>
          %get3A_167 = arith.index_cast %add3A_108 : i32 to index
          %get3A_168 = arith.constant 64 : index
          %get3A_169 = tpu.vector_load %arg12[%get3A_167, %get3A_168] {strides = array<i32>} : memref<128x128xf32, #tpu.memory_space<vmem>>, vector<1x16xf32>,
          %get3A_170 = vector.shape_cast %get3A_169 : vector<1x16xf32> to vector<16xf32>
          %add3A_171 = arith.addf %get3A_166, %get3A_170 : vector<16xf32>
          %swap3A_172 = arith.index_cast %add3A_108 : i32 to index
          %swap3A_173 = arith.constant 64 : index
          %swap3A_174 = tpu.vector_load %arg10[%swap3A_172, %swap3A_173] {strides = array<i32>} : memref<128x128xf32, #tpu.memory_space<vmem>>, vector<1x16xf32>,
          %swap3A_175 = vector.shape_cast %swap3A_174 : vector<1x16xf32> to vector<16xf32>
          %swap3A_176 = vector.shape_cast %add3A_171 : vector<16xf32> to vector<1x16xf32>
          tpu.vector_store %arg10[%swap3A_172, %swap3A_173], %swap3A_176 {strides = array<i32>} : memref<128x128xf32, #tpu.memory_space<vmem>>, vector<1x16xf32>,
          %get3A_177 = arith.index_cast %add3A_108 : i32 to index
          %get3A_178 = arith.constant 80 : index
          %get3A_179 = tpu.vector_load %arg10[%get3A_177, %get3A_178] {strides = array<i32>} : memref<128x128xf32, #tpu.memory_space<vmem>>, vector<1x16xf32>,
          %get3A_180 = vector.shape_cast %get3A_179 : vector<1x16xf32> to vector<16xf32>
          %get3A_181 = arith.index_cast %add3A_108 : i32 to index
          %get3A_182 = arith.constant 80 : index
          %get3A_183 = tpu.vector_load %arg12[%get3A_181, %get3A_182] {strides = array<i32>} : memref<128x128xf32, #tpu.memory_space<vmem>>, vector<1x16xf32>,
          %get3A_184 = vector.shape_cast %get3A_183 : vector<1x16xf32> to vector<16xf32>
          %add3A_185 = arith.addf %get3A_180, %get3A_184 : vector<16xf32>
          %swap3A_186 = arith.index_cast %add3A_108 : i32 to index
          %swap3A_187 = arith.constant 80 : index
          %swap3A_188 = tpu.vector_load %arg10[%swap3A_186, %swap3A_187] {strides = array<i32>} : memref<128x128xf32, #tpu.memory_space<vmem>>, vector<1x16xf32>,
          %swap3A_189 = vector.shape_cast %swap3A_188 : vector<1x16xf32> to vector<16xf32>
          %swap3A_190 = vector.shape_cast %add3A_185 : vector<16xf32> to vector<1x16xf32>
          tpu.vector_store %arg10[%swap3A_186, %swap3A_187], %swap3A_190 {strides = array<i32>} : memref<128x128xf32, #tpu.memory_space<vmem>>, vector<1x16xf32>,
          %get3A_191 = arith.index_cast %add3A_108 : i32 to index
          %get3A_192 = arith.constant 96 : index
          %get3A_193 = tpu.vector_load %arg10[%get3A_191, %get3A_192] {strides = array<i32>} : memref<128x128xf32, #tpu.memory_space<vmem>>, vector<1x16xf32>,
          %get3A_194 = vector.shape_cast %get3A_193 : vector<1x16xf32> to vector<16xf32>
          %get3A_195 = arith.index_cast %add3A_108 : i32 to index
          %get3A_196 = arith.constant 96 : index
          %get3A_197 = tpu.vector_load %arg12[%get3A_195, %get3A_196] {strides = array<i32>} : memref<128x128xf32, #tpu.memory_space<vmem>>, vector<1x16xf32>,
          %get3A_198 = vector.shape_cast %get3A_197 : vector<1x16xf32> to vector<16xf32>
          %add3A_199 = arith.addf %get3A_194, %get3A_198 : vector<16xf32>
          %swap3A_200 = arith.index_cast %add3A_108 : i32 to index
          %swap3A_201 = arith.constant 96 : index
          %swap3A_202 = tpu.vector_load %arg10[%swap3A_200, %swap3A_201] {strides = array<i32>} : memref<128x128xf32, #tpu.memory_space<vmem>>, vector<1x16xf32>,
          %swap3A_203 = vector.shape_cast %swap3A_202 : vector<1x16xf32> to vector<16xf32>
          %swap3A_204 = vector.shape_cast %add3A_199 : vector<16xf32> to vector<1x16xf32>
          tpu.vector_store %arg10[%swap3A_200, %swap3A_201], %swap3A_204 {strides = array<i32>} : memref<128x128xf32, #tpu.memory_space<vmem>>, vector<1x16xf32>,
          %get3A_205 = arith.index_cast %add3A_108 : i32 to index
          %get3A_206 = arith.constant 112 : index
          %get3A_207 = tpu.vector_load %arg10[%get3A_205, %get3A_206] {strides = array<i32>} : memref<128x128xf32, #tpu.memory_space<vmem>>, vector<1x16xf32>,
          %get3A_208 = vector.shape_cast %get3A_207 : vector<1x16xf32> to vector<16xf32>
          %get3A_209 = arith.index_cast %add3A_108 : i32 to index
          %get3A_210 = arith.constant 112 : index
          %get3A_211 = tpu.vector_load %arg12[%get3A_209, %get3A_210] {strides = array<i32>} : memref<128x128xf32, #tpu.memory_space<vmem>>, vector<1x16xf32>,
          %get3A_212 = vector.shape_cast %get3A_211 : vector<1x16xf32> to vector<16xf32>
          %add3A_213 = arith.addf %get3A_208, %get3A_212 : vector<16xf32>
          %swap3A_214 = arith.index_cast %add3A_108 : i32 to index
          %swap3A_215 = arith.constant 112 : index
          %swap3A_216 = tpu.vector_load %arg10[%swap3A_214, %swap3A_215] {strides = array<i32>} : memref<128x128xf32, #tpu.memory_space<vmem>>, vector<1x16xf32>,
          %swap3A_217 = vector.shape_cast %swap3A_216 : vector<1x16xf32> to vector<16xf32>
          %swap3A_218 = vector.shape_cast %add3A_213 : vector<16xf32> to vector<1x16xf32>
          tpu.vector_store %arg10[%swap3A_214, %swap3A_215], %swap3A_218 {strides = array<i32>} : memref<128x128xf32, #tpu.memory_space<vmem>>, vector<1x16xf32>,
          %scan3A_219 = arith.constant 1 : i32
          %scan3A_220 = arith.addi %scan3A_104, %scan3A_219 : i32
          %mul3A_221 = arith.constant 1 : i32
          %mul3A_222 = arith.muli %scan3A_220, %mul3A_221 : i32
          %add3A_223 = arith.constant 0 : i32
          %add3A_224 = arith.addi %add3A_223, %mul3A_222 : i32
          %get3A_225 = arith.index_cast %add3A_224 : i32 to index
          %get3A_226 = arith.constant 0 : index
          %get3A_227 = tpu.vector_load %arg10[%get3A_225, %get3A_226] {strides = array<i32>} : memref<128x128xf32, #tpu.memory_space<vmem>>, vector<1x16xf32>,
          %get3A_228 = vector.shape_cast %get3A_227 : vector<1x16xf32> to vector<16xf32>
          %get3A_229 = arith.index_cast %add3A_224 : i32 to index
          %get3A_230 = arith.constant 0 : index
          %get3A_231 = tpu.vector_load %arg12[%get3A_229, %get3A_230] {strides = array<i32>} : memref<128x128xf32, #tpu.memory_space<vmem>>, vector<1x16xf32>,
          %get3A_232 = vector.shape_cast %get3A_231 : vector<1x16xf32> to vector<16xf32>
          %add3A_233 = arith.addf %get3A_228, %get3A_232 : vector<16xf32>
          %swap3A_234 = arith.index_cast %add3A_224 : i32 to index
          %swap3A_235 = arith.constant 0 : index
          %swap3A_236 = tpu.vector_load %arg10[%swap3A_234, %swap3A_235] {strides = array<i32>} : memref<128x128xf32, #tpu.memory_space<vmem>>, vector<1x16xf32>,
          %swap3A_237 = vector.shape_cast %swap3A_236 : vector<1x16xf32> to vector<16xf32>
          %swap3A_238 = vector.shape_cast %add3A_233 : vector<16xf32> to vector<1x16xf32>
          tpu.vector_store %arg10[%swap3A_234, %swap3A_235], %swap3A_238 {strides = array<i32>} : memref<128x128xf32, #tpu.memory_space<vmem>>, vector<1x16xf32>,
          %get3A_239 = arith.index_cast %add3A_224 : i32 to index
          %get3A_240 = arith.constant 16 : index
          %get3A_241 = tpu.vector_load %arg10[%get3A_239, %get3A_240] {strides = array<i32>} : memref<128x128xf32, #tpu.memory_space<vmem>>, vector<1x16xf32>,
          %get3A_242 = vector.shape_cast %get3A_241 : vector<1x16xf32> to vector<16xf32>
          %get3A_243 = arith.index_cast %add3A_224 : i32 to index
          %get3A_244 = arith.constant 16 : index
          %get3A_245 = tpu.vector_load %arg12[%get3A_243, %get3A_244] {strides = array<i32>} : memref<128x128xf32, #tpu.memory_space<vmem>>, vector<1x16xf32>,
          %get3A_246 = vector.shape_cast %get3A_245 : vector<1x16xf32> to vector<16xf32>
          %add3A_247 = arith.addf %get3A_242, %get3A_246 : vector<16xf32>
          %swap3A_248 = arith.index_cast %add3A_224 : i32 to index
          %swap3A_249 = arith.constant 16 : index
          %swap3A_250 = tpu.vector_load %arg10[%swap3A_248, %swap3A_249] {strides = array<i32>} : memref<128x128xf32, #tpu.memory_space<vmem>>, vector<1x16xf32>,
          %swap3A_251 = vector.shape_cast %swap3A_250 : vector<1x16xf32> to vector<16xf32>
          %swap3A_252 = vector.shape_cast %add3A_247 : vector<16xf32> to vector<1x16xf32>
          tpu.vector_store %arg10[%swap3A_248, %swap3A_249], %swap3A_252 {strides = array<i32>} : memref<128x128xf32, #tpu.memory_space<vmem>>, vector<1x16xf32>,
          %get3A_253 = arith.index_cast %add3A_224 : i32 to index
          %get3A_254 = arith.constant 32 : index
          %get3A_255 = tpu.vector_load %arg10[%get3A_253, %get3A_254] {strides = array<i32>} : memref<128x128xf32, #tpu.memory_space<vmem>>, vector<1x16xf32>,
          %get3A_256 = vector.shape_cast %get3A_255 : vector<1x16xf32> to vector<16xf32>
          %get3A_257 = arith.index_cast %add3A_224 : i32 to index
          %get3A_258 = arith.constant 32 : index
          %get3A_259 = tpu.vector_load %arg12[%get3A_257, %get3A_258] {strides = array<i32>} : memref<128x128xf32, #tpu.memory_space<vmem>>, vector<1x16xf32>,
          %get3A_260 = vector.shape_cast %get3A_259 : vector<1x16xf32> to vector<16xf32>
          %add3A_261 = arith.addf %get3A_256, %get3A_260 : vector<16xf32>
          %swap3A_262 = arith.index_cast %add3A_224 : i32 to index
          %swap3A_263 = arith.constant 32 : index
          %swap3A_264 = tpu.vector_load %arg10[%swap3A_262, %swap3A_263] {strides = array<i32>} : memref<128x128xf32, #tpu.memory_space<vmem>>, vector<1x16xf32>,
          %swap3A_265 = vector.shape_cast %swap3A_264 : vector<1x16xf32> to vector<16xf32>
          %swap3A_266 = vector.shape_cast %add3A_261 : vector<16xf32> to vector<1x16xf32>
          tpu.vector_store %arg10[%swap3A_262, %swap3A_263], %swap3A_266 {strides = array<i32>} : memref<128x128xf32, #tpu.memory_space<vmem>>, vector<1x16xf32>,
          %get3A_267 = arith.index_cast %add3A_224 : i32 to index
          %get3A_268 = arith.constant 48 : index
          %get3A_269 = tpu.vector_load %arg10[%get3A_267, %get3A_268] {strides = array<i32>} : memref<128x128xf32, #tpu.memory_space<vmem>>, vector<1x16xf32>,
          %get3A_270 = vector.shape_cast %get3A_269 : vector<1x16xf32> to vector<16xf32>
          %get3A_271 = arith.index_cast %add3A_224 : i32 to index
          %get3A_272 = arith.constant 48 : index
          %get3A_273 = tpu.vector_load %arg12[%get3A_271, %get3A_272] {strides = array<i32>} : memref<128x128xf32, #tpu.memory_space<vmem>>, vector<1x16xf32>,
          %get3A_274 = vector.shape_cast %get3A_273 : vector<1x16xf32> to vector<16xf32>
          %add3A_275 = arith.addf %get3A_270, %get3A_274 : vector<16xf32>
          %swap3A_276 = arith.index_cast %add3A_224 : i32 to index
          %swap3A_277 = arith.constant 48 : index
          %swap3A_278 = tpu.vector_load %arg10[%swap3A_276, %swap3A_277] {strides = array<i32>} : memref<128x128xf32, #tpu.memory_space<vmem>>, vector<1x16xf32>,
          %swap3A_279 = vector.shape_cast %swap3A_278 : vector<1x16xf32> to vector<16xf32>
          %swap3A_280 = vector.shape_cast %add3A_275 : vector<16xf32> to vector<1x16xf32>
          tpu.vector_store %arg10[%swap3A_276, %swap3A_277], %swap3A_280 {strides = array<i32>} : memref<128x128xf32, #tpu.memory_space<vmem>>, vector<1x16xf32>,
          %get3A_281 = arith.index_cast %add3A_224 : i32 to index
          %get3A_282 = arith.constant 64 : index
          %get3A_283 = tpu.vector_load %arg10[%get3A_281, %get3A_282] {strides = array<i32>} : memref<128x128xf32, #tpu.memory_space<vmem>>, vector<1x16xf32>,
          %get3A_284 = vector.shape_cast %get3A_283 : vector<1x16xf32> to vector<16xf32>
          %get3A_285 = arith.index_cast %add3A_224 : i32 to index
          %get3A_286 = arith.constant 64 : index
          %get3A_287 = tpu.vector_load %arg12[%get3A_285, %get3A_286] {strides = array<i32>} : memref<128x128xf32, #tpu.memory_space<vmem>>, vector<1x16xf32>,
          %get3A_288 = vector.shape_cast %get3A_287 : vector<1x16xf32> to vector<16xf32>
          %add3A_289 = arith.addf %get3A_284, %get3A_288 : vector<16xf32>
          %swap3A_290 = arith.index_cast %add3A_224 : i32 to index
          %swap3A_291 = arith.constant 64 : index
          %swap3A_292 = tpu.vector_load %arg10[%swap3A_290, %swap3A_291] {strides = array<i32>} : memref<128x128xf32, #tpu.memory_space<vmem>>, vector<1x16xf32>,
          %swap3A_293 = vector.shape_cast %swap3A_292 : vector<1x16xf32> to vector<16xf32>
          %swap3A_294 = vector.shape_cast %add3A_289 : vector<16xf32> to vector<1x16xf32>
          tpu.vector_store %arg10[%swap3A_290, %swap3A_291], %swap3A_294 {strides = array<i32>} : memref<128x128xf32, #tpu.memory_space<vmem>>, vector<1x16xf32>,
          %get3A_295 = arith.index_cast %add3A_224 : i32 to index
          %get3A_296 = arith.constant 80 : index
          %get3A_297 = tpu.vector_load %arg10[%get3A_295, %get3A_296] {strides = array<i32>} : memref<128x128xf32, #tpu.memory_space<vmem>>, vector<1x16xf32>,
          %get3A_298 = vector.shape_cast %get3A_297 : vector<1x16xf32> to vector<16xf32>
          %get3A_299 = arith.index_cast %add3A_224 : i32 to index
          %get3A_300 = arith.constant 80 : index
          %get3A_301 = tpu.vector_load %arg12[%get3A_299, %get3A_300] {strides = array<i32>} : memref<128x128xf32, #tpu.memory_space<vmem>>, vector<1x16xf32>,
          %get3A_302 = vector.shape_cast %get3A_301 : vector<1x16xf32> to vector<16xf32>
          %add3A_303 = arith.addf %get3A_298, %get3A_302 : vector<16xf32>
          %swap3A_304 = arith.index_cast %add3A_224 : i32 to index
          %swap3A_305 = arith.constant 80 : index
          %swap3A_306 = tpu.vector_load %arg10[%swap3A_304, %swap3A_305] {strides = array<i32>} : memref<128x128xf32, #tpu.memory_space<vmem>>, vector<1x16xf32>,
          %swap3A_307 = vector.shape_cast %swap3A_306 : vector<1x16xf32> to vector<16xf32>
          %swap3A_308 = vector.shape_cast %add3A_303 : vector<16xf32> to vector<1x16xf32>
          tpu.vector_store %arg10[%swap3A_304, %swap3A_305], %swap3A_308 {strides = array<i32>} : memref<128x128xf32, #tpu.memory_space<vmem>>, vector<1x16xf32>,
          %get3A_309 = arith.index_cast %add3A_224 : i32 to index
          %get3A_310 = arith.constant 96 : index
          %get3A_311 = tpu.vector_load %arg10[%get3A_309, %get3A_310] {strides = array<i32>} : memref<128x128xf32, #tpu.memory_space<vmem>>, vector<1x16xf32>,
          %get3A_312 = vector.shape_cast %get3A_311 : vector<1x16xf32> to vector<16xf32>
          %get3A_313 = arith.index_cast %add3A_224 : i32 to index
          %get3A_314 = arith.constant 96 : index
          %get3A_315 = tpu.vector_load %arg12[%get3A_313, %get3A_314] {strides = array<i32>} : memref<128x128xf32, #tpu.memory_space<vmem>>, vector<1x16xf32>,
          %get3A_316 = vector.shape_cast %get3A_315 : vector<1x16xf32> to vector<16xf32>
          %add3A_317 = arith.addf %get3A_312, %get3A_316 : vector<16xf32>
          %swap3A_318 = arith.index_cast %add3A_224 : i32 to index
          %swap3A_319 = arith.constant 96 : index
          %swap3A_320 = tpu.vector_load %arg10[%swap3A_318, %swap3A_319] {strides = array<i32>} : memref<128x128xf32, #tpu.memory_space<vmem>>, vector<1x16xf32>,
          %swap3A_321 = vector.shape_cast %swap3A_320 : vector<1x16xf32> to vector<16xf32>
          %swap3A_322 = vector.shape_cast %add3A_317 : vector<16xf32> to vector<1x16xf32>
          tpu.vector_store %arg10[%swap3A_318, %swap3A_319], %swap3A_322 {strides = array<i32>} : memref<128x128xf32, #tpu.memory_space<vmem>>, vector<1x16xf32>,
          %get3A_323 = arith.index_cast %add3A_224 : i32 to index
          %get3A_324 = arith.constant 112 : index
          %get3A_325 = tpu.vector_load %arg10[%get3A_323, %get3A_324] {strides = array<i32>} : memref<128x128xf32, #tpu.memory_space<vmem>>, vector<1x16xf32>,
          %get3A_326 = vector.shape_cast %get3A_325 : vector<1x16xf32> to vector<16xf32>
          %get3A_327 = arith.index_cast %add3A_224 : i32 to index
          %get3A_328 = arith.constant 112 : index
          %get3A_329 = tpu.vector_load %arg12[%get3A_327, %get3A_328] {strides = array<i32>} : memref<128x128xf32, #tpu.memory_space<vmem>>, vector<1x16xf32>,
          %get3A_330 = vector.shape_cast %get3A_329 : vector<1x16xf32> to vector<16xf32>
          %add3A_331 = arith.addf %get3A_326, %get3A_330 : vector<16xf32>
          %swap3A_332 = arith.index_cast %add3A_224 : i32 to index
          %swap3A_333 = arith.constant 112 : index
          %swap3A_334 = tpu.vector_load %arg10[%swap3A_332, %swap3A_333] {strides = array<i32>} : memref<128x128xf32, #tpu.memory_space<vmem>>, vector<1x16xf32>,
          %swap3A_335 = vector.shape_cast %swap3A_334 : vector<1x16xf32> to vector<16xf32>
          %swap3A_336 = vector.shape_cast %add3A_331 : vector<16xf32> to vector<1x16xf32>
          tpu.vector_store %arg10[%swap3A_332, %swap3A_333], %swap3A_336 {strides = array<i32>} : memref<128x128xf32, #tpu.memory_space<vmem>>, vector<1x16xf32>,
          %scan3A_337 = arith.constant 2 : i32
          %scan3A_338 = arith.addi %scan3A_104, %scan3A_337 : i32
          %mul3A_339 = arith.constant 1 : i32
          %mul3A_340 = arith.muli %scan3A_338, %mul3A_339 : i32
          %add3A_341 = arith.constant 0 : i32
          %add3A_342 = arith.addi %add3A_341, %mul3A_340 : i32
          %get3A_343 = arith.index_cast %add3A_342 : i32 to index
          %get3A_344 = arith.constant 0 : index
          %get3A_345 = tpu.vector_load %arg10[%get3A_343, %get3A_344] {strides = array<i32>} : memref<128x128xf32, #tpu.memory_space<vmem>>, vector<1x16xf32>,
          %get3A_346 = vector.shape_cast %get3A_345 : vector<1x16xf32> to vector<16xf32>
          %get3A_347 = arith.index_cast %add3A_342 : i32 to index
          %get3A_348 = arith.constant 0 : index
          %get3A_349 = tpu.vector_load %arg12[%get3A_347, %get3A_348] {strides = array<i32>} : memref<128x128xf32, #tpu.memory_space<vmem>>, vector<1x16xf32>,
          %get3A_350 = vector.shape_cast %get3A_349 : vector<1x16xf32> to vector<16xf32>
          %add3A_351 = arith.addf %get3A_346, %get3A_350 : vector<16xf32>
          %swap3A_352 = arith.index_cast %add3A_342 : i32 to index
          %swap3A_353 = arith.constant 0 : index
          %swap3A_354 = tpu.vector_load %arg10[%swap3A_352, %swap3A_353] {strides = array<i32>} : memref<128x128xf32, #tpu.memory_space<vmem>>, vector<1x16xf32>,
          %swap3A_355 = vector.shape_cast %swap3A_354 : vector<1x16xf32> to vector<16xf32>
          %swap3A_356 = vector.shape_cast %add3A_351 : vector<16xf32> to vector<1x16xf32>
          tpu.vector_store %arg10[%swap3A_352, %swap3A_353], %swap3A_356 {strides = array<i32>} : memref<128x128xf32, #tpu.memory_space<vmem>>, vector<1x16xf32>,
          %get3A_357 = arith.index_cast %add3A_342 : i32 to index
          %get3A_358 = arith.constant 16 : index
          %get3A_359 = tpu.vector_load %arg10[%get3A_357, %get3A_358] {strides = array<i32>} : memref<128x128xf32, #tpu.memory_space<vmem>>, vector<1x16xf32>,
          %get3A_360 = vector.shape_cast %get3A_359 : vector<1x16xf32> to vector<16xf32>
          %get3A_361 = arith.index_cast %add3A_342 : i32 to index
          %get3A_362 = arith.constant 16 : index
          %get3A_363 = tpu.vector_load %arg12[%get3A_361, %get3A_362] {strides = array<i32>} : memref<128x128xf32, #tpu.memory_space<vmem>>, vector<1x16xf32>,
          %get3A_364 = vector.shape_cast %get3A_363 : vector<1x16xf32> to vector<16xf32>
          %add3A_365 = arith.addf %get3A_360, %get3A_364 : vector<16xf32>
          %swap3A_366 = arith.index_cast %add3A_342 : i32 to index
          %swap3A_367 = arith.constant 16 : index
          %swap3A_368 = tpu.vector_load %arg10[%swap3A_366, %swap3A_367] {strides = array<i32>} : memref<128x128xf32, #tpu.memory_space<vmem>>, vector<1x16xf32>,
          %swap3A_369 = vector.shape_cast %swap3A_368 : vector<1x16xf32> to vector<16xf32>
          %swap3A_370 = vector.shape_cast %add3A_365 : vector<16xf32> to vector<1x16xf32>
          tpu.vector_store %arg10[%swap3A_366, %swap3A_367], %swap3A_370 {strides = array<i32>} : memref<128x128xf32, #tpu.memory_space<vmem>>, vector<1x16xf32>,
          %get3A_371 = arith.index_cast %add3A_342 : i32 to index
          %get3A_372 = arith.constant 32 : index
          %get3A_373 = tpu.vector_load %arg10[%get3A_371, %get3A_372] {strides = array<i32>} : memref<128x128xf32, #tpu.memory_space<vmem>>, vector<1x16xf32>,
          %get3A_374 = vector.shape_cast %get3A_373 : vector<1x16xf32> to vector<16xf32>
          %get3A_375 = arith.index_cast %add3A_342 : i32 to index
          %get3A_376 = arith.constant 32 : index
          %get3A_377 = tpu.vector_load %arg12[%get3A_375, %get3A_376] {strides = array<i32>} : memref<128x128xf32, #tpu.memory_space<vmem>>, vector<1x16xf32>,
          %get3A_378 = vector.shape_cast %get3A_377 : vector<1x16xf32> to vector<16xf32>
          %add3A_379 = arith.addf %get3A_374, %get3A_378 : vector<16xf32>
          %swap3A_380 = arith.index_cast %add3A_342 : i32 to index
          %swap3A_381 = arith.constant 32 : index
          %swap3A_382 = tpu.vector_load %arg10[%swap3A_380, %swap3A_381] {strides = array<i32>} : memref<128x128xf32, #tpu.memory_space<vmem>>, vector<1x16xf32>,
          %swap3A_383 = vector.shape_cast %swap3A_382 : vector<1x16xf32> to vector<16xf32>
          %swap3A_384 = vector.shape_cast %add3A_379 : vector<16xf32> to vector<1x16xf32>
          tpu.vector_store %arg10[%swap3A_380, %swap3A_381], %swap3A_384 {strides = array<i32>} : memref<128x128xf32, #tpu.memory_space<vmem>>, vector<1x16xf32>,
          %get3A_385 = arith.index_cast %add3A_342 : i32 to index
          %get3A_386 = arith.constant 48 : index
          %get3A_387 = tpu.vector_load %arg10[%get3A_385, %get3A_386] {strides = array<i32>} : memref<128x128xf32, #tpu.memory_space<vmem>>, vector<1x16xf32>,
          %get3A_388 = vector.shape_cast %get3A_387 : vector<1x16xf32> to vector<16xf32>
          %get3A_389 = arith.index_cast %add3A_342 : i32 to index
          %get3A_390 = arith.constant 48 : index
          %get3A_391 = tpu.vector_load %arg12[%get3A_389, %get3A_390] {strides = array<i32>} : memref<128x128xf32, #tpu.memory_space<vmem>>, vector<1x16xf32>,
          %get3A_392 = vector.shape_cast %get3A_391 : vector<1x16xf32> to vector<16xf32>
          %add3A_393 = arith.addf %get3A_388, %get3A_392 : vector<16xf32>
          %swap3A_394 = arith.index_cast %add3A_342 : i32 to index
          %swap3A_395 = arith.constant 48 : index
          %swap3A_396 = tpu.vector_load %arg10[%swap3A_394, %swap3A_395] {strides = array<i32>} : memref<128x128xf32, #tpu.memory_space<vmem>>, vector<1x16xf32>,
          %swap3A_397 = vector.shape_cast %swap3A_396 : vector<1x16xf32> to vector<16xf32>
          %swap3A_398 = vector.shape_cast %add3A_393 : vector<16xf32> to vector<1x16xf32>
          tpu.vector_store %arg10[%swap3A_394, %swap3A_395], %swap3A_398 {strides = array<i32>} : memref<128x128xf32, #tpu.memory_space<vmem>>, vector<1x16xf32>,
          %get3A_399 = arith.index_cast %add3A_342 : i32 to index
          %get3A_400 = arith.constant 64 : index
          %get3A_401 = tpu.vector_load %arg10[%get3A_399, %get3A_400] {strides = array<i32>} : memref<128x128xf32, #tpu.memory_space<vmem>>, vector<1x16xf32>,
          %get3A_402 = vector.shape_cast %get3A_401 : vector<1x16xf32> to vector<16xf32>
          %get3A_403 = arith.index_cast %add3A_342 : i32 to index
          %get3A_404 = arith.constant 64 : index
          %get3A_405 = tpu.vector_load %arg12[%get3A_403, %get3A_404] {strides = array<i32>} : memref<128x128xf32, #tpu.memory_space<vmem>>, vector<1x16xf32>,
          %get3A_406 = vector.shape_cast %get3A_405 : vector<1x16xf32> to vector<16xf32>
          %add3A_407 = arith.addf %get3A_402, %get3A_406 : vector<16xf32>
          %swap3A_408 = arith.index_cast %add3A_342 : i32 to index
          %swap3A_409 = arith.constant 64 : index
          %swap3A_410 = tpu.vector_load %arg10[%swap3A_408, %swap3A_409] {strides = array<i32>} : memref<128x128xf32, #tpu.memory_space<vmem>>, vector<1x16xf32>,
          %swap3A_411 = vector.shape_cast %swap3A_410 : vector<1x16xf32> to vector<16xf32>
          %swap3A_412 = vector.shape_cast %add3A_407 : vector<16xf32> to vector<1x16xf32>
          tpu.vector_store %arg10[%swap3A_408, %swap3A_409], %swap3A_412 {strides = array<i32>} : memref<128x128xf32, #tpu.memory_space<vmem>>, vector<1x16xf32>,
          %get3A_413 = arith.index_cast %add3A_342 : i32 to index
          %get3A_414 = arith.constant 80 : index
          %get3A_415 = tpu.vector_load %arg10[%get3A_413, %get3A_414] {strides = array<i32>} : memref<128x128xf32, #tpu.memory_space<vmem>>, vector<1x16xf32>,
          %get3A_416 = vector.shape_cast %get3A_415 : vector<1x16xf32> to vector<16xf32>
          %get3A_417 = arith.index_cast %add3A_342 : i32 to index
          %get3A_418 = arith.constant 80 : index
          %get3A_419 = tpu.vector_load %arg12[%get3A_417, %get3A_418] {strides = array<i32>} : memref<128x128xf32, #tpu.memory_space<vmem>>, vector<1x16xf32>,
          %get3A_420 = vector.shape_cast %get3A_419 : vector<1x16xf32> to vector<16xf32>
          %add3A_421 = arith.addf %get3A_416, %get3A_420 : vector<16xf32>
          %swap3A_422 = arith.index_cast %add3A_342 : i32 to index
          %swap3A_423 = arith.constant 80 : index
          %swap3A_424 = tpu.vector_load %arg10[%swap3A_422, %swap3A_423] {strides = array<i32>} : memref<128x128xf32, #tpu.memory_space<vmem>>, vector<1x16xf32>,
          %swap3A_425 = vector.shape_cast %swap3A_424 : vector<1x16xf32> to vector<16xf32>
          %swap3A_426 = vector.shape_cast %add3A_421 : vector<16xf32> to vector<1x16xf32>
          tpu.vector_store %arg10[%swap3A_422, %swap3A_423], %swap3A_426 {strides = array<i32>} : memref<128x128xf32, #tpu.memory_space<vmem>>, vector<1x16xf32>,
          %get3A_427 = arith.index_cast %add3A_342 : i32 to index
          %get3A_428 = arith.constant 96 : index
          %get3A_429 = tpu.vector_load %arg10[%get3A_427, %get3A_428] {strides = array<i32>} : memref<128x128xf32, #tpu.memory_space<vmem>>, vector<1x16xf32>,
          %get3A_430 = vector.shape_cast %get3A_429 : vector<1x16xf32> to vector<16xf32>
          %get3A_431 = arith.index_cast %add3A_342 : i32 to index
          %get3A_432 = arith.constant 96 : index
          %get3A_433 = tpu.vector_load %arg12[%get3A_431, %get3A_432] {strides = array<i32>} : memref<128x128xf32, #tpu.memory_space<vmem>>, vector<1x16xf32>,
          %get3A_434 = vector.shape_cast %get3A_433 : vector<1x16xf32> to vector<16xf32>
          %add3A_435 = arith.addf %get3A_430, %get3A_434 : vector<16xf32>
          %swap3A_436 = arith.index_cast %add3A_342 : i32 to index
          %swap3A_437 = arith.constant 96 : index
          %swap3A_438 = tpu.vector_load %arg10[%swap3A_436, %swap3A_437] {strides = array<i32>} : memref<128x128xf32, #tpu.memory_space<vmem>>, vector<1x16xf32>,
          %swap3A_439 = vector.shape_cast %swap3A_438 : vector<1x16xf32> to vector<16xf32>
          %swap3A_440 = vector.shape_cast %add3A_435 : vector<16xf32> to vector<1x16xf32>
          tpu.vector_store %arg10[%swap3A_436, %swap3A_437], %swap3A_440 {strides = array<i32>} : memref<128x128xf32, #tpu.memory_space<vmem>>, vector<1x16xf32>,
          %get3A_441 = arith.index_cast %add3A_342 : i32 to index
          %get3A_442 = arith.constant 112 : index
          %get3A_443 = tpu.vector_load %arg10[%get3A_441, %get3A_442] {strides = array<i32>} : memref<128x128xf32, #tpu.memory_space<vmem>>, vector<1x16xf32>,
          %get3A_444 = vector.shape_cast %get3A_443 : vector<1x16xf32> to vector<16xf32>
          %get3A_445 = arith.index_cast %add3A_342 : i32 to index
          %get3A_446 = arith.constant 112 : index
          %get3A_447 = tpu.vector_load %arg12[%get3A_445, %get3A_446] {strides = array<i32>} : memref<128x128xf32, #tpu.memory_space<vmem>>, vector<1x16xf32>,
          %get3A_448 = vector.shape_cast %get3A_447 : vector<1x16xf32> to vector<16xf32>
          %add3A_449 = arith.addf %get3A_444, %get3A_448 : vector<16xf32>
          %swap3A_450 = arith.index_cast %add3A_342 : i32 to index
          %swap3A_451 = arith.constant 112 : index
          %swap3A_452 = tpu.vector_load %arg10[%swap3A_450, %swap3A_451] {strides = array<i32>} : memref<128x128xf32, #tpu.memory_space<vmem>>, vector<1x16xf32>,
          %swap3A_453 = vector.shape_cast %swap3A_452 : vector<1x16xf32> to vector<16xf32>
          %swap3A_454 = vector.shape_cast %add3A_449 : vector<16xf32> to vector<1x16xf32>
          tpu.vector_store %arg10[%swap3A_450, %swap3A_451], %swap3A_454 {strides = array<i32>} : memref<128x128xf32, #tpu.memory_space<vmem>>, vector<1x16xf32>,
          %scan3A_455 = arith.constant 3 : i32
          %scan3A_456 = arith.addi %scan3A_104, %scan3A_455 : i32
          %mul3A_457 = arith.constant 1 : i32
          %mul3A_458 = arith.muli %scan3A_456, %mul3A_457 : i32
          %add3A_459 = arith.constant 0 : i32
          %add3A_460 = arith.addi %add3A_459, %mul3A_458 : i32
          %get3A_461 = arith.index_cast %add3A_460 : i32 to index
          %get3A_462 = arith.constant 0 : index
          %get3A_463 = tpu.vector_load %arg10[%get3A_461, %get3A_462] {strides = array<i32>} : memref<128x128xf32, #tpu.memory_space<vmem>>, vector<1x16xf32>,
          %get3A_464 = vector.shape_cast %get3A_463 : vector<1x16xf32> to vector<16xf32>
          %get3A_465 = arith.index_cast %add3A_460 : i32 to index
          %get3A_466 = arith.constant 0 : index
          %get3A_467 = tpu.vector_load %arg12[%get3A_465, %get3A_466] {strides = array<i32>} : memref<128x128xf32, #tpu.memory_space<vmem>>, vector<1x16xf32>,
          %get3A_468 = vector.shape_cast %get3A_467 : vector<1x16xf32> to vector<16xf32>
          %add3A_469 = arith.addf %get3A_464, %get3A_468 : vector<16xf32>
          %swap3A_470 = arith.index_cast %add3A_460 : i32 to index
          %swap3A_471 = arith.constant 0 : index
          %swap3A_472 = tpu.vector_load %arg10[%swap3A_470, %swap3A_471] {strides = array<i32>} : memref<128x128xf32, #tpu.memory_space<vmem>>, vector<1x16xf32>,
          %swap3A_473 = vector.shape_cast %swap3A_472 : vector<1x16xf32> to vector<16xf32>
          %swap3A_474 = vector.shape_cast %add3A_469 : vector<16xf32> to vector<1x16xf32>
          tpu.vector_store %arg10[%swap3A_470, %swap3A_471], %swap3A_474 {strides = array<i32>} : memref<128x128xf32, #tpu.memory_space<vmem>>, vector<1x16xf32>,
          %get3A_475 = arith.index_cast %add3A_460 : i32 to index
          %get3A_476 = arith.constant 16 : index
          %get3A_477 = tpu.vector_load %arg10[%get3A_475, %get3A_476] {strides = array<i32>} : memref<128x128xf32, #tpu.memory_space<vmem>>, vector<1x16xf32>,
          %get3A_478 = vector.shape_cast %get3A_477 : vector<1x16xf32> to vector<16xf32>
          %get3A_479 = arith.index_cast %add3A_460 : i32 to index
          %get3A_480 = arith.constant 16 : index
          %get3A_481 = tpu.vector_load %arg12[%get3A_479, %get3A_480] {strides = array<i32>} : memref<128x128xf32, #tpu.memory_space<vmem>>, vector<1x16xf32>,
          %get3A_482 = vector.shape_cast %get3A_481 : vector<1x16xf32> to vector<16xf32>
          %add3A_483 = arith.addf %get3A_478, %get3A_482 : vector<16xf32>
          %swap3A_484 = arith.index_cast %add3A_460 : i32 to index
          %swap3A_485 = arith.constant 16 : index
          %swap3A_486 = tpu.vector_load %arg10[%swap3A_484, %swap3A_485] {strides = array<i32>} : memref<128x128xf32, #tpu.memory_space<vmem>>, vector<1x16xf32>,
          %swap3A_487 = vector.shape_cast %swap3A_486 : vector<1x16xf32> to vector<16xf32>
          %swap3A_488 = vector.shape_cast %add3A_483 : vector<16xf32> to vector<1x16xf32>
          tpu.vector_store %arg10[%swap3A_484, %swap3A_485], %swap3A_488 {strides = array<i32>} : memref<128x128xf32, #tpu.memory_space<vmem>>, vector<1x16xf32>,
          %get3A_489 = arith.index_cast %add3A_460 : i32 to index
          %get3A_490 = arith.constant 32 : index
          %get3A_491 = tpu.vector_load %arg10[%get3A_489, %get3A_490] {strides = array<i32>} : memref<128x128xf32, #tpu.memory_space<vmem>>, vector<1x16xf32>,
          %get3A_492 = vector.shape_cast %get3A_491 : vector<1x16xf32> to vector<16xf32>
          %get3A_493 = arith.index_cast %add3A_460 : i32 to index
          %get3A_494 = arith.constant 32 : index
          %get3A_495 = tpu.vector_load %arg12[%get3A_493, %get3A_494] {strides = array<i32>} : memref<128x128xf32, #tpu.memory_space<vmem>>, vector<1x16xf32>,
          %get3A_496 = vector.shape_cast %get3A_495 : vector<1x16xf32> to vector<16xf32>
          %add3A_497 = arith.addf %get3A_492, %get3A_496 : vector<16xf32>
          %swap3A_498 = arith.index_cast %add3A_460 : i32 to index
          %swap3A_499 = arith.constant 32 : index
          %swap3A_500 = tpu.vector_load %arg10[%swap3A_498, %swap3A_499] {strides = array<i32>} : memref<128x128xf32, #tpu.memory_space<vmem>>, vector<1x16xf32>,
          %swap3A_501 = vector.shape_cast %swap3A_500 : vector<1x16xf32> to vector<16xf32>
          %swap3A_502 = vector.shape_cast %add3A_497 : vector<16xf32> to vector<1x16xf32>
          tpu.vector_store %arg10[%swap3A_498, %swap3A_499], %swap3A_502 {strides = array<i32>} : memref<128x128xf32, #tpu.memory_space<vmem>>, vector<1x16xf32>,
          %get3A_503 = arith.index_cast %add3A_460 : i32 to index
          %get3A_504 = arith.constant 48 : index
          %get3A_505 = tpu.vector_load %arg10[%get3A_503, %get3A_504] {strides = array<i32>} : memref<128x128xf32, #tpu.memory_space<vmem>>, vector<1x16xf32>,
          %get3A_506 = vector.shape_cast %get3A_505 : vector<1x16xf32> to vector<16xf32>
          %get3A_507 = arith.index_cast %add3A_460 : i32 to index
          %get3A_508 = arith.constant 48 : index
          %get3A_509 = tpu.vector_load %arg12[%get3A_507, %get3A_508] {strides = array<i32>} : memref<128x128xf32, #tpu.memory_space<vmem>>, vector<1x16xf32>,
          %get3A_510 = vector.shape_cast %get3A_509 : vector<1x16xf32> to vector<16xf32>
          %add3A_511 = arith.addf %get3A_506, %get3A_510 : vector<16xf32>
          %swap3A_512 = arith.index_cast %add3A_460 : i32 to index
          %swap3A_513 = arith.constant 48 : index
          %swap3A_514 = tpu.vector_load %arg10[%swap3A_512, %swap3A_513] {strides = array<i32>} : memref<128x128xf32, #tpu.memory_space<vmem>>, vector<1x16xf32>,
          %swap3A_515 = vector.shape_cast %swap3A_514 : vector<1x16xf32> to vector<16xf32>
          %swap3A_516 = vector.shape_cast %add3A_511 : vector<16xf32> to vector<1x16xf32>
          tpu.vector_store %arg10[%swap3A_512, %swap3A_513], %swap3A_516 {strides = array<i32>} : memref<128x128xf32, #tpu.memory_space<vmem>>, vector<1x16xf32>,
          %get3A_517 = arith.index_cast %add3A_460 : i32 to index
          %get3A_518 = arith.constant 64 : index
          %get3A_519 = tpu.vector_load %arg10[%get3A_517, %get3A_518] {strides = array<i32>} : memref<128x128xf32, #tpu.memory_space<vmem>>, vector<1x16xf32>,
          %get3A_520 = vector.shape_cast %get3A_519 : vector<1x16xf32> to vector<16xf32>
          %get3A_521 = arith.index_cast %add3A_460 : i32 to index
          %get3A_522 = arith.constant 64 : index
          %get3A_523 = tpu.vector_load %arg12[%get3A_521, %get3A_522] {strides = array<i32>} : memref<128x128xf32, #tpu.memory_space<vmem>>, vector<1x16xf32>,
          %get3A_524 = vector.shape_cast %get3A_523 : vector<1x16xf32> to vector<16xf32>
          %add3A_525 = arith.addf %get3A_520, %get3A_524 : vector<16xf32>
          %swap3A_526 = arith.index_cast %add3A_460 : i32 to index
          %swap3A_527 = arith.constant 64 : index
          %swap3A_528 = tpu.vector_load %arg10[%swap3A_526, %swap3A_527] {strides = array<i32>} : memref<128x128xf32, #tpu.memory_space<vmem>>, vector<1x16xf32>,
          %swap3A_529 = vector.shape_cast %swap3A_528 : vector<1x16xf32> to vector<16xf32>
          %swap3A_530 = vector.shape_cast %add3A_525 : vector<16xf32> to vector<1x16xf32>
          tpu.vector_store %arg10[%swap3A_526, %swap3A_527], %swap3A_530 {strides = array<i32>} : memref<128x128xf32, #tpu.memory_space<vmem>>, vector<1x16xf32>,
          %get3A_531 = arith.index_cast %add3A_460 : i32 to index
          %get3A_532 = arith.constant 80 : index
          %get3A_533 = tpu.vector_load %arg10[%get3A_531, %get3A_532] {strides = array<i32>} : memref<128x128xf32, #tpu.memory_space<vmem>>, vector<1x16xf32>,
          %get3A_534 = vector.shape_cast %get3A_533 : vector<1x16xf32> to vector<16xf32>
          %get3A_535 = arith.index_cast %add3A_460 : i32 to index
          %get3A_536 = arith.constant 80 : index
          %get3A_537 = tpu.vector_load %arg12[%get3A_535, %get3A_536] {strides = array<i32>} : memref<128x128xf32, #tpu.memory_space<vmem>>, vector<1x16xf32>,
          %get3A_538 = vector.shape_cast %get3A_537 : vector<1x16xf32> to vector<16xf32>
          %add3A_539 = arith.addf %get3A_534, %get3A_538 : vector<16xf32>
          %swap3A_540 = arith.index_cast %add3A_460 : i32 to index
          %swap3A_541 = arith.constant 80 : index
          %swap3A_542 = tpu.vector_load %arg10[%swap3A_540, %swap3A_541] {strides = array<i32>} : memref<128x128xf32, #tpu.memory_space<vmem>>, vector<1x16xf32>,
          %swap3A_543 = vector.shape_cast %swap3A_542 : vector<1x16xf32> to vector<16xf32>
          %swap3A_544 = vector.shape_cast %add3A_539 : vector<16xf32> to vector<1x16xf32>
          tpu.vector_store %arg10[%swap3A_540, %swap3A_541], %swap3A_544 {strides = array<i32>} : memref<128x128xf32, #tpu.memory_space<vmem>>, vector<1x16xf32>,
          %get3A_545 = arith.index_cast %add3A_460 : i32 to index
          %get3A_546 = arith.constant 96 : index
          %get3A_547 = tpu.vector_load %arg10[%get3A_545, %get3A_546] {strides = array<i32>} : memref<128x128xf32, #tpu.memory_space<vmem>>, vector<1x16xf32>,
          %get3A_548 = vector.shape_cast %get3A_547 : vector<1x16xf32> to vector<16xf32>
          %get3A_549 = arith.index_cast %add3A_460 : i32 to index
          %get3A_550 = arith.constant 96 : index
          %get3A_551 = tpu.vector_load %arg12[%get3A_549, %get3A_550] {strides = array<i32>} : memref<128x128xf32, #tpu.memory_space<vmem>>, vector<1x16xf32>,
          %get3A_552 = vector.shape_cast %get3A_551 : vector<1x16xf32> to vector<16xf32>
          %add3A_553 = arith.addf %get3A_548, %get3A_552 : vector<16xf32>
          %swap3A_554 = arith.index_cast %add3A_460 : i32 to index
          %swap3A_555 = arith.constant 96 : index
          %swap3A_556 = tpu.vector_load %arg10[%swap3A_554, %swap3A_555] {strides = array<i32>} : memref<128x128xf32, #tpu.memory_space<vmem>>, vector<1x16xf32>,
          %swap3A_557 = vector.shape_cast %swap3A_556 : vector<1x16xf32> to vector<16xf32>
          %swap3A_558 = vector.shape_cast %add3A_553 : vector<16xf32> to vector<1x16xf32>
          tpu.vector_store %arg10[%swap3A_554, %swap3A_555], %swap3A_558 {strides = array<i32>} : memref<128x128xf32, #tpu.memory_space<vmem>>, vector<1x16xf32>,
          %get3A_559 = arith.index_cast %add3A_460 : i32 to index
          %get3A_560 = arith.constant 112 : index
          %get3A_561 = tpu.vector_load %arg10[%get3A_559, %get3A_560] {strides = array<i32>} : memref<128x128xf32, #tpu.memory_space<vmem>>, vector<1x16xf32>,
          %get3A_562 = vector.shape_cast %get3A_561 : vector<1x16xf32> to vector<16xf32>
          %get3A_563 = arith.index_cast %add3A_460 : i32 to index
          %get3A_564 = arith.constant 112 : index
          %get3A_565 = tpu.vector_load %arg12[%get3A_563, %get3A_564] {strides = array<i32>} : memref<128x128xf32, #tpu.memory_space<vmem>>, vector<1x16xf32>,
          %get3A_566 = vector.shape_cast %get3A_565 : vector<1x16xf32> to vector<16xf32>
          %add3A_567 = arith.addf %get3A_562, %get3A_566 : vector<16xf32>
          %swap3A_568 = arith.index_cast %add3A_460 : i32 to index
          %swap3A_569 = arith.constant 112 : index
          %swap3A_570 = tpu.vector_load %arg10[%swap3A_568, %swap3A_569] {strides = array<i32>} : memref<128x128xf32, #tpu.memory_space<vmem>>, vector<1x16xf32>,
          %swap3A_571 = vector.shape_cast %swap3A_570 : vector<1x16xf32> to vector<16xf32>
          %swap3A_572 = vector.shape_cast %add3A_567 : vector<16xf32> to vector<1x16xf32>
          tpu.vector_store %arg10[%swap3A_568, %swap3A_569], %swap3A_572 {strides = array<i32>} : memref<128x128xf32, #tpu.memory_space<vmem>>, vector<1x16xf32>,
        }
        %scan3A_96 = arith.constant 128 : i32
        %mul3A_97 = arith.constant 128 : i32
        %mul3A_98 = arith.muli %add3A_70, %mul3A_97 : i32
        %add3A_99 = arith.addi %add3A_10, %mul3A_98 : i32
        %dma_start3A_100 = arith.constant 0 : i32
        %dma_start3A_101 = tpu.memref_slice %arg6[%add3A_99, %dma_start3A_100] : memref<163840x128xf32, #tpu.memory_space<hbm>> -> memref<128x128xf32, #tpu.memory_space<hbm>>
        %dma_start3A_102 = arith.constant 0 : i32
        %dma_start3A_103 = tpu.memref_slice %arg6[%add3A_99, %dma_start3A_102] : memref<163840x128xf32, #tpu.memory_space<hbm>> -> memref<128x128xf32, #tpu.memory_space<hbm>>
        tpu.enqueue_dma source(%arg10 : memref<128x128xf32, #tpu.memory_space<vmem>>) target(%dma_start3A_103 : memref<128x128xf32, #tpu.memory_space<hbm>>) target_semaphore(%arg16 : memref<!tpu.dma_semaphore, #tpu.memory_space<semaphore_mem>>)
      }
      %scan3A_23 = arith.constant 16 : i32
      %dma_wait3A = arith.constant 0 : i32
      %dma_wait3A_24 = tpu.memref_slice %arg6[%add3A_10, %dma_wait3A] : memref<163840x128xf32, #tpu.memory_space<hbm>> -> memref<128x128xf32, #tpu.memory_space<hbm>>
      %dma_wait3A_25 = arith.constant 0 : i32
      %dma_wait3A_26 = tpu.memref_slice %arg6[%add3A_10, %dma_wait3A_25] : memref<163840x128xf32, #tpu.memory_space<hbm>> -> memref<128x128xf32, #tpu.memory_space<hbm>>
      tpu.wait_dma2 semaphore(%arg15 : memref<!tpu.dma_semaphore, #tpu.memory_space<semaphore_mem>>) src(%arg9 : memref<128x128xf32, #tpu.memory_space<vmem>>) dst(%dma_wait3A_26 : memref<128x128xf32, #tpu.memory_space<hbm>>)
      %dma_wait3A_27 = arith.constant 0 : i32
      %dma_wait3A_28 = tpu.memref_slice %arg6[%add3A_10, %dma_wait3A_27] : memref<163840x128xf32, #tpu.memory_space<hbm>> -> memref<128x128xf32, #tpu.memory_space<hbm>>
      %dma_wait3A_29 = arith.constant 0 : i32
      %dma_wait3A_30 = tpu.memref_slice %arg6[%add3A_10, %dma_wait3A_29] : memref<163840x128xf32, #tpu.memory_space<hbm>> -> memref<128x128xf32, #tpu.memory_space<hbm>>
      tpu.wait_dma2 semaphore(%arg16 : memref<!tpu.dma_semaphore, #tpu.memory_space<semaphore_mem>>) src(%arg10 : memref<128x128xf32, #tpu.memory_space<vmem>>) dst(%dma_wait3A_30 : memref<128x128xf32, #tpu.memory_space<hbm>>)
    } else {
    }
    return
  }
}

#map = affine_map<(d0, d1) -> (0, 0)>
#map1 = affine_map<(d0, d1) -> (0, 0, 0)>
module attributes {stable_mosaic.version = 14 : i64} {
  func.func @_scatter_body(%arg0: i32, %arg1: i32, %arg2: memref<163840x128xf32, #tpu.memory_space<hbm>>, %arg3: memref<32x40x128xi32, #tpu.memory_space<hbm>>, %arg4: memref<640x128xf32, #tpu.memory_space<hbm>>, %arg5: memref<2x10240x128xf32, #tpu.memory_space<hbm>>, %arg6: memref<40x128xi32, #tpu.memory_space<vmem>>, %arg7: memref<128x128xf32, #tpu.memory_space<vmem>>, %arg8: memref<128x128xf32, #tpu.memory_space<vmem>>, %arg9: memref<10240x128xf32, #tpu.memory_space<vmem_shared>>, %arg10: memref<!tpu.dma_semaphore, #tpu.memory_space<semaphore_mem>>, %arg11: memref<!tpu.dma_semaphore, #tpu.memory_space<semaphore_mem>>) attributes {dimension_semantics = [#tpu.dimension_semantics<core_parallel>, #tpu.dimension_semantics<subcore_parallel>], iteration_bounds = array<i64: 2, 16>, scalar_prefetch = 0 : i64, scratch_operands = 6 : i64, tpu.core_type = #tpu.core_type<sc_vector_subcore>, window_params = [{transform_indices = #map}, {transform_indices = #map1}, {transform_indices = #map}, {transform_indices = #map1}]} {
    %mul3A = arith.constant 16 : i32
    %mul3A_0 = arith.muli %arg0, %mul3A : i32
    %add3A = arith.addi %mul3A_0, %arg1 : i32
    %mul3A_1 = arith.constant 640 : i32
    %mul3A_2 = arith.muli %arg1, %mul3A_1 : i32
    "tpu.region"() ({
      %run_scoped3A = tpu.sem_alloc : memref<!tpu.dma_semaphore, #tpu.memory_space<semaphore_mem>>
      %dma_start3A_17 = arith.constant 0 : i32
      %dma_start3A_18 = tpu.memref_slice %arg9[%mul3A_2, %dma_start3A_17] : memref<10240x128xf32, #tpu.memory_space<vmem_shared>> -> memref<640x128xf32, #tpu.memory_space<vmem_shared>>
      tpu.enqueue_dma source(%arg4 : memref<640x128xf32, #tpu.memory_space<hbm>>) target(%dma_start3A_18 : memref<640x128xf32, #tpu.memory_space<vmem_shared>>) target_semaphore(%run_scoped3A : memref<!tpu.dma_semaphore, #tpu.memory_space<semaphore_mem>>)
      %dma_wait3A = arith.constant 0 : i32
      %dma_wait3A_19 = tpu.memref_slice %arg9[%mul3A_2, %dma_wait3A] : memref<10240x128xf32, #tpu.memory_space<vmem_shared>> -> memref<640x128xf32, #tpu.memory_space<vmem_shared>>
      tpu.wait_dma2 semaphore(%run_scoped3A : memref<!tpu.dma_semaphore, #tpu.memory_space<semaphore_mem>>) src(%arg4 : memref<640x128xf32, #tpu.memory_space<hbm>>) dst(%dma_wait3A_19 : memref<640x128xf32, #tpu.memory_space<vmem_shared>>)
      tpu.yield
    }) : () -> ()
    "tpu.region"() ({
      %run_scoped3A = tpu.sem_alloc : memref<!tpu.dma_semaphore, #tpu.memory_space<semaphore_mem>>
      %dma_start3A_17 = arith.constant 0 : i32
      %dma_start3A_18 = arith.constant 0 : i32
      %dma_start3A_19 = tpu.memref_slice %arg3[%add3A, %dma_start3A_17, %dma_start3A_18] : memref<32x40x128xi32, #tpu.memory_space<hbm>> -> memref<1x40x128xi32, #tpu.memory_space<hbm>>
      %dma_start3A_20 = tpu.memref_squeeze %dma_start3A_19 : memref<1x40x128xi32, #tpu.memory_space<hbm>> -> memref<40x128xi32, #tpu.memory_space<hbm>>
      %dma_start3A_21 = arith.constant 0 : i32
      %dma_start3A_22 = arith.constant 0 : i32
      %dma_start3A_23 = tpu.memref_slice %arg3[%add3A, %dma_start3A_21, %dma_start3A_22] : memref<32x40x128xi32, #tpu.memory_space<hbm>> -> memref<1x40x128xi32, #tpu.memory_space<hbm>>
      %dma_start3A_24 = tpu.memref_squeeze %dma_start3A_23 : memref<1x40x128xi32, #tpu.memory_space<hbm>> -> memref<40x128xi32, #tpu.memory_space<hbm>>
      tpu.enqueue_dma source(%dma_start3A_24 : memref<40x128xi32, #tpu.memory_space<hbm>>) target(%arg6 : memref<40x128xi32, #tpu.memory_space<vmem>>) target_semaphore(%run_scoped3A : memref<!tpu.dma_semaphore, #tpu.memory_space<semaphore_mem>>)
      %dma_wait3A = arith.constant 0 : i32
      %dma_wait3A_25 = arith.constant 0 : i32
      %dma_wait3A_26 = tpu.memref_slice %arg3[%add3A, %dma_wait3A, %dma_wait3A_25] : memref<32x40x128xi32, #tpu.memory_space<hbm>> -> memref<1x40x128xi32, #tpu.memory_space<hbm>>
      %dma_wait3A_27 = tpu.memref_squeeze %dma_wait3A_26 : memref<1x40x128xi32, #tpu.memory_space<hbm>> -> memref<40x128xi32, #tpu.memory_space<hbm>>
      %dma_wait3A_28 = arith.constant 0 : i32
      %dma_wait3A_29 = arith.constant 0 : i32
      %dma_wait3A_30 = tpu.memref_slice %arg3[%add3A, %dma_wait3A_28, %dma_wait3A_29] : memref<32x40x128xi32, #tpu.memory_space<hbm>> -> memref<1x40x128xi32, #tpu.memory_space<hbm>>
      %dma_wait3A_31 = tpu.memref_squeeze %dma_wait3A_30 : memref<1x40x128xi32, #tpu.memory_space<hbm>> -> memref<40x128xi32, #tpu.memory_space<hbm>>
      tpu.wait_dma2 semaphore(%run_scoped3A : memref<!tpu.dma_semaphore, #tpu.memory_space<semaphore_mem>>) src(%dma_wait3A_31 : memref<40x128xi32, #tpu.memory_space<hbm>>) dst(%arg6 : memref<40x128xi32, #tpu.memory_space<vmem>>)
      tpu.yield
    }) : () -> ()
    %barrier3A = arith.constant 0 : index
    tpu.barrier barrier_id(%barrier3A)
    %mul3A_3 = arith.constant 40 : i32
    %mul3A_4 = arith.muli %add3A, %mul3A_3 : i32
    %mul3A_5 = arith.constant 128 : i32
    %mul3A_6 = arith.muli %mul3A_4, %mul3A_5 : i32
    %add3A_7 = arith.constant 0 : i32
    %add3A_8 = arith.addi %mul3A_6, %add3A_7 : i32
    %dma_start3A = arith.constant 0 : i32
    %dma_start3A_9 = tpu.memref_slice %arg2[%add3A_8, %dma_start3A] : memref<163840x128xf32, #tpu.memory_space<hbm>> -> memref<128x128xf32, #tpu.memory_space<hbm>>
    %dma_start3A_10 = arith.constant 0 : i32
    %dma_start3A_11 = tpu.memref_slice %arg2[%add3A_8, %dma_start3A_10] : memref<163840x128xf32, #tpu.memory_space<hbm>> -> memref<128x128xf32, #tpu.memory_space<hbm>>
    tpu.enqueue_dma source(%dma_start3A_11 : memref<128x128xf32, #tpu.memory_space<hbm>>) target(%arg7 : memref<128x128xf32, #tpu.memory_space<vmem>>) target_semaphore(%arg10 : memref<!tpu.dma_semaphore, #tpu.memory_space<semaphore_mem>>)
    %scan3A = arith.constant 0 : i32
    %scan3A_12 = arith.constant 20 : i32
    %scan3A_13 = arith.addi %scan3A, %scan3A_12 : i32
    %scan3A_14 = arith.constant 1 : i32
    scf.for %scan3A_17 = %scan3A to %scan3A_13 step %scan3A_14  : i32 {
      %mul3A_18 = arith.constant 2 : i32
      %mul3A_19 = arith.muli %scan3A_17, %mul3A_18 : i32
      %add3A_20 = arith.constant 0 : i32
      %add3A_21 = arith.addi %add3A_20, %mul3A_19 : i32
      %add3A_22 = arith.constant 0 : i32
      %add3A_23 = arith.addi %add3A_21, %add3A_22 : i32
      %add3A_24 = arith.constant 1 : i32
      %add3A_25 = arith.addi %add3A_23, %add3A_24 : i32
      %lt3A = arith.constant 40 : i32
      %lt3A_26 = arith.cmpi slt, %add3A_25, %lt3A : i32
      %convert_element_type3A = arith.extui %lt3A_26 : i1 to i32
      %cond3A = arith.constant 0 : i32
      %cond3A_27 = arith.cmpi ne, %convert_element_type3A, %cond3A : i32
      scf.if %cond3A_27 {
        %add3A_44 = arith.constant 1 : i32
        %add3A_45 = arith.addi %add3A_23, %add3A_44 : i32
        %mul3A_46 = arith.constant 128 : i32
        %mul3A_47 = arith.muli %add3A_45, %mul3A_46 : i32
        %add3A_48 = arith.addi %mul3A_6, %mul3A_47 : i32
        %dma_start3A_49 = arith.constant 0 : i32
        %dma_start3A_50 = tpu.memref_slice %arg2[%add3A_48, %dma_start3A_49] : memref<163840x128xf32, #tpu.memory_space<hbm>> -> memref<128x128xf32, #tpu.memory_space<hbm>>
        %dma_start3A_51 = arith.constant 0 : i32
        %dma_start3A_52 = tpu.memref_slice %arg2[%add3A_48, %dma_start3A_51] : memref<163840x128xf32, #tpu.memory_space<hbm>> -> memref<128x128xf32, #tpu.memory_space<hbm>>
        tpu.enqueue_dma source(%dma_start3A_52 : memref<128x128xf32, #tpu.memory_space<hbm>>) target(%arg8 : memref<128x128xf32, #tpu.memory_space<vmem>>) target_semaphore(%arg11 : memref<!tpu.dma_semaphore, #tpu.memory_space<semaphore_mem>>)
      } else {
      }
      %dma_wait3A = arith.constant 0 : i32
      %dma_wait3A_28 = tpu.memref_slice %arg2[%mul3A_6, %dma_wait3A] : memref<163840x128xf32, #tpu.memory_space<hbm>> -> memref<128x128xf32, #tpu.memory_space<hbm>>
      %dma_wait3A_29 = arith.constant 0 : i32
      %dma_wait3A_30 = tpu.memref_slice %arg2[%mul3A_6, %dma_wait3A_29] : memref<163840x128xf32, #tpu.memory_space<hbm>> -> memref<128x128xf32, #tpu.memory_space<hbm>>
      tpu.wait_dma2 semaphore(%arg10 : memref<!tpu.dma_semaphore, #tpu.memory_space<semaphore_mem>>) src(%dma_wait3A_30 : memref<128x128xf32, #tpu.memory_space<hbm>>) dst(%arg7 : memref<128x128xf32, #tpu.memory_space<vmem>>)
      "tpu.region"() ({
        %run_scoped3A = tpu.sem_alloc : memref<!tpu.dma_semaphore, #tpu.memory_space<semaphore_mem>>
        %dma_start3A_44 = arith.constant 0 : i32
        %dma_start3A_45 = tpu.memref_slice %arg6[%add3A_23, %dma_start3A_44] : memref<40x128xi32, #tpu.memory_space<vmem>> -> memref<1x128xi32, #tpu.memory_space<vmem>>
        %dma_start3A_46 = tpu.memref_squeeze %dma_start3A_45 : memref<1x128xi32, #tpu.memory_space<vmem>> -> memref<128xi32, #tpu.memory_space<vmem>>
        %dma_start3A_47 = arith.constant 0 : i32
        %dma_start3A_48 = arith.constant 0 : i32
        %dma_start3A_49 = tpu.memref_slice %arg9[%dma_start3A_47, %dma_start3A_48] : memref<10240x128xf32, #tpu.memory_space<vmem_shared>> -> memref<10240x128xf32, #tpu.memory_space<vmem_shared>>
        tpu.enqueue_indirect_dma source(%arg7 : memref<128x128xf32, #tpu.memory_space<vmem>>) target(%dma_start3A_49 : memref<10240x128xf32, #tpu.memory_space<vmem_shared>>) offsets(%dma_start3A_46 : memref<128xi32, #tpu.memory_space<vmem>>) semaphore(%run_scoped3A : memref<!tpu.dma_semaphore, #tpu.memory_space<semaphore_mem>>) {add = true}
        %dma_wait3A_50 = arith.constant 0 : i32
        %dma_wait3A_51 = tpu.memref_slice %arg6[%add3A_23, %dma_wait3A_50] : memref<40x128xi32, #tpu.memory_space<vmem>> -> memref<1x128xi32, #tpu.memory_space<vmem>>
        %dma_wait3A_52 = tpu.memref_squeeze %dma_wait3A_51 : memref<1x128xi32, #tpu.memory_space<vmem>> -> memref<128xi32, #tpu.memory_space<vmem>>
        %dma_wait3A_53 = arith.constant 0 : i32
        %dma_wait3A_54 = arith.constant 0 : i32
        %dma_wait3A_55 = tpu.memref_slice %arg9[%dma_wait3A_53, %dma_wait3A_54] : memref<10240x128xf32, #tpu.memory_space<vmem_shared>> -> memref<10240x128xf32, #tpu.memory_space<vmem_shared>>
        tpu.wait_indirect_dma semaphore(%run_scoped3A : memref<!tpu.dma_semaphore, #tpu.memory_space<semaphore_mem>>) src(%arg7 : memref<128x128xf32, #tpu.memory_space<vmem>>) dst(%dma_wait3A_55 : memref<10240x128xf32, #tpu.memory_space<vmem_shared>>)
        tpu.yield
      }) : () -> ()
      %add3A_31 = arith.constant 1 : i32
      %add3A_32 = arith.addi %add3A_21, %add3A_31 : i32
      %add3A_33 = arith.constant 1 : i32
      %add3A_34 = arith.addi %add3A_32, %add3A_33 : i32
      %lt3A_35 = arith.constant 40 : i32
      %lt3A_36 = arith.cmpi slt, %add3A_34, %lt3A_35 : i32
      %convert_element_type3A_37 = arith.extui %lt3A_36 : i1 to i32
      %cond3A_38 = arith.constant 0 : i32
      %cond3A_39 = arith.cmpi ne, %convert_element_type3A_37, %cond3A_38 : i32
      scf.if %cond3A_39 {
        %add3A_44 = arith.constant 1 : i32
        %add3A_45 = arith.addi %add3A_32, %add3A_44 : i32
        %mul3A_46 = arith.constant 128 : i32
        %mul3A_47 = arith.muli %add3A_45, %mul3A_46 : i32
        %add3A_48 = arith.addi %mul3A_6, %mul3A_47 : i32
        %dma_start3A_49 = arith.constant 0 : i32
        %dma_start3A_50 = tpu.memref_slice %arg2[%add3A_48, %dma_start3A_49] : memref<163840x128xf32, #tpu.memory_space<hbm>> -> memref<128x128xf32, #tpu.memory_space<hbm>>
        %dma_start3A_51 = arith.constant 0 : i32
        %dma_start3A_52 = tpu.memref_slice %arg2[%add3A_48, %dma_start3A_51] : memref<163840x128xf32, #tpu.memory_space<hbm>> -> memref<128x128xf32, #tpu.memory_space<hbm>>
        tpu.enqueue_dma source(%dma_start3A_52 : memref<128x128xf32, #tpu.memory_space<hbm>>) target(%arg7 : memref<128x128xf32, #tpu.memory_space<vmem>>) target_semaphore(%arg10 : memref<!tpu.dma_semaphore, #tpu.memory_space<semaphore_mem>>)
      } else {
      }
      %dma_wait3A_40 = arith.constant 0 : i32
      %dma_wait3A_41 = tpu.memref_slice %arg2[%mul3A_6, %dma_wait3A_40] : memref<163840x128xf32, #tpu.memory_space<hbm>> -> memref<128x128xf32, #tpu.memory_space<hbm>>
      %dma_wait3A_42 = arith.constant 0 : i32
      %dma_wait3A_43 = tpu.memref_slice %arg2[%mul3A_6, %dma_wait3A_42] : memref<163840x128xf32, #tpu.memory_space<hbm>> -> memref<128x128xf32, #tpu.memory_space<hbm>>
      tpu.wait_dma2 semaphore(%arg11 : memref<!tpu.dma_semaphore, #tpu.memory_space<semaphore_mem>>) src(%dma_wait3A_43 : memref<128x128xf32, #tpu.memory_space<hbm>>) dst(%arg8 : memref<128x128xf32, #tpu.memory_space<vmem>>)
      "tpu.region"() ({
        %run_scoped3A = tpu.sem_alloc : memref<!tpu.dma_semaphore, #tpu.memory_space<semaphore_mem>>
        %dma_start3A_44 = arith.constant 0 : i32
        %dma_start3A_45 = tpu.memref_slice %arg6[%add3A_32, %dma_start3A_44] : memref<40x128xi32, #tpu.memory_space<vmem>> -> memref<1x128xi32, #tpu.memory_space<vmem>>
        %dma_start3A_46 = tpu.memref_squeeze %dma_start3A_45 : memref<1x128xi32, #tpu.memory_space<vmem>> -> memref<128xi32, #tpu.memory_space<vmem>>
        %dma_start3A_47 = arith.constant 0 : i32
        %dma_start3A_48 = arith.constant 0 : i32
        %dma_start3A_49 = tpu.memref_slice %arg9[%dma_start3A_47, %dma_start3A_48] : memref<10240x128xf32, #tpu.memory_space<vmem_shared>> -> memref<10240x128xf32, #tpu.memory_space<vmem_shared>>
        tpu.enqueue_indirect_dma source(%arg8 : memref<128x128xf32, #tpu.memory_space<vmem>>) target(%dma_start3A_49 : memref<10240x128xf32, #tpu.memory_space<vmem_shared>>) offsets(%dma_start3A_46 : memref<128xi32, #tpu.memory_space<vmem>>) semaphore(%run_scoped3A : memref<!tpu.dma_semaphore, #tpu.memory_space<semaphore_mem>>) {add = true}
        %dma_wait3A_50 = arith.constant 0 : i32
        %dma_wait3A_51 = tpu.memref_slice %arg6[%add3A_32, %dma_wait3A_50] : memref<40x128xi32, #tpu.memory_space<vmem>> -> memref<1x128xi32, #tpu.memory_space<vmem>>
        %dma_wait3A_52 = tpu.memref_squeeze %dma_wait3A_51 : memref<1x128xi32, #tpu.memory_space<vmem>> -> memref<128xi32, #tpu.memory_space<vmem>>
        %dma_wait3A_53 = arith.constant 0 : i32
        %dma_wait3A_54 = arith.constant 0 : i32
        %dma_wait3A_55 = tpu.memref_slice %arg9[%dma_wait3A_53, %dma_wait3A_54] : memref<10240x128xf32, #tpu.memory_space<vmem_shared>> -> memref<10240x128xf32, #tpu.memory_space<vmem_shared>>
        tpu.wait_indirect_dma semaphore(%run_scoped3A : memref<!tpu.dma_semaphore, #tpu.memory_space<semaphore_mem>>) src(%arg8 : memref<128x128xf32, #tpu.memory_space<vmem>>) dst(%dma_wait3A_55 : memref<10240x128xf32, #tpu.memory_space<vmem_shared>>)
        tpu.yield
      }) : () -> ()
    }
    %scan3A_15 = arith.constant 20 : i32
    %barrier3A_16 = arith.constant 0 : index
    tpu.barrier barrier_id(%barrier3A_16)
    "tpu.region"() ({
      %run_scoped3A = tpu.sem_alloc : memref<!tpu.dma_semaphore, #tpu.memory_space<semaphore_mem>>
      %dma_start3A_17 = arith.constant 0 : i32
      %dma_start3A_18 = tpu.memref_slice %arg5[%arg0, %mul3A_2, %dma_start3A_17] : memref<2x10240x128xf32, #tpu.memory_space<hbm>> -> memref<1x640x128xf32, #tpu.memory_space<hbm>>
      %dma_start3A_19 = tpu.memref_squeeze %dma_start3A_18 : memref<1x640x128xf32, #tpu.memory_space<hbm>> -> memref<640x128xf32, #tpu.memory_space<hbm>>
      %dma_start3A_20 = arith.constant 0 : i32
      %dma_start3A_21 = tpu.memref_slice %arg9[%mul3A_2, %dma_start3A_20] : memref<10240x128xf32, #tpu.memory_space<vmem_shared>> -> memref<640x128xf32, #tpu.memory_space<vmem_shared>>
      tpu.enqueue_dma source(%dma_start3A_21 : memref<640x128xf32, #tpu.memory_space<vmem_shared>>) target(%dma_start3A_19 : memref<640x128xf32, #tpu.memory_space<hbm>>) target_semaphore(%run_scoped3A : memref<!tpu.dma_semaphore, #tpu.memory_space<semaphore_mem>>)
      %dma_wait3A = arith.constant 0 : i32
      %dma_wait3A_22 = tpu.memref_slice %arg5[%arg0, %mul3A_2, %dma_wait3A] : memref<2x10240x128xf32, #tpu.memory_space<hbm>> -> memref<1x640x128xf32, #tpu.memory_space<hbm>>
      %dma_wait3A_23 = tpu.memref_squeeze %dma_wait3A_22 : memref<1x640x128xf32, #tpu.memory_space<hbm>> -> memref<640x128xf32, #tpu.memory_space<hbm>>
      %dma_wait3A_24 = arith.constant 0 : i32
      %dma_wait3A_25 = tpu.memref_slice %arg9[%mul3A_2, %dma_wait3A_24] : memref<10240x128xf32, #tpu.memory_space<vmem_shared>> -> memref<640x128xf32, #tpu.memory_space<vmem_shared>>
      tpu.wait_dma2 semaphore(%run_scoped3A : memref<!tpu.dma_semaphore, #tpu.memory_space<semaphore_mem>>) src(%dma_wait3A_25 : memref<640x128xf32, #tpu.memory_space<vmem_shared>>) dst(%dma_wait3A_23 : memref<640x128xf32, #tpu.memory_space<hbm>>)
      tpu.yield
    }) : () -> ()
    return
  }
}

module attributes {stable_mosaic.version = 14 : i64} {
  func.func @_proj_body(%arg0: i32, %arg1: memref<400x128xf32, #tpu.memory_space<vmem>>, %arg2: memref<400x128xf32, #tpu.memory_space<vmem>>, %arg3: memref<400x128xf32, #tpu.memory_space<vmem>>, %arg4: memref<384x128xf32, #tpu.memory_space<vmem>>, %arg5: memref<1x128xf32, #tpu.memory_space<vmem>>, %arg6: memref<384x128xf32, #tpu.memory_space<vmem>>, %arg7: memref<1x128xf32, #tpu.memory_space<vmem>>, %arg8: memref<384x128xf32, #tpu.memory_space<vmem>>, %arg9: memref<1x128xf32, #tpu.memory_space<vmem>>, %arg10: memref<400x128xf32, #tpu.memory_space<vmem>>, %arg11: memref<400x128xf32, #tpu.memory_space<vmem>>, %arg12: memref<400x128xf32, #tpu.memory_space<vmem>>) attributes {dimension_semantics = [#tpu.dimension_semantics<arbitrary>], iteration_bounds = array<i64: 25>, scalar_prefetch = 0 : i64, scratch_operands = 0 : i64, tpu.core_type = #tpu.core_type<tc>, window_params = [{transform_indices = @transform_0, window_bounds = array<i64: 400, 128>}, {transform_indices = @transform_1, window_bounds = array<i64: 400, 128>}, {transform_indices = @transform_2, window_bounds = array<i64: 400, 128>}, {pipeline_mode = #tpu.pipeline_mode<synchronous>, transform_indices = @transform_3, window_bounds = array<i64: 384, 128>}, {pipeline_mode = #tpu.pipeline_mode<synchronous>, transform_indices = @transform_4, window_bounds = array<i64: 1, 128>}, {pipeline_mode = #tpu.pipeline_mode<synchronous>, transform_indices = @transform_5, window_bounds = array<i64: 384, 128>}, {pipeline_mode = #tpu.pipeline_mode<synchronous>, transform_indices = @transform_6, window_bounds = array<i64: 1, 128>}, {pipeline_mode = #tpu.pipeline_mode<synchronous>, transform_indices = @transform_7, window_bounds = array<i64: 384, 128>}, {pipeline_mode = #tpu.pipeline_mode<synchronous>, transform_indices = @transform_8, window_bounds = array<i64: 1, 128>}, {transform_indices = @transform_9, window_bounds = array<i64: 400, 128>}, {transform_indices = @transform_10, window_bounds = array<i64: 400, 128>}, {transform_indices = @transform_11, window_bounds = array<i64: 400, 128>}]} {
    %get3A = arith.constant 0 : index
    %get3A_0 = arith.constant 0 : index
    %get3A_1 = vector.load %arg1[%get3A, %get3A_0] : memref<400x128xf32, #tpu.memory_space<vmem>>, vector<400x128xf32>
    %get3A_2 = arith.constant 0 : index
    %get3A_3 = arith.constant 0 : index
    %get3A_4 = vector.load %arg2[%get3A_2, %get3A_3] : memref<400x128xf32, #tpu.memory_space<vmem>>, vector<400x128xf32>
    %get3A_5 = arith.constant 0 : index
    %get3A_6 = arith.constant 0 : index
    %get3A_7 = vector.load %arg3[%get3A_5, %get3A_6] : memref<400x128xf32, #tpu.memory_space<vmem>>, vector<400x128xf32>
    %concatenate3A = tpu.concatenate %get3A_1, %get3A_4, %get3A_7 in 1 : vector<400x128xf32>, vector<400x128xf32>, vector<400x128xf32> -> vector<400x384xf32>
    %get3A_8 = arith.constant 0 : index
    %get3A_9 = arith.constant 0 : index
    %get3A_10 = vector.load %arg4[%get3A_8, %get3A_9] : memref<384x128xf32, #tpu.memory_space<vmem>>, vector<384x128xf32>
    %dot_general3A = arith.constant dense<0.000000e+00> : vector<400x128xf32>
    %dot_general3A_11 = tpu.matmul %concatenate3A, %get3A_10, %dot_general3A {dimension_numbers = #tpu.dot_dimension_numbers<[1], [0], [0], [1], [0, 0, 1, 1], [], []>, transpose_lhs_hint = false} : vector<400x384xf32>, vector<384x128xf32>, vector<400x128xf32> -> vector<400x128xf32>
    %get3A_12 = arith.constant 0 : index
    %get3A_13 = arith.constant 0 : index
    %get3A_14 = vector.load %arg5[%get3A_12, %get3A_13] : memref<1x128xf32, #tpu.memory_space<vmem>>, vector<1x128xf32>
    %add3A = vector.broadcast %get3A_14 : vector<1x128xf32> to vector<400x128xf32>
    %add3A_15 = arith.addf %dot_general3A_11, %add3A : vector<400x128xf32>
    %swap3A = arith.constant 0 : index
    %swap3A_16 = arith.constant 0 : index
    %swap3A_17 = vector.load %arg10[%swap3A, %swap3A_16] : memref<400x128xf32, #tpu.memory_space<vmem>>, vector<400x128xf32>
    tpu.vector_store %arg10[%swap3A, %swap3A_16], %add3A_15 {strides = array<i32>} : memref<400x128xf32, #tpu.memory_space<vmem>>, vector<400x128xf32>,
    %get3A_18 = arith.constant 0 : index
    %get3A_19 = arith.constant 0 : index
    %get3A_20 = vector.load %arg6[%get3A_18, %get3A_19] : memref<384x128xf32, #tpu.memory_space<vmem>>, vector<384x128xf32>
    %dot_general3A_21 = arith.constant dense<0.000000e+00> : vector<400x128xf32>
    %dot_general3A_22 = tpu.matmul %concatenate3A, %get3A_20, %dot_general3A_21 {dimension_numbers = #tpu.dot_dimension_numbers<[1], [0], [0], [1], [0, 0, 1, 1], [], []>, transpose_lhs_hint = false} : vector<400x384xf32>, vector<384x128xf32>, vector<400x128xf32> -> vector<400x128xf32>
    %get3A_23 = arith.constant 0 : index
    %get3A_24 = arith.constant 0 : index
    %get3A_25 = vector.load %arg7[%get3A_23, %get3A_24] : memref<1x128xf32, #tpu.memory_space<vmem>>, vector<1x128xf32>
    %add3A_26 = vector.broadcast %get3A_25 : vector<1x128xf32> to vector<400x128xf32>
    %add3A_27 = arith.addf %dot_general3A_22, %add3A_26 : vector<400x128xf32>
    %swap3A_28 = arith.constant 0 : index
    %swap3A_29 = arith.constant 0 : index
    %swap3A_30 = vector.load %arg11[%swap3A_28, %swap3A_29] : memref<400x128xf32, #tpu.memory_space<vmem>>, vector<400x128xf32>
    tpu.vector_store %arg11[%swap3A_28, %swap3A_29], %add3A_27 {strides = array<i32>} : memref<400x128xf32, #tpu.memory_space<vmem>>, vector<400x128xf32>,
    %get3A_31 = arith.constant 0 : index
    %get3A_32 = arith.constant 0 : index
    %get3A_33 = vector.load %arg8[%get3A_31, %get3A_32] : memref<384x128xf32, #tpu.memory_space<vmem>>, vector<384x128xf32>
    %dot_general3A_34 = arith.constant dense<0.000000e+00> : vector<400x128xf32>
    %dot_general3A_35 = tpu.matmul %concatenate3A, %get3A_33, %dot_general3A_34 {dimension_numbers = #tpu.dot_dimension_numbers<[1], [0], [0], [1], [0, 0, 1, 1], [], []>, transpose_lhs_hint = false} : vector<400x384xf32>, vector<384x128xf32>, vector<400x128xf32> -> vector<400x128xf32>
    %get3A_36 = arith.constant 0 : index
    %get3A_37 = arith.constant 0 : index
    %get3A_38 = vector.load %arg9[%get3A_36, %get3A_37] : memref<1x128xf32, #tpu.memory_space<vmem>>, vector<1x128xf32>
    %add3A_39 = vector.broadcast %get3A_38 : vector<1x128xf32> to vector<400x128xf32>
    %add3A_40 = arith.addf %dot_general3A_35, %add3A_39 : vector<400x128xf32>
    %swap3A_41 = arith.constant 0 : index
    %swap3A_42 = arith.constant 0 : index
    %swap3A_43 = vector.load %arg12[%swap3A_41, %swap3A_42] : memref<400x128xf32, #tpu.memory_space<vmem>>, vector<400x128xf32>
    tpu.vector_store %arg12[%swap3A_41, %swap3A_42], %add3A_40 {strides = array<i32>} : memref<400x128xf32, #tpu.memory_space<vmem>>, vector<400x128xf32>,
    return
  }
  func.func @transform_0(%arg0: i32) -> (i32, i32) {
    %c0_i32 = arith.constant 0 : i32
    %c0_i32_0 = arith.constant 0 : i32
    return %arg0, %c0_i32 : i32, i32
  }
  func.func @transform_1(%arg0: i32) -> (i32, i32) {
    %c0_i32 = arith.constant 0 : i32
    %c0_i32_0 = arith.constant 0 : i32
    return %arg0, %c0_i32 : i32, i32
  }
  func.func @transform_2(%arg0: i32) -> (i32, i32) {
    %c0_i32 = arith.constant 0 : i32
    %c0_i32_0 = arith.constant 0 : i32
    return %arg0, %c0_i32 : i32, i32
  }
  func.func @transform_3(%arg0: i32) -> (i32, i32) {
    %c0_i32 = arith.constant 0 : i32
    %c0_i32_0 = arith.constant 0 : i32
    %c0_i32_1 = arith.constant 0 : i32
    return %c0_i32, %c0_i32_0 : i32, i32
  }
  func.func @transform_4(%arg0: i32) -> (i32, i32) {
    %c0_i32 = arith.constant 0 : i32
    %c0_i32_0 = arith.constant 0 : i32
    %c0_i32_1 = arith.constant 0 : i32
    return %c0_i32, %c0_i32_0 : i32, i32
  }
  func.func @transform_5(%arg0: i32) -> (i32, i32) {
    %c0_i32 = arith.constant 0 : i32
    %c0_i32_0 = arith.constant 0 : i32
    %c0_i32_1 = arith.constant 0 : i32
    return %c0_i32, %c0_i32_0 : i32, i32
  }
  func.func @transform_6(%arg0: i32) -> (i32, i32) {
    %c0_i32 = arith.constant 0 : i32
    %c0_i32_0 = arith.constant 0 : i32
    %c0_i32_1 = arith.constant 0 : i32
    return %c0_i32, %c0_i32_0 : i32, i32
  }
  func.func @transform_7(%arg0: i32) -> (i32, i32) {
    %c0_i32 = arith.constant 0 : i32
    %c0_i32_0 = arith.constant 0 : i32
    %c0_i32_1 = arith.constant 0 : i32
    return %c0_i32, %c0_i32_0 : i32, i32
  }
  func.func @transform_8(%arg0: i32) -> (i32, i32) {
    %c0_i32 = arith.constant 0 : i32
    %c0_i32_0 = arith.constant 0 : i32
    %c0_i32_1 = arith.constant 0 : i32
    return %c0_i32, %c0_i32_0 : i32, i32
  }
  func.func @transform_9(%arg0: i32) -> (i32, i32) {
    %c0_i32 = arith.constant 0 : i32
    %c0_i32_0 = arith.constant 0 : i32
    return %arg0, %c0_i32 : i32, i32
  }
  func.func @transform_10(%arg0: i32) -> (i32, i32) {
    %c0_i32 = arith.constant 0 : i32
    %c0_i32_0 = arith.constant 0 : i32
    return %arg0, %c0_i32 : i32, i32
  }
  func.func @transform_11(%arg0: i32) -> (i32, i32) {
    %c0_i32 = arith.constant 0 : i32
    %c0_i32_0 = arith.constant 0 : i32
    return %arg0, %c0_i32 : i32, i32
  }
}

module attributes {stable_mosaic.version = 14 : i64} {
  func.func @_mlp_body(%arg0: i32, %arg1: memref<2048x128xf32, #tpu.memory_space<vmem>>, %arg2: memref<128x128xbf16, #tpu.memory_space<vmem>>, %arg3: memref<1x128xf32, #tpu.memory_space<vmem>>, %arg4: memref<128x128xbf16, #tpu.memory_space<vmem>>, %arg5: memref<1x128xf32, #tpu.memory_space<vmem>>, %arg6: memref<2048x128xf32, #tpu.memory_space<vmem>>) attributes {dimension_semantics = [#tpu.dimension_semantics<arbitrary>], iteration_bounds = array<i64: 80>, scalar_prefetch = 0 : i64, scratch_operands = 0 : i64, tpu.core_type = #tpu.core_type<tc>, window_params = [{transform_indices = @transform_0, window_bounds = array<i64: 2048, 128>}, {pipeline_mode = #tpu.pipeline_mode<synchronous>, transform_indices = @transform_1, window_bounds = array<i64: 128, 128>}, {pipeline_mode = #tpu.pipeline_mode<synchronous>, transform_indices = @transform_2, window_bounds = array<i64: 1, 128>}, {pipeline_mode = #tpu.pipeline_mode<synchronous>, transform_indices = @transform_3, window_bounds = array<i64: 128, 128>}, {pipeline_mode = #tpu.pipeline_mode<synchronous>, transform_indices = @transform_4, window_bounds = array<i64: 1, 128>}, {transform_indices = @transform_5, window_bounds = array<i64: 2048, 128>}]} {
    %get3A = arith.constant 0 : index
    %get3A_0 = arith.constant 0 : index
    %get3A_1 = vector.load %arg1[%get3A, %get3A_0] : memref<2048x128xf32, #tpu.memory_space<vmem>>, vector<2048x128xf32>
    %max3A = arith.constant 0.000000e+00 : f32
    %max3A_2 = vector.broadcast %max3A : f32 to vector<2048x128xf32>
    %max3A_3 = arith.maximumf %get3A_1, %max3A_2 : vector<2048x128xf32>
    %convert_element_type3A = arith.truncf %max3A_3 : vector<2048x128xf32> to vector<2048x128xbf16>
    %get3A_4 = arith.constant 0 : index
    %get3A_5 = arith.constant 0 : index
    %get3A_6 = vector.load %arg2[%get3A_4, %get3A_5] : memref<128x128xbf16, #tpu.memory_space<vmem>>, vector<128x128xbf16>
    %dot_general3A = arith.constant dense<0.000000e+00> : vector<2048x128xf32>
    %dot_general3A_7 = tpu.matmul %convert_element_type3A, %get3A_6, %dot_general3A {dimension_numbers = #tpu.dot_dimension_numbers<[1], [0], [0], [1], [0, 0, 1, 1], [], []>, transpose_lhs_hint = false} : vector<2048x128xbf16>, vector<128x128xbf16>, vector<2048x128xf32> -> vector<2048x128xf32>
    %get3A_8 = arith.constant 0 : index
    %get3A_9 = arith.constant 0 : index
    %get3A_10 = vector.load %arg3[%get3A_8, %get3A_9] : memref<1x128xf32, #tpu.memory_space<vmem>>, vector<1x128xf32>
    %add3A = vector.broadcast %get3A_10 : vector<1x128xf32> to vector<2048x128xf32>
    %add3A_11 = arith.addf %dot_general3A_7, %add3A : vector<2048x128xf32>
    %max3A_12 = arith.constant 0.000000e+00 : f32
    %max3A_13 = vector.broadcast %max3A_12 : f32 to vector<2048x128xf32>
    %max3A_14 = arith.maximumf %add3A_11, %max3A_13 : vector<2048x128xf32>
    %convert_element_type3A_15 = arith.truncf %max3A_14 : vector<2048x128xf32> to vector<2048x128xbf16>
    %get3A_16 = arith.constant 0 : index
    %get3A_17 = arith.constant 0 : index
    %get3A_18 = vector.load %arg4[%get3A_16, %get3A_17] : memref<128x128xbf16, #tpu.memory_space<vmem>>, vector<128x128xbf16>
    %dot_general3A_19 = arith.constant dense<0.000000e+00> : vector<2048x128xf32>
    %dot_general3A_20 = tpu.matmul %convert_element_type3A_15, %get3A_18, %dot_general3A_19 {dimension_numbers = #tpu.dot_dimension_numbers<[1], [0], [0], [1], [0, 0, 1, 1], [], []>, transpose_lhs_hint = false} : vector<2048x128xbf16>, vector<128x128xbf16>, vector<2048x128xf32> -> vector<2048x128xf32>
    %get3A_21 = arith.constant 0 : index
    %get3A_22 = arith.constant 0 : index
    %get3A_23 = vector.load %arg5[%get3A_21, %get3A_22] : memref<1x128xf32, #tpu.memory_space<vmem>>, vector<1x128xf32>
    %add3A_24 = vector.broadcast %get3A_23 : vector<1x128xf32> to vector<2048x128xf32>
    %add3A_25 = arith.addf %dot_general3A_20, %add3A_24 : vector<2048x128xf32>
    %swap3A = arith.constant 0 : index
    %swap3A_26 = arith.constant 0 : index
    %swap3A_27 = vector.load %arg6[%swap3A, %swap3A_26] : memref<2048x128xf32, #tpu.memory_space<vmem>>, vector<2048x128xf32>
    tpu.vector_store %arg6[%swap3A, %swap3A_26], %add3A_25 {strides = array<i32>} : memref<2048x128xf32, #tpu.memory_space<vmem>>, vector<2048x128xf32>,
    return
  }
  func.func @transform_0(%arg0: i32) -> (i32, i32) {
    %c0_i32 = arith.constant 0 : i32
    %c0_i32_0 = arith.constant 0 : i32
    return %arg0, %c0_i32 : i32, i32
  }
  func.func @transform_1(%arg0: i32) -> (i32, i32) {
    %c0_i32 = arith.constant 0 : i32
    %c0_i32_0 = arith.constant 0 : i32
    %c0_i32_1 = arith.constant 0 : i32
    return %c0_i32, %c0_i32_0 : i32, i32
  }
  func.func @transform_2(%arg0: i32) -> (i32, i32) {
    %c0_i32 = arith.constant 0 : i32
    %c0_i32_0 = arith.constant 0 : i32
    %c0_i32_1 = arith.constant 0 : i32
    return %c0_i32, %c0_i32_0 : i32, i32
  }
  func.func @transform_3(%arg0: i32) -> (i32, i32) {
    %c0_i32 = arith.constant 0 : i32
    %c0_i32_0 = arith.constant 0 : i32
    %c0_i32_1 = arith.constant 0 : i32
    return %c0_i32, %c0_i32_0 : i32, i32
  }
  func.func @transform_4(%arg0: i32) -> (i32, i32) {
    %c0_i32 = arith.constant 0 : i32
    %c0_i32_0 = arith.constant 0 : i32
    %c0_i32_1 = arith.constant 0 : i32
    return %c0_i32, %c0_i32_0 : i32, i32
  }
  func.func @transform_5(%arg0: i32) -> (i32, i32) {
    %c0_i32 = arith.constant 0 : i32
    %c0_i32_0 = arith.constant 0 : i32
    return %arg0, %c0_i32 : i32, i32
  }
}

module attributes {stable_mosaic.version = 14 : i64} {
  func.func @_out_body(%arg0: i32, %arg1: memref<400x128xf32, #tpu.memory_space<vmem>>, %arg2: memref<1x400x128xf32, #tpu.memory_space<vmem>>, %arg3: memref<1x400x128xf32, #tpu.memory_space<vmem>>, %arg4: memref<128x128xf32, #tpu.memory_space<vmem>>, %arg5: memref<1x128xf32, #tpu.memory_space<vmem>>, %arg6: memref<400x128xf32, #tpu.memory_space<vmem>>) attributes {dimension_semantics = [#tpu.dimension_semantics<arbitrary>], iteration_bounds = array<i64: 25>, scalar_prefetch = 0 : i64, scratch_operands = 0 : i64, tpu.core_type = #tpu.core_type<tc>, window_params = [{transform_indices = @transform_0, window_bounds = array<i64: 400, 128>}, {transform_indices = @transform_1, window_bounds = array<i64: 1, 400, 128>}, {transform_indices = @transform_2, window_bounds = array<i64: 1, 400, 128>}, {pipeline_mode = #tpu.pipeline_mode<synchronous>, transform_indices = @transform_3, window_bounds = array<i64: 128, 128>}, {pipeline_mode = #tpu.pipeline_mode<synchronous>, transform_indices = @transform_4, window_bounds = array<i64: 1, 128>}, {transform_indices = @transform_5, window_bounds = array<i64: 400, 128>}]} {
    %get3A = arith.constant 0 : index
    %get3A_0 = arith.constant 0 : index
    %get3A_1 = arith.constant 0 : index
    %get3A_2 = vector.load %arg2[%get3A, %get3A_0, %get3A_1] : memref<1x400x128xf32, #tpu.memory_space<vmem>>, vector<1x400x128xf32>
    %get3A_3 = vector.shape_cast %get3A_2 : vector<1x400x128xf32> to vector<400x128xf32>
    %get3A_4 = arith.constant 0 : index
    %get3A_5 = arith.constant 0 : index
    %get3A_6 = arith.constant 0 : index
    %get3A_7 = vector.load %arg3[%get3A_4, %get3A_5, %get3A_6] : memref<1x400x128xf32, #tpu.memory_space<vmem>>, vector<1x400x128xf32>
    %get3A_8 = vector.shape_cast %get3A_7 : vector<1x400x128xf32> to vector<400x128xf32>
    %add3A = arith.addf %get3A_3, %get3A_8 : vector<400x128xf32>
    %get3A_9 = arith.constant 0 : index
    %get3A_10 = arith.constant 0 : index
    %get3A_11 = vector.load %arg1[%get3A_9, %get3A_10] : memref<400x128xf32, #tpu.memory_space<vmem>>, vector<400x128xf32>
    %get3A_12 = arith.constant 0 : index
    %get3A_13 = arith.constant 0 : index
    %get3A_14 = vector.load %arg4[%get3A_12, %get3A_13] : memref<128x128xf32, #tpu.memory_space<vmem>>, vector<128x128xf32>
    %dot_general3A = arith.constant dense<0.000000e+00> : vector<400x128xf32>
    %dot_general3A_15 = tpu.matmul %add3A, %get3A_14, %dot_general3A {dimension_numbers = #tpu.dot_dimension_numbers<[1], [0], [0], [1], [0, 0, 1, 1], [], []>, transpose_lhs_hint = false} : vector<400x128xf32>, vector<128x128xf32>, vector<400x128xf32> -> vector<400x128xf32>
    %add3A_16 = arith.addf %get3A_11, %dot_general3A_15 : vector<400x128xf32>
    %get3A_17 = arith.constant 0 : index
    %get3A_18 = arith.constant 0 : index
    %get3A_19 = vector.load %arg5[%get3A_17, %get3A_18] : memref<1x128xf32, #tpu.memory_space<vmem>>, vector<1x128xf32>
    %add3A_20 = vector.broadcast %get3A_19 : vector<1x128xf32> to vector<400x128xf32>
    %add3A_21 = arith.addf %add3A_16, %add3A_20 : vector<400x128xf32>
    %max3A = arith.constant 0.000000e+00 : f32
    %max3A_22 = vector.broadcast %max3A : f32 to vector<400x128xf32>
    %max3A_23 = arith.maximumf %add3A_21, %max3A_22 : vector<400x128xf32>
    %swap3A = arith.constant 0 : index
    %swap3A_24 = arith.constant 0 : index
    %swap3A_25 = vector.load %arg6[%swap3A, %swap3A_24] : memref<400x128xf32, #tpu.memory_space<vmem>>, vector<400x128xf32>
    tpu.vector_store %arg6[%swap3A, %swap3A_24], %max3A_23 {strides = array<i32>} : memref<400x128xf32, #tpu.memory_space<vmem>>, vector<400x128xf32>,
    return
  }
  func.func @transform_0(%arg0: i32) -> (i32, i32) {
    %c0_i32 = arith.constant 0 : i32
    %c0_i32_0 = arith.constant 0 : i32
    return %arg0, %c0_i32 : i32, i32
  }
  func.func @transform_1(%arg0: i32) -> (i32, i32, i32) {
    %c0_i32 = arith.constant 0 : i32
    %c0_i32_0 = arith.constant 0 : i32
    %c0_i32_1 = arith.constant 0 : i32
    return %c0_i32, %arg0, %c0_i32_0 : i32, i32, i32
  }
  func.func @transform_2(%arg0: i32) -> (i32, i32, i32) {
    %c1_i32 = arith.constant 1 : i32
    %c0_i32 = arith.constant 0 : i32
    %c0_i32_0 = arith.constant 0 : i32
    return %c1_i32, %arg0, %c0_i32 : i32, i32, i32
  }
  func.func @transform_3(%arg0: i32) -> (i32, i32) {
    %c0_i32 = arith.constant 0 : i32
    %c0_i32_0 = arith.constant 0 : i32
    %c0_i32_1 = arith.constant 0 : i32
    return %c0_i32, %c0_i32_0 : i32, i32
  }
  func.func @transform_4(%arg0: i32) -> (i32, i32) {
    %c0_i32 = arith.constant 0 : i32
    %c0_i32_0 = arith.constant 0 : i32
    %c0_i32_1 = arith.constant 0 : i32
    return %c0_i32, %c0_i32_0 : i32, i32
  }
  func.func @transform_5(%arg0: i32) -> (i32, i32) {
    %c0_i32 = arith.constant 0 : i32
    %c0_i32_0 = arith.constant 0 : i32
    return %arg0, %c0_i32 : i32, i32
  }
}

</mosaic_0001>

<sc_bundles>
// kernel: kernel.10.cloned.1.call-start
scs
__scs_entry_jumppad:
0x0: {  	(pc) =	sbr.rel $0x88, $3  }
0x1: {  	(tag) =	ssettag $0x0;
	lr =	simm.s32 $0x1  }
0x2: {  	[smem:$0x3F91] =	sst lr;
	_ =	strace $0xD0000000  }
0x3: {  	_ = 	snop  }
0x4: {  	_ = 	snop  }
0x5: {  	_ = 	snop  }
0x6: {  	_ = 	snop  }
0x7: {  	_ = 	snop  }
__scs_overlays_trampoline_lowered:
0x8: {  	[smem:$0x3FA0] =	sst s0  }
0x9: {  	[smem:$0x3FA1] =	sst s1  }
0xa: {  	[smem:$0x3FA2] =	sst s2  }
0xb: {  	[smem:$0x3FA3] =	sst s3  }
0xc: {  	[smem:$0x3FA4] =	sst s4  }
0xd: {  	[smem:$0x3FA5] =	sst s5  }
0xe: {  	[smem:$0x3FA6] =	sst s6  }
0xf: {  	[smem:$0x3FA7] =	sst s7  }
0x10: {  	[smem:$0x3FA8] =	sst s8  }
0x11: {  	[smem:$0x3FA9] =	sst s9;
	s0 =	simm.s32 @!p0 $0x0  }
0x12: {  	s1 =	sld [smem:$0x3F8F];
	s0 =	simm.s32 @p0 $0x1  }
0x13: {  	[smem:$0x3FAA] =	sst s0;
	s0 =	simm.s32 @!p1 $0x0  }
0x14: {  	s2 =	sld [smem:$0x3F8E];
	s0 =	simm.s32 @p1 $0x1  }
0x15: {  	[smem:$0x3FAB] =	sst s0;
	s0 =	simm.s32 @!p2 $0x0  }
0x16: {  	s3 =	sld [smem:$0x3FDB];
	s0 =	simm.s32 @p2 $0x1  }
0x17: {  	s4 =	simm.s32 $0x1BF5;
	[smem:$0x3FAD] =	sst s0  }
0x18: {  	s0 =	sld [smem:$0x3F90];
	_ =	swait.ge [sflag:s4], $0x0  }
0x19: {  	s7 =	sld [smem:$0x3F91]  }
0x1a: {  	s8 =	sadd.s32 $0xFFFFE003, lr  }
0x1b: {  	s9 =	sadd.s32 $0xFFFFFEF7, lr;
	s5 =	simm.s32 $0xFFFFFFFF;
	p2 =	slt.u32 s8, $0xFFFFF086  }
0x1c: {  	p1 =	slt.u32 s9, $0xF7A;
	s5 =	simm.s32 @!p2 $0x0  }
0x1d: {  	s5 =	simm.s32 @p1 $0x1;
	p0 =	seq.s32 s7, s2  }
0x1e: {  	s7 =	smul.u32 @!p0 $0xF7A, s2;
	p2 =	seq.s32 @!p0 s5, $0x0  }
0x1f: {  	s9 =	smul.u32 $0xF7A, s1;
	s8 =	simm.s32 @!p0 $0x1BF5;
	p2 =	por !p2, p0  }
0x20: {  	[sflag:s8] =	ssyncset.s32 @!p0 $0xFFFFF086;
	s6 =	sadd.s32 @!p0 s3, s7;
	s7 =	simm.s32 @!p0 $0x108  }
0x21: {  	s3 =	sadd.s32 s3, s9;
	s6 =	sadd.s32 @!p0 $0x88, s6;
	s7 =	simm.s32 @p2 $0x1082  }
0x22: {  	[simem:s7], [sflag:s8] =	dma.local @!p0 [hbm:s6], $0xF7A  }
0x23: {  	s9 =	sor.u32 $0xD0000000, s2;
	s6 =	simm.s32 $0x108;
	_ =	swait.ge @!p0 [sflag:s8], $0x0  }
0x24: {  	s3 =	sadd.s32 $0x88, s3;
	s6 =	simm.s32 @!p1 $0x1082;
	[sflag:s4] =	ssyncset.s32 $0xFFFFF086  }
0x25: {  	[simem:s6], [sflag:s4] =	dma.local [hbm:s3], $0xF7A  }
0x26: {  	[smem:$0x3F91] =	sst s1;
	(tag) =	ssettag s2;
	_ =	strace s9  }
0x27: {  	s1 =	sld [smem:$0x3FA1]  }
0x28: {  	s2 =	sld [smem:$0x3FA2]  }
0x29: {  	s4 =	sld [smem:$0x3FA4]  }
0x2a: {  	p0 =	seq.s32 s5, $0x0;
	s5 =	sld [smem:$0x3FA5]  }
0x2b: {  	s6 =	sld [smem:$0x3FA6]  }
0x2c: {  	s7 =	sld [smem:$0x3FA7]  }
0x2d: {  	s3 =	simm.s32 $0x108;
	s8 =	sld [smem:$0x3FA8]  }
0x2e: {  	s3 =	simm.s32 @!p0 $0x1082;
	s9 =	sld [smem:$0x3FA9]  }
0x2f: {  	lr =	sadd.s32 s0, s3;
	s0 =	sld [smem:$0x3FA0]  }
0x30: {  	s3 =	sld [smem:$0x3FA3]  }
0x31: {  	[smem:$0x3FAC] =	sst s10  }
0x32: {  	s10 =	sld [smem:$0x3FAA];
	_ =	sdelay $0x3  }
0x33: {  	p0 =	seq.s32 s10, $0x1;
	s10 =	sld [smem:$0x3FAC];
	_ =	sdelay $0x3  }
0x34: {  	[smem:$0x3FAC] =	sst s10  }
0x35: {  	s10 =	sld [smem:$0x3FAB];
	_ =	sdelay $0x3  }
0x36: {  	p1 =	seq.s32 s10, $0x1;
	s10 =	sld [smem:$0x3FAC];
	_ =	sdelay $0x3  }
0x37: {  	[smem:$0x3FAC] =	sst s10  }
0x38: {  	s10 =	sld [smem:$0x3FAD]  }
0x39: {  	_ = 	snop;
	(pc) =	sbr.ind lr, $3  }
0x3a: {  	_ = 	snop  }
0x3b: {  	_ = 	snop  }
0x3c: {  	p2 =	seq.s32 s10, $0x1;
	s10 =	sld [smem:$0x3FAC]  }
0x3d: {  	_ =	shalt  }
0x3e: {  	_ =	shalt  }
0x3f: {  	_ =	shalt  }
0x40: {  	_ =	shalt  }
0x41: {  	_ =	shalt  }
0x42: {  	_ =	shalt  }
0x43: {  	_ =	shalt  }
0x44: {  	_ =	shalt  }
0x45: {  	_ =	shalt  }
0x46: {  	_ =	shalt  }
0x47: {  	_ =	shalt  }
0x48: {  	_ =	shalt  }
0x49: {  	_ =	shalt  }
0x4a: {  	_ =	shalt  }
0x4b: {  	_ =	shalt  }
0x4c: {  	_ =	shalt  }
0x4d: {  	_ =	shalt  }
0x4e: {  	_ =	shalt  }
0x4f: {  	_ =	shalt  }
0x50: {  	_ =	shalt  }
0x51: {  	_ =	shalt  }
0x52: {  	_ =	shalt  }
0x53: {  	_ =	shalt  }
0x54: {  	_ =	shalt  }
0x55: {  	_ =	shalt  }
0x56: {  	_ =	shalt  }
0x57: {  	_ =	shalt  }
0x58: {  	_ =	shalt  }
0x59: {  	_ =	shalt  }
0x5a: {  	_ =	shalt  }
0x5b: {  	_ =	shalt  }
0x5c: {  	_ =	shalt  }
0x5d: {  	_ =	shalt  }
0x5e: {  	_ =	shalt  }
0x5f: {  	_ =	shalt  }
0x60: {  	_ =	shalt  }
0x61: {  	_ =	shalt  }
0x62: {  	_ =	shalt  }
0x63: {  	_ =	shalt  }
0x64: {  	_ =	shalt  }
0x65: {  	_ =	shalt  }
0x66: {  	_ =	shalt  }
0x67: {  	_ =	shalt  }
0x68: {  	_ =	shalt  }
0x69: {  	_ =	shalt  }
0x6a: {  	_ =	shalt  }
0x6b: {  	_ =	shalt  }
0x6c: {  	_ =	shalt  }
0x6d: {  	_ =	shalt  }
0x6e: {  	_ =	shalt  }
0x6f: {  	_ =	shalt  }
0x70: {  	_ =	shalt  }
0x71: {  	_ =	shalt  }
0x72: {  	_ =	shalt  }
0x73: {  	_ =	shalt  }
0x74: {  	_ =	shalt  }
0x75: {  	_ =	shalt  }
0x76: {  	_ =	shalt  }
0x77: {  	_ =	shalt  }
0x78: {  	_ =	shalt  }
0x79: {  	_ =	shalt  }
0x7a: {  	_ =	shalt  }
0x7b: {  	_ =	shalt  }
0x7c: {  	_ =	shalt  }
0x7d: {  	_ =	shalt  }
0x7e: {  	_ =	shalt  }
0x7f: {  	_ =	shalt  }
0x80: {  	_ =	shalt  }
0x81: {  	_ =	shalt  }
0x82: {  	_ =	shalt  }
0x83: {  	_ =	shalt  }
0x84: {  	_ =	shalt  }
0x85: {  	_ =	shalt  }
0x86: {  	_ =	shalt  }
0x87: {  	_ =	shalt  }
.Lfunc_end0:
.L_simem_size_0:
called_computation.1_lowered:
.L_overlay_start_0:
0x88: {  	s2 =	sld [smem:$0x3FD9]  }
0x89: {  	s3 =	sld [smem:$0x3FFE];
	_ =	sdelay $0x1  }
0x8a: {  	s1 =	srdreg.scid  }
0x8b: {  	s0 =	sand.u32 $0x1, s1  }
0x8c: {  	s16 =	sshll.u32 s0, $0xA;
	s2 =	sadd.s32 s3, s2  }
0x8d: {  	s2 =	sadd.s32 s2, s16  }
0x8e: {  	[smem:$0x3FB8] =	sst s2  }
0x8f: {  	_ = 	snop  }
0x90: {  	(tm) =	ssettm $0x1  }
0x91: {  	s17 =	sld [smem:$0x3FFB];
	_ =	sdelay $0x3  }
0x92: {  	_ =	strace s17  }
0x93: {  	s2 =	sld [smem:$0x3FFC];
	_ =	sdelay $0x3  }
0x94: {  	_ =	strace s2  }
0x95: {  	s2 =	sld [smem:$0x3FFD];
	_ =	sdelay $0x3  }
0x96: {  	_ =	strace s2  }
0x97: {  	_ =	strace $0x8FFFFFFF  }
0x98: {  	s18 =	sld [smem:$0x3FDB];
	_ =	sdelay $0x1  }
0x99: {  	s19 =	simm.s32 $_scs_section_size  }
0x9a: {  	s4 =	simm.s32 $_size__tile_overlayer_lowered;
	s5 =	simm.s32 $_tile_overlayer_lowered  }
0x9b: {  	s22 =	simm.s32 $0x1BFF;
	s21 =	sshll.u32 s5, $0x1;
	s2 =	sadd.s32 s19, s18  }
0x9c: {  	s6 =	simm.s32 $0x0;
	s20 =	sshll.u32 s4, $0x1;
	s4 =	sadd.s32 s21, s2  }
0x9d: {  	[timem:s6], [sflag:s22] =	dma.local [hbm:s4], s20  }
0x9e: {  	_ =	swait.ge [sflag:s22], s20  }
0x9f: {  	s3 =	ssub.s32 $0x0, s20;
	[sflag:s22] =	ssyncset.done $0x0  }
0xa0: {  	[sflag:s22] =	ssyncadd.s32 s3;
	_ =	sdelay $0x1  }
0xa1: {  	s23 =	simm.s32 $0x1B8B  }
0xa2: {  	_ =	swait.ge [sflag:s23], $0x1  }
0xa3: {  	[sflag:s23] =	ssyncset.done $0x0  }
0xa4: {  	s25 =	simm.s32 $0x1B8E;
	s24 =	sld [smem:$0x3FFE];
	[sflag:s23] =	ssyncadd.s32 $0xFFFFFFFF  }
0xa5: {  	s26 =	simm.s32 $execute0_lowered;
	[smem:$0x3FD2] =	sst s25  }
0xa6: {  	s4 =	sshll.u32 s26, $0x1;
	_ =	strace $0x80000049;
	[dreg:$0x1] =	wrdreg $0xFFFFFFFF  }
0xa7: {  	s28 =	simm.s32 $_size_execute0_lowered;
	s2 =	sadd.s32 s2, s4;
	[dreg:$0x0] =	wrdreg $0x0  }
0xa8: {  	s4 =	sshll.u32 s28, $0x1;
	[dreg:$0x2] =	wrdreg s2  }
0xa9: {  	[dreg:$0x3] =	wrdreg s4  }
0xaa: {  	[dreg:$0x4] =	wrdreg $0xC0  }
0xab: {  	_ =	task [dreg:s6], $0x5FFFF  }
0xac: {  	[dreg:$0x1] =	wrdreg $0xFFFFFFFF  }
0xad: {  	[dreg:$0x0] =	wrdreg $0x60  }
0xae: {  	[dreg:$0x2] =	wrdreg s24  }
0xaf: {  	[dreg:$0x3] =	wrdreg $0x94000  }
0xb0: {  	[dreg:$0x4] =	wrdreg $0x9  }
0xb1: {  	_ =	task.clear_ibuf [dreg:s6], $0x5FFFF;
	_ =	strace $0x90000049  }
0xb2: {  	s29 =	simm.s32 $0x9;
	_ =	strace $0x8000004B  }
0xb3: {  	_ =	swait.ge [sflag:s29], $0x1  }
0xb4: {  	[sflag:s29] =	ssyncadd.s32 $0xFFFFFFFF  }
0xb5: {  	_ =	strace $0x9000004B  }
0xb6: {  	_ =	sfence  }
0xb7: {  	s30 =	sld [smem:$0x0];
	_ =	sdelay $0x2  }
0xb8: {  	s31 =	sshll.u32 s1, $0xD;
	s1 =	sshrl.u32 s1, $0x2  }
0xb9: {  	s3 =	sand.u32 $0x4000, s31;
	s1 =	sadd.s32 s1, s30  }
0xba: {  	s0 =	sor.u32 s3, s0;
	s1 =	sshll.u32 s1, $0x11  }
0xbb: {  	s0 =	sor.u32 s1, s0  }
0xbc: {  	s0 =	sadd.s32 $0x8F2B, s0  }
0xbd: {  	[sflag:s0] =	ssyncadd.remote.s32 $0x1  }
0xbe: {  	_ =	sfence.sel $0xFFFF  }
0xbf: {  	[dreg:$0x0] =	wrdreg $0xFFFFFFFF;
	(pc) =	sbr.abs _section_cstart, $3  }
0xc0: {  	[dreg:$0x1] =	wrdreg $0xFFFFFFFF  }
0xc1: {  	_ =	task.clear_ibuf [dreg:s6], $0x2FFFF;
	_ =	strace $0x9FFFFFFF  }
0xc2: {  	(tm) =	ssettm $0x7FFFFFFF  }
0xc3: {  	_ =	shalt  }
tec
execute0_lowered:
.L_overlay_start_1:
0x0: {  	(tag) =	ssettag $0x1  }
0x1: {  	s0 =	srdreg.scid;
	s6 =	rddreg [dreg:$0x0]  }
0x2: {  	s2 =	rddreg [dreg:$0x1];
	s3 =	simm.s32 $0x0;
	s17 =	simm.s32 $0x1  }
0x3: {  	s18 =	simm.s32 $0x80;
	s19 =	simm.s32 $0x2;
	s5 =	sand.u32 $0x1, s0  }
0x4: {  	s20 =	simm.s32 $0x1300;
	s0 =	stileid.u32;
	s8 =	smul.u32 $0x140000, s5  }
0x5: {  	s21 =	simm.s32 $0x1380;
	s22 =	simm.s32 $0x0;
	s9 =	smul.u32 $0x14000, s0  }
0x6: {  	[smem:$0x7FF] =	sst s3;
	s12 =	sadd.s32 $0x2E0200, s6;
	s11 =	smul.u32 $0x50000, s0  }
0x7: {  	s1 =	sshll.u32 s5, $0x4;
	s23 =	ssub.s32 $0x2, s5;
	s28 =	smul.u32 $0xA00000, s5  }
0x8: {  	s26 =	sshll.u32 s0, $0x6;
	s16 =	smul.u32 $0xA0000, s0;
	s7 =	sor.u32 s0, s1  }
0x9: {  	s1 =	rddreg [dreg:$0x2];
	_ =	strace $0x8000004A;
	s4 =	smul.u32 $0x280, s7  }
0xa: {  	s13 =	sshrl.u32 s23, $0x1;
	s5 =	sor.u32 $0x1C03, s26;
	s14 =	smul.u32 $0x14000, s7  }
0xb: {  	s8 =	sadd.s32 s9, s8;
	s9 =	ssub.s32 s23, s13;
	s24 =	smul.u32 $0xA0000, s7  }
0xc: {  	s25 =	sshrl.u32 s11, $0x2;
	s11 =	sadd.s32 s16, s28;
	s16 =	simm.s32 $0x5400  }
0xd: {  	s8 =	sshrl.u32 s8, $0x3;
	s15 =	sadd.s32 s25, s2;
	s9 =	smax.u32 s9, $0x1  }
0xe: {  	s30 =	sor.u32 $0x8000, s11;
	s11 =	sor.u32 $0x4000, s11;
	s10 =	sadd.s32 s4, s6  }
0xf: {  	s4 =	sadd.s32 $0x2E00, s6;
	s8 =	sadd.s32 s8, s6;
	s7 =	sadd.s32 s12, s14  }
0x10: {  	s29 =	sshrl.u32 s24, $0x3;
	s13 =	sshrl.u32 s30, $0x3;
	s31 =	sshrl.u32 s11, $0x3  }
0x11: {  	s14 =	simm.s32 $0x3;
	s6 =	sadd.s32 $0x7E00, s10;
	s8 =	sadd.s32 $0xCE00, s8  }
0x12: {  	s10 =	sadd.s32 s12, s29;
	s11 =	sadd.s32 s13, s12;
	s12 =	sadd.s32 s31, s12  }
0x13: {  	s13 =	sshrl.u32 s15, $0x3;
	s15 =	simm.s32 $0x1400;
	s10 =	sadd.s32 $0x13800, s10  }
.LBB2_1:
0x14: {  	[spmem:s13], [sflag:s5] =	dma.local [hbm:s4], $0x2800  }
0x15: {  	_ =	swait.ge [sflag:s14], $0x2800  }
0x16: {  	[sflag:s14] =	ssyncset.done $0x0  }
0x17: {  	[sflag:s14] =	ssyncadd.s32 $0xFFFFD800  }
0x18: {  	[tilespmem:s3], [sflag:$0x3] =	stream.linear.gather [hbm4b:s6+s3], $0x1400, $0x38;
	[tilespmem:$0x1D400] =	vst v63  }
0x19: {  	_ =	swait.ge [sflag:s14], $0x1400  }
0x1a: {  	[sflag:s14] =	ssyncset.done $0x0  }
0x1b: {  	[sflag:s14] =	ssyncadd.s32 $0xFFFFEC00  }
0x1c: {  	[bflag:$0x0] =	sbarrier.arrive $0xFFFF  }
0x1d: {  	[tilespmem:s15], [sflag:$0x1] =	stream.linear.gather [hbm4b:s7+s3], $0x4000, $0x38;
	[tilespmem:$0x1D400] =	vst v63  }
0x1e: {  	s23 =	sadd.s32 $0x0, s12  }
0x1f: {  	[tilespmem:s16], [sflag:$0x2] =	stream.linear.gather [hbm4b:s23+s3], $0x4000, $0x38;
	[tilespmem:$0x1D400] =	vst v63  }
0x20: {  	_ =	swait.ge [sflag:s17], $0x4000  }
0x21: {  	[sflag:s17] =	ssyncset.done $0x0  }
0x22: {  	[sflag:s17] =	ssyncadd.s32 $0xFFFFC000  }
0x23: {  	[spmem:s2] =	stream.indirect.scatter.add.f32 [tilespmem:s15], [sflag:$0x3], $0x80, s3, s18, $0xb8;
	[tilespmem:$0x1D400] =	vst v63  }
0x24: {  	_ =	swait.ge [sflag:s14], $0x4000  }
0x25: {  	[sflag:s14] =	ssyncset.done $0x0  }
0x26: {  	s30 =	sadd.s32 $0x0, s11;
	[sflag:s14] =	ssyncadd.s32 $0xFFFFC000  }
0x27: {  	[tilespmem:s15], [sflag:$0x1] =	stream.linear.gather [hbm4b:s30+s3], $0x4000, $0x38;
	[tilespmem:$0x1D400] =	vst v63  }
0x28: {  	_ =	swait.ge [sflag:s19], $0x4000  }
0x29: {  	[sflag:s19] =	ssyncset.done $0x0  }
0x2a: {  	s31 =	simm.s32 $0x80;
	[sflag:s19] =	ssyncadd.s32 $0xFFFFC000  }
0x2b: {  	[spmem:s2] =	stream.indirect.scatter.add.f32 [tilespmem:s16], [sflag:$0x3], $0x80, s31, s18, $0xb8;
	[tilespmem:$0x1D400] =	vst v63  }
0x2c: {  	s24 =	simm.s32 $0x1000;
	_ =	swait.ge [sflag:s14], $0x4000  }
0x2d: {  	s25 =	simm.s32 $0x2000;
	s23 =	simm.s32 $0x100;
	[sflag:s14] =	ssyncset.done $0x0  }
.LBB2_2:
0x2e: {  	s26 =	sadd.s32 s24, s12  }
0x2f: {  	[sflag:s14] =	ssyncadd.s32 $0xFFFFC000;
	s28 =	smov.u32 s25;
	s29 =	sadd.s32 $0x1000, s25  }
0x30: {  	[tilespmem:s16], [sflag:$0x2] =	stream.linear.gather [hbm4b:s26+s3], $0x4000, $0x38;
	[tilespmem:$0x1D400] =	vst v63  }
0x31: {  	p0 =	sne.s32 s25, $0x12000;
	_ =	swait.ge [sflag:s17], $0x4000  }
0x32: {  	[sflag:s17] =	ssyncset.done $0x0  }
0x33: {  	[sflag:s17] =	ssyncadd.s32 $0xFFFFC000  }
0x34: {  	[spmem:s2] =	stream.indirect.scatter.add.f32 [tilespmem:s15], [sflag:$0x3], $0x80, s23, s18, $0xb8;
	[tilespmem:$0x1D400] =	vst v63  }
0x35: {  	_ =	swait.ge [sflag:s14], $0x4000  }
0x36: {  	[sflag:s14] =	ssyncset.done $0x0  }
0x37: {  	s25 =	sadd.s32 s24, s11;
	s24 =	smov.u32 s28;
	[sflag:s14] =	ssyncadd.s32 $0xFFFFC000  }
0x38: {  	[tilespmem:s15], [sflag:$0x1] =	stream.linear.gather [hbm4b:s25+s3], $0x4000, $0x38;
	[tilespmem:$0x1D400] =	vst v63  }
0x39: {  	_ =	swait.ge [sflag:s19], $0x4000  }
.Ltmp0:
0x3a: {  	[sflag:s19] =	ssyncset.done $0x0;
	(pc) =	sbr.rel @p0 .LBB2_2-.Ltmp0, $4  }
0x3b: {  	s25 =	sadd.s32 $0x80, s23;
	[sflag:s19] =	ssyncadd.s32 $0xFFFFC000  }
0x3c: {  	[spmem:s2] =	stream.indirect.scatter.add.f32 [tilespmem:s16], [sflag:$0x3], $0x80, s25, s18, $0xb8;
	[tilespmem:$0x1D400] =	vst v63  }
0x3d: {  	_ =	swait.ge [sflag:s14], $0x4000  }
0x3e: {  	s23 =	sadd.s32 $0x100, s23;
	s25 =	smov.u32 s29;
	[sflag:s14] =	ssyncset.done $0x0  }
0x3f: {  	s25 =	sadd.s32 s24, s12;
	[sflag:s14] =	ssyncadd.s32 $0xFFFFC000  }
0x40: {  	[tilespmem:s16], [sflag:$0x2] =	stream.linear.gather [hbm4b:s25+s3], $0x4000, $0x38;
	[tilespmem:$0x1D400] =	vst v63  }
0x41: {  	_ =	swait.ge [sflag:s17], $0x4000  }
0x42: {  	[sflag:s17] =	ssyncset.done $0x0  }
0x43: {  	[sflag:s17] =	ssyncadd.s32 $0xFFFFC000  }
0x44: {  	[spmem:s2] =	stream.indirect.scatter.add.f32 [tilespmem:s15], [sflag:$0x3], $0x80, s23, s18, $0xb8;
	[tilespmem:$0x1D400] =	vst v63  }
0x45: {  	_ =	swait.ge [sflag:s14], $0x4000  }
0x46: {  	[sflag:s14] =	ssyncset.done $0x0  }
0x47: {  	s30 =	sadd.s32 s24, s11;
	[sflag:s14] =	ssyncadd.s32 $0xFFFFC000  }
0x48: {  	[tilespmem:s15], [sflag:$0x1] =	stream.linear.gather [hbm4b:s30+s3], $0x4000, $0x38;
	[tilespmem:$0x1D400] =	vst v63  }
0x49: {  	_ =	swait.ge [sflag:s19], $0x4000  }
0x4a: {  	[sflag:s19] =	ssyncset.done $0x0  }
0x4b: {  	s31 =	sadd.s32 $0x80, s23;
	[sflag:s19] =	ssyncadd.s32 $0xFFFFC000  }
0x4c: {  	[spmem:s2] =	stream.indirect.scatter.add.f32 [tilespmem:s16], [sflag:$0x3], $0x80, s31, s18, $0xb8;
	[tilespmem:$0x1D400] =	vst v63  }
0x4d: {  	_ =	swait.ge [sflag:s14], $0x4000  }
0x4e: {  	[sflag:s14] =	ssyncset.done $0x0  }
0x4f: {  	[sflag:s14] =	ssyncadd.s32 $0xFFFFC000  }
0x50: {  	[tilespmem:s16], [sflag:$0x2] =	stream.linear.gather [hbm4b:s10+s3], $0x4000, $0x38;
	[tilespmem:$0x1D400] =	vst v63  }
0x51: {  	_ =	swait.ge [sflag:s17], $0x4000  }
0x52: {  	[sflag:s17] =	ssyncset.done $0x0  }
0x53: {  	[sflag:s17] =	ssyncadd.s32 $0xFFFFC000  }
0x54: {  	[spmem:s2] =	stream.indirect.scatter.add.f32 [tilespmem:s15], [sflag:$0x3], $0x80, s20, s18, $0xb8;
	[tilespmem:$0x1D400] =	vst v63  }
0x55: {  	_ =	swait.ge [sflag:s14], $0x4000  }
0x56: {  	[sflag:s14] =	ssyncset.done $0x0  }
0x57: {  	[sflag:s14] =	ssyncadd.s32 $0xFFFFC000  }
0x58: {  	_ =	swait.ge [sflag:s19], $0x4000  }
0x59: {  	[sflag:s19] =	ssyncset.done $0x0  }
0x5a: {  	[sflag:s19] =	ssyncadd.s32 $0xFFFFC000  }
0x5b: {  	[spmem:s2] =	stream.indirect.scatter.add.f32 [tilespmem:s16], [sflag:$0x3], $0x80, s21, s18, $0xb8;
	[tilespmem:$0x1D400] =	vst v63  }
0x5c: {  	_ =	swait.ge [sflag:s14], $0x4000  }
0x5d: {  	s22 =	sadd.s32 $0x1, s22;
	[sflag:s14] =	ssyncset.done $0x0  }
0x5e: {  	p0 =	sne.s32 s22, s9;
	[sflag:s14] =	ssyncadd.s32 $0xFFFFC000  }
.Ltmp1:
0x5f: {  	[bflag:$0x0] =	sbarrier.arrive $0xFFFF;
	(pc) =	sbr.rel @p0 .LBB2_1-.Ltmp1, $4  }
0x60: {  	[hbm:s8], [sflag:s5] =	dma.local [spmem:s13], $0x2800  }
0x61: {  	_ =	swait.ge [sflag:s14], $0x2800  }
0x62: {  	[sflag:s14] =	ssyncset.done $0x0  }
0x63: {  	[sflag:s14] =	ssyncadd.s32 $0xFFFFD800  }
0x64: {  	_ =	sfence.sel $0x180000  }
0x65: {  	[bflag:$0x0] =	sbarrier.arrive $0xFFFF  }
0x66: {  	p0 =	sne.s32 s0, $0x0;
	_ =	strace $0x9000004A  }
0x67: {  	s0 =	sadd.s32 @!p0 $0x100000, s1;
	[bflag:$0x2] =	sbarrier.arrive $0xFFFF  }
0x68: {  	[sflag:s0] =	ssyncadd.tile.s32 @!p0 $0x1;
	_ =	shalt  }
.Lfunc_end2:
_tile_overlayer_lowered:
.L_overlay_start_2:
0x69: {  	(tag) =	ssettag $0x2  }
0x6a: {  	s0 =	rddreg [dreg:$0x0];
	s2 =	stileid.u32  }
0x6b: {  	s1 =	rddreg [dreg:$0x1];
	p0 =	sne.s32 s2, $0x0  }
0x6c: {  	s3 =	rddreg [dreg:$0x2];
	[bflag:$0x3] =	sbarrier.arrive $0xFFFF;
	s2 =	simm.s32 @!p0 $0x1C03  }
0x6d: {  	[timem:s3], [sflag:s2] =	dma.local @!p0 [hbm:s0], s1  }
0x6e: {  	s0 =	simm.s32 @!p0 $0x3  }
0x6f: {  	_ =	swait.ge @!p0 [sflag:s0], s1  }
0x70: {  	s1 =	ssub.s32 @!p0 $0x0, s1;
	[sflag:s0] =	ssyncset.done @!p0 $0x0  }
0x71: {  	[sflag:s0] =	ssyncadd.s32 @!p0 s1  }
0x72: {  	[bflag:$0x3] =	sbarrier.arrive $0xFFFF  }
0x73: {  	_ =	shalt  }

// kernel: kernel.7.cloned.1.call-start
scs
__scs_entry_jumppad:
0x0: {  	(pc) =	sbr.rel $0x88, $3  }
0x1: {  	(tag) =	ssettag $0x0;
	lr =	simm.s32 $0x1  }
0x2: {  	[smem:$0x3F91] =	sst lr;
	_ =	strace $0xD0000000  }
0x3: {  	_ = 	snop  }
0x4: {  	_ = 	snop  }
0x5: {  	_ = 	snop  }
0x6: {  	_ = 	snop  }
0x7: {  	_ = 	snop  }
__scs_overlays_trampoline_lowered:
0x8: {  	[smem:$0x3FA0] =	sst s0  }
0x9: {  	[smem:$0x3FA1] =	sst s1  }
0xa: {  	[smem:$0x3FA2] =	sst s2  }
0xb: {  	[smem:$0x3FA3] =	sst s3  }
0xc: {  	[smem:$0x3FA4] =	sst s4  }
0xd: {  	[smem:$0x3FA5] =	sst s5  }
0xe: {  	[smem:$0x3FA6] =	sst s6  }
0xf: {  	[smem:$0x3FA7] =	sst s7  }
0x10: {  	[smem:$0x3FA8] =	sst s8  }
0x11: {  	[smem:$0x3FA9] =	sst s9;
	s0 =	simm.s32 @!p0 $0x0  }
0x12: {  	s1 =	sld [smem:$0x3F8F];
	s0 =	simm.s32 @p0 $0x1  }
0x13: {  	[smem:$0x3FAA] =	sst s0;
	s0 =	simm.s32 @!p1 $0x0  }
0x14: {  	s2 =	sld [smem:$0x3F8E];
	s0 =	simm.s32 @p1 $0x1  }
0x15: {  	[smem:$0x3FAB] =	sst s0;
	s0 =	simm.s32 @!p2 $0x0  }
0x16: {  	s3 =	sld [smem:$0x3FDB];
	s0 =	simm.s32 @p2 $0x1  }
0x17: {  	s4 =	simm.s32 $0x1BF5;
	[smem:$0x3FAD] =	sst s0  }
0x18: {  	s0 =	sld [smem:$0x3F90];
	_ =	swait.ge [sflag:s4], $0x0  }
0x19: {  	s7 =	sld [smem:$0x3F91]  }
0x1a: {  	s8 =	sadd.s32 $0xFFFFE003, lr  }
0x1b: {  	s9 =	sadd.s32 $0xFFFFFEF7, lr;
	s5 =	simm.s32 $0xFFFFFFFF;
	p2 =	slt.u32 s8, $0xFFFFF086  }
0x1c: {  	p1 =	slt.u32 s9, $0xF7A;
	s5 =	simm.s32 @!p2 $0x0  }
0x1d: {  	s5 =	simm.s32 @p1 $0x1;
	p0 =	seq.s32 s7, s2  }
0x1e: {  	s7 =	smul.u32 @!p0 $0xF7A, s2;
	p2 =	seq.s32 @!p0 s5, $0x0  }
0x1f: {  	s9 =	smul.u32 $0xF7A, s1;
	s8 =	simm.s32 @!p0 $0x1BF5;
	p2 =	por !p2, p0  }
0x20: {  	[sflag:s8] =	ssyncset.s32 @!p0 $0xFFFFF086;
	s6 =	sadd.s32 @!p0 s3, s7;
	s7 =	simm.s32 @!p0 $0x108  }
0x21: {  	s3 =	sadd.s32 s3, s9;
	s6 =	sadd.s32 @!p0 $0x88, s6;
	s7 =	simm.s32 @p2 $0x1082  }
0x22: {  	[simem:s7], [sflag:s8] =	dma.local @!p0 [hbm:s6], $0xF7A  }
0x23: {  	s9 =	sor.u32 $0xD0000000, s2;
	s6 =	simm.s32 $0x108;
	_ =	swait.ge @!p0 [sflag:s8], $0x0  }
0x24: {  	s3 =	sadd.s32 $0x88, s3;
	s6 =	simm.s32 @!p1 $0x1082;
	[sflag:s4] =	ssyncset.s32 $0xFFFFF086  }
0x25: {  	[simem:s6], [sflag:s4] =	dma.local [hbm:s3], $0xF7A  }
0x26: {  	[smem:$0x3F91] =	sst s1;
	(tag) =	ssettag s2;
	_ =	strace s9  }
0x27: {  	s1 =	sld [smem:$0x3FA1]  }
0x28: {  	s2 =	sld [smem:$0x3FA2]  }
0x29: {  	s4 =	sld [smem:$0x3FA4]  }
0x2a: {  	p0 =	seq.s32 s5, $0x0;
	s5 =	sld [smem:$0x3FA5]  }
0x2b: {  	s6 =	sld [smem:$0x3FA6]  }
0x2c: {  	s7 =	sld [smem:$0x3FA7]  }
0x2d: {  	s3 =	simm.s32 $0x108;
	s8 =	sld [smem:$0x3FA8]  }
0x2e: {  	s3 =	simm.s32 @!p0 $0x1082;
	s9 =	sld [smem:$0x3FA9]  }
0x2f: {  	lr =	sadd.s32 s0, s3;
	s0 =	sld [smem:$0x3FA0]  }
0x30: {  	s3 =	sld [smem:$0x3FA3]  }
0x31: {  	[smem:$0x3FAC] =	sst s10  }
0x32: {  	s10 =	sld [smem:$0x3FAA];
	_ =	sdelay $0x3  }
0x33: {  	p0 =	seq.s32 s10, $0x1;
	s10 =	sld [smem:$0x3FAC];
	_ =	sdelay $0x3  }
0x34: {  	[smem:$0x3FAC] =	sst s10  }
0x35: {  	s10 =	sld [smem:$0x3FAB];
	_ =	sdelay $0x3  }
0x36: {  	p1 =	seq.s32 s10, $0x1;
	s10 =	sld [smem:$0x3FAC];
	_ =	sdelay $0x3  }
0x37: {  	[smem:$0x3FAC] =	sst s10  }
0x38: {  	s10 =	sld [smem:$0x3FAD]  }
0x39: {  	_ = 	snop;
	(pc) =	sbr.ind lr, $3  }
0x3a: {  	_ = 	snop  }
0x3b: {  	_ = 	snop  }
0x3c: {  	p2 =	seq.s32 s10, $0x1;
	s10 =	sld [smem:$0x3FAC]  }
0x3d: {  	_ =	shalt  }
0x3e: {  	_ =	shalt  }
0x3f: {  	_ =	shalt  }
0x40: {  	_ =	shalt  }
0x41: {  	_ =	shalt  }
0x42: {  	_ =	shalt  }
0x43: {  	_ =	shalt  }
0x44: {  	_ =	shalt  }
0x45: {  	_ =	shalt  }
0x46: {  	_ =	shalt  }
0x47: {  	_ =	shalt  }
0x48: {  	_ =	shalt  }
0x49: {  	_ =	shalt  }
0x4a: {  	_ =	shalt  }
0x4b: {  	_ =	shalt  }
0x4c: {  	_ =	shalt  }
0x4d: {  	_ =	shalt  }
0x4e: {  	_ =	shalt  }
0x4f: {  	_ =	shalt  }
0x50: {  	_ =	shalt  }
0x51: {  	_ =	shalt  }
0x52: {  	_ =	shalt  }
0x53: {  	_ =	shalt  }
0x54: {  	_ =	shalt  }
0x55: {  	_ =	shalt  }
0x56: {  	_ =	shalt  }
0x57: {  	_ =	shalt  }
0x58: {  	_ =	shalt  }
0x59: {  	_ =	shalt  }
0x5a: {  	_ =	shalt  }
0x5b: {  	_ =	shalt  }
0x5c: {  	_ =	shalt  }
0x5d: {  	_ =	shalt  }
0x5e: {  	_ =	shalt  }
0x5f: {  	_ =	shalt  }
0x60: {  	_ =	shalt  }
0x61: {  	_ =	shalt  }
0x62: {  	_ =	shalt  }
0x63: {  	_ =	shalt  }
0x64: {  	_ =	shalt  }
0x65: {  	_ =	shalt  }
0x66: {  	_ =	shalt  }
0x67: {  	_ =	shalt  }
0x68: {  	_ =	shalt  }
0x69: {  	_ =	shalt  }
0x6a: {  	_ =	shalt  }
0x6b: {  	_ =	shalt  }
0x6c: {  	_ =	shalt  }
0x6d: {  	_ =	shalt  }
0x6e: {  	_ =	shalt  }
0x6f: {  	_ =	shalt  }
0x70: {  	_ =	shalt  }
0x71: {  	_ =	shalt  }
0x72: {  	_ =	shalt  }
0x73: {  	_ =	shalt  }
0x74: {  	_ =	shalt  }
0x75: {  	_ =	shalt  }
0x76: {  	_ =	shalt  }
0x77: {  	_ =	shalt  }
0x78: {  	_ =	shalt  }
0x79: {  	_ =	shalt  }
0x7a: {  	_ =	shalt  }
0x7b: {  	_ =	shalt  }
0x7c: {  	_ =	shalt  }
0x7d: {  	_ =	shalt  }
0x7e: {  	_ =	shalt  }
0x7f: {  	_ =	shalt  }
0x80: {  	_ =	shalt  }
0x81: {  	_ =	shalt  }
0x82: {  	_ =	shalt  }
0x83: {  	_ =	shalt  }
0x84: {  	_ =	shalt  }
0x85: {  	_ =	shalt  }
0x86: {  	_ =	shalt  }
0x87: {  	_ =	shalt  }
.Lfunc_end0:
.L_simem_size_0:
called_computation_lowered:
.L_overlay_start_0:
0x88: {  	s2 =	sld [smem:$0x3FD9]  }
0x89: {  	s3 =	sld [smem:$0x3FFE];
	_ =	sdelay $0x1  }
0x8a: {  	s1 =	srdreg.scid  }
0x8b: {  	s0 =	sand.u32 $0x1, s1  }
0x8c: {  	s16 =	sshll.u32 s0, $0xA;
	s2 =	sadd.s32 s3, s2  }
0x8d: {  	s2 =	sadd.s32 s2, s16  }
0x8e: {  	[smem:$0x3FB8] =	sst s2  }
0x8f: {  	_ = 	snop  }
0x90: {  	(tm) =	ssettm $0x1  }
0x91: {  	s17 =	sld [smem:$0x3FFB];
	_ =	sdelay $0x3  }
0x92: {  	_ =	strace s17  }
0x93: {  	s2 =	sld [smem:$0x3FFC];
	_ =	sdelay $0x3  }
0x94: {  	_ =	strace s2  }
0x95: {  	s2 =	sld [smem:$0x3FFD];
	_ =	sdelay $0x3  }
0x96: {  	_ =	strace s2  }
0x97: {  	_ =	strace $0x8FFFFFFF  }
0x98: {  	s18 =	sld [smem:$0x3FDB];
	_ =	sdelay $0x1  }
0x99: {  	s19 =	simm.s32 $_scs_section_size  }
0x9a: {  	s4 =	simm.s32 $_size__tile_overlayer_lowered;
	s5 =	simm.s32 $_tile_overlayer_lowered  }
0x9b: {  	s22 =	simm.s32 $0x1BFF;
	s21 =	sshll.u32 s5, $0x1;
	s2 =	sadd.s32 s19, s18  }
0x9c: {  	s6 =	simm.s32 $0x0;
	s20 =	sshll.u32 s4, $0x1;
	s4 =	sadd.s32 s21, s2  }
0x9d: {  	[timem:s6], [sflag:s22] =	dma.local [hbm:s4], s20  }
0x9e: {  	_ =	swait.ge [sflag:s22], s20  }
0x9f: {  	s3 =	ssub.s32 $0x0, s20;
	[sflag:s22] =	ssyncset.done $0x0  }
0xa0: {  	[sflag:s22] =	ssyncadd.s32 s3;
	_ =	sdelay $0x1  }
0xa1: {  	s23 =	simm.s32 $0x1B8B  }
0xa2: {  	_ =	swait.ge [sflag:s23], $0x1  }
0xa3: {  	[sflag:s23] =	ssyncset.done $0x0  }
0xa4: {  	s25 =	simm.s32 $0x1B8E;
	s24 =	sld [smem:$0x3FFE];
	[sflag:s23] =	ssyncadd.s32 $0xFFFFFFFF  }
0xa5: {  	s26 =	simm.s32 $execute0_lowered;
	[smem:$0x3FD2] =	sst s25  }
0xa6: {  	s4 =	sshll.u32 s26, $0x1;
	_ =	strace $0x80000046;
	[dreg:$0x1] =	wrdreg $0xFFFFFFFF  }
0xa7: {  	s28 =	simm.s32 $_size_execute0_lowered;
	s2 =	sadd.s32 s2, s4;
	[dreg:$0x0] =	wrdreg $0x0  }
0xa8: {  	s4 =	sshll.u32 s28, $0x1;
	[dreg:$0x2] =	wrdreg s2  }
0xa9: {  	[dreg:$0x3] =	wrdreg s4  }
0xaa: {  	[dreg:$0x4] =	wrdreg $0xC0  }
0xab: {  	_ =	task [dreg:s6], $0x5FFFF  }
0xac: {  	[dreg:$0x1] =	wrdreg $0xFFFFFFFF  }
0xad: {  	[dreg:$0x0] =	wrdreg $0x60  }
0xae: {  	[dreg:$0x2] =	wrdreg s24  }
0xaf: {  	[dreg:$0x3] =	wrdreg $0x9  }
0xb0: {  	_ =	task.clear_ibuf [dreg:s6], $0x4FFFF;
	_ =	strace $0x90000046  }
0xb1: {  	s29 =	simm.s32 $0x9;
	_ =	strace $0x80000048  }
0xb2: {  	_ =	swait.ge [sflag:s29], $0x1  }
0xb3: {  	[sflag:s29] =	ssyncadd.s32 $0xFFFFFFFF  }
0xb4: {  	_ =	strace $0x90000048  }
0xb5: {  	_ =	sfence  }
0xb6: {  	s30 =	sld [smem:$0x0];
	_ =	sdelay $0x2  }
0xb7: {  	s31 =	sshll.u32 s1, $0xD;
	s1 =	sshrl.u32 s1, $0x2  }
0xb8: {  	s3 =	sand.u32 $0x4000, s31;
	s1 =	sadd.s32 s1, s30  }
0xb9: {  	s0 =	sor.u32 s3, s0;
	s1 =	sshll.u32 s1, $0x11  }
0xba: {  	s0 =	sor.u32 s1, s0  }
0xbb: {  	s0 =	sadd.s32 $0x8F2B, s0  }
0xbc: {  	[sflag:s0] =	ssyncadd.remote.s32 $0x1  }
0xbd: {  	_ =	sfence.sel $0xFFFF  }
0xbe: {  	[dreg:$0x0] =	wrdreg $0xFFFFFFFF;
	(pc) =	sbr.abs _section_cstart, $3  }
0xbf: {  	[dreg:$0x1] =	wrdreg $0xFFFFFFFF  }
0xc0: {  	_ =	task.clear_ibuf [dreg:s6], $0x2FFFF;
	_ =	strace $0x9FFFFFFF  }
0xc1: {  	(tm) =	ssettm $0x7FFFFFFF  }
tec
execute0_lowered:
.L_overlay_start_1:
0x0: {  	(tag) =	ssettag $0x1  }
0x1: {  	s5 =	rddreg [dreg:$0x0]  }
0x2: {  	s0 =	rddreg [dreg:$0x1]  }
0x3: {  	s1 =	simm.s32 $0x0;
	s6 =	srdreg.scid;
	s2 =	stileid.u32  }
0x4: {  	s14 =	simm.s32 $0x1800;
	s15 =	simm.s32 $0x80;
	s16 =	simm.s32 $0x3000  }
0x5: {  	s17 =	simm.s32 $0xB000;
	s18 =	simm.s32 $0x7000;
	s19 =	simm.s32 $0xF000  }
0x6: {  	s20 =	simm.s32 $0x1;
	s21 =	simm.s32 $0x2;
	s22 =	simm.s32 $0x3  }
0x7: {  	s23 =	simm.s32 $0x4;
	s24 =	simm.s32 $0x0;
	[smem:$0x7FF] =	sst s1  }
0x8: {  	s3 =	sadd.s32 $0x11E00, s5;
	s4 =	sadd.s32 $0x39000, s5;
	s6 =	sand.u32 $0x1, s6  }
0x9: {  	s9 =	sadd.s32 $0xCE00, s5;
	s8 =	smul.u32 $0x2800, s2;
	s10 =	sadd.s32 $0x2E00, s5  }
0xa: {  	s5 =	sadd.s32 $0x60200, s5;
	_ =	strace $0x80000047;
	s7 =	ssub.s32 $0x2, s6  }
.Ltmp0:
0xb: {  	p0 =	seq.s32 s6, $0x1;
	s11 =	sshrl.u32 s7, $0x1;
	(pc) =	sbr.rel .LBB2_1-.Ltmp0, $4  }
0xc: {  	s30 =	sshrl.u32 s8, $0x3;
	s31 =	sadd.s32 $0x1800, s8;
	s8 =	smul.u32 $0x140000, s2  }
0xd: {  	s12 =	ssub.s32 s7, s11;
	s6 =	sadd.s32 s9, s30;
	s13 =	sshrl.u32 s31, $0x3  }
0xe: {  	s7 =	sadd.s32 s10, s30;
	s11 =	sshll.u32 s31, $0x7;
	s9 =	sadd.s32 s9, s13  }
0xf: {  	s10 =	sadd.s32 s10, s13;
	s12 =	smax.u32 s12, $0x1;
	s13 =	simm.s32 $0x5  }
.LBB2_14:
0x10: {  	s24 =	sadd.s32 $0x1, s24  }
0x11: {  	_ =	swait.ge [sflag:s22], $0x4000;
	p1 =	sne.s32 s24, s12  }
.Ltmp1:
0x12: {  	[sflag:s22] =	ssyncset.done $0x0;
	(pc) =	sbr.rel @!p1 .LBB2_15-.Ltmp1, $4  }
0x13: {  	[sflag:s22] =	ssyncadd.s32 $0xFFFFC000  }
0x14: {  	_ =	swait.ge [sflag:s23], $0x4000  }
0x15: {  	[sflag:s23] =	ssyncset.done $0x0  }
0x16: {  	[sflag:s23] =	ssyncadd.s32 $0xFFFFC000  }
.LBB2_1:
.Ltmp2:
0x17: {  	(pc) =	sbr.rel @!p0 .LBB2_2-.Ltmp2, $2  }
0x18: {  	_ =	sdelay $0x2  }
0x19: {  	s25 =	simm.s32 $0x0  }
0x1a: {  	[tilespmem:s25], [sflag:$0x5] =	stream.linear.gather [hbm4b:s9+s25], $0x1000, $0x38;
	[tilespmem:$0x13000] =	vst v63  }
0x1b: {  	_ =	swait.ge [sflag:s13], $0x1000  }
0x1c: {  	[sflag:s13] =	ssyncset.done $0x0  }
0x1d: {  	[sflag:s13] =	ssyncadd.s32 $0xFFFFF000  }
0x1e: {  	[tilespmem:s14], [sflag:$0x5] =	stream.linear.gather [hbm4b:s10+s25], $0x1000, $0x38;
	[tilespmem:$0x13000] =	vst v63  }
0x1f: {  	_ =	swait.ge [sflag:s13], $0x1000  }
0x20: {  	[sflag:s13] =	ssyncset.done $0x0  }
0x21: {  	[sflag:s13] =	ssyncadd.s32 $0xFFFFF000  }
0x22: {  	[tilespmem:s16], [sflag:$0x1] =	stream.indirect.gather [hbm4b:s3+s15], $0x80, s25, s15, $0xb8;
	[tilespmem:$0x13000] =	vst v63  }
0x23: {  	_ = 	snop  }
0x24: {  	[tilespmem:s17], [sflag:$0x1] =	stream.indirect.gather [hbm4b:s4+s15], $0x80, s14, s15, $0xb8;
	[tilespmem:$0x13000] =	vst v63  }
.LBB2_9:
0x25: {  	p1 =	seq.s32 s25, $0x0  }
0x26: {  	s28 =	simm.s32 @!p1 $0x4  }
0x27: {  	_ =	swait.ge @!p1 [sflag:s28], $0x4000  }
0x28: {  	s26 =	sshllo.u32 s25, $0x1;
	[sflag:s28] =	ssyncset.done @!p1 $0x0  }
0x29: {  	[sflag:s28] =	ssyncadd.s32 @!p1 $0xFFFFC000;
	s28 =	sshll.u32 s26, $0x7  }
0x2a: {  	[tilespmem:s18], [sflag:$0x2] =	stream.indirect.gather [hbm4b:s3+s15], $0x80, s28, s15, $0xb8;
	[tilespmem:$0x13000] =	vst v63  }
0x2b: {  	s28 =	sadd.s32 $0x1800, s28  }
0x2c: {  	[tilespmem:s19], [sflag:$0x2] =	stream.indirect.gather [hbm4b:s4+s15], $0x80, s28, s15, $0xb8;
	[tilespmem:$0x13000] =	vst v63  }
0x2d: {  	_ =	swait.ge [sflag:s20], $0x4000  }
0x2e: {  	[sflag:s20] =	ssyncset.done $0x0  }
0x2f: {  	[sflag:s20] =	ssyncadd.s32 $0xFFFFC000  }
0x30: {  	_ =	swait.ge [sflag:s20], $0x4000  }
0x31: {  	[sflag:s20] =	ssyncset.done $0x0  }
0x32: {  	s28 =	simm.s32 $0x3100;
	[sflag:s20] =	ssyncadd.s32 $0xFFFFC000  }
0x33: {  	s29 =	simm.s32 $0xB100;
	v0 =	vld [tilespmem:s28+$0xFFFFFF00]  }
0x34: {  	v1 =	vld [tilespmem:s29+$0xFFFFFF00];
	_ =	sdelay $0x4  }
0x35: {  	v0 =	vadd.f32 v1, v0;
	_ =	sdelay $0x1  }
0x36: {  	[tilespmem:s28+$0xFFFFFF00] =	vst v0;
	v0 =	vld [tilespmem:s28+$0xFFFFFF10]  }
0x37: {  	v1 =	vld [tilespmem:s29+$0xFFFFFF10];
	_ =	sdelay $0x4  }
0x38: {  	v0 =	vadd.f32 v1, v0;
	_ =	sdelay $0x1  }
0x39: {  	[tilespmem:s28+$0xFFFFFF10] =	vst v0;
	v0 =	vld [tilespmem:s28+$0xFFFFFF20]  }
0x3a: {  	v1 =	vld [tilespmem:s29+$0xFFFFFF20];
	_ =	sdelay $0x4  }
0x3b: {  	v0 =	vadd.f32 v1, v0;
	_ =	sdelay $0x1  }
0x3c: {  	[tilespmem:s28+$0xFFFFFF20] =	vst v0;
	v0 =	vld [tilespmem:s28+$0xFFFFFF30]  }
0x3d: {  	v1 =	vld [tilespmem:s29+$0xFFFFFF30];
	_ =	sdelay $0x4  }
0x3e: {  	v0 =	vadd.f32 v1, v0;
	_ =	sdelay $0x1  }
0x3f: {  	[tilespmem:s28+$0xFFFFFF30] =	vst v0;
	v0 =	vld [tilespmem:s28+$0xFFFFFF40]  }
0x40: {  	v1 =	vld [tilespmem:s29+$0xFFFFFF40];
	_ =	sdelay $0x4  }
0x41: {  	v0 =	vadd.f32 v1, v0;
	_ =	sdelay $0x1  }
0x42: {  	[tilespmem:s28+$0xFFFFFF40] =	vst v0;
	v0 =	vld [tilespmem:s28+$0xFFFFFF50]  }
0x43: {  	v1 =	vld [tilespmem:s29+$0xFFFFFF50];
	_ =	sdelay $0x4  }
0x44: {  	v0 =	vadd.f32 v1, v0;
	_ =	sdelay $0x1  }
0x45: {  	[tilespmem:s28+$0xFFFFFF50] =	vst v0;
	v0 =	vld [tilespmem:s28+$0xFFFFFF60]  }
0x46: {  	v1 =	vld [tilespmem:s29+$0xFFFFFF60];
	_ =	sdelay $0x4  }
0x47: {  	v0 =	vadd.f32 v1, v0;
	_ =	sdelay $0x1  }
0x48: {  	[tilespmem:s28+$0xFFFFFF60] =	vst v0;
	v0 =	vld [tilespmem:s28+$0xFFFFFF70]  }
0x49: {  	v1 =	vld [tilespmem:s29+$0xFFFFFF70];
	_ =	sdelay $0x4  }
0x4a: {  	v0 =	vadd.f32 v1, v0;
	_ =	sdelay $0x1  }
0x4b: {  	[tilespmem:s28+$0xFFFFFF70] =	vst v0;
	v0 =	vld [tilespmem:s28+$0xFFFFFF80]  }
0x4c: {  	v1 =	vld [tilespmem:s29+$0xFFFFFF80];
	_ =	sdelay $0x4  }
0x4d: {  	v0 =	vadd.f32 v1, v0;
	_ =	sdelay $0x1  }
0x4e: {  	[tilespmem:s28+$0xFFFFFF80] =	vst v0;
	v0 =	vld [tilespmem:s28+$0xFFFFFF90]  }
0x4f: {  	v1 =	vld [tilespmem:s29+$0xFFFFFF90];
	_ =	sdelay $0x4  }
0x50: {  	v0 =	vadd.f32 v1, v0;
	_ =	sdelay $0x1  }
0x51: {  	[tilespmem:s28+$0xFFFFFF90] =	vst v0;
	v0 =	vld [tilespmem:s28+$0xFFFFFFA0]  }
0x52: {  	v1 =	vld [tilespmem:s29+$0xFFFFFFA0];
	_ =	sdelay $0x4  }
0x53: {  	v0 =	vadd.f32 v1, v0;
	_ =	sdelay $0x1  }
0x54: {  	[tilespmem:s28+$0xFFFFFFA0] =	vst v0;
	v0 =	vld [tilespmem:s28+$0xFFFFFFB0]  }
0x55: {  	v1 =	vld [tilespmem:s29+$0xFFFFFFB0];
	_ =	sdelay $0x4  }
0x56: {  	v0 =	vadd.f32 v1, v0;
	_ =	sdelay $0x1  }
0x57: {  	[tilespmem:s28+$0xFFFFFFB0] =	vst v0;
	v0 =	vld [tilespmem:s28+$0xFFFFFFC0]  }
0x58: {  	v1 =	vld [tilespmem:s29+$0xFFFFFFC0];
	_ =	sdelay $0x4  }
0x59: {  	v0 =	vadd.f32 v1, v0;
	_ =	sdelay $0x1  }
0x5a: {  	[tilespmem:s28+$0xFFFFFFC0] =	vst v0;
	v0 =	vld [tilespmem:s28+$0xFFFFFFD0]  }
0x5b: {  	v1 =	vld [tilespmem:s29+$0xFFFFFFD0];
	_ =	sdelay $0x4  }
0x5c: {  	v0 =	vadd.f32 v1, v0;
	_ =	sdelay $0x1  }
0x5d: {  	[tilespmem:s28+$0xFFFFFFD0] =	vst v0;
	v0 =	vld [tilespmem:s28+$0xFFFFFFE0]  }
0x5e: {  	v1 =	vld [tilespmem:s29+$0xFFFFFFE0];
	_ =	sdelay $0x4  }
0x5f: {  	v0 =	vadd.f32 v1, v0;
	_ =	sdelay $0x1  }
0x60: {  	[tilespmem:s28+$0xFFFFFFE0] =	vst v0;
	v0 =	vld [tilespmem:s28+$0xFFFFFFF0]  }
0x61: {  	v1 =	vld [tilespmem:s29+$0xFFFFFFF0];
	_ =	sdelay $0x4  }
0x62: {  	v0 =	vadd.f32 v1, v0;
	_ =	sdelay $0x1  }
0x63: {  	[tilespmem:s28+$0xFFFFFFF0] =	vst v0;
	v0 =	vld [tilespmem:s28+$0x0]  }
0x64: {  	v1 =	vld [tilespmem:s29+$0x0];
	_ =	sdelay $0x4  }
0x65: {  	v0 =	vadd.f32 v1, v0;
	_ =	sdelay $0x1  }
0x66: {  	[tilespmem:s28+$0x0] =	vst v0;
	v0 =	vld [tilespmem:s28+$0x10]  }
0x67: {  	v1 =	vld [tilespmem:s29+$0x10];
	_ =	sdelay $0x4  }
0x68: {  	v0 =	vadd.f32 v1, v0;
	_ =	sdelay $0x1  }
0x69: {  	[tilespmem:s28+$0x10] =	vst v0;
	v0 =	vld [tilespmem:s28+$0x20]  }
0x6a: {  	v1 =	vld [tilespmem:s29+$0x20];
	_ =	sdelay $0x4  }
0x6b: {  	v0 =	vadd.f32 v1, v0;
	_ =	sdelay $0x1  }
0x6c: {  	[tilespmem:s28+$0x20] =	vst v0;
	v0 =	vld [tilespmem:s28+$0x30]  }
0x6d: {  	v1 =	vld [tilespmem:s29+$0x30];
	_ =	sdelay $0x4  }
0x6e: {  	v0 =	vadd.f32 v1, v0;
	_ =	sdelay $0x1  }
0x6f: {  	[tilespmem:s28+$0x30] =	vst v0;
	v0 =	vld [tilespmem:s28+$0x40]  }
0x70: {  	v1 =	vld [tilespmem:s29+$0x40];
	_ =	sdelay $0x4  }
0x71: {  	v0 =	vadd.f32 v1, v0;
	_ =	sdelay $0x1  }
0x72: {  	[tilespmem:s28+$0x40] =	vst v0;
	v0 =	vld [tilespmem:s28+$0x50]  }
0x73: {  	v1 =	vld [tilespmem:s29+$0x50];
	_ =	sdelay $0x4  }
0x74: {  	v0 =	vadd.f32 v1, v0;
	_ =	sdelay $0x1  }
0x75: {  	[tilespmem:s28+$0x50] =	vst v0;
	v0 =	vld [tilespmem:s28+$0x60]  }
0x76: {  	v1 =	vld [tilespmem:s29+$0x60];
	_ =	sdelay $0x4  }
0x77: {  	v0 =	vadd.f32 v1, v0;
	_ =	sdelay $0x1  }
0x78: {  	[tilespmem:s28+$0x60] =	vst v0;
	v0 =	vld [tilespmem:s28+$0x70]  }
0x79: {  	v1 =	vld [tilespmem:s29+$0x70];
	_ =	sdelay $0x4  }
0x7a: {  	v0 =	vadd.f32 v1, v0;
	_ =	sdelay $0x1  }
0x7b: {  	[tilespmem:s28+$0x70] =	vst v0;
	v0 =	vld [tilespmem:s28+$0x80]  }
0x7c: {  	v1 =	vld [tilespmem:s29+$0x80];
	_ =	sdelay $0x4  }
0x7d: {  	v0 =	vadd.f32 v1, v0;
	_ =	sdelay $0x1  }
0x7e: {  	[tilespmem:s28+$0x80] =	vst v0;
	v0 =	vld [tilespmem:s28+$0x90]  }
0x7f: {  	v1 =	vld [tilespmem:s29+$0x90];
	_ =	sdelay $0x4  }
0x80: {  	v0 =	vadd.f32 v1, v0;
	_ =	sdelay $0x1  }
0x81: {  	[tilespmem:s28+$0x90] =	vst v0;
	v0 =	vld [tilespmem:s28+$0xA0]  }
0x82: {  	v1 =	vld [tilespmem:s29+$0xA0];
	_ =	sdelay $0x4  }
0x83: {  	v0 =	vadd.f32 v1, v0;
	_ =	sdelay $0x1  }
0x84: {  	[tilespmem:s28+$0xA0] =	vst v0;
	v0 =	vld [tilespmem:s28+$0xB0]  }
0x85: {  	v1 =	vld [tilespmem:s29+$0xB0];
	_ =	sdelay $0x4  }
0x86: {  	v0 =	vadd.f32 v1, v0;
	_ =	sdelay $0x1  }
0x87: {  	[tilespmem:s28+$0xB0] =	vst v0;
	v0 =	vld [tilespmem:s28+$0xC0]  }
0x88: {  	v1 =	vld [tilespmem:s29+$0xC0];
	_ =	sdelay $0x4  }
0x89: {  	v0 =	vadd.f32 v1, v0;
	_ =	sdelay $0x1  }
0x8a: {  	[tilespmem:s28+$0xC0] =	vst v0;
	v0 =	vld [tilespmem:s28+$0xD0]  }
0x8b: {  	v1 =	vld [tilespmem:s29+$0xD0];
	_ =	sdelay $0x4  }
0x8c: {  	v0 =	vadd.f32 v1, v0;
	_ =	sdelay $0x1  }
0x8d: {  	[tilespmem:s28+$0xD0] =	vst v0;
	v0 =	vld [tilespmem:s28+$0xE0]  }
0x8e: {  	v1 =	vld [tilespmem:s29+$0xE0];
	_ =	sdelay $0x4  }
0x8f: {  	v0 =	vadd.f32 v1, v0;
	_ =	sdelay $0x1  }
0x90: {  	[tilespmem:s28+$0xE0] =	vst v0;
	v0 =	vld [tilespmem:s28+$0xF0]  }
0x91: {  	v1 =	vld [tilespmem:s29+$0xF0];
	_ =	sdelay $0x4  }
0x92: {  	v0 =	vadd.f32 v1, v0  }
0x93: {  	s30 =	simm.s32 $0x0;
	s31 =	simm.s32 $0x3300  }
.LBB2_10:
0x94: {  	v1 =	vld [tilespmem:s31+$0xFFFFFF00];
	[tilespmem:s28+$0xF0] =	vst v0;
	s29 =	sadd.s32 $0x200, s29;
	s28 =	smov.u32 s31  }
0x95: {  	s30 =	sadd.s32 $0x4, s30;
	v0 =	vld [tilespmem:s29+$0xFFFFFF00]  }
0x96: {  	p1 =	slt.u32 s30, $0x7C;
	_ =	sdelay $0x3  }
0x97: {  	v0 =	vadd.f32 v0, v1;
	_ =	sdelay $0x1  }
0x98: {  	[tilespmem:s31+$0xFFFFFF00] =	vst v0;
	v0 =	vld [tilespmem:s31+$0xFFFFFF10]  }
0x99: {  	v1 =	vld [tilespmem:s29+$0xFFFFFF10];
	_ =	sdelay $0x4  }
0x9a: {  	v0 =	vadd.f32 v1, v0;
	_ =	sdelay $0x1  }
0x9b: {  	[tilespmem:s31+$0xFFFFFF10] =	vst v0;
	v0 =	vld [tilespmem:s31+$0xFFFFFF20]  }
0x9c: {  	v1 =	vld [tilespmem:s29+$0xFFFFFF20];
	_ =	sdelay $0x4  }
0x9d: {  	v0 =	vadd.f32 v1, v0;
	_ =	sdelay $0x1  }
0x9e: {  	[tilespmem:s31+$0xFFFFFF20] =	vst v0;
	v0 =	vld [tilespmem:s31+$0xFFFFFF30]  }
0x9f: {  	v1 =	vld [tilespmem:s29+$0xFFFFFF30];
	_ =	sdelay $0x4  }
0xa0: {  	v0 =	vadd.f32 v1, v0;
	_ =	sdelay $0x1  }
0xa1: {  	[tilespmem:s31+$0xFFFFFF30] =	vst v0;
	v0 =	vld [tilespmem:s31+$0xFFFFFF40]  }
0xa2: {  	v1 =	vld [tilespmem:s29+$0xFFFFFF40];
	_ =	sdelay $0x4  }
0xa3: {  	v0 =	vadd.f32 v1, v0;
	_ =	sdelay $0x1  }
0xa4: {  	[tilespmem:s31+$0xFFFFFF40] =	vst v0;
	v0 =	vld [tilespmem:s31+$0xFFFFFF50]  }
0xa5: {  	v1 =	vld [tilespmem:s29+$0xFFFFFF50];
	_ =	sdelay $0x4  }
0xa6: {  	v0 =	vadd.f32 v1, v0;
	_ =	sdelay $0x1  }
0xa7: {  	[tilespmem:s31+$0xFFFFFF50] =	vst v0;
	v0 =	vld [tilespmem:s31+$0xFFFFFF60]  }
0xa8: {  	v1 =	vld [tilespmem:s29+$0xFFFFFF60];
	_ =	sdelay $0x4  }
0xa9: {  	v0 =	vadd.f32 v1, v0;
	_ =	sdelay $0x1  }
0xaa: {  	[tilespmem:s31+$0xFFFFFF60] =	vst v0;
	v0 =	vld [tilespmem:s31+$0xFFFFFF70]  }
0xab: {  	v1 =	vld [tilespmem:s29+$0xFFFFFF70];
	_ =	sdelay $0x4  }
0xac: {  	v0 =	vadd.f32 v1, v0;
	_ =	sdelay $0x1  }
0xad: {  	[tilespmem:s31+$0xFFFFFF70] =	vst v0;
	v0 =	vld [tilespmem:s31+$0xFFFFFF80]  }
0xae: {  	v1 =	vld [tilespmem:s29+$0xFFFFFF80];
	_ =	sdelay $0x4  }
0xaf: {  	v0 =	vadd.f32 v1, v0;
	_ =	sdelay $0x1  }
0xb0: {  	[tilespmem:s31+$0xFFFFFF80] =	vst v0;
	v0 =	vld [tilespmem:s31+$0xFFFFFF90]  }
0xb1: {  	v1 =	vld [tilespmem:s29+$0xFFFFFF90];
	_ =	sdelay $0x4  }
0xb2: {  	v0 =	vadd.f32 v1, v0;
	_ =	sdelay $0x1  }
0xb3: {  	[tilespmem:s31+$0xFFFFFF90] =	vst v0;
	v0 =	vld [tilespmem:s31+$0xFFFFFFA0]  }
0xb4: {  	v1 =	vld [tilespmem:s29+$0xFFFFFFA0];
	_ =	sdelay $0x4  }
0xb5: {  	v0 =	vadd.f32 v1, v0;
	_ =	sdelay $0x1  }
0xb6: {  	[tilespmem:s31+$0xFFFFFFA0] =	vst v0;
	v0 =	vld [tilespmem:s31+$0xFFFFFFB0]  }
0xb7: {  	v1 =	vld [tilespmem:s29+$0xFFFFFFB0];
	_ =	sdelay $0x4  }
0xb8: {  	v0 =	vadd.f32 v1, v0;
	_ =	sdelay $0x1  }
0xb9: {  	[tilespmem:s31+$0xFFFFFFB0] =	vst v0;
	v0 =	vld [tilespmem:s31+$0xFFFFFFC0]  }
0xba: {  	v1 =	vld [tilespmem:s29+$0xFFFFFFC0];
	_ =	sdelay $0x4  }
0xbb: {  	v0 =	vadd.f32 v1, v0;
	_ =	sdelay $0x1  }
0xbc: {  	[tilespmem:s31+$0xFFFFFFC0] =	vst v0;
	v0 =	vld [tilespmem:s31+$0xFFFFFFD0]  }
0xbd: {  	v1 =	vld [tilespmem:s29+$0xFFFFFFD0];
	_ =	sdelay $0x4  }
0xbe: {  	v0 =	vadd.f32 v1, v0;
	_ =	sdelay $0x1  }
0xbf: {  	[tilespmem:s31+$0xFFFFFFD0] =	vst v0;
	v0 =	vld [tilespmem:s31+$0xFFFFFFE0]  }
0xc0: {  	v1 =	vld [tilespmem:s29+$0xFFFFFFE0];
	_ =	sdelay $0x4  }
0xc1: {  	v0 =	vadd.f32 v1, v0;
	_ =	sdelay $0x1  }
0xc2: {  	[tilespmem:s31+$0xFFFFFFE0] =	vst v0;
	v0 =	vld [tilespmem:s31+$0xFFFFFFF0]  }
0xc3: {  	v1 =	vld [tilespmem:s29+$0xFFFFFFF0];
	_ =	sdelay $0x4  }
0xc4: {  	v0 =	vadd.f32 v1, v0;
	_ =	sdelay $0x1  }
0xc5: {  	[tilespmem:s31+$0xFFFFFFF0] =	vst v0;
	v0 =	vld [tilespmem:s31+$0x0]  }
0xc6: {  	v1 =	vld [tilespmem:s29+$0x0];
	_ =	sdelay $0x4  }
0xc7: {  	v0 =	vadd.f32 v1, v0;
	_ =	sdelay $0x1  }
0xc8: {  	[tilespmem:s31+$0x0] =	vst v0;
	v0 =	vld [tilespmem:s31+$0x10]  }
0xc9: {  	v1 =	vld [tilespmem:s29+$0x10];
	_ =	sdelay $0x4  }
0xca: {  	v0 =	vadd.f32 v1, v0;
	_ =	sdelay $0x1  }
0xcb: {  	[tilespmem:s31+$0x10] =	vst v0;
	v0 =	vld [tilespmem:s31+$0x20]  }
0xcc: {  	v1 =	vld [tilespmem:s29+$0x20];
	_ =	sdelay $0x4  }
0xcd: {  	v0 =	vadd.f32 v1, v0;
	_ =	sdelay $0x1  }
0xce: {  	[tilespmem:s31+$0x20] =	vst v0;
	v0 =	vld [tilespmem:s31+$0x30]  }
0xcf: {  	v1 =	vld [tilespmem:s29+$0x30];
	_ =	sdelay $0x4  }
0xd0: {  	v0 =	vadd.f32 v1, v0;
	_ =	sdelay $0x1  }
0xd1: {  	[tilespmem:s31+$0x30] =	vst v0;
	v0 =	vld [tilespmem:s31+$0x40]  }
0xd2: {  	v1 =	vld [tilespmem:s29+$0x40];
	_ =	sdelay $0x4  }
0xd3: {  	v0 =	vadd.f32 v1, v0;
	_ =	sdelay $0x1  }
0xd4: {  	[tilespmem:s31+$0x40] =	vst v0;
	v0 =	vld [tilespmem:s31+$0x50]  }
0xd5: {  	v1 =	vld [tilespmem:s29+$0x50];
	_ =	sdelay $0x4  }
0xd6: {  	v0 =	vadd.f32 v1, v0;
	_ =	sdelay $0x1  }
0xd7: {  	[tilespmem:s31+$0x50] =	vst v0;
	v0 =	vld [tilespmem:s31+$0x60]  }
0xd8: {  	v1 =	vld [tilespmem:s29+$0x60];
	_ =	sdelay $0x4  }
0xd9: {  	v0 =	vadd.f32 v1, v0;
	_ =	sdelay $0x1  }
0xda: {  	[tilespmem:s31+$0x60] =	vst v0;
	v0 =	vld [tilespmem:s31+$0x70]  }
0xdb: {  	v1 =	vld [tilespmem:s29+$0x70];
	_ =	sdelay $0x4  }
0xdc: {  	v0 =	vadd.f32 v1, v0;
	_ =	sdelay $0x1  }
0xdd: {  	[tilespmem:s31+$0x70] =	vst v0;
	v0 =	vld [tilespmem:s31+$0x80]  }
0xde: {  	v1 =	vld [tilespmem:s29+$0x80];
	_ =	sdelay $0x4  }
0xdf: {  	v0 =	vadd.f32 v1, v0;
	_ =	sdelay $0x1  }
0xe0: {  	[tilespmem:s31+$0x80] =	vst v0;
	v0 =	vld [tilespmem:s31+$0x90]  }
0xe1: {  	v1 =	vld [tilespmem:s29+$0x90];
	_ =	sdelay $0x4  }
0xe2: {  	v0 =	vadd.f32 v1, v0;
	_ =	sdelay $0x1  }
0xe3: {  	[tilespmem:s31+$0x90] =	vst v0;
	v0 =	vld [tilespmem:s31+$0xA0]  }
0xe4: {  	v1 =	vld [tilespmem:s29+$0xA0];
	_ =	sdelay $0x4  }
0xe5: {  	v0 =	vadd.f32 v1, v0;
	_ =	sdelay $0x1  }
0xe6: {  	[tilespmem:s31+$0xA0] =	vst v0;
	v0 =	vld [tilespmem:s31+$0xB0]  }
0xe7: {  	v1 =	vld [tilespmem:s29+$0xB0];
	_ =	sdelay $0x4  }
0xe8: {  	v0 =	vadd.f32 v1, v0;
	_ =	sdelay $0x1  }
0xe9: {  	[tilespmem:s31+$0xB0] =	vst v0;
	v0 =	vld [tilespmem:s31+$0xC0]  }
0xea: {  	v1 =	vld [tilespmem:s29+$0xC0];
	_ =	sdelay $0x4  }
0xeb: {  	v0 =	vadd.f32 v1, v0;
	_ =	sdelay $0x1  }
0xec: {  	[tilespmem:s31+$0xC0] =	vst v0;
	v0 =	vld [tilespmem:s31+$0xD0]  }
0xed: {  	v1 =	vld [tilespmem:s29+$0xD0];
	_ =	sdelay $0x4  }
0xee: {  	v0 =	vadd.f32 v1, v0;
	_ =	sdelay $0x1  }
0xef: {  	[tilespmem:s31+$0xD0] =	vst v0;
	v0 =	vld [tilespmem:s31+$0xE0]  }
0xf0: {  	v1 =	vld [tilespmem:s29+$0xE0];
	_ =	sdelay $0x4  }
0xf1: {  	v0 =	vadd.f32 v1, v0;
	_ =	sdelay $0x1  }
0xf2: {  	[tilespmem:s31+$0xE0] =	vst v0;
	v0 =	vld [tilespmem:s31+$0xF0]  }
0xf3: {  	v1 =	vld [tilespmem:s29+$0xF0];
	_ =	sdelay $0x1  }
.Ltmp3:
0xf4: {  	(pc) =	sbr.rel @p1 .LBB2_10-.Ltmp3, $3  }
0xf5: {  	_ =	sdelay $0x1  }
0xf6: {  	v0 =	vadd.f32 v1, v0  }
0xf7: {  	s31 =	sadd.s32 $0x200, s31  }
0xf8: {  	s29 =	sshll.u32 s25, $0xF  }
0xf9: {  	s29 =	sadd.s32 s11, s29  }
0xfa: {  	s29 =	sshrl.u32 s29, $0x3  }
0xfb: {  	[tilespmem:s28+$0xF0] =	vst v0;
	p1 =	seq.s32 s25, $0xF;
	s28 =	sadd.s32 s5, s29  }
0xfc: {  	[hbm4b:s28+s1] =	stream.linear.scatter [tilespmem:s16], [sflag:$0x3], $0x4000, $0x38;
	[tilespmem:$0x13000] =	vst v63  }
0xfd: {  	s28 =	simm.s32 @!p1 $0x3  }
0xfe: {  	_ =	swait.ge @!p1 [sflag:s28], $0x4000  }
0xff: {  	[sflag:s28] =	ssyncset.done @!p1 $0x0  }
0x100: {  	[sflag:s28] =	ssyncadd.s32 @!p1 $0xFFFFC000;
	s28 =	sshll.u32 @!p1 s25, $0x8  }
0x101: {  	s30 =	simm.s32 @!p1 $0x80;
	s31 =	simm.s32 @!p1 $0x3000;
	s29 =	sadd.s32 @!p1 $0x100, s28  }
0x102: {  	[tilespmem:s31], [sflag:$0x1] =	stream.indirect.gather @!p1 [hbm4b:s3+s30], $0x80, s29, s30, $0xb8;
	[tilespmem:$0x13000] =	vst v63  }
0x103: {  	s28 =	sadd.s32 @!p1 $0x1900, s28;
	s29 =	simm.s32 @!p1 $0xB000  }
0x104: {  	[tilespmem:s29], [sflag:$0x1] =	stream.indirect.gather @!p1 [hbm4b:s4+s30], $0x80, s28, s30, $0xb8;
	[tilespmem:$0x13000] =	vst v63  }
0x105: {  	_ =	swait.ge [sflag:s21], $0x4000  }
0x106: {  	[sflag:s21] =	ssyncset.done $0x0  }
0x107: {  	[sflag:s21] =	ssyncadd.s32 $0xFFFFC000  }
0x108: {  	_ =	swait.ge [sflag:s21], $0x4000  }
0x109: {  	[sflag:s21] =	ssyncset.done $0x0  }
0x10a: {  	s28 =	simm.s32 $0x7100;
	[sflag:s21] =	ssyncadd.s32 $0xFFFFC000  }
0x10b: {  	s29 =	simm.s32 $0xF100;
	v0 =	vld [tilespmem:s28+$0xFFFFFF00]  }
0x10c: {  	v1 =	vld [tilespmem:s29+$0xFFFFFF00];
	_ =	sdelay $0x4  }
0x10d: {  	v0 =	vadd.f32 v1, v0;
	_ =	sdelay $0x1  }
0x10e: {  	[tilespmem:s28+$0xFFFFFF00] =	vst v0;
	v0 =	vld [tilespmem:s28+$0xFFFFFF10]  }
0x10f: {  	v1 =	vld [tilespmem:s29+$0xFFFFFF10];
	_ =	sdelay $0x4  }
0x110: {  	v0 =	vadd.f32 v1, v0;
	_ =	sdelay $0x1  }
0x111: {  	[tilespmem:s28+$0xFFFFFF10] =	vst v0;
	v0 =	vld [tilespmem:s28+$0xFFFFFF20]  }
0x112: {  	v1 =	vld [tilespmem:s29+$0xFFFFFF20];
	_ =	sdelay $0x4  }
0x113: {  	v0 =	vadd.f32 v1, v0;
	_ =	sdelay $0x1  }
0x114: {  	[tilespmem:s28+$0xFFFFFF20] =	vst v0;
	v0 =	vld [tilespmem:s28+$0xFFFFFF30]  }
0x115: {  	v1 =	vld [tilespmem:s29+$0xFFFFFF30];
	_ =	sdelay $0x4  }
0x116: {  	v0 =	vadd.f32 v1, v0;
	_ =	sdelay $0x1  }
0x117: {  	[tilespmem:s28+$0xFFFFFF30] =	vst v0;
	v0 =	vld [tilespmem:s28+$0xFFFFFF40]  }
0x118: {  	v1 =	vld [tilespmem:s29+$0xFFFFFF40];
	_ =	sdelay $0x4  }
0x119: {  	v0 =	vadd.f32 v1, v0;
	_ =	sdelay $0x1  }
0x11a: {  	[tilespmem:s28+$0xFFFFFF40] =	vst v0;
	v0 =	vld [tilespmem:s28+$0xFFFFFF50]  }
0x11b: {  	v1 =	vld [tilespmem:s29+$0xFFFFFF50];
	_ =	sdelay $0x4  }
0x11c: {  	v0 =	vadd.f32 v1, v0;
	_ =	sdelay $0x1  }
0x11d: {  	[tilespmem:s28+$0xFFFFFF50] =	vst v0;
	v0 =	vld [tilespmem:s28+$0xFFFFFF60]  }
0x11e: {  	v1 =	vld [tilespmem:s29+$0xFFFFFF60];
	_ =	sdelay $0x4  }
0x11f: {  	v0 =	vadd.f32 v1, v0;
	_ =	sdelay $0x1  }
0x120: {  	[tilespmem:s28+$0xFFFFFF60] =	vst v0;
	v0 =	vld [tilespmem:s28+$0xFFFFFF70]  }
0x121: {  	v1 =	vld [tilespmem:s29+$0xFFFFFF70];
	_ =	sdelay $0x4  }
0x122: {  	v0 =	vadd.f32 v1, v0;
	_ =	sdelay $0x1  }
0x123: {  	[tilespmem:s28+$0xFFFFFF70] =	vst v0;
	v0 =	vld [tilespmem:s28+$0xFFFFFF80]  }
0x124: {  	v1 =	vld [tilespmem:s29+$0xFFFFFF80];
	_ =	sdelay $0x4  }
0x125: {  	v0 =	vadd.f32 v1, v0;
	_ =	sdelay $0x1  }
0x126: {  	[tilespmem:s28+$0xFFFFFF80] =	vst v0;
	v0 =	vld [tilespmem:s28+$0xFFFFFF90]  }
0x127: {  	v1 =	vld [tilespmem:s29+$0xFFFFFF90];
	_ =	sdelay $0x4  }
0x128: {  	v0 =	vadd.f32 v1, v0;
	_ =	sdelay $0x1  }
0x129: {  	[tilespmem:s28+$0xFFFFFF90] =	vst v0;
	v0 =	vld [tilespmem:s28+$0xFFFFFFA0]  }
0x12a: {  	v1 =	vld [tilespmem:s29+$0xFFFFFFA0];
	_ =	sdelay $0x4  }
0x12b: {  	v0 =	vadd.f32 v1, v0;
	_ =	sdelay $0x1  }
0x12c: {  	[tilespmem:s28+$0xFFFFFFA0] =	vst v0;
	v0 =	vld [tilespmem:s28+$0xFFFFFFB0]  }
0x12d: {  	v1 =	vld [tilespmem:s29+$0xFFFFFFB0];
	_ =	sdelay $0x4  }
0x12e: {  	v0 =	vadd.f32 v1, v0;
	_ =	sdelay $0x1  }
0x12f: {  	[tilespmem:s28+$0xFFFFFFB0] =	vst v0;
	v0 =	vld [tilespmem:s28+$0xFFFFFFC0]  }
0x130: {  	v1 =	vld [tilespmem:s29+$0xFFFFFFC0];
	_ =	sdelay $0x4  }
0x131: {  	v0 =	vadd.f32 v1, v0;
	_ =	sdelay $0x1  }
0x132: {  	[tilespmem:s28+$0xFFFFFFC0] =	vst v0;
	v0 =	vld [tilespmem:s28+$0xFFFFFFD0]  }
0x133: {  	v1 =	vld [tilespmem:s29+$0xFFFFFFD0];
	_ =	sdelay $0x4  }
0x134: {  	v0 =	vadd.f32 v1, v0;
	_ =	sdelay $0x1  }
0x135: {  	[tilespmem:s28+$0xFFFFFFD0] =	vst v0;
	v0 =	vld [tilespmem:s28+$0xFFFFFFE0]  }
0x136: {  	v1 =	vld [tilespmem:s29+$0xFFFFFFE0];
	_ =	sdelay $0x4  }
0x137: {  	v0 =	vadd.f32 v1, v0;
	_ =	sdelay $0x1  }
0x138: {  	[tilespmem:s28+$0xFFFFFFE0] =	vst v0;
	v0 =	vld [tilespmem:s28+$0xFFFFFFF0]  }
0x139: {  	v1 =	vld [tilespmem:s29+$0xFFFFFFF0];
	_ =	sdelay $0x4  }
0x13a: {  	v0 =	vadd.f32 v1, v0;
	_ =	sdelay $0x1  }
0x13b: {  	[tilespmem:s28+$0xFFFFFFF0] =	vst v0;
	v0 =	vld [tilespmem:s28+$0x0]  }
0x13c: {  	v1 =	vld [tilespmem:s29+$0x0];
	_ =	sdelay $0x4  }
0x13d: {  	v0 =	vadd.f32 v1, v0;
	_ =	sdelay $0x1  }
0x13e: {  	[tilespmem:s28+$0x0] =	vst v0;
	v0 =	vld [tilespmem:s28+$0x10]  }
0x13f: {  	v1 =	vld [tilespmem:s29+$0x10];
	_ =	sdelay $0x4  }
0x140: {  	v0 =	vadd.f32 v1, v0;
	_ =	sdelay $0x1  }
0x141: {  	[tilespmem:s28+$0x10] =	vst v0;
	v0 =	vld [tilespmem:s28+$0x20]  }
0x142: {  	v1 =	vld [tilespmem:s29+$0x20];
	_ =	sdelay $0x4  }
0x143: {  	v0 =	vadd.f32 v1, v0;
	_ =	sdelay $0x1  }
0x144: {  	[tilespmem:s28+$0x20] =	vst v0;
	v0 =	vld [tilespmem:s28+$0x30]  }
0x145: {  	v1 =	vld [tilespmem:s29+$0x30];
	_ =	sdelay $0x4  }
0x146: {  	v0 =	vadd.f32 v1, v0;
	_ =	sdelay $0x1  }
0x147: {  	[tilespmem:s28+$0x30] =	vst v0;
	v0 =	vld [tilespmem:s28+$0x40]  }
0x148: {  	v1 =	vld [tilespmem:s29+$0x40];
	_ =	sdelay $0x4  }
0x149: {  	v0 =	vadd.f32 v1, v0;
	_ =	sdelay $0x1  }
0x14a: {  	[tilespmem:s28+$0x40] =	vst v0;
	v0 =	vld [tilespmem:s28+$0x50]  }
0x14b: {  	v1 =	vld [tilespmem:s29+$0x50];
	_ =	sdelay $0x4  }
0x14c: {  	v0 =	vadd.f32 v1, v0;
	_ =	sdelay $0x1  }
0x14d: {  	[tilespmem:s28+$0x50] =	vst v0;
	v0 =	vld [tilespmem:s28+$0x60]  }
0x14e: {  	v1 =	vld [tilespmem:s29+$0x60];
	_ =	sdelay $0x4  }
0x14f: {  	v0 =	vadd.f32 v1, v0;
	_ =	sdelay $0x1  }
0x150: {  	[tilespmem:s28+$0x60] =	vst v0;
	v0 =	vld [tilespmem:s28+$0x70]  }
0x151: {  	v1 =	vld [tilespmem:s29+$0x70];
	_ =	sdelay $0x4  }
0x152: {  	v0 =	vadd.f32 v1, v0;
	_ =	sdelay $0x1  }
0x153: {  	[tilespmem:s28+$0x70] =	vst v0;
	v0 =	vld [tilespmem:s28+$0x80]  }
0x154: {  	v1 =	vld [tilespmem:s29+$0x80];
	_ =	sdelay $0x4  }
0x155: {  	v0 =	vadd.f32 v1, v0;
	_ =	sdelay $0x1  }
0x156: {  	[tilespmem:s28+$0x80] =	vst v0;
	v0 =	vld [tilespmem:s28+$0x90]  }
0x157: {  	v1 =	vld [tilespmem:s29+$0x90];
	_ =	sdelay $0x4  }
0x158: {  	v0 =	vadd.f32 v1, v0;
	_ =	sdelay $0x1  }
0x159: {  	[tilespmem:s28+$0x90] =	vst v0;
	v0 =	vld [tilespmem:s28+$0xA0]  }
0x15a: {  	v1 =	vld [tilespmem:s29+$0xA0];
	_ =	sdelay $0x4  }
0x15b: {  	v0 =	vadd.f32 v1, v0;
	_ =	sdelay $0x1  }
0x15c: {  	[tilespmem:s28+$0xA0] =	vst v0;
	v0 =	vld [tilespmem:s28+$0xB0]  }
0x15d: {  	v1 =	vld [tilespmem:s29+$0xB0];
	_ =	sdelay $0x4  }
0x15e: {  	v0 =	vadd.f32 v1, v0;
	_ =	sdelay $0x1  }
0x15f: {  	[tilespmem:s28+$0xB0] =	vst v0;
	v0 =	vld [tilespmem:s28+$0xC0]  }
0x160: {  	v1 =	vld [tilespmem:s29+$0xC0];
	_ =	sdelay $0x4  }
0x161: {  	v0 =	vadd.f32 v1, v0;
	_ =	sdelay $0x1  }
0x162: {  	[tilespmem:s28+$0xC0] =	vst v0;
	v0 =	vld [tilespmem:s28+$0xD0]  }
0x163: {  	v1 =	vld [tilespmem:s29+$0xD0];
	_ =	sdelay $0x4  }
0x164: {  	v0 =	vadd.f32 v1, v0;
	_ =	sdelay $0x1  }
0x165: {  	[tilespmem:s28+$0xD0] =	vst v0;
	v0 =	vld [tilespmem:s28+$0xE0]  }
0x166: {  	v1 =	vld [tilespmem:s29+$0xE0];
	_ =	sdelay $0x4  }
0x167: {  	v0 =	vadd.f32 v1, v0;
	_ =	sdelay $0x1  }
0x168: {  	[tilespmem:s28+$0xE0] =	vst v0;
	v0 =	vld [tilespmem:s28+$0xF0]  }
0x169: {  	v1 =	vld [tilespmem:s29+$0xF0];
	_ =	sdelay $0x4  }
0x16a: {  	v0 =	vadd.f32 v1, v0  }
0x16b: {  	s31 =	simm.s32 $0x7300;
	s30 =	simm.s32 $0x0  }
.LBB2_12:
0x16c: {  	v1 =	vld [tilespmem:s31+$0xFFFFFF00];
	[tilespmem:s28+$0xF0] =	vst v0;
	s29 =	sadd.s32 $0x200, s29;
	s28 =	smov.u32 s31  }
0x16d: {  	s30 =	sadd.s32 $0x4, s30;
	v0 =	vld [tilespmem:s29+$0xFFFFFF00]  }
0x16e: {  	p1 =	slt.u32 s30, $0x7C;
	_ =	sdelay $0x3  }
0x16f: {  	v0 =	vadd.f32 v0, v1;
	_ =	sdelay $0x1  }
0x170: {  	[tilespmem:s31+$0xFFFFFF00] =	vst v0;
	v0 =	vld [tilespmem:s31+$0xFFFFFF10]  }
0x171: {  	v1 =	vld [tilespmem:s29+$0xFFFFFF10];
	_ =	sdelay $0x4  }
0x172: {  	v0 =	vadd.f32 v1, v0;
	_ =	sdelay $0x1  }
0x173: {  	[tilespmem:s31+$0xFFFFFF10] =	vst v0;
	v0 =	vld [tilespmem:s31+$0xFFFFFF20]  }
0x174: {  	v1 =	vld [tilespmem:s29+$0xFFFFFF20];
	_ =	sdelay $0x4  }
0x175: {  	v0 =	vadd.f32 v1, v0;
	_ =	sdelay $0x1  }
0x176: {  	[tilespmem:s31+$0xFFFFFF20] =	vst v0;
	v0 =	vld [tilespmem:s31+$0xFFFFFF30]  }
0x177: {  	v1 =	vld [tilespmem:s29+$0xFFFFFF30];
	_ =	sdelay $0x4  }
0x178: {  	v0 =	vadd.f32 v1, v0;
	_ =	sdelay $0x1  }
0x179: {  	[tilespmem:s31+$0xFFFFFF30] =	vst v0;
	v0 =	vld [tilespmem:s31+$0xFFFFFF40]  }
0x17a: {  	v1 =	vld [tilespmem:s29+$0xFFFFFF40];
	_ =	sdelay $0x4  }
0x17b: {  	v0 =	vadd.f32 v1, v0;
	_ =	sdelay $0x1  }
0x17c: {  	[tilespmem:s31+$0xFFFFFF40] =	vst v0;
	v0 =	vld [tilespmem:s31+$0xFFFFFF50]  }
0x17d: {  	v1 =	vld [tilespmem:s29+$0xFFFFFF50];
	_ =	sdelay $0x4  }
0x17e: {  	v0 =	vadd.f32 v1, v0;
	_ =	sdelay $0x1  }
0x17f: {  	[tilespmem:s31+$0xFFFFFF50] =	vst v0;
	v0 =	vld [tilespmem:s31+$0xFFFFFF60]  }
0x180: {  	v1 =	vld [tilespmem:s29+$0xFFFFFF60];
	_ =	sdelay $0x4  }
0x181: {  	v0 =	vadd.f32 v1, v0;
	_ =	sdelay $0x1  }
0x182: {  	[tilespmem:s31+$0xFFFFFF60] =	vst v0;
	v0 =	vld [tilespmem:s31+$0xFFFFFF70]  }
0x183: {  	v1 =	vld [tilespmem:s29+$0xFFFFFF70];
	_ =	sdelay $0x4  }
0x184: {  	v0 =	vadd.f32 v1, v0;
	_ =	sdelay $0x1  }
0x185: {  	[tilespmem:s31+$0xFFFFFF70] =	vst v0;
	v0 =	vld [tilespmem:s31+$0xFFFFFF80]  }
0x186: {  	v1 =	vld [tilespmem:s29+$0xFFFFFF80];
	_ =	sdelay $0x4  }
0x187: {  	v0 =	vadd.f32 v1, v0;
	_ =	sdelay $0x1  }
0x188: {  	[tilespmem:s31+$0xFFFFFF80] =	vst v0;
	v0 =	vld [tilespmem:s31+$0xFFFFFF90]  }
0x189: {  	v1 =	vld [tilespmem:s29+$0xFFFFFF90];
	_ =	sdelay $0x4  }
0x18a: {  	v0 =	vadd.f32 v1, v0;
	_ =	sdelay $0x1  }
0x18b: {  	[tilespmem:s31+$0xFFFFFF90] =	vst v0;
	v0 =	vld [tilespmem:s31+$0xFFFFFFA0]  }
0x18c: {  	v1 =	vld [tilespmem:s29+$0xFFFFFFA0];
	_ =	sdelay $0x4  }
0x18d: {  	v0 =	vadd.f32 v1, v0;
	_ =	sdelay $0x1  }
0x18e: {  	[tilespmem:s31+$0xFFFFFFA0] =	vst v0;
	v0 =	vld [tilespmem:s31+$0xFFFFFFB0]  }
0x18f: {  	v1 =	vld [tilespmem:s29+$0xFFFFFFB0];
	_ =	sdelay $0x4  }
0x190: {  	v0 =	vadd.f32 v1, v0;
	_ =	sdelay $0x1  }
0x191: {  	[tilespmem:s31+$0xFFFFFFB0] =	vst v0;
	v0 =	vld [tilespmem:s31+$0xFFFFFFC0]  }
0x192: {  	v1 =	vld [tilespmem:s29+$0xFFFFFFC0];
	_ =	sdelay $0x4  }
0x193: {  	v0 =	vadd.f32 v1, v0;
	_ =	sdelay $0x1  }
0x194: {  	[tilespmem:s31+$0xFFFFFFC0] =	vst v0;
	v0 =	vld [tilespmem:s31+$0xFFFFFFD0]  }
0x195: {  	v1 =	vld [tilespmem:s29+$0xFFFFFFD0];
	_ =	sdelay $0x4  }
0x196: {  	v0 =	vadd.f32 v1, v0;
	_ =	sdelay $0x1  }
0x197: {  	[tilespmem:s31+$0xFFFFFFD0] =	vst v0;
	v0 =	vld [tilespmem:s31+$0xFFFFFFE0]  }
0x198: {  	v1 =	vld [tilespmem:s29+$0xFFFFFFE0];
	_ =	sdelay $0x4  }
0x199: {  	v0 =	vadd.f32 v1, v0;
	_ =	sdelay $0x1  }
0x19a: {  	[tilespmem:s31+$0xFFFFFFE0] =	vst v0;
	v0 =	vld [tilespmem:s31+$0xFFFFFFF0]  }
0x19b: {  	v1 =	vld [tilespmem:s29+$0xFFFFFFF0];
	_ =	sdelay $0x4  }
0x19c: {  	v0 =	vadd.f32 v1, v0;
	_ =	sdelay $0x1  }
0x19d: {  	[tilespmem:s31+$0xFFFFFFF0] =	vst v0;
	v0 =	vld [tilespmem:s31+$0x0]  }
0x19e: {  	v1 =	vld [tilespmem:s29+$0x0];
	_ =	sdelay $0x4  }
0x19f: {  	v0 =	vadd.f32 v1, v0;
	_ =	sdelay $0x1  }
0x1a0: {  	[tilespmem:s31+$0x0] =	vst v0;
	v0 =	vld [tilespmem:s31+$0x10]  }
0x1a1: {  	v1 =	vld [tilespmem:s29+$0x10];
	_ =	sdelay $0x4  }
0x1a2: {  	v0 =	vadd.f32 v1, v0;
	_ =	sdelay $0x1  }
0x1a3: {  	[tilespmem:s31+$0x10] =	vst v0;
	v0 =	vld [tilespmem:s31+$0x20]  }
0x1a4: {  	v1 =	vld [tilespmem:s29+$0x20];
	_ =	sdelay $0x4  }
0x1a5: {  	v0 =	vadd.f32 v1, v0;
	_ =	sdelay $0x1  }
0x1a6: {  	[tilespmem:s31+$0x20] =	vst v0;
	v0 =	vld [tilespmem:s31+$0x30]  }
0x1a7: {  	v1 =	vld [tilespmem:s29+$0x30];
	_ =	sdelay $0x4  }
0x1a8: {  	v0 =	vadd.f32 v1, v0;
	_ =	sdelay $0x1  }
0x1a9: {  	[tilespmem:s31+$0x30] =	vst v0;
	v0 =	vld [tilespmem:s31+$0x40]  }
0x1aa: {  	v1 =	vld [tilespmem:s29+$0x40];
	_ =	sdelay $0x4  }
0x1ab: {  	v0 =	vadd.f32 v1, v0;
	_ =	sdelay $0x1  }
0x1ac: {  	[tilespmem:s31+$0x40] =	vst v0;
	v0 =	vld [tilespmem:s31+$0x50]  }
0x1ad: {  	v1 =	vld [tilespmem:s29+$0x50];
	_ =	sdelay $0x4  }
0x1ae: {  	v0 =	vadd.f32 v1, v0;
	_ =	sdelay $0x1  }
0x1af: {  	[tilespmem:s31+$0x50] =	vst v0;
	v0 =	vld [tilespmem:s31+$0x60]  }
0x1b0: {  	v1 =	vld [tilespmem:s29+$0x60];
	_ =	sdelay $0x4  }
0x1b1: {  	v0 =	vadd.f32 v1, v0;
	_ =	sdelay $0x1  }
0x1b2: {  	[tilespmem:s31+$0x60] =	vst v0;
	v0 =	vld [tilespmem:s31+$0x70]  }
0x1b3: {  	v1 =	vld [tilespmem:s29+$0x70];
	_ =	sdelay $0x4  }
0x1b4: {  	v0 =	vadd.f32 v1, v0;
	_ =	sdelay $0x1  }
0x1b5: {  	[tilespmem:s31+$0x70] =	vst v0;
	v0 =	vld [tilespmem:s31+$0x80]  }
0x1b6: {  	v1 =	vld [tilespmem:s29+$0x80];
	_ =	sdelay $0x4  }
0x1b7: {  	v0 =	vadd.f32 v1, v0;
	_ =	sdelay $0x1  }
0x1b8: {  	[tilespmem:s31+$0x80] =	vst v0;
	v0 =	vld [tilespmem:s31+$0x90]  }
0x1b9: {  	v1 =	vld [tilespmem:s29+$0x90];
	_ =	sdelay $0x4  }
0x1ba: {  	v0 =	vadd.f32 v1, v0;
	_ =	sdelay $0x1  }
0x1bb: {  	[tilespmem:s31+$0x90] =	vst v0;
	v0 =	vld [tilespmem:s31+$0xA0]  }
0x1bc: {  	v1 =	vld [tilespmem:s29+$0xA0];
	_ =	sdelay $0x4  }
0x1bd: {  	v0 =	vadd.f32 v1, v0;
	_ =	sdelay $0x1  }
0x1be: {  	[tilespmem:s31+$0xA0] =	vst v0;
	v0 =	vld [tilespmem:s31+$0xB0]  }
0x1bf: {  	v1 =	vld [tilespmem:s29+$0xB0];
	_ =	sdelay $0x4  }
0x1c0: {  	v0 =	vadd.f32 v1, v0;
	_ =	sdelay $0x1  }
0x1c1: {  	[tilespmem:s31+$0xB0] =	vst v0;
	v0 =	vld [tilespmem:s31+$0xC0]  }
0x1c2: {  	v1 =	vld [tilespmem:s29+$0xC0];
	_ =	sdelay $0x4  }
0x1c3: {  	v0 =	vadd.f32 v1, v0;
	_ =	sdelay $0x1  }
0x1c4: {  	[tilespmem:s31+$0xC0] =	vst v0;
	v0 =	vld [tilespmem:s31+$0xD0]  }
0x1c5: {  	v1 =	vld [tilespmem:s29+$0xD0];
	_ =	sdelay $0x4  }
0x1c6: {  	v0 =	vadd.f32 v1, v0;
	_ =	sdelay $0x1  }
0x1c7: {  	[tilespmem:s31+$0xD0] =	vst v0;
	v0 =	vld [tilespmem:s31+$0xE0]  }
0x1c8: {  	v1 =	vld [tilespmem:s29+$0xE0];
	_ =	sdelay $0x4  }
0x1c9: {  	v0 =	vadd.f32 v1, v0;
	_ =	sdelay $0x1  }
0x1ca: {  	[tilespmem:s31+$0xE0] =	vst v0;
	v0 =	vld [tilespmem:s31+$0xF0]  }
0x1cb: {  	v1 =	vld [tilespmem:s29+$0xF0];
	_ =	sdelay $0x1  }
.Ltmp4:
0x1cc: {  	(pc) =	sbr.rel @p1 .LBB2_12-.Ltmp4, $3  }
0x1cd: {  	_ =	sdelay $0x1  }
0x1ce: {  	v0 =	vadd.f32 v1, v0  }
0x1cf: {  	s31 =	sadd.s32 $0x200, s31  }
0x1d0: {  	s25 =	sadd.s32 $0x1, s25  }
0x1d1: {  	p1 =	sne.s32 s25, $0x10  }
.Ltmp5:
0x1d2: {  	s26 =	sshll.u32 s26, $0xE;
	(pc) =	sbr.rel @p1 .LBB2_9-.Ltmp5, $4  }
.Ltmp6:
0x1d3: {  	s26 =	sadd.s32 s11, s26;
	(pc) =	sbr.rel @!p1 .LBB2_14-.Ltmp6, $4  }
0x1d4: {  	s26 =	sshrl.u32 s26, $0x3  }
0x1d5: {  	[tilespmem:s28+$0xF0] =	vst v0;
	s26 =	sadd.s32 s5, s26  }
0x1d6: {  	[hbm4b:s26+s1] =	stream.linear.scatter [tilespmem:s18], [sflag:$0x4], $0x4000, $0x38;
	[tilespmem:$0x13000] =	vst v63  }
0x1d7: {  	_ = 	snop  }
.LBB2_2:
0x1d8: {  	[tilespmem:s25], [sflag:$0x5] =	stream.linear.gather [hbm4b:s6+s25], $0x1800, $0x38;
	[tilespmem:$0x13000] =	vst v63  }
0x1d9: {  	_ =	swait.ge [sflag:s13], $0x1800  }
0x1da: {  	[sflag:s13] =	ssyncset.done $0x0  }
0x1db: {  	[sflag:s13] =	ssyncadd.s32 $0xFFFFE800  }
0x1dc: {  	[tilespmem:s14], [sflag:$0x5] =	stream.linear.gather [hbm4b:s7+s25], $0x1800, $0x38;
	[tilespmem:$0x13000] =	vst v63  }
0x1dd: {  	_ =	swait.ge [sflag:s13], $0x1800  }
0x1de: {  	[sflag:s13] =	ssyncset.done $0x0  }
0x1df: {  	[sflag:s13] =	ssyncadd.s32 $0xFFFFE800  }
0x1e0: {  	[tilespmem:s16], [sflag:$0x1] =	stream.indirect.gather [hbm4b:s3+s15], $0x80, s25, s15, $0xb8;
	[tilespmem:$0x13000] =	vst v63  }
0x1e1: {  	_ = 	snop  }
0x1e2: {  	[tilespmem:s17], [sflag:$0x1] =	stream.indirect.gather [hbm4b:s4+s15], $0x80, s14, s15, $0xb8;
	[tilespmem:$0x13000] =	vst v63  }
.LBB2_3:
0x1e3: {  	p1 =	seq.s32 s25, $0x0  }
0x1e4: {  	s28 =	simm.s32 @!p1 $0x4  }
0x1e5: {  	_ =	swait.ge @!p1 [sflag:s28], $0x4000  }
0x1e6: {  	s26 =	sshllo.u32 s25, $0x1;
	[sflag:s28] =	ssyncset.done @!p1 $0x0  }
0x1e7: {  	[sflag:s28] =	ssyncadd.s32 @!p1 $0xFFFFC000;
	s28 =	sshll.u32 s26, $0x7  }
0x1e8: {  	[tilespmem:s18], [sflag:$0x2] =	stream.indirect.gather [hbm4b:s3+s15], $0x80, s28, s15, $0xb8;
	[tilespmem:$0x13000] =	vst v63  }
0x1e9: {  	s28 =	sadd.s32 $0x1800, s28  }
0x1ea: {  	[tilespmem:s19], [sflag:$0x2] =	stream.indirect.gather [hbm4b:s4+s15], $0x80, s28, s15, $0xb8;
	[tilespmem:$0x13000] =	vst v63  }
0x1eb: {  	_ =	swait.ge [sflag:s20], $0x4000  }
0x1ec: {  	[sflag:s20] =	ssyncset.done $0x0  }
0x1ed: {  	[sflag:s20] =	ssyncadd.s32 $0xFFFFC000  }
0x1ee: {  	_ =	swait.ge [sflag:s20], $0x4000  }
0x1ef: {  	[sflag:s20] =	ssyncset.done $0x0  }
0x1f0: {  	s28 =	simm.s32 $0x3100;
	[sflag:s20] =	ssyncadd.s32 $0xFFFFC000  }
0x1f1: {  	s29 =	simm.s32 $0xB100;
	v0 =	vld [tilespmem:s28+$0xFFFFFF00]  }
0x1f2: {  	v1 =	vld [tilespmem:s29+$0xFFFFFF00];
	_ =	sdelay $0x4  }
0x1f3: {  	v0 =	vadd.f32 v1, v0;
	_ =	sdelay $0x1  }
0x1f4: {  	[tilespmem:s28+$0xFFFFFF00] =	vst v0;
	v0 =	vld [tilespmem:s28+$0xFFFFFF10]  }
0x1f5: {  	v1 =	vld [tilespmem:s29+$0xFFFFFF10];
	_ =	sdelay $0x4  }
0x1f6: {  	v0 =	vadd.f32 v1, v0;
	_ =	sdelay $0x1  }
0x1f7: {  	[tilespmem:s28+$0xFFFFFF10] =	vst v0;
	v0 =	vld [tilespmem:s28+$0xFFFFFF20]  }
0x1f8: {  	v1 =	vld [tilespmem:s29+$0xFFFFFF20];
	_ =	sdelay $0x4  }
0x1f9: {  	v0 =	vadd.f32 v1, v0;
	_ =	sdelay $0x1  }
0x1fa: {  	[tilespmem:s28+$0xFFFFFF20] =	vst v0;
	v0 =	vld [tilespmem:s28+$0xFFFFFF30]  }
0x1fb: {  	v1 =	vld [tilespmem:s29+$0xFFFFFF30];
	_ =	sdelay $0x4  }
0x1fc: {  	v0 =	vadd.f32 v1, v0;
	_ =	sdelay $0x1  }
0x1fd: {  	[tilespmem:s28+$0xFFFFFF30] =	vst v0;
	v0 =	vld [tilespmem:s28+$0xFFFFFF40]  }
0x1fe: {  	v1 =	vld [tilespmem:s29+$0xFFFFFF40];
	_ =	sdelay $0x4  }
0x1ff: {  	v0 =	vadd.f32 v1, v0;
	_ =	sdelay $0x1  }
0x200: {  	[tilespmem:s28+$0xFFFFFF40] =	vst v0;
	v0 =	vld [tilespmem:s28+$0xFFFFFF50]  }
0x201: {  	v1 =	vld [tilespmem:s29+$0xFFFFFF50];
	_ =	sdelay $0x4  }
0x202: {  	v0 =	vadd.f32 v1, v0;
	_ =	sdelay $0x1  }
0x203: {  	[tilespmem:s28+$0xFFFFFF50] =	vst v0;
	v0 =	vld [tilespmem:s28+$0xFFFFFF60]  }
0x204: {  	v1 =	vld [tilespmem:s29+$0xFFFFFF60];
	_ =	sdelay $0x4  }
0x205: {  	v0 =	vadd.f32 v1, v0;
	_ =	sdelay $0x1  }
0x206: {  	[tilespmem:s28+$0xFFFFFF60] =	vst v0;
	v0 =	vld [tilespmem:s28+$0xFFFFFF70]  }
0x207: {  	v1 =	vld [tilespmem:s29+$0xFFFFFF70];
	_ =	sdelay $0x4  }
0x208: {  	v0 =	vadd.f32 v1, v0;
	_ =	sdelay $0x1  }
0x209: {  	[tilespmem:s28+$0xFFFFFF70] =	vst v0;
	v0 =	vld [tilespmem:s28+$0xFFFFFF80]  }
0x20a: {  	v1 =	vld [tilespmem:s29+$0xFFFFFF80];
	_ =	sdelay $0x4  }
0x20b: {  	v0 =	vadd.f32 v1, v0;
	_ =	sdelay $0x1  }
0x20c: {  	[tilespmem:s28+$0xFFFFFF80] =	vst v0;
	v0 =	vld [tilespmem:s28+$0xFFFFFF90]  }
0x20d: {  	v1 =	vld [tilespmem:s29+$0xFFFFFF90];
	_ =	sdelay $0x4  }
0x20e: {  	v0 =	vadd.f32 v1, v0;
	_ =	sdelay $0x1  }
0x20f: {  	[tilespmem:s28+$0xFFFFFF90] =	vst v0;
	v0 =	vld [tilespmem:s28+$0xFFFFFFA0]  }
0x210: {  	v1 =	vld [tilespmem:s29+$0xFFFFFFA0];
	_ =	sdelay $0x4  }
0x211: {  	v0 =	vadd.f32 v1, v0;
	_ =	sdelay $0x1  }
0x212: {  	[tilespmem:s28+$0xFFFFFFA0] =	vst v0;
	v0 =	vld [tilespmem:s28+$0xFFFFFFB0]  }
0x213: {  	v1 =	vld [tilespmem:s29+$0xFFFFFFB0];
	_ =	sdelay $0x4  }
0x214: {  	v0 =	vadd.f32 v1, v0;
	_ =	sdelay $0x1  }
0x215: {  	[tilespmem:s28+$0xFFFFFFB0] =	vst v0;
	v0 =	vld [tilespmem:s28+$0xFFFFFFC0]  }
0x216: {  	v1 =	vld [tilespmem:s29+$0xFFFFFFC0];
	_ =	sdelay $0x4  }
0x217: {  	v0 =	vadd.f32 v1, v0;
	_ =	sdelay $0x1  }
0x218: {  	[tilespmem:s28+$0xFFFFFFC0] =	vst v0;
	v0 =	vld [tilespmem:s28+$0xFFFFFFD0]  }
0x219: {  	v1 =	vld [tilespmem:s29+$0xFFFFFFD0];
	_ =	sdelay $0x4  }
0x21a: {  	v0 =	vadd.f32 v1, v0;
	_ =	sdelay $0x1  }
0x21b: {  	[tilespmem:s28+$0xFFFFFFD0] =	vst v0;
	v0 =	vld [tilespmem:s28+$0xFFFFFFE0]  }
0x21c: {  	v1 =	vld [tilespmem:s29+$0xFFFFFFE0];
	_ =	sdelay $0x4  }
0x21d: {  	v0 =	vadd.f32 v1, v0;
	_ =	sdelay $0x1  }
0x21e: {  	[tilespmem:s28+$0xFFFFFFE0] =	vst v0;
	v0 =	vld [tilespmem:s28+$0xFFFFFFF0]  }
0x21f: {  	v1 =	vld [tilespmem:s29+$0xFFFFFFF0];
	_ =	sdelay $0x4  }
0x220: {  	v0 =	vadd.f32 v1, v0;
	_ =	sdelay $0x1  }
0x221: {  	[tilespmem:s28+$0xFFFFFFF0] =	vst v0;
	v0 =	vld [tilespmem:s28+$0x0]  }
0x222: {  	v1 =	vld [tilespmem:s29+$0x0];
	_ =	sdelay $0x4  }
0x223: {  	v0 =	vadd.f32 v1, v0;
	_ =	sdelay $0x1  }
0x224: {  	[tilespmem:s28+$0x0] =	vst v0;
	v0 =	vld [tilespmem:s28+$0x10]  }
0x225: {  	v1 =	vld [tilespmem:s29+$0x10];
	_ =	sdelay $0x4  }
0x226: {  	v0 =	vadd.f32 v1, v0;
	_ =	sdelay $0x1  }
0x227: {  	[tilespmem:s28+$0x10] =	vst v0;
	v0 =	vld [tilespmem:s28+$0x20]  }
0x228: {  	v1 =	vld [tilespmem:s29+$0x20];
	_ =	sdelay $0x4  }
0x229: {  	v0 =	vadd.f32 v1, v0;
	_ =	sdelay $0x1  }
0x22a: {  	[tilespmem:s28+$0x20] =	vst v0;
	v0 =	vld [tilespmem:s28+$0x30]  }
0x22b: {  	v1 =	vld [tilespmem:s29+$0x30];
	_ =	sdelay $0x4  }
0x22c: {  	v0 =	vadd.f32 v1, v0;
	_ =	sdelay $0x1  }
0x22d: {  	[tilespmem:s28+$0x30] =	vst v0;
	v0 =	vld [tilespmem:s28+$0x40]  }
0x22e: {  	v1 =	vld [tilespmem:s29+$0x40];
	_ =	sdelay $0x4  }
0x22f: {  	v0 =	vadd.f32 v1, v0;
	_ =	sdelay $0x1  }
0x230: {  	[tilespmem:s28+$0x40] =	vst v0;
	v0 =	vld [tilespmem:s28+$0x50]  }
0x231: {  	v1 =	vld [tilespmem:s29+$0x50];
	_ =	sdelay $0x4  }
0x232: {  	v0 =	vadd.f32 v1, v0;
	_ =	sdelay $0x1  }
0x233: {  	[tilespmem:s28+$0x50] =	vst v0;
	v0 =	vld [tilespmem:s28+$0x60]  }
0x234: {  	v1 =	vld [tilespmem:s29+$0x60];
	_ =	sdelay $0x4  }
0x235: {  	v0 =	vadd.f32 v1, v0;
	_ =	sdelay $0x1  }
0x236: {  	[tilespmem:s28+$0x60] =	vst v0;
	v0 =	vld [tilespmem:s28+$0x70]  }
0x237: {  	v1 =	vld [tilespmem:s29+$0x70];
	_ =	sdelay $0x4  }
0x238: {  	v0 =	vadd.f32 v1, v0;
	_ =	sdelay $0x1  }
0x239: {  	[tilespmem:s28+$0x70] =	vst v0;
	v0 =	vld [tilespmem:s28+$0x80]  }
0x23a: {  	v1 =	vld [tilespmem:s29+$0x80];
	_ =	sdelay $0x4  }
0x23b: {  	v0 =	vadd.f32 v1, v0;
	_ =	sdelay $0x1  }
0x23c: {  	[tilespmem:s28+$0x80] =	vst v0;
	v0 =	vld [tilespmem:s28+$0x90]  }
0x23d: {  	v1 =	vld [tilespmem:s29+$0x90];
	_ =	sdelay $0x4  }
0x23e: {  	v0 =	vadd.f32 v1, v0;
	_ =	sdelay $0x1  }
0x23f: {  	[tilespmem:s28+$0x90] =	vst v0;
	v0 =	vld [tilespmem:s28+$0xA0]  }
0x240: {  	v1 =	vld [tilespmem:s29+$0xA0];
	_ =	sdelay $0x4  }
0x241: {  	v0 =	vadd.f32 v1, v0;
	_ =	sdelay $0x1  }
0x242: {  	[tilespmem:s28+$0xA0] =	vst v0;
	v0 =	vld [tilespmem:s28+$0xB0]  }
0x243: {  	v1 =	vld [tilespmem:s29+$0xB0];
	_ =	sdelay $0x4  }
0x244: {  	v0 =	vadd.f32 v1, v0;
	_ =	sdelay $0x1  }
0x245: {  	[tilespmem:s28+$0xB0] =	vst v0;
	v0 =	vld [tilespmem:s28+$0xC0]  }
0x246: {  	v1 =	vld [tilespmem:s29+$0xC0];
	_ =	sdelay $0x4  }
0x247: {  	v0 =	vadd.f32 v1, v0;
	_ =	sdelay $0x1  }
0x248: {  	[tilespmem:s28+$0xC0] =	vst v0;
	v0 =	vld [tilespmem:s28+$0xD0]  }
0x249: {  	v1 =	vld [tilespmem:s29+$0xD0];
	_ =	sdelay $0x4  }
0x24a: {  	v0 =	vadd.f32 v1, v0;
	_ =	sdelay $0x1  }
0x24b: {  	[tilespmem:s28+$0xD0] =	vst v0;
	v0 =	vld [tilespmem:s28+$0xE0]  }
0x24c: {  	v1 =	vld [tilespmem:s29+$0xE0];
	_ =	sdelay $0x4  }
0x24d: {  	v0 =	vadd.f32 v1, v0;
	_ =	sdelay $0x1  }
0x24e: {  	[tilespmem:s28+$0xE0] =	vst v0;
	v0 =	vld [tilespmem:s28+$0xF0]  }
0x24f: {  	v1 =	vld [tilespmem:s29+$0xF0];
	_ =	sdelay $0x4  }
0x250: {  	v0 =	vadd.f32 v1, v0  }
0x251: {  	s30 =	simm.s32 $0x0;
	s31 =	simm.s32 $0x3300  }
.LBB2_4:
0x252: {  	v1 =	vld [tilespmem:s31+$0xFFFFFF00];
	[tilespmem:s28+$0xF0] =	vst v0;
	s29 =	sadd.s32 $0x200, s29;
	s28 =	smov.u32 s31  }
0x253: {  	s30 =	sadd.s32 $0x4, s30;
	v0 =	vld [tilespmem:s29+$0xFFFFFF00]  }
0x254: {  	p1 =	slt.u32 s30, $0x7C;
	_ =	sdelay $0x3  }
0x255: {  	v0 =	vadd.f32 v0, v1;
	_ =	sdelay $0x1  }
0x256: {  	[tilespmem:s31+$0xFFFFFF00] =	vst v0;
	v0 =	vld [tilespmem:s31+$0xFFFFFF10]  }
0x257: {  	v1 =	vld [tilespmem:s29+$0xFFFFFF10];
	_ =	sdelay $0x4  }
0x258: {  	v0 =	vadd.f32 v1, v0;
	_ =	sdelay $0x1  }
0x259: {  	[tilespmem:s31+$0xFFFFFF10] =	vst v0;
	v0 =	vld [tilespmem:s31+$0xFFFFFF20]  }
0x25a: {  	v1 =	vld [tilespmem:s29+$0xFFFFFF20];
	_ =	sdelay $0x4  }
0x25b: {  	v0 =	vadd.f32 v1, v0;
	_ =	sdelay $0x1  }
0x25c: {  	[tilespmem:s31+$0xFFFFFF20] =	vst v0;
	v0 =	vld [tilespmem:s31+$0xFFFFFF30]  }
0x25d: {  	v1 =	vld [tilespmem:s29+$0xFFFFFF30];
	_ =	sdelay $0x4  }
0x25e: {  	v0 =	vadd.f32 v1, v0;
	_ =	sdelay $0x1  }
0x25f: {  	[tilespmem:s31+$0xFFFFFF30] =	vst v0;
	v0 =	vld [tilespmem:s31+$0xFFFFFF40]  }
0x260: {  	v1 =	vld [tilespmem:s29+$0xFFFFFF40];
	_ =	sdelay $0x4  }
0x261: {  	v0 =	vadd.f32 v1, v0;
	_ =	sdelay $0x1  }
0x262: {  	[tilespmem:s31+$0xFFFFFF40] =	vst v0;
	v0 =	vld [tilespmem:s31+$0xFFFFFF50]  }
0x263: {  	v1 =	vld [tilespmem:s29+$0xFFFFFF50];
	_ =	sdelay $0x4  }
0x264: {  	v0 =	vadd.f32 v1, v0;
	_ =	sdelay $0x1  }
0x265: {  	[tilespmem:s31+$0xFFFFFF50] =	vst v0;
	v0 =	vld [tilespmem:s31+$0xFFFFFF60]  }
0x266: {  	v1 =	vld [tilespmem:s29+$0xFFFFFF60];
	_ =	sdelay $0x4  }
0x267: {  	v0 =	vadd.f32 v1, v0;
	_ =	sdelay $0x1  }
0x268: {  	[tilespmem:s31+$0xFFFFFF60] =	vst v0;
	v0 =	vld [tilespmem:s31+$0xFFFFFF70]  }
0x269: {  	v1 =	vld [tilespmem:s29+$0xFFFFFF70];
	_ =	sdelay $0x4  }
0x26a: {  	v0 =	vadd.f32 v1, v0;
	_ =	sdelay $0x1  }
0x26b: {  	[tilespmem:s31+$0xFFFFFF70] =	vst v0;
	v0 =	vld [tilespmem:s31+$0xFFFFFF80]  }
0x26c: {  	v1 =	vld [tilespmem:s29+$0xFFFFFF80];
	_ =	sdelay $0x4  }
0x26d: {  	v0 =	vadd.f32 v1, v0;
	_ =	sdelay $0x1  }
0x26e: {  	[tilespmem:s31+$0xFFFFFF80] =	vst v0;
	v0 =	vld [tilespmem:s31+$0xFFFFFF90]  }
0x26f: {  	v1 =	vld [tilespmem:s29+$0xFFFFFF90];
	_ =	sdelay $0x4  }
0x270: {  	v0 =	vadd.f32 v1, v0;
	_ =	sdelay $0x1  }
0x271: {  	[tilespmem:s31+$0xFFFFFF90] =	vst v0;
	v0 =	vld [tilespmem:s31+$0xFFFFFFA0]  }
0x272: {  	v1 =	vld [tilespmem:s29+$0xFFFFFFA0];
	_ =	sdelay $0x4  }
0x273: {  	v0 =	vadd.f32 v1, v0;
	_ =	sdelay $0x1  }
0x274: {  	[tilespmem:s31+$0xFFFFFFA0] =	vst v0;
	v0 =	vld [tilespmem:s31+$0xFFFFFFB0]  }
0x275: {  	v1 =	vld [tilespmem:s29+$0xFFFFFFB0];
	_ =	sdelay $0x4  }
0x276: {  	v0 =	vadd.f32 v1, v0;
	_ =	sdelay $0x1  }
0x277: {  	[tilespmem:s31+$0xFFFFFFB0] =	vst v0;
	v0 =	vld [tilespmem:s31+$0xFFFFFFC0]  }
0x278: {  	v1 =	vld [tilespmem:s29+$0xFFFFFFC0];
	_ =	sdelay $0x4  }
0x279: {  	v0 =	vadd.f32 v1, v0;
	_ =	sdelay $0x1  }
0x27a: {  	[tilespmem:s31+$0xFFFFFFC0] =	vst v0;
	v0 =	vld [tilespmem:s31+$0xFFFFFFD0]  }
0x27b: {  	v1 =	vld [tilespmem:s29+$0xFFFFFFD0];
	_ =	sdelay $0x4  }
0x27c: {  	v0 =	vadd.f32 v1, v0;
	_ =	sdelay $0x1  }
0x27d: {  	[tilespmem:s31+$0xFFFFFFD0] =	vst v0;
	v0 =	vld [tilespmem:s31+$0xFFFFFFE0]  }
0x27e: {  	v1 =	vld [tilespmem:s29+$0xFFFFFFE0];
	_ =	sdelay $0x4  }
0x27f: {  	v0 =	vadd.f32 v1, v0;
	_ =	sdelay $0x1  }
0x280: {  	[tilespmem:s31+$0xFFFFFFE0] =	vst v0;
	v0 =	vld [tilespmem:s31+$0xFFFFFFF0]  }
0x281: {  	v1 =	vld [tilespmem:s29+$0xFFFFFFF0];
	_ =	sdelay $0x4  }
0x282: {  	v0 =	vadd.f32 v1, v0;
	_ =	sdelay $0x1  }
0x283: {  	[tilespmem:s31+$0xFFFFFFF0] =	vst v0;
	v0 =	vld [tilespmem:s31+$0x0]  }
0x284: {  	v1 =	vld [tilespmem:s29+$0x0];
	_ =	sdelay $0x4  }
0x285: {  	v0 =	vadd.f32 v1, v0;
	_ =	sdelay $0x1  }
0x286: {  	[tilespmem:s31+$0x0] =	vst v0;
	v0 =	vld [tilespmem:s31+$0x10]  }
0x287: {  	v1 =	vld [tilespmem:s29+$0x10];
	_ =	sdelay $0x4  }
0x288: {  	v0 =	vadd.f32 v1, v0;
	_ =	sdelay $0x1  }
0x289: {  	[tilespmem:s31+$0x10] =	vst v0;
	v0 =	vld [tilespmem:s31+$0x20]  }
0x28a: {  	v1 =	vld [tilespmem:s29+$0x20];
	_ =	sdelay $0x4  }
0x28b: {  	v0 =	vadd.f32 v1, v0;
	_ =	sdelay $0x1  }
0x28c: {  	[tilespmem:s31+$0x20] =	vst v0;
	v0 =	vld [tilespmem:s31+$0x30]  }
0x28d: {  	v1 =	vld [tilespmem:s29+$0x30];
	_ =	sdelay $0x4  }
0x28e: {  	v0 =	vadd.f32 v1, v0;
	_ =	sdelay $0x1  }
0x28f: {  	[tilespmem:s31+$0x30] =	vst v0;
	v0 =	vld [tilespmem:s31+$0x40]  }
0x290: {  	v1 =	vld [tilespmem:s29+$0x40];
	_ =	sdelay $0x4  }
0x291: {  	v0 =	vadd.f32 v1, v0;
	_ =	sdelay $0x1  }
0x292: {  	[tilespmem:s31+$0x40] =	vst v0;
	v0 =	vld [tilespmem:s31+$0x50]  }
0x293: {  	v1 =	vld [tilespmem:s29+$0x50];
	_ =	sdelay $0x4  }
0x294: {  	v0 =	vadd.f32 v1, v0;
	_ =	sdelay $0x1  }
0x295: {  	[tilespmem:s31+$0x50] =	vst v0;
	v0 =	vld [tilespmem:s31+$0x60]  }
0x296: {  	v1 =	vld [tilespmem:s29+$0x60];
	_ =	sdelay $0x4  }
0x297: {  	v0 =	vadd.f32 v1, v0;
	_ =	sdelay $0x1  }
0x298: {  	[tilespmem:s31+$0x60] =	vst v0;
	v0 =	vld [tilespmem:s31+$0x70]  }
0x299: {  	v1 =	vld [tilespmem:s29+$0x70];
	_ =	sdelay $0x4  }
0x29a: {  	v0 =	vadd.f32 v1, v0;
	_ =	sdelay $0x1  }
0x29b: {  	[tilespmem:s31+$0x70] =	vst v0;
	v0 =	vld [tilespmem:s31+$0x80]  }
0x29c: {  	v1 =	vld [tilespmem:s29+$0x80];
	_ =	sdelay $0x4  }
0x29d: {  	v0 =	vadd.f32 v1, v0;
	_ =	sdelay $0x1  }
0x29e: {  	[tilespmem:s31+$0x80] =	vst v0;
	v0 =	vld [tilespmem:s31+$0x90]  }
0x29f: {  	v1 =	vld [tilespmem:s29+$0x90];
	_ =	sdelay $0x4  }
0x2a0: {  	v0 =	vadd.f32 v1, v0;
	_ =	sdelay $0x1  }
0x2a1: {  	[tilespmem:s31+$0x90] =	vst v0;
	v0 =	vld [tilespmem:s31+$0xA0]  }
0x2a2: {  	v1 =	vld [tilespmem:s29+$0xA0];
	_ =	sdelay $0x4  }
0x2a3: {  	v0 =	vadd.f32 v1, v0;
	_ =	sdelay $0x1  }
0x2a4: {  	[tilespmem:s31+$0xA0] =	vst v0;
	v0 =	vld [tilespmem:s31+$0xB0]  }
0x2a5: {  	v1 =	vld [tilespmem:s29+$0xB0];
	_ =	sdelay $0x4  }
0x2a6: {  	v0 =	vadd.f32 v1, v0;
	_ =	sdelay $0x1  }
0x2a7: {  	[tilespmem:s31+$0xB0] =	vst v0;
	v0 =	vld [tilespmem:s31+$0xC0]  }
0x2a8: {  	v1 =	vld [tilespmem:s29+$0xC0];
	_ =	sdelay $0x4  }
0x2a9: {  	v0 =	vadd.f32 v1, v0;
	_ =	sdelay $0x1  }
0x2aa: {  	[tilespmem:s31+$0xC0] =	vst v0;
	v0 =	vld [tilespmem:s31+$0xD0]  }
0x2ab: {  	v1 =	vld [tilespmem:s29+$0xD0];
	_ =	sdelay $0x4  }
0x2ac: {  	v0 =	vadd.f32 v1, v0;
	_ =	sdelay $0x1  }
0x2ad: {  	[tilespmem:s31+$0xD0] =	vst v0;
	v0 =	vld [tilespmem:s31+$0xE0]  }
0x2ae: {  	v1 =	vld [tilespmem:s29+$0xE0];
	_ =	sdelay $0x4  }
0x2af: {  	v0 =	vadd.f32 v1, v0;
	_ =	sdelay $0x1  }
0x2b0: {  	[tilespmem:s31+$0xE0] =	vst v0;
	v0 =	vld [tilespmem:s31+$0xF0]  }
0x2b1: {  	v1 =	vld [tilespmem:s29+$0xF0];
	_ =	sdelay $0x1  }
.Ltmp7:
0x2b2: {  	(pc) =	sbr.rel @p1 .LBB2_4-.Ltmp7, $3  }
0x2b3: {  	_ =	sdelay $0x1  }
0x2b4: {  	v0 =	vadd.f32 v1, v0  }
0x2b5: {  	s31 =	sadd.s32 $0x200, s31  }
0x2b6: {  	s29 =	sshll.u32 s25, $0xF  }
0x2b7: {  	s29 =	sadd.s32 s8, s29  }
0x2b8: {  	s29 =	sshrl.u32 s29, $0x3  }
0x2b9: {  	[tilespmem:s28+$0xF0] =	vst v0;
	p1 =	seq.s32 s25, $0x17;
	s28 =	sadd.s32 s5, s29  }
0x2ba: {  	[hbm4b:s28+s1] =	stream.linear.scatter [tilespmem:s16], [sflag:$0x3], $0x4000, $0x38;
	[tilespmem:$0x13000] =	vst v63  }
0x2bb: {  	s28 =	simm.s32 @!p1 $0x3  }
0x2bc: {  	_ =	swait.ge @!p1 [sflag:s28], $0x4000  }
0x2bd: {  	[sflag:s28] =	ssyncset.done @!p1 $0x0  }
0x2be: {  	[sflag:s28] =	ssyncadd.s32 @!p1 $0xFFFFC000;
	s28 =	sshll.u32 @!p1 s25, $0x8  }
0x2bf: {  	s30 =	simm.s32 @!p1 $0x80;
	s31 =	simm.s32 @!p1 $0x3000;
	s29 =	sadd.s32 @!p1 $0x100, s28  }
0x2c0: {  	[tilespmem:s31], [sflag:$0x1] =	stream.indirect.gather @!p1 [hbm4b:s3+s30], $0x80, s29, s30, $0xb8;
	[tilespmem:$0x13000] =	vst v63  }
0x2c1: {  	s28 =	sadd.s32 @!p1 $0x1900, s28;
	s29 =	simm.s32 @!p1 $0xB000  }
0x2c2: {  	[tilespmem:s29], [sflag:$0x1] =	stream.indirect.gather @!p1 [hbm4b:s4+s30], $0x80, s28, s30, $0xb8;
	[tilespmem:$0x13000] =	vst v63  }
0x2c3: {  	_ =	swait.ge [sflag:s21], $0x4000  }
0x2c4: {  	[sflag:s21] =	ssyncset.done $0x0  }
0x2c5: {  	[sflag:s21] =	ssyncadd.s32 $0xFFFFC000  }
0x2c6: {  	_ =	swait.ge [sflag:s21], $0x4000  }
0x2c7: {  	[sflag:s21] =	ssyncset.done $0x0  }
0x2c8: {  	s28 =	simm.s32 $0x7100;
	[sflag:s21] =	ssyncadd.s32 $0xFFFFC000  }
0x2c9: {  	s29 =	simm.s32 $0xF100;
	v0 =	vld [tilespmem:s28+$0xFFFFFF00]  }
0x2ca: {  	v1 =	vld [tilespmem:s29+$0xFFFFFF00];
	_ =	sdelay $0x4  }
0x2cb: {  	v0 =	vadd.f32 v1, v0;
	_ =	sdelay $0x1  }
0x2cc: {  	[tilespmem:s28+$0xFFFFFF00] =	vst v0;
	v0 =	vld [tilespmem:s28+$0xFFFFFF10]  }
0x2cd: {  	v1 =	vld [tilespmem:s29+$0xFFFFFF10];
	_ =	sdelay $0x4  }
0x2ce: {  	v0 =	vadd.f32 v1, v0;
	_ =	sdelay $0x1  }
0x2cf: {  	[tilespmem:s28+$0xFFFFFF10] =	vst v0;
	v0 =	vld [tilespmem:s28+$0xFFFFFF20]  }
0x2d0: {  	v1 =	vld [tilespmem:s29+$0xFFFFFF20];
	_ =	sdelay $0x4  }
0x2d1: {  	v0 =	vadd.f32 v1, v0;
	_ =	sdelay $0x1  }
0x2d2: {  	[tilespmem:s28+$0xFFFFFF20] =	vst v0;
	v0 =	vld [tilespmem:s28+$0xFFFFFF30]  }
0x2d3: {  	v1 =	vld [tilespmem:s29+$0xFFFFFF30];
	_ =	sdelay $0x4  }
0x2d4: {  	v0 =	vadd.f32 v1, v0;
	_ =	sdelay $0x1  }
0x2d5: {  	[tilespmem:s28+$0xFFFFFF30] =	vst v0;
	v0 =	vld [tilespmem:s28+$0xFFFFFF40]  }
0x2d6: {  	v1 =	vld [tilespmem:s29+$0xFFFFFF40];
	_ =	sdelay $0x4  }
0x2d7: {  	v0 =	vadd.f32 v1, v0;
	_ =	sdelay $0x1  }
0x2d8: {  	[tilespmem:s28+$0xFFFFFF40] =	vst v0;
	v0 =	vld [tilespmem:s28+$0xFFFFFF50]  }
0x2d9: {  	v1 =	vld [tilespmem:s29+$0xFFFFFF50];
	_ =	sdelay $0x4  }
0x2da: {  	v0 =	vadd.f32 v1, v0;
	_ =	sdelay $0x1  }
0x2db: {  	[tilespmem:s28+$0xFFFFFF50] =	vst v0;
	v0 =	vld [tilespmem:s28+$0xFFFFFF60]  }
0x2dc: {  	v1 =	vld [tilespmem:s29+$0xFFFFFF60];
	_ =	sdelay $0x4  }
0x2dd: {  	v0 =	vadd.f32 v1, v0;
	_ =	sdelay $0x1  }
0x2de: {  	[tilespmem:s28+$0xFFFFFF60] =	vst v0;
	v0 =	vld [tilespmem:s28+$0xFFFFFF70]  }
0x2df: {  	v1 =	vld [tilespmem:s29+$0xFFFFFF70];
	_ =	sdelay $0x4  }
0x2e0: {  	v0 =	vadd.f32 v1, v0;
	_ =	sdelay $0x1  }
0x2e1: {  	[tilespmem:s28+$0xFFFFFF70] =	vst v0;
	v0 =	vld [tilespmem:s28+$0xFFFFFF80]  }
0x2e2: {  	v1 =	vld [tilespmem:s29+$0xFFFFFF80];
	_ =	sdelay $0x4  }
0x2e3: {  	v0 =	vadd.f32 v1, v0;
	_ =	sdelay $0x1  }
0x2e4: {  	[tilespmem:s28+$0xFFFFFF80] =	vst v0;
	v0 =	vld [tilespmem:s28+$0xFFFFFF90]  }
0x2e5: {  	v1 =	vld [tilespmem:s29+$0xFFFFFF90];
	_ =	sdelay $0x4  }
0x2e6: {  	v0 =	vadd.f32 v1, v0;
	_ =	sdelay $0x1  }
0x2e7: {  	[tilespmem:s28+$0xFFFFFF90] =	vst v0;
	v0 =	vld [tilespmem:s28+$0xFFFFFFA0]  }
0x2e8: {  	v1 =	vld [tilespmem:s29+$0xFFFFFFA0];
	_ =	sdelay $0x4  }
0x2e9: {  	v0 =	vadd.f32 v1, v0;
	_ =	sdelay $0x1  }
0x2ea: {  	[tilespmem:s28+$0xFFFFFFA0] =	vst v0;
	v0 =	vld [tilespmem:s28+$0xFFFFFFB0]  }
0x2eb: {  	v1 =	vld [tilespmem:s29+$0xFFFFFFB0];
	_ =	sdelay $0x4  }
0x2ec: {  	v0 =	vadd.f32 v1, v0;
	_ =	sdelay $0x1  }
0x2ed: {  	[tilespmem:s28+$0xFFFFFFB0] =	vst v0;
	v0 =	vld [tilespmem:s28+$0xFFFFFFC0]  }
0x2ee: {  	v1 =	vld [tilespmem:s29+$0xFFFFFFC0];
	_ =	sdelay $0x4  }
0x2ef: {  	v0 =	vadd.f32 v1, v0;
	_ =	sdelay $0x1  }
0x2f0: {  	[tilespmem:s28+$0xFFFFFFC0] =	vst v0;
	v0 =	vld [tilespmem:s28+$0xFFFFFFD0]  }
0x2f1: {  	v1 =	vld [tilespmem:s29+$0xFFFFFFD0];
	_ =	sdelay $0x4  }
0x2f2: {  	v0 =	vadd.f32 v1, v0;
	_ =	sdelay $0x1  }
0x2f3: {  	[tilespmem:s28+$0xFFFFFFD0] =	vst v0;
	v0 =	vld [tilespmem:s28+$0xFFFFFFE0]  }
0x2f4: {  	v1 =	vld [tilespmem:s29+$0xFFFFFFE0];
	_ =	sdelay $0x4  }
0x2f5: {  	v0 =	vadd.f32 v1, v0;
	_ =	sdelay $0x1  }
0x2f6: {  	[tilespmem:s28+$0xFFFFFFE0] =	vst v0;
	v0 =	vld [tilespmem:s28+$0xFFFFFFF0]  }
0x2f7: {  	v1 =	vld [tilespmem:s29+$0xFFFFFFF0];
	_ =	sdelay $0x4  }
0x2f8: {  	v0 =	vadd.f32 v1, v0;
	_ =	sdelay $0x1  }
0x2f9: {  	[tilespmem:s28+$0xFFFFFFF0] =	vst v0;
	v0 =	vld [tilespmem:s28+$0x0]  }
0x2fa: {  	v1 =	vld [tilespmem:s29+$0x0];
	_ =	sdelay $0x4  }
0x2fb: {  	v0 =	vadd.f32 v1, v0;
	_ =	sdelay $0x1  }
0x2fc: {  	[tilespmem:s28+$0x0] =	vst v0;
	v0 =	vld [tilespmem:s28+$0x10]  }
0x2fd: {  	v1 =	vld [tilespmem:s29+$0x10];
	_ =	sdelay $0x4  }
0x2fe: {  	v0 =	vadd.f32 v1, v0;
	_ =	sdelay $0x1  }
0x2ff: {  	[tilespmem:s28+$0x10] =	vst v0;
	v0 =	vld [tilespmem:s28+$0x20]  }
0x300: {  	v1 =	vld [tilespmem:s29+$0x20];
	_ =	sdelay $0x4  }
0x301: {  	v0 =	vadd.f32 v1, v0;
	_ =	sdelay $0x1  }
0x302: {  	[tilespmem:s28+$0x20] =	vst v0;
	v0 =	vld [tilespmem:s28+$0x30]  }
0x303: {  	v1 =	vld [tilespmem:s29+$0x30];
	_ =	sdelay $0x4  }
0x304: {  	v0 =	vadd.f32 v1, v0;
	_ =	sdelay $0x1  }
0x305: {  	[tilespmem:s28+$0x30] =	vst v0;
	v0 =	vld [tilespmem:s28+$0x40]  }
0x306: {  	v1 =	vld [tilespmem:s29+$0x40];
	_ =	sdelay $0x4  }
0x307: {  	v0 =	vadd.f32 v1, v0;
	_ =	sdelay $0x1  }
0x308: {  	[tilespmem:s28+$0x40] =	vst v0;
	v0 =	vld [tilespmem:s28+$0x50]  }
0x309: {  	v1 =	vld [tilespmem:s29+$0x50];
	_ =	sdelay $0x4  }
0x30a: {  	v0 =	vadd.f32 v1, v0;
	_ =	sdelay $0x1  }
0x30b: {  	[tilespmem:s28+$0x50] =	vst v0;
	v0 =	vld [tilespmem:s28+$0x60]  }
0x30c: {  	v1 =	vld [tilespmem:s29+$0x60];
	_ =	sdelay $0x4  }
0x30d: {  	v0 =	vadd.f32 v1, v0;
	_ =	sdelay $0x1  }
0x30e: {  	[tilespmem:s28+$0x60] =	vst v0;
	v0 =	vld [tilespmem:s28+$0x70]  }
0x30f: {  	v1 =	vld [tilespmem:s29+$0x70];
	_ =	sdelay $0x4  }
0x310: {  	v0 =	vadd.f32 v1, v0;
	_ =	sdelay $0x1  }
0x311: {  	[tilespmem:s28+$0x70] =	vst v0;
	v0 =	vld [tilespmem:s28+$0x80]  }
0x312: {  	v1 =	vld [tilespmem:s29+$0x80];
	_ =	sdelay $0x4  }
0x313: {  	v0 =	vadd.f32 v1, v0;
	_ =	sdelay $0x1  }
0x314: {  	[tilespmem:s28+$0x80] =	vst v0;
	v0 =	vld [tilespmem:s28+$0x90]  }
0x315: {  	v1 =	vld [tilespmem:s29+$0x90];
	_ =	sdelay $0x4  }
0x316: {  	v0 =	vadd.f32 v1, v0;
	_ =	sdelay $0x1  }
0x317: {  	[tilespmem:s28+$0x90] =	vst v0;
	v0 =	vld [tilespmem:s28+$0xA0]  }
0x318: {  	v1 =	vld [tilespmem:s29+$0xA0];
	_ =	sdelay $0x4  }
0x319: {  	v0 =	vadd.f32 v1, v0;
	_ =	sdelay $0x1  }
0x31a: {  	[tilespmem:s28+$0xA0] =	vst v0;
	v0 =	vld [tilespmem:s28+$0xB0]  }
0x31b: {  	v1 =	vld [tilespmem:s29+$0xB0];
	_ =	sdelay $0x4  }
0x31c: {  	v0 =	vadd.f32 v1, v0;
	_ =	sdelay $0x1  }
0x31d: {  	[tilespmem:s28+$0xB0] =	vst v0;
	v0 =	vld [tilespmem:s28+$0xC0]  }
0x31e: {  	v1 =	vld [tilespmem:s29+$0xC0];
	_ =	sdelay $0x4  }
0x31f: {  	v0 =	vadd.f32 v1, v0;
	_ =	sdelay $0x1  }
0x320: {  	[tilespmem:s28+$0xC0] =	vst v0;
	v0 =	vld [tilespmem:s28+$0xD0]  }
0x321: {  	v1 =	vld [tilespmem:s29+$0xD0];
	_ =	sdelay $0x4  }
0x322: {  	v0 =	vadd.f32 v1, v0;
	_ =	sdelay $0x1  }
0x323: {  	[tilespmem:s28+$0xD0] =	vst v0;
	v0 =	vld [tilespmem:s28+$0xE0]  }
0x324: {  	v1 =	vld [tilespmem:s29+$0xE0];
	_ =	sdelay $0x4  }
0x325: {  	v0 =	vadd.f32 v1, v0;
	_ =	sdelay $0x1  }
0x326: {  	[tilespmem:s28+$0xE0] =	vst v0;
	v0 =	vld [tilespmem:s28+$0xF0]  }
0x327: {  	v1 =	vld [tilespmem:s29+$0xF0];
	_ =	sdelay $0x4  }
0x328: {  	v0 =	vadd.f32 v1, v0  }
0x329: {  	s31 =	simm.s32 $0x7300;
	s30 =	simm.s32 $0x0  }
.LBB2_6:
0x32a: {  	v1 =	vld [tilespmem:s31+$0xFFFFFF00];
	[tilespmem:s28+$0xF0] =	vst v0;
	s29 =	sadd.s32 $0x200, s29;
	s28 =	smov.u32 s31  }
0x32b: {  	s30 =	sadd.s32 $0x4, s30;
	v0 =	vld [tilespmem:s29+$0xFFFFFF00]  }
0x32c: {  	p1 =	slt.u32 s30, $0x7C;
	_ =	sdelay $0x3  }
0x32d: {  	v0 =	vadd.f32 v0, v1;
	_ =	sdelay $0x1  }
0x32e: {  	[tilespmem:s31+$0xFFFFFF00] =	vst v0;
	v0 =	vld [tilespmem:s31+$0xFFFFFF10]  }
0x32f: {  	v1 =	vld [tilespmem:s29+$0xFFFFFF10];
	_ =	sdelay $0x4  }
0x330: {  	v0 =	vadd.f32 v1, v0;
	_ =	sdelay $0x1  }
0x331: {  	[tilespmem:s31+$0xFFFFFF10] =	vst v0;
	v0 =	vld [tilespmem:s31+$0xFFFFFF20]  }
0x332: {  	v1 =	vld [tilespmem:s29+$0xFFFFFF20];
	_ =	sdelay $0x4  }
0x333: {  	v0 =	vadd.f32 v1, v0;
	_ =	sdelay $0x1  }
0x334: {  	[tilespmem:s31+$0xFFFFFF20] =	vst v0;
	v0 =	vld [tilespmem:s31+$0xFFFFFF30]  }
0x335: {  	v1 =	vld [tilespmem:s29+$0xFFFFFF30];
	_ =	sdelay $0x4  }
0x336: {  	v0 =	vadd.f32 v1, v0;
	_ =	sdelay $0x1  }
0x337: {  	[tilespmem:s31+$0xFFFFFF30] =	vst v0;
	v0 =	vld [tilespmem:s31+$0xFFFFFF40]  }
0x338: {  	v1 =	vld [tilespmem:s29+$0xFFFFFF40];
	_ =	sdelay $0x4  }
0x339: {  	v0 =	vadd.f32 v1, v0;
	_ =	sdelay $0x1  }
0x33a: {  	[tilespmem:s31+$0xFFFFFF40] =	vst v0;
	v0 =	vld [tilespmem:s31+$0xFFFFFF50]  }
0x33b: {  	v1 =	vld [tilespmem:s29+$0xFFFFFF50];
	_ =	sdelay $0x4  }
0x33c: {  	v0 =	vadd.f32 v1, v0;
	_ =	sdelay $0x1  }
0x33d: {  	[tilespmem:s31+$0xFFFFFF50] =	vst v0;
	v0 =	vld [tilespmem:s31+$0xFFFFFF60]  }
0x33e: {  	v1 =	vld [tilespmem:s29+$0xFFFFFF60];
	_ =	sdelay $0x4  }
0x33f: {  	v0 =	vadd.f32 v1, v0;
	_ =	sdelay $0x1  }
0x340: {  	[tilespmem:s31+$0xFFFFFF60] =	vst v0;
	v0 =	vld [tilespmem:s31+$0xFFFFFF70]  }
0x341: {  	v1 =	vld [tilespmem:s29+$0xFFFFFF70];
	_ =	sdelay $0x4  }
0x342: {  	v0 =	vadd.f32 v1, v0;
	_ =	sdelay $0x1  }
0x343: {  	[tilespmem:s31+$0xFFFFFF70] =	vst v0;
	v0 =	vld [tilespmem:s31+$0xFFFFFF80]  }
0x344: {  	v1 =	vld [tilespmem:s29+$0xFFFFFF80];
	_ =	sdelay $0x4  }
0x345: {  	v0 =	vadd.f32 v1, v0;
	_ =	sdelay $0x1  }
0x346: {  	[tilespmem:s31+$0xFFFFFF80] =	vst v0;
	v0 =	vld [tilespmem:s31+$0xFFFFFF90]  }
0x347: {  	v1 =	vld [tilespmem:s29+$0xFFFFFF90];
	_ =	sdelay $0x4  }
0x348: {  	v0 =	vadd.f32 v1, v0;
	_ =	sdelay $0x1  }
0x349: {  	[tilespmem:s31+$0xFFFFFF90] =	vst v0;
	v0 =	vld [tilespmem:s31+$0xFFFFFFA0]  }
0x34a: {  	v1 =	vld [tilespmem:s29+$0xFFFFFFA0];
	_ =	sdelay $0x4  }
0x34b: {  	v0 =	vadd.f32 v1, v0;
	_ =	sdelay $0x1  }
0x34c: {  	[tilespmem:s31+$0xFFFFFFA0] =	vst v0;
	v0 =	vld [tilespmem:s31+$0xFFFFFFB0]  }
0x34d: {  	v1 =	vld [tilespmem:s29+$0xFFFFFFB0];
	_ =	sdelay $0x4  }
0x34e: {  	v0 =	vadd.f32 v1, v0;
	_ =	sdelay $0x1  }
0x34f: {  	[tilespmem:s31+$0xFFFFFFB0] =	vst v0;
	v0 =	vld [tilespmem:s31+$0xFFFFFFC0]  }
0x350: {  	v1 =	vld [tilespmem:s29+$0xFFFFFFC0];
	_ =	sdelay $0x4  }
0x351: {  	v0 =	vadd.f32 v1, v0;
	_ =	sdelay $0x1  }
0x352: {  	[tilespmem:s31+$0xFFFFFFC0] =	vst v0;
	v0 =	vld [tilespmem:s31+$0xFFFFFFD0]  }
0x353: {  	v1 =	vld [tilespmem:s29+$0xFFFFFFD0];
	_ =	sdelay $0x4  }
0x354: {  	v0 =	vadd.f32 v1, v0;
	_ =	sdelay $0x1  }
0x355: {  	[tilespmem:s31+$0xFFFFFFD0] =	vst v0;
	v0 =	vld [tilespmem:s31+$0xFFFFFFE0]  }
0x356: {  	v1 =	vld [tilespmem:s29+$0xFFFFFFE0];
	_ =	sdelay $0x4  }
0x357: {  	v0 =	vadd.f32 v1, v0;
	_ =	sdelay $0x1  }
0x358: {  	[tilespmem:s31+$0xFFFFFFE0] =	vst v0;
	v0 =	vld [tilespmem:s31+$0xFFFFFFF0]  }
0x359: {  	v1 =	vld [tilespmem:s29+$0xFFFFFFF0];
	_ =	sdelay $0x4  }
0x35a: {  	v0 =	vadd.f32 v1, v0;
	_ =	sdelay $0x1  }
0x35b: {  	[tilespmem:s31+$0xFFFFFFF0] =	vst v0;
	v0 =	vld [tilespmem:s31+$0x0]  }
0x35c: {  	v1 =	vld [tilespmem:s29+$0x0];
	_ =	sdelay $0x4  }
0x35d: {  	v0 =	vadd.f32 v1, v0;
	_ =	sdelay $0x1  }
0x35e: {  	[tilespmem:s31+$0x0] =	vst v0;
	v0 =	vld [tilespmem:s31+$0x10]  }
0x35f: {  	v1 =	vld [tilespmem:s29+$0x10];
	_ =	sdelay $0x4  }
0x360: {  	v0 =	vadd.f32 v1, v0;
	_ =	sdelay $0x1  }
0x361: {  	[tilespmem:s31+$0x10] =	vst v0;
	v0 =	vld [tilespmem:s31+$0x20]  }
0x362: {  	v1 =	vld [tilespmem:s29+$0x20];
	_ =	sdelay $0x4  }
0x363: {  	v0 =	vadd.f32 v1, v0;
	_ =	sdelay $0x1  }
0x364: {  	[tilespmem:s31+$0x20] =	vst v0;
	v0 =	vld [tilespmem:s31+$0x30]  }
0x365: {  	v1 =	vld [tilespmem:s29+$0x30];
	_ =	sdelay $0x4  }
0x366: {  	v0 =	vadd.f32 v1, v0;
	_ =	sdelay $0x1  }
0x367: {  	[tilespmem:s31+$0x30] =	vst v0;
	v0 =	vld [tilespmem:s31+$0x40]  }
0x368: {  	v1 =	vld [tilespmem:s29+$0x40];
	_ =	sdelay $0x4  }
0x369: {  	v0 =	vadd.f32 v1, v0;
	_ =	sdelay $0x1  }
0x36a: {  	[tilespmem:s31+$0x40] =	vst v0;
	v0 =	vld [tilespmem:s31+$0x50]  }
0x36b: {  	v1 =	vld [tilespmem:s29+$0x50];
	_ =	sdelay $0x4  }
0x36c: {  	v0 =	vadd.f32 v1, v0;
	_ =	sdelay $0x1  }
0x36d: {  	[tilespmem:s31+$0x50] =	vst v0;
	v0 =	vld [tilespmem:s31+$0x60]  }
0x36e: {  	v1 =	vld [tilespmem:s29+$0x60];
	_ =	sdelay $0x4  }
0x36f: {  	v0 =	vadd.f32 v1, v0;
	_ =	sdelay $0x1  }
0x370: {  	[tilespmem:s31+$0x60] =	vst v0;
	v0 =	vld [tilespmem:s31+$0x70]  }
0x371: {  	v1 =	vld [tilespmem:s29+$0x70];
	_ =	sdelay $0x4  }
0x372: {  	v0 =	vadd.f32 v1, v0;
	_ =	sdelay $0x1  }
0x373: {  	[tilespmem:s31+$0x70] =	vst v0;
	v0 =	vld [tilespmem:s31+$0x80]  }
0x374: {  	v1 =	vld [tilespmem:s29+$0x80];
	_ =	sdelay $0x4  }
0x375: {  	v0 =	vadd.f32 v1, v0;
	_ =	sdelay $0x1  }
0x376: {  	[tilespmem:s31+$0x80] =	vst v0;
	v0 =	vld [tilespmem:s31+$0x90]  }
0x377: {  	v1 =	vld [tilespmem:s29+$0x90];
	_ =	sdelay $0x4  }
0x378: {  	v0 =	vadd.f32 v1, v0;
	_ =	sdelay $0x1  }
0x379: {  	[tilespmem:s31+$0x90] =	vst v0;
	v0 =	vld [tilespmem:s31+$0xA0]  }
0x37a: {  	v1 =	vld [tilespmem:s29+$0xA0];
	_ =	sdelay $0x4  }
0x37b: {  	v0 =	vadd.f32 v1, v0;
	_ =	sdelay $0x1  }
0x37c: {  	[tilespmem:s31+$0xA0] =	vst v0;
	v0 =	vld [tilespmem:s31+$0xB0]  }
0x37d: {  	v1 =	vld [tilespmem:s29+$0xB0];
	_ =	sdelay $0x4  }
0x37e: {  	v0 =	vadd.f32 v1, v0;
	_ =	sdelay $0x1  }
0x37f: {  	[tilespmem:s31+$0xB0] =	vst v0;
	v0 =	vld [tilespmem:s31+$0xC0]  }
0x380: {  	v1 =	vld [tilespmem:s29+$0xC0];
	_ =	sdelay $0x4  }
0x381: {  	v0 =	vadd.f32 v1, v0;
	_ =	sdelay $0x1  }
0x382: {  	[tilespmem:s31+$0xC0] =	vst v0;
	v0 =	vld [tilespmem:s31+$0xD0]  }
0x383: {  	v1 =	vld [tilespmem:s29+$0xD0];
	_ =	sdelay $0x4  }
0x384: {  	v0 =	vadd.f32 v1, v0;
	_ =	sdelay $0x1  }
0x385: {  	[tilespmem:s31+$0xD0] =	vst v0;
	v0 =	vld [tilespmem:s31+$0xE0]  }
0x386: {  	v1 =	vld [tilespmem:s29+$0xE0];
	_ =	sdelay $0x4  }
0x387: {  	v0 =	vadd.f32 v1, v0;
	_ =	sdelay $0x1  }
0x388: {  	[tilespmem:s31+$0xE0] =	vst v0;
	v0 =	vld [tilespmem:s31+$0xF0]  }
0x389: {  	v1 =	vld [tilespmem:s29+$0xF0];
	_ =	sdelay $0x1  }
.Ltmp8:
0x38a: {  	(pc) =	sbr.rel @p1 .LBB2_6-.Ltmp8, $3  }
0x38b: {  	_ =	sdelay $0x1  }
0x38c: {  	v0 =	vadd.f32 v1, v0  }
0x38d: {  	s31 =	sadd.s32 $0x200, s31  }
0x38e: {  	s25 =	sadd.s32 $0x1, s25  }
0x38f: {  	p1 =	seq.s32 s25, $0x18  }
.Ltmp9:
0x390: {  	s26 =	sshll.u32 s26, $0xE;
	(pc) =	sbr.rel @!p1 .LBB2_3-.Ltmp9, $4  }
.Ltmp10:
0x391: {  	s26 =	sadd.s32 s8, s26;
	(pc) =	sbr.rel @p1 .LBB2_14-.Ltmp10, $4  }
0x392: {  	s26 =	sshrl.u32 s26, $0x3  }
0x393: {  	[tilespmem:s28+$0xF0] =	vst v0;
	s26 =	sadd.s32 s5, s26  }
0x394: {  	[hbm4b:s26+s1] =	stream.linear.scatter [tilespmem:s18], [sflag:$0x4], $0x4000, $0x38;
	[tilespmem:$0x13000] =	vst v63  }
0x395: {  	_ = 	snop  }
.LBB2_15:
0x396: {  	_ =	sfence.sel $0x180000  }
0x397: {  	[bflag:$0x0] =	sbarrier.arrive $0xFFFF  }
0x398: {  	p0 =	sne.s32 s2, $0x0;
	_ =	strace $0x90000047  }
0x399: {  	s0 =	sadd.s32 @!p0 $0x100000, s0;
	[bflag:$0x2] =	sbarrier.arrive $0xFFFF  }
0x39a: {  	[sflag:s0] =	ssyncadd.tile.s32 @!p0 $0x1;
	_ =	shalt  }
.Lfunc_end2:
_tile_overlayer_lowered:
.L_overlay_start_2:
0x39b: {  	(tag) =	ssettag $0x2  }
0x39c: {  	s0 =	rddreg [dreg:$0x0];
	s2 =	stileid.u32  }
0x39d: {  	s1 =	rddreg [dreg:$0x1];
	p0 =	sne.s32 s2, $0x0  }
0x39e: {  	s3 =	rddreg [dreg:$0x2];
	[bflag:$0x3] =	sbarrier.arrive $0xFFFF;
	s2 =	simm.s32 @!p0 $0x1C05  }
0x39f: {  	[timem:s3], [sflag:s2] =	dma.local @!p0 [hbm:s0], s1  }
0x3a0: {  	s0 =	simm.s32 @!p0 $0x5  }
0x3a1: {  	_ =	swait.ge @!p0 [sflag:s0], s1  }
0x3a2: {  	s1 =	ssub.s32 @!p0 $0x0, s1;
	[sflag:s0] =	ssyncset.done @!p0 $0x0  }
0x3a3: {  	[sflag:s0] =	ssyncadd.s32 @!p0 s1  }
0x3a4: {  	[bflag:$0x3] =	sbarrier.arrive $0xFFFF  }
0x3a5: {  	_ =	shalt  }

</sc_bundles>
